<compile_context>
chip_gen: v7x
topology: tpu7x:2x2x1
jax: 0.10.2.dev20260603
libtpu: 0.0.44.dev20260713+nightly
codegen_flags: <defaults>
</compile_context>

<pallas_src>
import functools

import jax
import jax.numpy as jnp
from jax import lax
from jax.experimental import pallas as pl
from jax.experimental.pallas import tpu as pltpu
from jax.experimental.pallas import tpu_sc as plsc

ATOM_DIM = 32
BOND_DIM = 16
N_NODES = 50000
N_EDGES = 100000

NC, NS = 2, 16
NW = NC * NS
CHUNK = 128
EP = 102400
EB = 4096
KF = (BOND_DIM + 1) * ATOM_DIM

NHALF = 25600
NDUMMY = 128
ACC_ROWS = NHALF + NDUMMY


def _gather_call(src_pad, atom):
    per_w = EP // NW
    n_streams = per_w // CHUNK
    mesh = plsc.VectorSubcoreMesh(core_axis_name="c", subcore_axis_name="s")

    @functools.partial(
        pl.kernel,
        out_type=jax.ShapeDtypeStruct((EP, ATOM_DIM), jnp.float32),
        mesh=mesh,
        scratch_types=[
            pltpu.VMEM((per_w,), jnp.int32),
            pltpu.VMEM((per_w, ATOM_DIM), jnp.float32),
            pltpu.SemaphoreType.DMA,
        ],
        compiler_params=pltpu.CompilerParams(use_tc_tiling_on_sc=False, needs_layout_passes=False),
    )
    def gather_k(src_hbm, atom_hbm, nbr_hbm, idx_v, rows_v, sem):
        wid = lax.axis_index("s") * NC + lax.axis_index("c")
        ebase = wid * per_w
        pltpu.sync_copy(src_hbm.at[pl.ds(ebase, per_w)], idx_v)

        descs = [
            pltpu.async_copy(
                atom_hbm.at[idx_v.at[pl.ds(r * CHUNK, CHUNK)]],
                rows_v.at[pl.ds(r * CHUNK, CHUNK)],
                sem,
            )
            for r in range(n_streams)
        ]
        for d in descs:
            d.wait()
        pltpu.sync_copy(rows_v, nbr_hbm.at[pl.ds(ebase, per_w)])

    return gather_k(src_pad, atom)


def _dense_call(bond_t_all, nbr, w2t):
    last_block = (bond_t_all.shape[1] - 1) // EB

    def body(bond_ref, nbr_ref, w2t_ref, out_ref, ft_ref):
        nbr_t = nbr_ref[...].T
        bond_t = bond_ref[...]
        for c in range(BOND_DIM):
            ft_ref[c * ATOM_DIM:(c + 1) * ATOM_DIM, :] = (
                nbr_t * bond_t[c:c + 1, :]).astype(jnp.bfloat16)
        ft_ref[BOND_DIM * ATOM_DIM:, :] = nbr_t.astype(jnp.bfloat16)
        t_t = jnp.dot(w2t_ref[...], ft_ref[...],
                      preferred_element_type=jnp.float32)
        out_ref[...] = t_t.T

    return pl.pallas_call(
        body,
        grid=(EP // EB,),
        in_specs=[
            pl.BlockSpec((BOND_DIM, EB),
                         lambda i: (0, jnp.minimum(i, last_block))),
            pl.BlockSpec((EB, ATOM_DIM), lambda i: (i, 0)),
            pl.BlockSpec((ATOM_DIM, KF), lambda i: (0, 0)),
        ],
        out_specs=pl.BlockSpec((EB, ATOM_DIM), lambda i: (i, 0)),
        out_shape=jax.ShapeDtypeStruct((EP, ATOM_DIM), jnp.float32),
        scratch_shapes=[pltpu.VMEM((KF, EB), jnp.bfloat16)],
    )(bond_t_all, nbr, w2t)


def _scatter_call(dst_pad, transformed):
    per_t = EP // NS
    n_slabs = 5
    slab = per_t // n_slabs
    idx_rows = per_t // CHUNK
    zc0 = NHALF // NS
    zc1_total = N_NODES - NHALF
    zc1 = zc1_total // NS
    mesh = plsc.VectorSubcoreMesh(core_axis_name="c", subcore_axis_name="s")

    @functools.partial(
        pl.kernel,
        out_type=jax.ShapeDtypeStruct((N_NODES, ATOM_DIM), jnp.float32),
        mesh=mesh,
        scratch_types=[
            pltpu.VMEM_SHARED((ACC_ROWS, ATOM_DIM), jnp.float32),
            pltpu.VMEM((per_t,), jnp.int32),
            pltpu.VMEM((idx_rows, CHUNK), jnp.int32),
            pltpu.VMEM((slab, ATOM_DIM), jnp.float32),
            pltpu.SemaphoreType.DMA,
        ],
        compiler_params=pltpu.CompilerParams(use_tc_tiling_on_sc=False, needs_layout_passes=False),
    )
    def scatter_k(dst_hbm, t_hbm, out_hbm, acc, dst_v, idx_v, rows_v, sem):
        cid = lax.axis_index("c")
        sid = lax.axis_index("s")
        lanes = lax.iota(jnp.int32, 16)

        def zvec(i, _):
            rows_v[i // 2, pl.ds((i % 2) * 16, 16)] = jnp.zeros(
                (16,), jnp.float32)
            return 0

        lax.fori_loop(0, 1280, zvec, 0)
        zbase = sid * zc0
        for (off, n) in ((0, 640), (640, 640), (1280, 320)):
            pltpu.sync_copy(rows_v.at[pl.ds(0, n)],
                            acc.at[pl.ds(zbase + off, n)])

        plsc.subcore_barrier()

        pltpu.sync_copy(dst_hbm.at[pl.ds(sid * per_t, per_t)], dst_v)
        ebase = sid * per_t
        nlo = cid * NHALF

        def cbody(j, _):
            e = j * 16 + lanes
            d = dst_v[pl.ds(j * 16, 16)]
            local = d - nlo
            valid = ((local >= 0) & (local < NHALF)
                     & (ebase + e < N_EDGES))
            lv = jnp.where(valid, local, NHALF + (e & (NDUMMY - 1)))
            idx_v[j // 8, pl.ds((j % 8) * 16, 16)] = lv
            return 0

        lax.fori_loop(0, per_t // 16, cbody, 0)

        for sl in range(n_slabs):
            pltpu.sync_copy(t_hbm.at[pl.ds(ebase + sl * slab, slab)], rows_v)
            descs = [
                pltpu.async_copy(
                    rows_v.at[pl.ds(r * CHUNK, CHUNK)],
                    acc.at[idx_v.at[sl * (slab // CHUNK) + r]],
                    sem,
                    add=True,
                )
                for r in range(slab // CHUNK)
            ]
            for d in descs:
                d.wait()

        plsc.subcore_barrier()

        @pl.when(cid == 0)
        def _():
            for (off, n) in ((0, 640), (640, 640), (1280, 320)):
                r = sid * zc0 + off
                pltpu.sync_copy(acc.at[pl.ds(r, n)], rows_v.at[pl.ds(0, n)])
                pltpu.sync_copy(rows_v.at[pl.ds(0, n)],
                                out_hbm.at[pl.ds(r, n)])

        @pl.when(cid == 1)
        def _():
            for (off, n) in ((0, 640), (640, 640), (1280, 245)):
                r = sid * zc1 + off
                pltpu.sync_copy(acc.at[pl.ds(r, n)], rows_v.at[pl.ds(0, n)])
                pltpu.sync_copy(rows_v.at[pl.ds(0, n)],
                                out_hbm.at[pl.ds(NHALF + r, n)])

    return scatter_k(dst_pad, transformed)


def kernel(atom_features, bond_features, pair_indices, W, b):
    E = pair_indices.shape[0]
    zpad = jnp.zeros((EP - E,), jnp.int32)
    src_pad = jnp.concatenate([pair_indices[:, 1], zpad])
    dst_pad = jnp.concatenate([pair_indices[:, 0], zpad])

    w_aug = jnp.concatenate([W, b[:, None]], axis=1)
    w3 = w_aug.reshape(ATOM_DIM, ATOM_DIM, BOND_DIM + 1).transpose(2, 1, 0)
    w2t = w3.reshape(KF, ATOM_DIM).T.astype(jnp.bfloat16)

    nbr = _gather_call(src_pad, atom_features)
    transformed = _dense_call(bond_features.T, nbr, w2t)
    return _scatter_call(dst_pad, transformed)

# --- scband reference (transcript-rebuilt; emitter-appended) ---
"""Pipeline reference for scband-edge-network-24635932410274 (READ-ONLY COPY).

The authoritative reference and input builder live on the scoring server;
editing this copy changes nothing except your own understanding.
"""

import jax, jax.numpy as jnp
import numpy as np

ATOM_DIM = 32
BOND_DIM = 16
N_NODES = 50000
N_EDGES = 100000

def setup_inputs(seed: int = 0) -> dict:
    key = jax.random.key(seed)
    k1, k2, k3, k4 = jax.random.split(key, 4)
    atom_features = jax.random.normal(k1, (N_NODES, ATOM_DIM), dtype=jnp.float32)
    bond_features = jax.random.normal(k2, (N_EDGES, BOND_DIM), dtype=jnp.float32)
    pair_indices = jax.random.randint(k3, (N_EDGES, 2), 0, N_NODES, dtype=jnp.int32)
    # Learned params of nn.Linear(bond_dim, atom_dim*atom_dim)
    W = jax.random.normal(k4, (ATOM_DIM * ATOM_DIM, BOND_DIM), dtype=jnp.float32) * (1.0 / np.sqrt(BOND_DIM))
    b = jnp.zeros((ATOM_DIM * ATOM_DIM,), dtype=jnp.float32)
    return {"atom_features": atom_features, "bond_features": bond_features, "pair_indices": pair_indices, "W": W, "b": b}

def reference(atom_features, bond_features, pair_indices, W, b):
    # linear: [E, bond_dim] -> [E, atom_dim*atom_dim]
    bf = bond_features @ W.T + b
    bf = bf.reshape(-1, ATOM_DIM, ATOM_DIM)
    # gather neighbor atom features by source column pair_indices[:, 1]
    atom_features_neighbors = jnp.take(atom_features, pair_indices[:, 1], axis=0)
    # batched matvec: [E, d, d] x [E, d] -> [E, d]
    transformed = jnp.einsum('eij,ej->ei', bf, atom_features_neighbors)
    # scatter-add into destination nodes pair_indices[:, 0]
    aggregated = jnp.zeros_like(atom_features).at[pair_indices[:, 0]].add(transformed)
    return aggregated

if __name__ == "__main__":
    import jax
    _d = setup_inputs()
    print(jax.jit(kernel)(*tuple(_d.values())))

</pallas_src>

<mosaic_0001>
#map = affine_map<(d0, d1) -> (0)>
#map1 = affine_map<(d0, d1) -> (0, 0)>
module attributes {stable_mosaic.version = 14 : i64} {
  func.func @gather_k(%arg0: i32, %arg1: i32, %arg2: memref<102400xi32, #tpu.memory_space<hbm>>, %arg3: memref<50000x32xf32, #tpu.memory_space<hbm>>, %arg4: memref<102400x32xf32, #tpu.memory_space<hbm>>, %arg5: memref<3200xi32, #tpu.memory_space<vmem>>, %arg6: memref<3200x32xf32, #tpu.memory_space<vmem>>, %arg7: memref<!tpu.dma_semaphore, #tpu.memory_space<semaphore_mem>>) attributes {dimension_semantics = [#tpu.dimension_semantics<core_parallel>, #tpu.dimension_semantics<subcore_parallel>], iteration_bounds = array<i64: 2, 16>, scalar_prefetch = 0 : i64, scratch_operands = 3 : i64, tpu.core_type = #tpu.core_type<sc_vector_subcore>, window_params = [{transform_indices = #map}, {transform_indices = #map1}, {transform_indices = #map1}]} {
    %mul3A = arith.constant 2 : i32
    %mul3A_0 = arith.muli %arg1, %mul3A : i32
    %add3A = arith.addi %mul3A_0, %arg0 : i32
    %mul3A_1 = arith.constant 3200 : i32
    %mul3A_2 = arith.muli %add3A, %mul3A_1 : i32
    "tpu.region"() ({
      %run_scoped3A = tpu.sem_alloc : memref<!tpu.dma_semaphore, #tpu.memory_space<semaphore_mem>>
      %dma_start3A_401 = tpu.memref_slice %arg2[%mul3A_2] : memref<102400xi32, #tpu.memory_space<hbm>> -> memref<3200xi32, #tpu.memory_space<hbm>>
      %dma_start3A_402 = tpu.memref_slice %arg2[%mul3A_2] : memref<102400xi32, #tpu.memory_space<hbm>> -> memref<3200xi32, #tpu.memory_space<hbm>>
      tpu.enqueue_dma source(%dma_start3A_402 : memref<3200xi32, #tpu.memory_space<hbm>>) target(%arg5 : memref<3200xi32, #tpu.memory_space<vmem>>) target_semaphore(%run_scoped3A : memref<!tpu.dma_semaphore, #tpu.memory_space<semaphore_mem>>)
      %dma_wait3A_403 = tpu.memref_slice %arg2[%mul3A_2] : memref<102400xi32, #tpu.memory_space<hbm>> -> memref<3200xi32, #tpu.memory_space<hbm>>
      %dma_wait3A_404 = tpu.memref_slice %arg2[%mul3A_2] : memref<102400xi32, #tpu.memory_space<hbm>> -> memref<3200xi32, #tpu.memory_space<hbm>>
      tpu.wait_dma2 semaphore(%run_scoped3A : memref<!tpu.dma_semaphore, #tpu.memory_space<semaphore_mem>>) src(%dma_wait3A_404 : memref<3200xi32, #tpu.memory_space<hbm>>) dst(%arg5 : memref<3200xi32, #tpu.memory_space<vmem>>)
      tpu.yield
    }) : () -> ()
    %dma_start3A = arith.constant 0 : i32
    %dma_start3A_3 = arith.constant 0 : i32
    %dma_start3A_4 = tpu.memref_slice %arg6[%dma_start3A, %dma_start3A_3] : memref<3200x32xf32, #tpu.memory_space<vmem>> -> memref<128x32xf32, #tpu.memory_space<vmem>>
    %dma_start3A_5 = arith.constant 0 : i32
    %dma_start3A_6 = tpu.memref_slice %arg5[%dma_start3A_5] : memref<3200xi32, #tpu.memory_space<vmem>> -> memref<128xi32, #tpu.memory_space<vmem>>
    %dma_start3A_7 = arith.constant 0 : i32
    %dma_start3A_8 = arith.constant 0 : i32
    %dma_start3A_9 = tpu.memref_slice %arg3[%dma_start3A_7, %dma_start3A_8] : memref<50000x32xf32, #tpu.memory_space<hbm>> -> memref<50000x32xf32, #tpu.memory_space<hbm>>
    tpu.enqueue_indirect_dma source(%dma_start3A_9 : memref<50000x32xf32, #tpu.memory_space<hbm>>) target(%dma_start3A_4 : memref<128x32xf32, #tpu.memory_space<vmem>>) offsets(%dma_start3A_6 : memref<128xi32, #tpu.memory_space<vmem>>) semaphore(%arg7 : memref<!tpu.dma_semaphore, #tpu.memory_space<semaphore_mem>>)
    %dma_start3A_10 = arith.constant 128 : i32
    %dma_start3A_11 = arith.constant 0 : i32
    %dma_start3A_12 = tpu.memref_slice %arg6[%dma_start3A_10, %dma_start3A_11] : memref<3200x32xf32, #tpu.memory_space<vmem>> -> memref<128x32xf32, #tpu.memory_space<vmem>>
    %dma_start3A_13 = arith.constant 128 : i32
    %dma_start3A_14 = tpu.memref_slice %arg5[%dma_start3A_13] : memref<3200xi32, #tpu.memory_space<vmem>> -> memref<128xi32, #tpu.memory_space<vmem>>
    %dma_start3A_15 = arith.constant 0 : i32
    %dma_start3A_16 = arith.constant 0 : i32
    %dma_start3A_17 = tpu.memref_slice %arg3[%dma_start3A_15, %dma_start3A_16] : memref<50000x32xf32, #tpu.memory_space<hbm>> -> memref<50000x32xf32, #tpu.memory_space<hbm>>
    tpu.enqueue_indirect_dma source(%dma_start3A_17 : memref<50000x32xf32, #tpu.memory_space<hbm>>) target(%dma_start3A_12 : memref<128x32xf32, #tpu.memory_space<vmem>>) offsets(%dma_start3A_14 : memref<128xi32, #tpu.memory_space<vmem>>) semaphore(%arg7 : memref<!tpu.dma_semaphore, #tpu.memory_space<semaphore_mem>>)
    %dma_start3A_18 = arith.constant 256 : i32
    %dma_start3A_19 = arith.constant 0 : i32
    %dma_start3A_20 = tpu.memref_slice %arg6[%dma_start3A_18, %dma_start3A_19] : memref<3200x32xf32, #tpu.memory_space<vmem>> -> memref<128x32xf32, #tpu.memory_space<vmem>>
    %dma_start3A_21 = arith.constant 256 : i32
    %dma_start3A_22 = tpu.memref_slice %arg5[%dma_start3A_21] : memref<3200xi32, #tpu.memory_space<vmem>> -> memref<128xi32, #tpu.memory_space<vmem>>
    %dma_start3A_23 = arith.constant 0 : i32
    %dma_start3A_24 = arith.constant 0 : i32
    %dma_start3A_25 = tpu.memref_slice %arg3[%dma_start3A_23, %dma_start3A_24] : memref<50000x32xf32, #tpu.memory_space<hbm>> -> memref<50000x32xf32, #tpu.memory_space<hbm>>
    tpu.enqueue_indirect_dma source(%dma_start3A_25 : memref<50000x32xf32, #tpu.memory_space<hbm>>) target(%dma_start3A_20 : memref<128x32xf32, #tpu.memory_space<vmem>>) offsets(%dma_start3A_22 : memref<128xi32, #tpu.memory_space<vmem>>) semaphore(%arg7 : memref<!tpu.dma_semaphore, #tpu.memory_space<semaphore_mem>>)
    %dma_start3A_26 = arith.constant 384 : i32
    %dma_start3A_27 = arith.constant 0 : i32
    %dma_start3A_28 = tpu.memref_slice %arg6[%dma_start3A_26, %dma_start3A_27] : memref<3200x32xf32, #tpu.memory_space<vmem>> -> memref<128x32xf32, #tpu.memory_space<vmem>>
    %dma_start3A_29 = arith.constant 384 : i32
    %dma_start3A_30 = tpu.memref_slice %arg5[%dma_start3A_29] : memref<3200xi32, #tpu.memory_space<vmem>> -> memref<128xi32, #tpu.memory_space<vmem>>
    %dma_start3A_31 = arith.constant 0 : i32
    %dma_start3A_32 = arith.constant 0 : i32
    %dma_start3A_33 = tpu.memref_slice %arg3[%dma_start3A_31, %dma_start3A_32] : memref<50000x32xf32, #tpu.memory_space<hbm>> -> memref<50000x32xf32, #tpu.memory_space<hbm>>
    tpu.enqueue_indirect_dma source(%dma_start3A_33 : memref<50000x32xf32, #tpu.memory_space<hbm>>) target(%dma_start3A_28 : memref<128x32xf32, #tpu.memory_space<vmem>>) offsets(%dma_start3A_30 : memref<128xi32, #tpu.memory_space<vmem>>) semaphore(%arg7 : memref<!tpu.dma_semaphore, #tpu.memory_space<semaphore_mem>>)
    %dma_start3A_34 = arith.constant 512 : i32
    %dma_start3A_35 = arith.constant 0 : i32
    %dma_start3A_36 = tpu.memref_slice %arg6[%dma_start3A_34, %dma_start3A_35] : memref<3200x32xf32, #tpu.memory_space<vmem>> -> memref<128x32xf32, #tpu.memory_space<vmem>>
    %dma_start3A_37 = arith.constant 512 : i32
    %dma_start3A_38 = tpu.memref_slice %arg5[%dma_start3A_37] : memref<3200xi32, #tpu.memory_space<vmem>> -> memref<128xi32, #tpu.memory_space<vmem>>
    %dma_start3A_39 = arith.constant 0 : i32
    %dma_start3A_40 = arith.constant 0 : i32
    %dma_start3A_41 = tpu.memref_slice %arg3[%dma_start3A_39, %dma_start3A_40] : memref<50000x32xf32, #tpu.memory_space<hbm>> -> memref<50000x32xf32, #tpu.memory_space<hbm>>
    tpu.enqueue_indirect_dma source(%dma_start3A_41 : memref<50000x32xf32, #tpu.memory_space<hbm>>) target(%dma_start3A_36 : memref<128x32xf32, #tpu.memory_space<vmem>>) offsets(%dma_start3A_38 : memref<128xi32, #tpu.memory_space<vmem>>) semaphore(%arg7 : memref<!tpu.dma_semaphore, #tpu.memory_space<semaphore_mem>>)
    %dma_start3A_42 = arith.constant 640 : i32
    %dma_start3A_43 = arith.constant 0 : i32
    %dma_start3A_44 = tpu.memref_slice %arg6[%dma_start3A_42, %dma_start3A_43] : memref<3200x32xf32, #tpu.memory_space<vmem>> -> memref<128x32xf32, #tpu.memory_space<vmem>>
    %dma_start3A_45 = arith.constant 640 : i32
    %dma_start3A_46 = tpu.memref_slice %arg5[%dma_start3A_45] : memref<3200xi32, #tpu.memory_space<vmem>> -> memref<128xi32, #tpu.memory_space<vmem>>
    %dma_start3A_47 = arith.constant 0 : i32
    %dma_start3A_48 = arith.constant 0 : i32
    %dma_start3A_49 = tpu.memref_slice %arg3[%dma_start3A_47, %dma_start3A_48] : memref<50000x32xf32, #tpu.memory_space<hbm>> -> memref<50000x32xf32, #tpu.memory_space<hbm>>
    tpu.enqueue_indirect_dma source(%dma_start3A_49 : memref<50000x32xf32, #tpu.memory_space<hbm>>) target(%dma_start3A_44 : memref<128x32xf32, #tpu.memory_space<vmem>>) offsets(%dma_start3A_46 : memref<128xi32, #tpu.memory_space<vmem>>) semaphore(%arg7 : memref<!tpu.dma_semaphore, #tpu.memory_space<semaphore_mem>>)
    %dma_start3A_50 = arith.constant 768 : i32
    %dma_start3A_51 = arith.constant 0 : i32
    %dma_start3A_52 = tpu.memref_slice %arg6[%dma_start3A_50, %dma_start3A_51] : memref<3200x32xf32, #tpu.memory_space<vmem>> -> memref<128x32xf32, #tpu.memory_space<vmem>>
    %dma_start3A_53 = arith.constant 768 : i32
    %dma_start3A_54 = tpu.memref_slice %arg5[%dma_start3A_53] : memref<3200xi32, #tpu.memory_space<vmem>> -> memref<128xi32, #tpu.memory_space<vmem>>
    %dma_start3A_55 = arith.constant 0 : i32
    %dma_start3A_56 = arith.constant 0 : i32
    %dma_start3A_57 = tpu.memref_slice %arg3[%dma_start3A_55, %dma_start3A_56] : memref<50000x32xf32, #tpu.memory_space<hbm>> -> memref<50000x32xf32, #tpu.memory_space<hbm>>
    tpu.enqueue_indirect_dma source(%dma_start3A_57 : memref<50000x32xf32, #tpu.memory_space<hbm>>) target(%dma_start3A_52 : memref<128x32xf32, #tpu.memory_space<vmem>>) offsets(%dma_start3A_54 : memref<128xi32, #tpu.memory_space<vmem>>) semaphore(%arg7 : memref<!tpu.dma_semaphore, #tpu.memory_space<semaphore_mem>>)
    %dma_start3A_58 = arith.constant 896 : i32
    %dma_start3A_59 = arith.constant 0 : i32
    %dma_start3A_60 = tpu.memref_slice %arg6[%dma_start3A_58, %dma_start3A_59] : memref<3200x32xf32, #tpu.memory_space<vmem>> -> memref<128x32xf32, #tpu.memory_space<vmem>>
    %dma_start3A_61 = arith.constant 896 : i32
    %dma_start3A_62 = tpu.memref_slice %arg5[%dma_start3A_61] : memref<3200xi32, #tpu.memory_space<vmem>> -> memref<128xi32, #tpu.memory_space<vmem>>
    %dma_start3A_63 = arith.constant 0 : i32
    %dma_start3A_64 = arith.constant 0 : i32
    %dma_start3A_65 = tpu.memref_slice %arg3[%dma_start3A_63, %dma_start3A_64] : memref<50000x32xf32, #tpu.memory_space<hbm>> -> memref<50000x32xf32, #tpu.memory_space<hbm>>
    tpu.enqueue_indirect_dma source(%dma_start3A_65 : memref<50000x32xf32, #tpu.memory_space<hbm>>) target(%dma_start3A_60 : memref<128x32xf32, #tpu.memory_space<vmem>>) offsets(%dma_start3A_62 : memref<128xi32, #tpu.memory_space<vmem>>) semaphore(%arg7 : memref<!tpu.dma_semaphore, #tpu.memory_space<semaphore_mem>>)
    %dma_start3A_66 = arith.constant 1024 : i32
    %dma_start3A_67 = arith.constant 0 : i32
    %dma_start3A_68 = tpu.memref_slice %arg6[%dma_start3A_66, %dma_start3A_67] : memref<3200x32xf32, #tpu.memory_space<vmem>> -> memref<128x32xf32, #tpu.memory_space<vmem>>
    %dma_start3A_69 = arith.constant 1024 : i32
    %dma_start3A_70 = tpu.memref_slice %arg5[%dma_start3A_69] : memref<3200xi32, #tpu.memory_space<vmem>> -> memref<128xi32, #tpu.memory_space<vmem>>
    %dma_start3A_71 = arith.constant 0 : i32
    %dma_start3A_72 = arith.constant 0 : i32
    %dma_start3A_73 = tpu.memref_slice %arg3[%dma_start3A_71, %dma_start3A_72] : memref<50000x32xf32, #tpu.memory_space<hbm>> -> memref<50000x32xf32, #tpu.memory_space<hbm>>
    tpu.enqueue_indirect_dma source(%dma_start3A_73 : memref<50000x32xf32, #tpu.memory_space<hbm>>) target(%dma_start3A_68 : memref<128x32xf32, #tpu.memory_space<vmem>>) offsets(%dma_start3A_70 : memref<128xi32, #tpu.memory_space<vmem>>) semaphore(%arg7 : memref<!tpu.dma_semaphore, #tpu.memory_space<semaphore_mem>>)
    %dma_start3A_74 = arith.constant 1152 : i32
    %dma_start3A_75 = arith.constant 0 : i32
    %dma_start3A_76 = tpu.memref_slice %arg6[%dma_start3A_74, %dma_start3A_75] : memref<3200x32xf32, #tpu.memory_space<vmem>> -> memref<128x32xf32, #tpu.memory_space<vmem>>
    %dma_start3A_77 = arith.constant 1152 : i32
    %dma_start3A_78 = tpu.memref_slice %arg5[%dma_start3A_77] : memref<3200xi32, #tpu.memory_space<vmem>> -> memref<128xi32, #tpu.memory_space<vmem>>
    %dma_start3A_79 = arith.constant 0 : i32
    %dma_start3A_80 = arith.constant 0 : i32
    %dma_start3A_81 = tpu.memref_slice %arg3[%dma_start3A_79, %dma_start3A_80] : memref<50000x32xf32, #tpu.memory_space<hbm>> -> memref<50000x32xf32, #tpu.memory_space<hbm>>
    tpu.enqueue_indirect_dma source(%dma_start3A_81 : memref<50000x32xf32, #tpu.memory_space<hbm>>) target(%dma_start3A_76 : memref<128x32xf32, #tpu.memory_space<vmem>>) offsets(%dma_start3A_78 : memref<128xi32, #tpu.memory_space<vmem>>) semaphore(%arg7 : memref<!tpu.dma_semaphore, #tpu.memory_space<semaphore_mem>>)
    %dma_start3A_82 = arith.constant 1280 : i32
    %dma_start3A_83 = arith.constant 0 : i32
    %dma_start3A_84 = tpu.memref_slice %arg6[%dma_start3A_82, %dma_start3A_83] : memref<3200x32xf32, #tpu.memory_space<vmem>> -> memref<128x32xf32, #tpu.memory_space<vmem>>
    %dma_start3A_85 = arith.constant 1280 : i32
    %dma_start3A_86 = tpu.memref_slice %arg5[%dma_start3A_85] : memref<3200xi32, #tpu.memory_space<vmem>> -> memref<128xi32, #tpu.memory_space<vmem>>
    %dma_start3A_87 = arith.constant 0 : i32
    %dma_start3A_88 = arith.constant 0 : i32
    %dma_start3A_89 = tpu.memref_slice %arg3[%dma_start3A_87, %dma_start3A_88] : memref<50000x32xf32, #tpu.memory_space<hbm>> -> memref<50000x32xf32, #tpu.memory_space<hbm>>
    tpu.enqueue_indirect_dma source(%dma_start3A_89 : memref<50000x32xf32, #tpu.memory_space<hbm>>) target(%dma_start3A_84 : memref<128x32xf32, #tpu.memory_space<vmem>>) offsets(%dma_start3A_86 : memref<128xi32, #tpu.memory_space<vmem>>) semaphore(%arg7 : memref<!tpu.dma_semaphore, #tpu.memory_space<semaphore_mem>>)
    %dma_start3A_90 = arith.constant 1408 : i32
    %dma_start3A_91 = arith.constant 0 : i32
    %dma_start3A_92 = tpu.memref_slice %arg6[%dma_start3A_90, %dma_start3A_91] : memref<3200x32xf32, #tpu.memory_space<vmem>> -> memref<128x32xf32, #tpu.memory_space<vmem>>
    %dma_start3A_93 = arith.constant 1408 : i32
    %dma_start3A_94 = tpu.memref_slice %arg5[%dma_start3A_93] : memref<3200xi32, #tpu.memory_space<vmem>> -> memref<128xi32, #tpu.memory_space<vmem>>
    %dma_start3A_95 = arith.constant 0 : i32
    %dma_start3A_96 = arith.constant 0 : i32
    %dma_start3A_97 = tpu.memref_slice %arg3[%dma_start3A_95, %dma_start3A_96] : memref<50000x32xf32, #tpu.memory_space<hbm>> -> memref<50000x32xf32, #tpu.memory_space<hbm>>
    tpu.enqueue_indirect_dma source(%dma_start3A_97 : memref<50000x32xf32, #tpu.memory_space<hbm>>) target(%dma_start3A_92 : memref<128x32xf32, #tpu.memory_space<vmem>>) offsets(%dma_start3A_94 : memref<128xi32, #tpu.memory_space<vmem>>) semaphore(%arg7 : memref<!tpu.dma_semaphore, #tpu.memory_space<semaphore_mem>>)
    %dma_start3A_98 = arith.constant 1536 : i32
    %dma_start3A_99 = arith.constant 0 : i32
    %dma_start3A_100 = tpu.memref_slice %arg6[%dma_start3A_98, %dma_start3A_99] : memref<3200x32xf32, #tpu.memory_space<vmem>> -> memref<128x32xf32, #tpu.memory_space<vmem>>
    %dma_start3A_101 = arith.constant 1536 : i32
    %dma_start3A_102 = tpu.memref_slice %arg5[%dma_start3A_101] : memref<3200xi32, #tpu.memory_space<vmem>> -> memref<128xi32, #tpu.memory_space<vmem>>
    %dma_start3A_103 = arith.constant 0 : i32
    %dma_start3A_104 = arith.constant 0 : i32
    %dma_start3A_105 = tpu.memref_slice %arg3[%dma_start3A_103, %dma_start3A_104] : memref<50000x32xf32, #tpu.memory_space<hbm>> -> memref<50000x32xf32, #tpu.memory_space<hbm>>
    tpu.enqueue_indirect_dma source(%dma_start3A_105 : memref<50000x32xf32, #tpu.memory_space<hbm>>) target(%dma_start3A_100 : memref<128x32xf32, #tpu.memory_space<vmem>>) offsets(%dma_start3A_102 : memref<128xi32, #tpu.memory_space<vmem>>) semaphore(%arg7 : memref<!tpu.dma_semaphore, #tpu.memory_space<semaphore_mem>>)
    %dma_start3A_106 = arith.constant 1664 : i32
    %dma_start3A_107 = arith.constant 0 : i32
    %dma_start3A_108 = tpu.memref_slice %arg6[%dma_start3A_106, %dma_start3A_107] : memref<3200x32xf32, #tpu.memory_space<vmem>> -> memref<128x32xf32, #tpu.memory_space<vmem>>
    %dma_start3A_109 = arith.constant 1664 : i32
    %dma_start3A_110 = tpu.memref_slice %arg5[%dma_start3A_109] : memref<3200xi32, #tpu.memory_space<vmem>> -> memref<128xi32, #tpu.memory_space<vmem>>
    %dma_start3A_111 = arith.constant 0 : i32
    %dma_start3A_112 = arith.constant 0 : i32
    %dma_start3A_113 = tpu.memref_slice %arg3[%dma_start3A_111, %dma_start3A_112] : memref<50000x32xf32, #tpu.memory_space<hbm>> -> memref<50000x32xf32, #tpu.memory_space<hbm>>
    tpu.enqueue_indirect_dma source(%dma_start3A_113 : memref<50000x32xf32, #tpu.memory_space<hbm>>) target(%dma_start3A_108 : memref<128x32xf32, #tpu.memory_space<vmem>>) offsets(%dma_start3A_110 : memref<128xi32, #tpu.memory_space<vmem>>) semaphore(%arg7 : memref<!tpu.dma_semaphore, #tpu.memory_space<semaphore_mem>>)
    %dma_start3A_114 = arith.constant 1792 : i32
    %dma_start3A_115 = arith.constant 0 : i32
    %dma_start3A_116 = tpu.memref_slice %arg6[%dma_start3A_114, %dma_start3A_115] : memref<3200x32xf32, #tpu.memory_space<vmem>> -> memref<128x32xf32, #tpu.memory_space<vmem>>
    %dma_start3A_117 = arith.constant 1792 : i32
    %dma_start3A_118 = tpu.memref_slice %arg5[%dma_start3A_117] : memref<3200xi32, #tpu.memory_space<vmem>> -> memref<128xi32, #tpu.memory_space<vmem>>
    %dma_start3A_119 = arith.constant 0 : i32
    %dma_start3A_120 = arith.constant 0 : i32
    %dma_start3A_121 = tpu.memref_slice %arg3[%dma_start3A_119, %dma_start3A_120] : memref<50000x32xf32, #tpu.memory_space<hbm>> -> memref<50000x32xf32, #tpu.memory_space<hbm>>
    tpu.enqueue_indirect_dma source(%dma_start3A_121 : memref<50000x32xf32, #tpu.memory_space<hbm>>) target(%dma_start3A_116 : memref<128x32xf32, #tpu.memory_space<vmem>>) offsets(%dma_start3A_118 : memref<128xi32, #tpu.memory_space<vmem>>) semaphore(%arg7 : memref<!tpu.dma_semaphore, #tpu.memory_space<semaphore_mem>>)
    %dma_start3A_122 = arith.constant 1920 : i32
    %dma_start3A_123 = arith.constant 0 : i32
    %dma_start3A_124 = tpu.memref_slice %arg6[%dma_start3A_122, %dma_start3A_123] : memref<3200x32xf32, #tpu.memory_space<vmem>> -> memref<128x32xf32, #tpu.memory_space<vmem>>
    %dma_start3A_125 = arith.constant 1920 : i32
    %dma_start3A_126 = tpu.memref_slice %arg5[%dma_start3A_125] : memref<3200xi32, #tpu.memory_space<vmem>> -> memref<128xi32, #tpu.memory_space<vmem>>
    %dma_start3A_127 = arith.constant 0 : i32
    %dma_start3A_128 = arith.constant 0 : i32
    %dma_start3A_129 = tpu.memref_slice %arg3[%dma_start3A_127, %dma_start3A_128] : memref<50000x32xf32, #tpu.memory_space<hbm>> -> memref<50000x32xf32, #tpu.memory_space<hbm>>
    tpu.enqueue_indirect_dma source(%dma_start3A_129 : memref<50000x32xf32, #tpu.memory_space<hbm>>) target(%dma_start3A_124 : memref<128x32xf32, #tpu.memory_space<vmem>>) offsets(%dma_start3A_126 : memref<128xi32, #tpu.memory_space<vmem>>) semaphore(%arg7 : memref<!tpu.dma_semaphore, #tpu.memory_space<semaphore_mem>>)
    %dma_start3A_130 = arith.constant 2048 : i32
    %dma_start3A_131 = arith.constant 0 : i32
    %dma_start3A_132 = tpu.memref_slice %arg6[%dma_start3A_130, %dma_start3A_131] : memref<3200x32xf32, #tpu.memory_space<vmem>> -> memref<128x32xf32, #tpu.memory_space<vmem>>
    %dma_start3A_133 = arith.constant 2048 : i32
    %dma_start3A_134 = tpu.memref_slice %arg5[%dma_start3A_133] : memref<3200xi32, #tpu.memory_space<vmem>> -> memref<128xi32, #tpu.memory_space<vmem>>
    %dma_start3A_135 = arith.constant 0 : i32
    %dma_start3A_136 = arith.constant 0 : i32
    %dma_start3A_137 = tpu.memref_slice %arg3[%dma_start3A_135, %dma_start3A_136] : memref<50000x32xf32, #tpu.memory_space<hbm>> -> memref<50000x32xf32, #tpu.memory_space<hbm>>
    tpu.enqueue_indirect_dma source(%dma_start3A_137 : memref<50000x32xf32, #tpu.memory_space<hbm>>) target(%dma_start3A_132 : memref<128x32xf32, #tpu.memory_space<vmem>>) offsets(%dma_start3A_134 : memref<128xi32, #tpu.memory_space<vmem>>) semaphore(%arg7 : memref<!tpu.dma_semaphore, #tpu.memory_space<semaphore_mem>>)
    %dma_start3A_138 = arith.constant 2176 : i32
    %dma_start3A_139 = arith.constant 0 : i32
    %dma_start3A_140 = tpu.memref_slice %arg6[%dma_start3A_138, %dma_start3A_139] : memref<3200x32xf32, #tpu.memory_space<vmem>> -> memref<128x32xf32, #tpu.memory_space<vmem>>
    %dma_start3A_141 = arith.constant 2176 : i32
    %dma_start3A_142 = tpu.memref_slice %arg5[%dma_start3A_141] : memref<3200xi32, #tpu.memory_space<vmem>> -> memref<128xi32, #tpu.memory_space<vmem>>
    %dma_start3A_143 = arith.constant 0 : i32
    %dma_start3A_144 = arith.constant 0 : i32
    %dma_start3A_145 = tpu.memref_slice %arg3[%dma_start3A_143, %dma_start3A_144] : memref<50000x32xf32, #tpu.memory_space<hbm>> -> memref<50000x32xf32, #tpu.memory_space<hbm>>
    tpu.enqueue_indirect_dma source(%dma_start3A_145 : memref<50000x32xf32, #tpu.memory_space<hbm>>) target(%dma_start3A_140 : memref<128x32xf32, #tpu.memory_space<vmem>>) offsets(%dma_start3A_142 : memref<128xi32, #tpu.memory_space<vmem>>) semaphore(%arg7 : memref<!tpu.dma_semaphore, #tpu.memory_space<semaphore_mem>>)
    %dma_start3A_146 = arith.constant 2304 : i32
    %dma_start3A_147 = arith.constant 0 : i32
    %dma_start3A_148 = tpu.memref_slice %arg6[%dma_start3A_146, %dma_start3A_147] : memref<3200x32xf32, #tpu.memory_space<vmem>> -> memref<128x32xf32, #tpu.memory_space<vmem>>
    %dma_start3A_149 = arith.constant 2304 : i32
    %dma_start3A_150 = tpu.memref_slice %arg5[%dma_start3A_149] : memref<3200xi32, #tpu.memory_space<vmem>> -> memref<128xi32, #tpu.memory_space<vmem>>
    %dma_start3A_151 = arith.constant 0 : i32
    %dma_start3A_152 = arith.constant 0 : i32
    %dma_start3A_153 = tpu.memref_slice %arg3[%dma_start3A_151, %dma_start3A_152] : memref<50000x32xf32, #tpu.memory_space<hbm>> -> memref<50000x32xf32, #tpu.memory_space<hbm>>
    tpu.enqueue_indirect_dma source(%dma_start3A_153 : memref<50000x32xf32, #tpu.memory_space<hbm>>) target(%dma_start3A_148 : memref<128x32xf32, #tpu.memory_space<vmem>>) offsets(%dma_start3A_150 : memref<128xi32, #tpu.memory_space<vmem>>) semaphore(%arg7 : memref<!tpu.dma_semaphore, #tpu.memory_space<semaphore_mem>>)
    %dma_start3A_154 = arith.constant 2432 : i32
    %dma_start3A_155 = arith.constant 0 : i32
    %dma_start3A_156 = tpu.memref_slice %arg6[%dma_start3A_154, %dma_start3A_155] : memref<3200x32xf32, #tpu.memory_space<vmem>> -> memref<128x32xf32, #tpu.memory_space<vmem>>
    %dma_start3A_157 = arith.constant 2432 : i32
    %dma_start3A_158 = tpu.memref_slice %arg5[%dma_start3A_157] : memref<3200xi32, #tpu.memory_space<vmem>> -> memref<128xi32, #tpu.memory_space<vmem>>
    %dma_start3A_159 = arith.constant 0 : i32
    %dma_start3A_160 = arith.constant 0 : i32
    %dma_start3A_161 = tpu.memref_slice %arg3[%dma_start3A_159, %dma_start3A_160] : memref<50000x32xf32, #tpu.memory_space<hbm>> -> memref<50000x32xf32, #tpu.memory_space<hbm>>
    tpu.enqueue_indirect_dma source(%dma_start3A_161 : memref<50000x32xf32, #tpu.memory_space<hbm>>) target(%dma_start3A_156 : memref<128x32xf32, #tpu.memory_space<vmem>>) offsets(%dma_start3A_158 : memref<128xi32, #tpu.memory_space<vmem>>) semaphore(%arg7 : memref<!tpu.dma_semaphore, #tpu.memory_space<semaphore_mem>>)
    %dma_start3A_162 = arith.constant 2560 : i32
    %dma_start3A_163 = arith.constant 0 : i32
    %dma_start3A_164 = tpu.memref_slice %arg6[%dma_start3A_162, %dma_start3A_163] : memref<3200x32xf32, #tpu.memory_space<vmem>> -> memref<128x32xf32, #tpu.memory_space<vmem>>
    %dma_start3A_165 = arith.constant 2560 : i32
    %dma_start3A_166 = tpu.memref_slice %arg5[%dma_start3A_165] : memref<3200xi32, #tpu.memory_space<vmem>> -> memref<128xi32, #tpu.memory_space<vmem>>
    %dma_start3A_167 = arith.constant 0 : i32
    %dma_start3A_168 = arith.constant 0 : i32
    %dma_start3A_169 = tpu.memref_slice %arg3[%dma_start3A_167, %dma_start3A_168] : memref<50000x32xf32, #tpu.memory_space<hbm>> -> memref<50000x32xf32, #tpu.memory_space<hbm>>
    tpu.enqueue_indirect_dma source(%dma_start3A_169 : memref<50000x32xf32, #tpu.memory_space<hbm>>) target(%dma_start3A_164 : memref<128x32xf32, #tpu.memory_space<vmem>>) offsets(%dma_start3A_166 : memref<128xi32, #tpu.memory_space<vmem>>) semaphore(%arg7 : memref<!tpu.dma_semaphore, #tpu.memory_space<semaphore_mem>>)
    %dma_start3A_170 = arith.constant 2688 : i32
    %dma_start3A_171 = arith.constant 0 : i32
    %dma_start3A_172 = tpu.memref_slice %arg6[%dma_start3A_170, %dma_start3A_171] : memref<3200x32xf32, #tpu.memory_space<vmem>> -> memref<128x32xf32, #tpu.memory_space<vmem>>
    %dma_start3A_173 = arith.constant 2688 : i32
    %dma_start3A_174 = tpu.memref_slice %arg5[%dma_start3A_173] : memref<3200xi32, #tpu.memory_space<vmem>> -> memref<128xi32, #tpu.memory_space<vmem>>
    %dma_start3A_175 = arith.constant 0 : i32
    %dma_start3A_176 = arith.constant 0 : i32
    %dma_start3A_177 = tpu.memref_slice %arg3[%dma_start3A_175, %dma_start3A_176] : memref<50000x32xf32, #tpu.memory_space<hbm>> -> memref<50000x32xf32, #tpu.memory_space<hbm>>
    tpu.enqueue_indirect_dma source(%dma_start3A_177 : memref<50000x32xf32, #tpu.memory_space<hbm>>) target(%dma_start3A_172 : memref<128x32xf32, #tpu.memory_space<vmem>>) offsets(%dma_start3A_174 : memref<128xi32, #tpu.memory_space<vmem>>) semaphore(%arg7 : memref<!tpu.dma_semaphore, #tpu.memory_space<semaphore_mem>>)
    %dma_start3A_178 = arith.constant 2816 : i32
    %dma_start3A_179 = arith.constant 0 : i32
    %dma_start3A_180 = tpu.memref_slice %arg6[%dma_start3A_178, %dma_start3A_179] : memref<3200x32xf32, #tpu.memory_space<vmem>> -> memref<128x32xf32, #tpu.memory_space<vmem>>
    %dma_start3A_181 = arith.constant 2816 : i32
    %dma_start3A_182 = tpu.memref_slice %arg5[%dma_start3A_181] : memref<3200xi32, #tpu.memory_space<vmem>> -> memref<128xi32, #tpu.memory_space<vmem>>
    %dma_start3A_183 = arith.constant 0 : i32
    %dma_start3A_184 = arith.constant 0 : i32
    %dma_start3A_185 = tpu.memref_slice %arg3[%dma_start3A_183, %dma_start3A_184] : memref<50000x32xf32, #tpu.memory_space<hbm>> -> memref<50000x32xf32, #tpu.memory_space<hbm>>
    tpu.enqueue_indirect_dma source(%dma_start3A_185 : memref<50000x32xf32, #tpu.memory_space<hbm>>) target(%dma_start3A_180 : memref<128x32xf32, #tpu.memory_space<vmem>>) offsets(%dma_start3A_182 : memref<128xi32, #tpu.memory_space<vmem>>) semaphore(%arg7 : memref<!tpu.dma_semaphore, #tpu.memory_space<semaphore_mem>>)
    %dma_start3A_186 = arith.constant 2944 : i32
    %dma_start3A_187 = arith.constant 0 : i32
    %dma_start3A_188 = tpu.memref_slice %arg6[%dma_start3A_186, %dma_start3A_187] : memref<3200x32xf32, #tpu.memory_space<vmem>> -> memref<128x32xf32, #tpu.memory_space<vmem>>
    %dma_start3A_189 = arith.constant 2944 : i32
    %dma_start3A_190 = tpu.memref_slice %arg5[%dma_start3A_189] : memref<3200xi32, #tpu.memory_space<vmem>> -> memref<128xi32, #tpu.memory_space<vmem>>
    %dma_start3A_191 = arith.constant 0 : i32
    %dma_start3A_192 = arith.constant 0 : i32
    %dma_start3A_193 = tpu.memref_slice %arg3[%dma_start3A_191, %dma_start3A_192] : memref<50000x32xf32, #tpu.memory_space<hbm>> -> memref<50000x32xf32, #tpu.memory_space<hbm>>
    tpu.enqueue_indirect_dma source(%dma_start3A_193 : memref<50000x32xf32, #tpu.memory_space<hbm>>) target(%dma_start3A_188 : memref<128x32xf32, #tpu.memory_space<vmem>>) offsets(%dma_start3A_190 : memref<128xi32, #tpu.memory_space<vmem>>) semaphore(%arg7 : memref<!tpu.dma_semaphore, #tpu.memory_space<semaphore_mem>>)
    %dma_start3A_194 = arith.constant 3072 : i32
    %dma_start3A_195 = arith.constant 0 : i32
    %dma_start3A_196 = tpu.memref_slice %arg6[%dma_start3A_194, %dma_start3A_195] : memref<3200x32xf32, #tpu.memory_space<vmem>> -> memref<128x32xf32, #tpu.memory_space<vmem>>
    %dma_start3A_197 = arith.constant 3072 : i32
    %dma_start3A_198 = tpu.memref_slice %arg5[%dma_start3A_197] : memref<3200xi32, #tpu.memory_space<vmem>> -> memref<128xi32, #tpu.memory_space<vmem>>
    %dma_start3A_199 = arith.constant 0 : i32
    %dma_start3A_200 = arith.constant 0 : i32
    %dma_start3A_201 = tpu.memref_slice %arg3[%dma_start3A_199, %dma_start3A_200] : memref<50000x32xf32, #tpu.memory_space<hbm>> -> memref<50000x32xf32, #tpu.memory_space<hbm>>
    tpu.enqueue_indirect_dma source(%dma_start3A_201 : memref<50000x32xf32, #tpu.memory_space<hbm>>) target(%dma_start3A_196 : memref<128x32xf32, #tpu.memory_space<vmem>>) offsets(%dma_start3A_198 : memref<128xi32, #tpu.memory_space<vmem>>) semaphore(%arg7 : memref<!tpu.dma_semaphore, #tpu.memory_space<semaphore_mem>>)
    %dma_wait3A = arith.constant 0 : i32
    %dma_wait3A_202 = arith.constant 0 : i32
    %dma_wait3A_203 = tpu.memref_slice %arg6[%dma_wait3A, %dma_wait3A_202] : memref<3200x32xf32, #tpu.memory_space<vmem>> -> memref<128x32xf32, #tpu.memory_space<vmem>>
    %dma_wait3A_204 = arith.constant 0 : i32
    %dma_wait3A_205 = tpu.memref_slice %arg5[%dma_wait3A_204] : memref<3200xi32, #tpu.memory_space<vmem>> -> memref<128xi32, #tpu.memory_space<vmem>>
    %dma_wait3A_206 = arith.constant 0 : i32
    %dma_wait3A_207 = arith.constant 0 : i32
    %dma_wait3A_208 = tpu.memref_slice %arg3[%dma_wait3A_206, %dma_wait3A_207] : memref<50000x32xf32, #tpu.memory_space<hbm>> -> memref<50000x32xf32, #tpu.memory_space<hbm>>
    tpu.wait_indirect_dma semaphore(%arg7 : memref<!tpu.dma_semaphore, #tpu.memory_space<semaphore_mem>>) src(%dma_wait3A_208 : memref<50000x32xf32, #tpu.memory_space<hbm>>) dst(%dma_wait3A_203 : memref<128x32xf32, #tpu.memory_space<vmem>>)
    %dma_wait3A_209 = arith.constant 128 : i32
    %dma_wait3A_210 = arith.constant 0 : i32
    %dma_wait3A_211 = tpu.memref_slice %arg6[%dma_wait3A_209, %dma_wait3A_210] : memref<3200x32xf32, #tpu.memory_space<vmem>> -> memref<128x32xf32, #tpu.memory_space<vmem>>
    %dma_wait3A_212 = arith.constant 128 : i32
    %dma_wait3A_213 = tpu.memref_slice %arg5[%dma_wait3A_212] : memref<3200xi32, #tpu.memory_space<vmem>> -> memref<128xi32, #tpu.memory_space<vmem>>
    %dma_wait3A_214 = arith.constant 0 : i32
    %dma_wait3A_215 = arith.constant 0 : i32
    %dma_wait3A_216 = tpu.memref_slice %arg3[%dma_wait3A_214, %dma_wait3A_215] : memref<50000x32xf32, #tpu.memory_space<hbm>> -> memref<50000x32xf32, #tpu.memory_space<hbm>>
    tpu.wait_indirect_dma semaphore(%arg7 : memref<!tpu.dma_semaphore, #tpu.memory_space<semaphore_mem>>) src(%dma_wait3A_216 : memref<50000x32xf32, #tpu.memory_space<hbm>>) dst(%dma_wait3A_211 : memref<128x32xf32, #tpu.memory_space<vmem>>)
    %dma_wait3A_217 = arith.constant 256 : i32
    %dma_wait3A_218 = arith.constant 0 : i32
    %dma_wait3A_219 = tpu.memref_slice %arg6[%dma_wait3A_217, %dma_wait3A_218] : memref<3200x32xf32, #tpu.memory_space<vmem>> -> memref<128x32xf32, #tpu.memory_space<vmem>>
    %dma_wait3A_220 = arith.constant 256 : i32
    %dma_wait3A_221 = tpu.memref_slice %arg5[%dma_wait3A_220] : memref<3200xi32, #tpu.memory_space<vmem>> -> memref<128xi32, #tpu.memory_space<vmem>>
    %dma_wait3A_222 = arith.constant 0 : i32
    %dma_wait3A_223 = arith.constant 0 : i32
    %dma_wait3A_224 = tpu.memref_slice %arg3[%dma_wait3A_222, %dma_wait3A_223] : memref<50000x32xf32, #tpu.memory_space<hbm>> -> memref<50000x32xf32, #tpu.memory_space<hbm>>
    tpu.wait_indirect_dma semaphore(%arg7 : memref<!tpu.dma_semaphore, #tpu.memory_space<semaphore_mem>>) src(%dma_wait3A_224 : memref<50000x32xf32, #tpu.memory_space<hbm>>) dst(%dma_wait3A_219 : memref<128x32xf32, #tpu.memory_space<vmem>>)
    %dma_wait3A_225 = arith.constant 384 : i32
    %dma_wait3A_226 = arith.constant 0 : i32
    %dma_wait3A_227 = tpu.memref_slice %arg6[%dma_wait3A_225, %dma_wait3A_226] : memref<3200x32xf32, #tpu.memory_space<vmem>> -> memref<128x32xf32, #tpu.memory_space<vmem>>
    %dma_wait3A_228 = arith.constant 384 : i32
    %dma_wait3A_229 = tpu.memref_slice %arg5[%dma_wait3A_228] : memref<3200xi32, #tpu.memory_space<vmem>> -> memref<128xi32, #tpu.memory_space<vmem>>
    %dma_wait3A_230 = arith.constant 0 : i32
    %dma_wait3A_231 = arith.constant 0 : i32
    %dma_wait3A_232 = tpu.memref_slice %arg3[%dma_wait3A_230, %dma_wait3A_231] : memref<50000x32xf32, #tpu.memory_space<hbm>> -> memref<50000x32xf32, #tpu.memory_space<hbm>>
    tpu.wait_indirect_dma semaphore(%arg7 : memref<!tpu.dma_semaphore, #tpu.memory_space<semaphore_mem>>) src(%dma_wait3A_232 : memref<50000x32xf32, #tpu.memory_space<hbm>>) dst(%dma_wait3A_227 : memref<128x32xf32, #tpu.memory_space<vmem>>)
    %dma_wait3A_233 = arith.constant 512 : i32
    %dma_wait3A_234 = arith.constant 0 : i32
    %dma_wait3A_235 = tpu.memref_slice %arg6[%dma_wait3A_233, %dma_wait3A_234] : memref<3200x32xf32, #tpu.memory_space<vmem>> -> memref<128x32xf32, #tpu.memory_space<vmem>>
    %dma_wait3A_236 = arith.constant 512 : i32
    %dma_wait3A_237 = tpu.memref_slice %arg5[%dma_wait3A_236] : memref<3200xi32, #tpu.memory_space<vmem>> -> memref<128xi32, #tpu.memory_space<vmem>>
    %dma_wait3A_238 = arith.constant 0 : i32
    %dma_wait3A_239 = arith.constant 0 : i32
    %dma_wait3A_240 = tpu.memref_slice %arg3[%dma_wait3A_238, %dma_wait3A_239] : memref<50000x32xf32, #tpu.memory_space<hbm>> -> memref<50000x32xf32, #tpu.memory_space<hbm>>
    tpu.wait_indirect_dma semaphore(%arg7 : memref<!tpu.dma_semaphore, #tpu.memory_space<semaphore_mem>>) src(%dma_wait3A_240 : memref<50000x32xf32, #tpu.memory_space<hbm>>) dst(%dma_wait3A_235 : memref<128x32xf32, #tpu.memory_space<vmem>>)
    %dma_wait3A_241 = arith.constant 640 : i32
    %dma_wait3A_242 = arith.constant 0 : i32
    %dma_wait3A_243 = tpu.memref_slice %arg6[%dma_wait3A_241, %dma_wait3A_242] : memref<3200x32xf32, #tpu.memory_space<vmem>> -> memref<128x32xf32, #tpu.memory_space<vmem>>
    %dma_wait3A_244 = arith.constant 640 : i32
    %dma_wait3A_245 = tpu.memref_slice %arg5[%dma_wait3A_244] : memref<3200xi32, #tpu.memory_space<vmem>> -> memref<128xi32, #tpu.memory_space<vmem>>
    %dma_wait3A_246 = arith.constant 0 : i32
    %dma_wait3A_247 = arith.constant 0 : i32
    %dma_wait3A_248 = tpu.memref_slice %arg3[%dma_wait3A_246, %dma_wait3A_247] : memref<50000x32xf32, #tpu.memory_space<hbm>> -> memref<50000x32xf32, #tpu.memory_space<hbm>>
    tpu.wait_indirect_dma semaphore(%arg7 : memref<!tpu.dma_semaphore, #tpu.memory_space<semaphore_mem>>) src(%dma_wait3A_248 : memref<50000x32xf32, #tpu.memory_space<hbm>>) dst(%dma_wait3A_243 : memref<128x32xf32, #tpu.memory_space<vmem>>)
    %dma_wait3A_249 = arith.constant 768 : i32
    %dma_wait3A_250 = arith.constant 0 : i32
    %dma_wait3A_251 = tpu.memref_slice %arg6[%dma_wait3A_249, %dma_wait3A_250] : memref<3200x32xf32, #tpu.memory_space<vmem>> -> memref<128x32xf32, #tpu.memory_space<vmem>>
    %dma_wait3A_252 = arith.constant 768 : i32
    %dma_wait3A_253 = tpu.memref_slice %arg5[%dma_wait3A_252] : memref<3200xi32, #tpu.memory_space<vmem>> -> memref<128xi32, #tpu.memory_space<vmem>>
    %dma_wait3A_254 = arith.constant 0 : i32
    %dma_wait3A_255 = arith.constant 0 : i32
    %dma_wait3A_256 = tpu.memref_slice %arg3[%dma_wait3A_254, %dma_wait3A_255] : memref<50000x32xf32, #tpu.memory_space<hbm>> -> memref<50000x32xf32, #tpu.memory_space<hbm>>
    tpu.wait_indirect_dma semaphore(%arg7 : memref<!tpu.dma_semaphore, #tpu.memory_space<semaphore_mem>>) src(%dma_wait3A_256 : memref<50000x32xf32, #tpu.memory_space<hbm>>) dst(%dma_wait3A_251 : memref<128x32xf32, #tpu.memory_space<vmem>>)
    %dma_wait3A_257 = arith.constant 896 : i32
    %dma_wait3A_258 = arith.constant 0 : i32
    %dma_wait3A_259 = tpu.memref_slice %arg6[%dma_wait3A_257, %dma_wait3A_258] : memref<3200x32xf32, #tpu.memory_space<vmem>> -> memref<128x32xf32, #tpu.memory_space<vmem>>
    %dma_wait3A_260 = arith.constant 896 : i32
    %dma_wait3A_261 = tpu.memref_slice %arg5[%dma_wait3A_260] : memref<3200xi32, #tpu.memory_space<vmem>> -> memref<128xi32, #tpu.memory_space<vmem>>
    %dma_wait3A_262 = arith.constant 0 : i32
    %dma_wait3A_263 = arith.constant 0 : i32
    %dma_wait3A_264 = tpu.memref_slice %arg3[%dma_wait3A_262, %dma_wait3A_263] : memref<50000x32xf32, #tpu.memory_space<hbm>> -> memref<50000x32xf32, #tpu.memory_space<hbm>>
    tpu.wait_indirect_dma semaphore(%arg7 : memref<!tpu.dma_semaphore, #tpu.memory_space<semaphore_mem>>) src(%dma_wait3A_264 : memref<50000x32xf32, #tpu.memory_space<hbm>>) dst(%dma_wait3A_259 : memref<128x32xf32, #tpu.memory_space<vmem>>)
    %dma_wait3A_265 = arith.constant 1024 : i32
    %dma_wait3A_266 = arith.constant 0 : i32
    %dma_wait3A_267 = tpu.memref_slice %arg6[%dma_wait3A_265, %dma_wait3A_266] : memref<3200x32xf32, #tpu.memory_space<vmem>> -> memref<128x32xf32, #tpu.memory_space<vmem>>
    %dma_wait3A_268 = arith.constant 1024 : i32
    %dma_wait3A_269 = tpu.memref_slice %arg5[%dma_wait3A_268] : memref<3200xi32, #tpu.memory_space<vmem>> -> memref<128xi32, #tpu.memory_space<vmem>>
    %dma_wait3A_270 = arith.constant 0 : i32
    %dma_wait3A_271 = arith.constant 0 : i32
    %dma_wait3A_272 = tpu.memref_slice %arg3[%dma_wait3A_270, %dma_wait3A_271] : memref<50000x32xf32, #tpu.memory_space<hbm>> -> memref<50000x32xf32, #tpu.memory_space<hbm>>
    tpu.wait_indirect_dma semaphore(%arg7 : memref<!tpu.dma_semaphore, #tpu.memory_space<semaphore_mem>>) src(%dma_wait3A_272 : memref<50000x32xf32, #tpu.memory_space<hbm>>) dst(%dma_wait3A_267 : memref<128x32xf32, #tpu.memory_space<vmem>>)
    %dma_wait3A_273 = arith.constant 1152 : i32
    %dma_wait3A_274 = arith.constant 0 : i32
    %dma_wait3A_275 = tpu.memref_slice %arg6[%dma_wait3A_273, %dma_wait3A_274] : memref<3200x32xf32, #tpu.memory_space<vmem>> -> memref<128x32xf32, #tpu.memory_space<vmem>>
    %dma_wait3A_276 = arith.constant 1152 : i32
    %dma_wait3A_277 = tpu.memref_slice %arg5[%dma_wait3A_276] : memref<3200xi32, #tpu.memory_space<vmem>> -> memref<128xi32, #tpu.memory_space<vmem>>
    %dma_wait3A_278 = arith.constant 0 : i32
    %dma_wait3A_279 = arith.constant 0 : i32
    %dma_wait3A_280 = tpu.memref_slice %arg3[%dma_wait3A_278, %dma_wait3A_279] : memref<50000x32xf32, #tpu.memory_space<hbm>> -> memref<50000x32xf32, #tpu.memory_space<hbm>>
    tpu.wait_indirect_dma semaphore(%arg7 : memref<!tpu.dma_semaphore, #tpu.memory_space<semaphore_mem>>) src(%dma_wait3A_280 : memref<50000x32xf32, #tpu.memory_space<hbm>>) dst(%dma_wait3A_275 : memref<128x32xf32, #tpu.memory_space<vmem>>)
    %dma_wait3A_281 = arith.constant 1280 : i32
    %dma_wait3A_282 = arith.constant 0 : i32
    %dma_wait3A_283 = tpu.memref_slice %arg6[%dma_wait3A_281, %dma_wait3A_282] : memref<3200x32xf32, #tpu.memory_space<vmem>> -> memref<128x32xf32, #tpu.memory_space<vmem>>
    %dma_wait3A_284 = arith.constant 1280 : i32
    %dma_wait3A_285 = tpu.memref_slice %arg5[%dma_wait3A_284] : memref<3200xi32, #tpu.memory_space<vmem>> -> memref<128xi32, #tpu.memory_space<vmem>>
    %dma_wait3A_286 = arith.constant 0 : i32
    %dma_wait3A_287 = arith.constant 0 : i32
    %dma_wait3A_288 = tpu.memref_slice %arg3[%dma_wait3A_286, %dma_wait3A_287] : memref<50000x32xf32, #tpu.memory_space<hbm>> -> memref<50000x32xf32, #tpu.memory_space<hbm>>
    tpu.wait_indirect_dma semaphore(%arg7 : memref<!tpu.dma_semaphore, #tpu.memory_space<semaphore_mem>>) src(%dma_wait3A_288 : memref<50000x32xf32, #tpu.memory_space<hbm>>) dst(%dma_wait3A_283 : memref<128x32xf32, #tpu.memory_space<vmem>>)
    %dma_wait3A_289 = arith.constant 1408 : i32
    %dma_wait3A_290 = arith.constant 0 : i32
    %dma_wait3A_291 = tpu.memref_slice %arg6[%dma_wait3A_289, %dma_wait3A_290] : memref<3200x32xf32, #tpu.memory_space<vmem>> -> memref<128x32xf32, #tpu.memory_space<vmem>>
    %dma_wait3A_292 = arith.constant 1408 : i32
    %dma_wait3A_293 = tpu.memref_slice %arg5[%dma_wait3A_292] : memref<3200xi32, #tpu.memory_space<vmem>> -> memref<128xi32, #tpu.memory_space<vmem>>
    %dma_wait3A_294 = arith.constant 0 : i32
    %dma_wait3A_295 = arith.constant 0 : i32
    %dma_wait3A_296 = tpu.memref_slice %arg3[%dma_wait3A_294, %dma_wait3A_295] : memref<50000x32xf32, #tpu.memory_space<hbm>> -> memref<50000x32xf32, #tpu.memory_space<hbm>>
    tpu.wait_indirect_dma semaphore(%arg7 : memref<!tpu.dma_semaphore, #tpu.memory_space<semaphore_mem>>) src(%dma_wait3A_296 : memref<50000x32xf32, #tpu.memory_space<hbm>>) dst(%dma_wait3A_291 : memref<128x32xf32, #tpu.memory_space<vmem>>)
    %dma_wait3A_297 = arith.constant 1536 : i32
    %dma_wait3A_298 = arith.constant 0 : i32
    %dma_wait3A_299 = tpu.memref_slice %arg6[%dma_wait3A_297, %dma_wait3A_298] : memref<3200x32xf32, #tpu.memory_space<vmem>> -> memref<128x32xf32, #tpu.memory_space<vmem>>
    %dma_wait3A_300 = arith.constant 1536 : i32
    %dma_wait3A_301 = tpu.memref_slice %arg5[%dma_wait3A_300] : memref<3200xi32, #tpu.memory_space<vmem>> -> memref<128xi32, #tpu.memory_space<vmem>>
    %dma_wait3A_302 = arith.constant 0 : i32
    %dma_wait3A_303 = arith.constant 0 : i32
    %dma_wait3A_304 = tpu.memref_slice %arg3[%dma_wait3A_302, %dma_wait3A_303] : memref<50000x32xf32, #tpu.memory_space<hbm>> -> memref<50000x32xf32, #tpu.memory_space<hbm>>
    tpu.wait_indirect_dma semaphore(%arg7 : memref<!tpu.dma_semaphore, #tpu.memory_space<semaphore_mem>>) src(%dma_wait3A_304 : memref<50000x32xf32, #tpu.memory_space<hbm>>) dst(%dma_wait3A_299 : memref<128x32xf32, #tpu.memory_space<vmem>>)
    %dma_wait3A_305 = arith.constant 1664 : i32
    %dma_wait3A_306 = arith.constant 0 : i32
    %dma_wait3A_307 = tpu.memref_slice %arg6[%dma_wait3A_305, %dma_wait3A_306] : memref<3200x32xf32, #tpu.memory_space<vmem>> -> memref<128x32xf32, #tpu.memory_space<vmem>>
    %dma_wait3A_308 = arith.constant 1664 : i32
    %dma_wait3A_309 = tpu.memref_slice %arg5[%dma_wait3A_308] : memref<3200xi32, #tpu.memory_space<vmem>> -> memref<128xi32, #tpu.memory_space<vmem>>
    %dma_wait3A_310 = arith.constant 0 : i32
    %dma_wait3A_311 = arith.constant 0 : i32
    %dma_wait3A_312 = tpu.memref_slice %arg3[%dma_wait3A_310, %dma_wait3A_311] : memref<50000x32xf32, #tpu.memory_space<hbm>> -> memref<50000x32xf32, #tpu.memory_space<hbm>>
    tpu.wait_indirect_dma semaphore(%arg7 : memref<!tpu.dma_semaphore, #tpu.memory_space<semaphore_mem>>) src(%dma_wait3A_312 : memref<50000x32xf32, #tpu.memory_space<hbm>>) dst(%dma_wait3A_307 : memref<128x32xf32, #tpu.memory_space<vmem>>)
    %dma_wait3A_313 = arith.constant 1792 : i32
    %dma_wait3A_314 = arith.constant 0 : i32
    %dma_wait3A_315 = tpu.memref_slice %arg6[%dma_wait3A_313, %dma_wait3A_314] : memref<3200x32xf32, #tpu.memory_space<vmem>> -> memref<128x32xf32, #tpu.memory_space<vmem>>
    %dma_wait3A_316 = arith.constant 1792 : i32
    %dma_wait3A_317 = tpu.memref_slice %arg5[%dma_wait3A_316] : memref<3200xi32, #tpu.memory_space<vmem>> -> memref<128xi32, #tpu.memory_space<vmem>>
    %dma_wait3A_318 = arith.constant 0 : i32
    %dma_wait3A_319 = arith.constant 0 : i32
    %dma_wait3A_320 = tpu.memref_slice %arg3[%dma_wait3A_318, %dma_wait3A_319] : memref<50000x32xf32, #tpu.memory_space<hbm>> -> memref<50000x32xf32, #tpu.memory_space<hbm>>
    tpu.wait_indirect_dma semaphore(%arg7 : memref<!tpu.dma_semaphore, #tpu.memory_space<semaphore_mem>>) src(%dma_wait3A_320 : memref<50000x32xf32, #tpu.memory_space<hbm>>) dst(%dma_wait3A_315 : memref<128x32xf32, #tpu.memory_space<vmem>>)
    %dma_wait3A_321 = arith.constant 1920 : i32
    %dma_wait3A_322 = arith.constant 0 : i32
    %dma_wait3A_323 = tpu.memref_slice %arg6[%dma_wait3A_321, %dma_wait3A_322] : memref<3200x32xf32, #tpu.memory_space<vmem>> -> memref<128x32xf32, #tpu.memory_space<vmem>>
    %dma_wait3A_324 = arith.constant 1920 : i32
    %dma_wait3A_325 = tpu.memref_slice %arg5[%dma_wait3A_324] : memref<3200xi32, #tpu.memory_space<vmem>> -> memref<128xi32, #tpu.memory_space<vmem>>
    %dma_wait3A_326 = arith.constant 0 : i32
    %dma_wait3A_327 = arith.constant 0 : i32
    %dma_wait3A_328 = tpu.memref_slice %arg3[%dma_wait3A_326, %dma_wait3A_327] : memref<50000x32xf32, #tpu.memory_space<hbm>> -> memref<50000x32xf32, #tpu.memory_space<hbm>>
    tpu.wait_indirect_dma semaphore(%arg7 : memref<!tpu.dma_semaphore, #tpu.memory_space<semaphore_mem>>) src(%dma_wait3A_328 : memref<50000x32xf32, #tpu.memory_space<hbm>>) dst(%dma_wait3A_323 : memref<128x32xf32, #tpu.memory_space<vmem>>)
    %dma_wait3A_329 = arith.constant 2048 : i32
    %dma_wait3A_330 = arith.constant 0 : i32
    %dma_wait3A_331 = tpu.memref_slice %arg6[%dma_wait3A_329, %dma_wait3A_330] : memref<3200x32xf32, #tpu.memory_space<vmem>> -> memref<128x32xf32, #tpu.memory_space<vmem>>
    %dma_wait3A_332 = arith.constant 2048 : i32
    %dma_wait3A_333 = tpu.memref_slice %arg5[%dma_wait3A_332] : memref<3200xi32, #tpu.memory_space<vmem>> -> memref<128xi32, #tpu.memory_space<vmem>>
    %dma_wait3A_334 = arith.constant 0 : i32
    %dma_wait3A_335 = arith.constant 0 : i32
    %dma_wait3A_336 = tpu.memref_slice %arg3[%dma_wait3A_334, %dma_wait3A_335] : memref<50000x32xf32, #tpu.memory_space<hbm>> -> memref<50000x32xf32, #tpu.memory_space<hbm>>
    tpu.wait_indirect_dma semaphore(%arg7 : memref<!tpu.dma_semaphore, #tpu.memory_space<semaphore_mem>>) src(%dma_wait3A_336 : memref<50000x32xf32, #tpu.memory_space<hbm>>) dst(%dma_wait3A_331 : memref<128x32xf32, #tpu.memory_space<vmem>>)
    %dma_wait3A_337 = arith.constant 2176 : i32
    %dma_wait3A_338 = arith.constant 0 : i32
    %dma_wait3A_339 = tpu.memref_slice %arg6[%dma_wait3A_337, %dma_wait3A_338] : memref<3200x32xf32, #tpu.memory_space<vmem>> -> memref<128x32xf32, #tpu.memory_space<vmem>>
    %dma_wait3A_340 = arith.constant 2176 : i32
    %dma_wait3A_341 = tpu.memref_slice %arg5[%dma_wait3A_340] : memref<3200xi32, #tpu.memory_space<vmem>> -> memref<128xi32, #tpu.memory_space<vmem>>
    %dma_wait3A_342 = arith.constant 0 : i32
    %dma_wait3A_343 = arith.constant 0 : i32
    %dma_wait3A_344 = tpu.memref_slice %arg3[%dma_wait3A_342, %dma_wait3A_343] : memref<50000x32xf32, #tpu.memory_space<hbm>> -> memref<50000x32xf32, #tpu.memory_space<hbm>>
    tpu.wait_indirect_dma semaphore(%arg7 : memref<!tpu.dma_semaphore, #tpu.memory_space<semaphore_mem>>) src(%dma_wait3A_344 : memref<50000x32xf32, #tpu.memory_space<hbm>>) dst(%dma_wait3A_339 : memref<128x32xf32, #tpu.memory_space<vmem>>)
    %dma_wait3A_345 = arith.constant 2304 : i32
    %dma_wait3A_346 = arith.constant 0 : i32
    %dma_wait3A_347 = tpu.memref_slice %arg6[%dma_wait3A_345, %dma_wait3A_346] : memref<3200x32xf32, #tpu.memory_space<vmem>> -> memref<128x32xf32, #tpu.memory_space<vmem>>
    %dma_wait3A_348 = arith.constant 2304 : i32
    %dma_wait3A_349 = tpu.memref_slice %arg5[%dma_wait3A_348] : memref<3200xi32, #tpu.memory_space<vmem>> -> memref<128xi32, #tpu.memory_space<vmem>>
    %dma_wait3A_350 = arith.constant 0 : i32
    %dma_wait3A_351 = arith.constant 0 : i32
    %dma_wait3A_352 = tpu.memref_slice %arg3[%dma_wait3A_350, %dma_wait3A_351] : memref<50000x32xf32, #tpu.memory_space<hbm>> -> memref<50000x32xf32, #tpu.memory_space<hbm>>
    tpu.wait_indirect_dma semaphore(%arg7 : memref<!tpu.dma_semaphore, #tpu.memory_space<semaphore_mem>>) src(%dma_wait3A_352 : memref<50000x32xf32, #tpu.memory_space<hbm>>) dst(%dma_wait3A_347 : memref<128x32xf32, #tpu.memory_space<vmem>>)
    %dma_wait3A_353 = arith.constant 2432 : i32
    %dma_wait3A_354 = arith.constant 0 : i32
    %dma_wait3A_355 = tpu.memref_slice %arg6[%dma_wait3A_353, %dma_wait3A_354] : memref<3200x32xf32, #tpu.memory_space<vmem>> -> memref<128x32xf32, #tpu.memory_space<vmem>>
    %dma_wait3A_356 = arith.constant 2432 : i32
    %dma_wait3A_357 = tpu.memref_slice %arg5[%dma_wait3A_356] : memref<3200xi32, #tpu.memory_space<vmem>> -> memref<128xi32, #tpu.memory_space<vmem>>
    %dma_wait3A_358 = arith.constant 0 : i32
    %dma_wait3A_359 = arith.constant 0 : i32
    %dma_wait3A_360 = tpu.memref_slice %arg3[%dma_wait3A_358, %dma_wait3A_359] : memref<50000x32xf32, #tpu.memory_space<hbm>> -> memref<50000x32xf32, #tpu.memory_space<hbm>>
    tpu.wait_indirect_dma semaphore(%arg7 : memref<!tpu.dma_semaphore, #tpu.memory_space<semaphore_mem>>) src(%dma_wait3A_360 : memref<50000x32xf32, #tpu.memory_space<hbm>>) dst(%dma_wait3A_355 : memref<128x32xf32, #tpu.memory_space<vmem>>)
    %dma_wait3A_361 = arith.constant 2560 : i32
    %dma_wait3A_362 = arith.constant 0 : i32
    %dma_wait3A_363 = tpu.memref_slice %arg6[%dma_wait3A_361, %dma_wait3A_362] : memref<3200x32xf32, #tpu.memory_space<vmem>> -> memref<128x32xf32, #tpu.memory_space<vmem>>
    %dma_wait3A_364 = arith.constant 2560 : i32
    %dma_wait3A_365 = tpu.memref_slice %arg5[%dma_wait3A_364] : memref<3200xi32, #tpu.memory_space<vmem>> -> memref<128xi32, #tpu.memory_space<vmem>>
    %dma_wait3A_366 = arith.constant 0 : i32
    %dma_wait3A_367 = arith.constant 0 : i32
    %dma_wait3A_368 = tpu.memref_slice %arg3[%dma_wait3A_366, %dma_wait3A_367] : memref<50000x32xf32, #tpu.memory_space<hbm>> -> memref<50000x32xf32, #tpu.memory_space<hbm>>
    tpu.wait_indirect_dma semaphore(%arg7 : memref<!tpu.dma_semaphore, #tpu.memory_space<semaphore_mem>>) src(%dma_wait3A_368 : memref<50000x32xf32, #tpu.memory_space<hbm>>) dst(%dma_wait3A_363 : memref<128x32xf32, #tpu.memory_space<vmem>>)
    %dma_wait3A_369 = arith.constant 2688 : i32
    %dma_wait3A_370 = arith.constant 0 : i32
    %dma_wait3A_371 = tpu.memref_slice %arg6[%dma_wait3A_369, %dma_wait3A_370] : memref<3200x32xf32, #tpu.memory_space<vmem>> -> memref<128x32xf32, #tpu.memory_space<vmem>>
    %dma_wait3A_372 = arith.constant 2688 : i32
    %dma_wait3A_373 = tpu.memref_slice %arg5[%dma_wait3A_372] : memref<3200xi32, #tpu.memory_space<vmem>> -> memref<128xi32, #tpu.memory_space<vmem>>
    %dma_wait3A_374 = arith.constant 0 : i32
    %dma_wait3A_375 = arith.constant 0 : i32
    %dma_wait3A_376 = tpu.memref_slice %arg3[%dma_wait3A_374, %dma_wait3A_375] : memref<50000x32xf32, #tpu.memory_space<hbm>> -> memref<50000x32xf32, #tpu.memory_space<hbm>>
    tpu.wait_indirect_dma semaphore(%arg7 : memref<!tpu.dma_semaphore, #tpu.memory_space<semaphore_mem>>) src(%dma_wait3A_376 : memref<50000x32xf32, #tpu.memory_space<hbm>>) dst(%dma_wait3A_371 : memref<128x32xf32, #tpu.memory_space<vmem>>)
    %dma_wait3A_377 = arith.constant 2816 : i32
    %dma_wait3A_378 = arith.constant 0 : i32
    %dma_wait3A_379 = tpu.memref_slice %arg6[%dma_wait3A_377, %dma_wait3A_378] : memref<3200x32xf32, #tpu.memory_space<vmem>> -> memref<128x32xf32, #tpu.memory_space<vmem>>
    %dma_wait3A_380 = arith.constant 2816 : i32
    %dma_wait3A_381 = tpu.memref_slice %arg5[%dma_wait3A_380] : memref<3200xi32, #tpu.memory_space<vmem>> -> memref<128xi32, #tpu.memory_space<vmem>>
    %dma_wait3A_382 = arith.constant 0 : i32
    %dma_wait3A_383 = arith.constant 0 : i32
    %dma_wait3A_384 = tpu.memref_slice %arg3[%dma_wait3A_382, %dma_wait3A_383] : memref<50000x32xf32, #tpu.memory_space<hbm>> -> memref<50000x32xf32, #tpu.memory_space<hbm>>
    tpu.wait_indirect_dma semaphore(%arg7 : memref<!tpu.dma_semaphore, #tpu.memory_space<semaphore_mem>>) src(%dma_wait3A_384 : memref<50000x32xf32, #tpu.memory_space<hbm>>) dst(%dma_wait3A_379 : memref<128x32xf32, #tpu.memory_space<vmem>>)
    %dma_wait3A_385 = arith.constant 2944 : i32
    %dma_wait3A_386 = arith.constant 0 : i32
    %dma_wait3A_387 = tpu.memref_slice %arg6[%dma_wait3A_385, %dma_wait3A_386] : memref<3200x32xf32, #tpu.memory_space<vmem>> -> memref<128x32xf32, #tpu.memory_space<vmem>>
    %dma_wait3A_388 = arith.constant 2944 : i32
    %dma_wait3A_389 = tpu.memref_slice %arg5[%dma_wait3A_388] : memref<3200xi32, #tpu.memory_space<vmem>> -> memref<128xi32, #tpu.memory_space<vmem>>
    %dma_wait3A_390 = arith.constant 0 : i32
    %dma_wait3A_391 = arith.constant 0 : i32
    %dma_wait3A_392 = tpu.memref_slice %arg3[%dma_wait3A_390, %dma_wait3A_391] : memref<50000x32xf32, #tpu.memory_space<hbm>> -> memref<50000x32xf32, #tpu.memory_space<hbm>>
    tpu.wait_indirect_dma semaphore(%arg7 : memref<!tpu.dma_semaphore, #tpu.memory_space<semaphore_mem>>) src(%dma_wait3A_392 : memref<50000x32xf32, #tpu.memory_space<hbm>>) dst(%dma_wait3A_387 : memref<128x32xf32, #tpu.memory_space<vmem>>)
    %dma_wait3A_393 = arith.constant 3072 : i32
    %dma_wait3A_394 = arith.constant 0 : i32
    %dma_wait3A_395 = tpu.memref_slice %arg6[%dma_wait3A_393, %dma_wait3A_394] : memref<3200x32xf32, #tpu.memory_space<vmem>> -> memref<128x32xf32, #tpu.memory_space<vmem>>
    %dma_wait3A_396 = arith.constant 3072 : i32
    %dma_wait3A_397 = tpu.memref_slice %arg5[%dma_wait3A_396] : memref<3200xi32, #tpu.memory_space<vmem>> -> memref<128xi32, #tpu.memory_space<vmem>>
    %dma_wait3A_398 = arith.constant 0 : i32
    %dma_wait3A_399 = arith.constant 0 : i32
    %dma_wait3A_400 = tpu.memref_slice %arg3[%dma_wait3A_398, %dma_wait3A_399] : memref<50000x32xf32, #tpu.memory_space<hbm>> -> memref<50000x32xf32, #tpu.memory_space<hbm>>
    tpu.wait_indirect_dma semaphore(%arg7 : memref<!tpu.dma_semaphore, #tpu.memory_space<semaphore_mem>>) src(%dma_wait3A_400 : memref<50000x32xf32, #tpu.memory_space<hbm>>) dst(%dma_wait3A_395 : memref<128x32xf32, #tpu.memory_space<vmem>>)
    "tpu.region"() ({
      %run_scoped3A = tpu.sem_alloc : memref<!tpu.dma_semaphore, #tpu.memory_space<semaphore_mem>>
      %dma_start3A_401 = arith.constant 0 : i32
      %dma_start3A_402 = tpu.memref_slice %arg4[%mul3A_2, %dma_start3A_401] : memref<102400x32xf32, #tpu.memory_space<hbm>> -> memref<3200x32xf32, #tpu.memory_space<hbm>>
      %dma_start3A_403 = arith.constant 0 : i32
      %dma_start3A_404 = tpu.memref_slice %arg4[%mul3A_2, %dma_start3A_403] : memref<102400x32xf32, #tpu.memory_space<hbm>> -> memref<3200x32xf32, #tpu.memory_space<hbm>>
      tpu.enqueue_dma source(%arg6 : memref<3200x32xf32, #tpu.memory_space<vmem>>) target(%dma_start3A_404 : memref<3200x32xf32, #tpu.memory_space<hbm>>) target_semaphore(%run_scoped3A : memref<!tpu.dma_semaphore, #tpu.memory_space<semaphore_mem>>)
      %dma_wait3A_405 = arith.constant 0 : i32
      %dma_wait3A_406 = tpu.memref_slice %arg4[%mul3A_2, %dma_wait3A_405] : memref<102400x32xf32, #tpu.memory_space<hbm>> -> memref<3200x32xf32, #tpu.memory_space<hbm>>
      %dma_wait3A_407 = arith.constant 0 : i32
      %dma_wait3A_408 = tpu.memref_slice %arg4[%mul3A_2, %dma_wait3A_407] : memref<102400x32xf32, #tpu.memory_space<hbm>> -> memref<3200x32xf32, #tpu.memory_space<hbm>>
      tpu.wait_dma2 semaphore(%run_scoped3A : memref<!tpu.dma_semaphore, #tpu.memory_space<semaphore_mem>>) src(%arg6 : memref<3200x32xf32, #tpu.memory_space<vmem>>) dst(%dma_wait3A_408 : memref<3200x32xf32, #tpu.memory_space<hbm>>)
      tpu.yield
    }) : () -> ()
    return
  }
}

#map = affine_map<(d0, d1) -> (0)>
#map1 = affine_map<(d0, d1) -> (0, 0)>
module attributes {stable_mosaic.version = 14 : i64} {
  func.func @scatter_k(%arg0: i32, %arg1: i32, %arg2: memref<102400xi32, #tpu.memory_space<hbm>>, %arg3: memref<102400x32xf32, #tpu.memory_space<hbm>>, %arg4: memref<50000x32xf32, #tpu.memory_space<hbm>>, %arg5: memref<25728x32xf32, #tpu.memory_space<vmem_shared>>, %arg6: memref<6400xi32, #tpu.memory_space<vmem>>, %arg7: memref<50x128xi32, #tpu.memory_space<vmem>>, %arg8: memref<1280x32xf32, #tpu.memory_space<vmem>>, %arg9: memref<!tpu.dma_semaphore, #tpu.memory_space<semaphore_mem>>) attributes {dimension_semantics = [#tpu.dimension_semantics<core_parallel>, #tpu.dimension_semantics<subcore_parallel>], iteration_bounds = array<i64: 2, 16>, scalar_prefetch = 0 : i64, scratch_operands = 5 : i64, tpu.core_type = #tpu.core_type<sc_vector_subcore>, window_params = [{transform_indices = #map}, {transform_indices = #map1}, {transform_indices = #map1}]} {
    %iota3A = tpu.iota {dimensions = array<i32: 0>} : vector<16xi32>
    %scan3A = arith.constant 0 : i32
    %scan3A_0 = arith.constant 0 : i32
    %scan3A_1 = arith.constant 1280 : i32
    %scan3A_2 = arith.addi %scan3A_0, %scan3A_1 : i32
    %scan3A_3 = arith.constant 1 : i32
    %scan3A_4 = scf.for %scan3A_1041 = %scan3A_0 to %scan3A_2 step %scan3A_3 iter_args(%scan3A_1042 = %scan3A) -> (i32)  : i32 {
      %broadcast_in_dim3A = arith.constant 0.000000e+00 : f32
      %broadcast_in_dim3A_1043 = vector.broadcast %broadcast_in_dim3A : f32 to vector<16xf32>
      %jit3A = arith.constant 2 : i32
      %div3A = arith.divsi %scan3A_1041, %jit3A : i32
      %sign3A = arith.constant 0 : i32
      %sign3A_1044 = arith.cmpi sgt, %scan3A_1041, %sign3A : i32
      %sign3A_1045 = arith.extui %sign3A_1044 : i1 to i32
      %sign3A_1046 = arith.constant 0 : i32
      %sign3A_1047 = arith.cmpi slt, %scan3A_1041, %sign3A_1046 : i32
      %sign3A_1048 = arith.extui %sign3A_1047 : i1 to i32
      %sign3A_1049 = arith.subi %sign3A_1045, %sign3A_1048 : i32
      %sign3A_1050 = arith.constant 0 : i32
      %sign3A_1051 = arith.cmpi sgt, %jit3A, %sign3A_1050 : i32
      %sign3A_1052 = arith.extui %sign3A_1051 : i1 to i32
      %sign3A_1053 = arith.constant 0 : i32
      %sign3A_1054 = arith.cmpi slt, %jit3A, %sign3A_1053 : i32
      %sign3A_1055 = arith.extui %sign3A_1054 : i1 to i32
      %sign3A_1056 = arith.subi %sign3A_1052, %sign3A_1055 : i32
      %ne3A = arith.cmpi ne, %sign3A_1049, %sign3A_1056 : i32
      %rem3A = arith.remsi %scan3A_1041, %jit3A : i32
      %ne3A_1057 = arith.constant 0 : i32
      %ne3A_1058 = arith.cmpi ne, %rem3A, %ne3A_1057 : i32
      %and3A = arith.andi %ne3A, %ne3A_1058 : i1
      %sub3A = arith.constant 1 : i32
      %sub3A_1059 = arith.subi %div3A, %sub3A : i32
      %select_n3A = arith.select %and3A, %sub3A_1059, %div3A : i32
      %jit3A_1060 = arith.constant 2 : i32
      %eq3A_1061 = arith.constant 0 : i32
      %eq3A_1062 = arith.cmpi eq, %jit3A_1060, %eq3A_1061 : i32
      %jit3A_1063 = arith.constant 1 : i32
      %select_n3A_1064 = arith.select %eq3A_1062, %jit3A_1063, %jit3A_1060 : i32
      %rem3A_1065 = arith.remsi %scan3A_1041, %select_n3A_1064 : i32
      %ne3A_1066 = arith.constant 0 : i32
      %ne3A_1067 = arith.cmpi ne, %rem3A_1065, %ne3A_1066 : i32
      %lt3A = arith.constant 0 : i32
      %lt3A_1068 = arith.cmpi slt, %rem3A_1065, %lt3A : i32
      %lt3A_1069 = arith.constant 0 : i32
      %lt3A_1070 = arith.cmpi slt, %select_n3A_1064, %lt3A_1069 : i32
      %ne3A_1071 = arith.xori %lt3A_1068, %lt3A_1070 : i1
      %and3A_1072 = arith.andi %ne3A_1071, %ne3A_1067 : i1
      %add3A_1073 = arith.addi %rem3A_1065, %select_n3A_1064 : i32
      %select_n3A_1074 = arith.select %and3A_1072, %add3A_1073, %rem3A_1065 : i32
      %mul3A_1075 = arith.constant 16 : i32
      %mul3A_1076 = arith.muli %select_n3A_1074, %mul3A_1075 : i32
      %swap3A = arith.index_cast %select_n3A : i32 to index
      %swap3A_1077 = arith.index_cast %mul3A_1076 : i32 to index
      %swap3A_1078 = tpu.vector_load %arg8[%swap3A, %swap3A_1077] {strides = array<i32>} : memref<1280x32xf32, #tpu.memory_space<vmem>>, vector<16xf32>,
      tpu.vector_store %arg8[%swap3A, %swap3A_1077], %broadcast_in_dim3A_1043 {strides = array<i32>} : memref<1280x32xf32, #tpu.memory_space<vmem>>, vector<16xf32>,
      %scan3A_1079 = arith.constant 0 : i32
      scf.yield %scan3A_1079 : i32
    }
    %scan3A_5 = arith.constant 1280 : i32
    %mul3A = arith.constant 1600 : i32
    %mul3A_6 = arith.muli %arg1, %mul3A : i32
    %add3A = arith.constant 0 : i32
    %add3A_7 = arith.addi %mul3A_6, %add3A : i32
    "tpu.region"() ({
      %run_scoped3A = tpu.sem_alloc : memref<!tpu.dma_semaphore, #tpu.memory_space<semaphore_mem>>
      %dma_start3A_1041 = arith.constant 0 : i32
      %dma_start3A_1042 = arith.constant 0 : i32
      %dma_start3A_1043 = tpu.memref_slice %arg8[%dma_start3A_1041, %dma_start3A_1042] : memref<1280x32xf32, #tpu.memory_space<vmem>> -> memref<640x32xf32, #tpu.memory_space<vmem>>
      %dma_start3A_1044 = arith.constant 0 : i32
      %dma_start3A_1045 = tpu.memref_slice %arg5[%add3A_7, %dma_start3A_1044] : memref<25728x32xf32, #tpu.memory_space<vmem_shared>> -> memref<640x32xf32, #tpu.memory_space<vmem_shared>>
      %dma_start3A_1046 = arith.constant 0 : i32
      %dma_start3A_1047 = tpu.memref_slice %arg5[%add3A_7, %dma_start3A_1046] : memref<25728x32xf32, #tpu.memory_space<vmem_shared>> -> memref<640x32xf32, #tpu.memory_space<vmem_shared>>
      %dma_start3A_1048 = arith.constant 0 : i32
      %dma_start3A_1049 = arith.constant 0 : i32
      %dma_start3A_1050 = tpu.memref_slice %arg8[%dma_start3A_1048, %dma_start3A_1049] : memref<1280x32xf32, #tpu.memory_space<vmem>> -> memref<640x32xf32, #tpu.memory_space<vmem>>
      tpu.enqueue_dma source(%dma_start3A_1050 : memref<640x32xf32, #tpu.memory_space<vmem>>) target(%dma_start3A_1047 : memref<640x32xf32, #tpu.memory_space<vmem_shared>>) target_semaphore(%run_scoped3A : memref<!tpu.dma_semaphore, #tpu.memory_space<semaphore_mem>>)
      %dma_wait3A_1051 = arith.constant 0 : i32
      %dma_wait3A_1052 = arith.constant 0 : i32
      %dma_wait3A_1053 = tpu.memref_slice %arg8[%dma_wait3A_1051, %dma_wait3A_1052] : memref<1280x32xf32, #tpu.memory_space<vmem>> -> memref<640x32xf32, #tpu.memory_space<vmem>>
      %dma_wait3A_1054 = arith.constant 0 : i32
      %dma_wait3A_1055 = tpu.memref_slice %arg5[%add3A_7, %dma_wait3A_1054] : memref<25728x32xf32, #tpu.memory_space<vmem_shared>> -> memref<640x32xf32, #tpu.memory_space<vmem_shared>>
      %dma_wait3A_1056 = arith.constant 0 : i32
      %dma_wait3A_1057 = tpu.memref_slice %arg5[%add3A_7, %dma_wait3A_1056] : memref<25728x32xf32, #tpu.memory_space<vmem_shared>> -> memref<640x32xf32, #tpu.memory_space<vmem_shared>>
      %dma_wait3A_1058 = arith.constant 0 : i32
      %dma_wait3A_1059 = arith.constant 0 : i32
      %dma_wait3A_1060 = tpu.memref_slice %arg8[%dma_wait3A_1058, %dma_wait3A_1059] : memref<1280x32xf32, #tpu.memory_space<vmem>> -> memref<640x32xf32, #tpu.memory_space<vmem>>
      tpu.wait_dma2 semaphore(%run_scoped3A : memref<!tpu.dma_semaphore, #tpu.memory_space<semaphore_mem>>) src(%dma_wait3A_1060 : memref<640x32xf32, #tpu.memory_space<vmem>>) dst(%dma_wait3A_1057 : memref<640x32xf32, #tpu.memory_space<vmem_shared>>)
      tpu.yield
    }) : () -> ()
    %add3A_8 = arith.constant 640 : i32
    %add3A_9 = arith.addi %mul3A_6, %add3A_8 : i32
    "tpu.region"() ({
      %run_scoped3A = tpu.sem_alloc : memref<!tpu.dma_semaphore, #tpu.memory_space<semaphore_mem>>
      %dma_start3A_1041 = arith.constant 0 : i32
      %dma_start3A_1042 = arith.constant 0 : i32
      %dma_start3A_1043 = tpu.memref_slice %arg8[%dma_start3A_1041, %dma_start3A_1042] : memref<1280x32xf32, #tpu.memory_space<vmem>> -> memref<640x32xf32, #tpu.memory_space<vmem>>
      %dma_start3A_1044 = arith.constant 0 : i32
      %dma_start3A_1045 = tpu.memref_slice %arg5[%add3A_9, %dma_start3A_1044] : memref<25728x32xf32, #tpu.memory_space<vmem_shared>> -> memref<640x32xf32, #tpu.memory_space<vmem_shared>>
      %dma_start3A_1046 = arith.constant 0 : i32
      %dma_start3A_1047 = tpu.memref_slice %arg5[%add3A_9, %dma_start3A_1046] : memref<25728x32xf32, #tpu.memory_space<vmem_shared>> -> memref<640x32xf32, #tpu.memory_space<vmem_shared>>
      %dma_start3A_1048 = arith.constant 0 : i32
      %dma_start3A_1049 = arith.constant 0 : i32
      %dma_start3A_1050 = tpu.memref_slice %arg8[%dma_start3A_1048, %dma_start3A_1049] : memref<1280x32xf32, #tpu.memory_space<vmem>> -> memref<640x32xf32, #tpu.memory_space<vmem>>
      tpu.enqueue_dma source(%dma_start3A_1050 : memref<640x32xf32, #tpu.memory_space<vmem>>) target(%dma_start3A_1047 : memref<640x32xf32, #tpu.memory_space<vmem_shared>>) target_semaphore(%run_scoped3A : memref<!tpu.dma_semaphore, #tpu.memory_space<semaphore_mem>>)
      %dma_wait3A_1051 = arith.constant 0 : i32
      %dma_wait3A_1052 = arith.constant 0 : i32
      %dma_wait3A_1053 = tpu.memref_slice %arg8[%dma_wait3A_1051, %dma_wait3A_1052] : memref<1280x32xf32, #tpu.memory_space<vmem>> -> memref<640x32xf32, #tpu.memory_space<vmem>>
      %dma_wait3A_1054 = arith.constant 0 : i32
      %dma_wait3A_1055 = tpu.memref_slice %arg5[%add3A_9, %dma_wait3A_1054] : memref<25728x32xf32, #tpu.memory_space<vmem_shared>> -> memref<640x32xf32, #tpu.memory_space<vmem_shared>>
      %dma_wait3A_1056 = arith.constant 0 : i32
      %dma_wait3A_1057 = tpu.memref_slice %arg5[%add3A_9, %dma_wait3A_1056] : memref<25728x32xf32, #tpu.memory_space<vmem_shared>> -> memref<640x32xf32, #tpu.memory_space<vmem_shared>>
      %dma_wait3A_1058 = arith.constant 0 : i32
      %dma_wait3A_1059 = arith.constant 0 : i32
      %dma_wait3A_1060 = tpu.memref_slice %arg8[%dma_wait3A_1058, %dma_wait3A_1059] : memref<1280x32xf32, #tpu.memory_space<vmem>> -> memref<640x32xf32, #tpu.memory_space<vmem>>
      tpu.wait_dma2 semaphore(%run_scoped3A : memref<!tpu.dma_semaphore, #tpu.memory_space<semaphore_mem>>) src(%dma_wait3A_1060 : memref<640x32xf32, #tpu.memory_space<vmem>>) dst(%dma_wait3A_1057 : memref<640x32xf32, #tpu.memory_space<vmem_shared>>)
      tpu.yield
    }) : () -> ()
    %add3A_10 = arith.constant 1280 : i32
    %add3A_11 = arith.addi %mul3A_6, %add3A_10 : i32
    "tpu.region"() ({
      %run_scoped3A = tpu.sem_alloc : memref<!tpu.dma_semaphore, #tpu.memory_space<semaphore_mem>>
      %dma_start3A_1041 = arith.constant 0 : i32
      %dma_start3A_1042 = arith.constant 0 : i32
      %dma_start3A_1043 = tpu.memref_slice %arg8[%dma_start3A_1041, %dma_start3A_1042] : memref<1280x32xf32, #tpu.memory_space<vmem>> -> memref<320x32xf32, #tpu.memory_space<vmem>>
      %dma_start3A_1044 = arith.constant 0 : i32
      %dma_start3A_1045 = tpu.memref_slice %arg5[%add3A_11, %dma_start3A_1044] : memref<25728x32xf32, #tpu.memory_space<vmem_shared>> -> memref<320x32xf32, #tpu.memory_space<vmem_shared>>
      %dma_start3A_1046 = arith.constant 0 : i32
      %dma_start3A_1047 = tpu.memref_slice %arg5[%add3A_11, %dma_start3A_1046] : memref<25728x32xf32, #tpu.memory_space<vmem_shared>> -> memref<320x32xf32, #tpu.memory_space<vmem_shared>>
      %dma_start3A_1048 = arith.constant 0 : i32
      %dma_start3A_1049 = arith.constant 0 : i32
      %dma_start3A_1050 = tpu.memref_slice %arg8[%dma_start3A_1048, %dma_start3A_1049] : memref<1280x32xf32, #tpu.memory_space<vmem>> -> memref<320x32xf32, #tpu.memory_space<vmem>>
      tpu.enqueue_dma source(%dma_start3A_1050 : memref<320x32xf32, #tpu.memory_space<vmem>>) target(%dma_start3A_1047 : memref<320x32xf32, #tpu.memory_space<vmem_shared>>) target_semaphore(%run_scoped3A : memref<!tpu.dma_semaphore, #tpu.memory_space<semaphore_mem>>)
      %dma_wait3A_1051 = arith.constant 0 : i32
      %dma_wait3A_1052 = arith.constant 0 : i32
      %dma_wait3A_1053 = tpu.memref_slice %arg8[%dma_wait3A_1051, %dma_wait3A_1052] : memref<1280x32xf32, #tpu.memory_space<vmem>> -> memref<320x32xf32, #tpu.memory_space<vmem>>
      %dma_wait3A_1054 = arith.constant 0 : i32
      %dma_wait3A_1055 = tpu.memref_slice %arg5[%add3A_11, %dma_wait3A_1054] : memref<25728x32xf32, #tpu.memory_space<vmem_shared>> -> memref<320x32xf32, #tpu.memory_space<vmem_shared>>
      %dma_wait3A_1056 = arith.constant 0 : i32
      %dma_wait3A_1057 = tpu.memref_slice %arg5[%add3A_11, %dma_wait3A_1056] : memref<25728x32xf32, #tpu.memory_space<vmem_shared>> -> memref<320x32xf32, #tpu.memory_space<vmem_shared>>
      %dma_wait3A_1058 = arith.constant 0 : i32
      %dma_wait3A_1059 = arith.constant 0 : i32
      %dma_wait3A_1060 = tpu.memref_slice %arg8[%dma_wait3A_1058, %dma_wait3A_1059] : memref<1280x32xf32, #tpu.memory_space<vmem>> -> memref<320x32xf32, #tpu.memory_space<vmem>>
      tpu.wait_dma2 semaphore(%run_scoped3A : memref<!tpu.dma_semaphore, #tpu.memory_space<semaphore_mem>>) src(%dma_wait3A_1060 : memref<320x32xf32, #tpu.memory_space<vmem>>) dst(%dma_wait3A_1057 : memref<320x32xf32, #tpu.memory_space<vmem_shared>>)
      tpu.yield
    }) : () -> ()
    %barrier3A = arith.constant 0 : index
    tpu.barrier barrier_id(%barrier3A)
    %mul3A_12 = arith.constant 6400 : i32
    %mul3A_13 = arith.muli %arg1, %mul3A_12 : i32
    "tpu.region"() ({
      %run_scoped3A = tpu.sem_alloc : memref<!tpu.dma_semaphore, #tpu.memory_space<semaphore_mem>>
      %dma_start3A_1041 = tpu.memref_slice %arg2[%mul3A_13] : memref<102400xi32, #tpu.memory_space<hbm>> -> memref<6400xi32, #tpu.memory_space<hbm>>
      %dma_start3A_1042 = tpu.memref_slice %arg2[%mul3A_13] : memref<102400xi32, #tpu.memory_space<hbm>> -> memref<6400xi32, #tpu.memory_space<hbm>>
      tpu.enqueue_dma source(%dma_start3A_1042 : memref<6400xi32, #tpu.memory_space<hbm>>) target(%arg6 : memref<6400xi32, #tpu.memory_space<vmem>>) target_semaphore(%run_scoped3A : memref<!tpu.dma_semaphore, #tpu.memory_space<semaphore_mem>>)
      %dma_wait3A_1043 = tpu.memref_slice %arg2[%mul3A_13] : memref<102400xi32, #tpu.memory_space<hbm>> -> memref<6400xi32, #tpu.memory_space<hbm>>
      %dma_wait3A_1044 = tpu.memref_slice %arg2[%mul3A_13] : memref<102400xi32, #tpu.memory_space<hbm>> -> memref<6400xi32, #tpu.memory_space<hbm>>
      tpu.wait_dma2 semaphore(%run_scoped3A : memref<!tpu.dma_semaphore, #tpu.memory_space<semaphore_mem>>) src(%dma_wait3A_1044 : memref<6400xi32, #tpu.memory_space<hbm>>) dst(%arg6 : memref<6400xi32, #tpu.memory_space<vmem>>)
      tpu.yield
    }) : () -> ()
    %mul3A_14 = arith.constant 6400 : i32
    %mul3A_15 = arith.muli %arg1, %mul3A_14 : i32
    %mul3A_16 = arith.constant 25600 : i32
    %mul3A_17 = arith.muli %arg0, %mul3A_16 : i32
    %scan3A_18 = arith.constant 0 : i32
    %scan3A_19 = arith.constant 0 : i32
    %scan3A_20 = arith.constant 400 : i32
    %scan3A_21 = arith.addi %scan3A_19, %scan3A_20 : i32
    %scan3A_22 = arith.constant 1 : i32
    %scan3A_23 = scf.for %scan3A_1041 = %scan3A_19 to %scan3A_21 step %scan3A_22 iter_args(%scan3A_1042 = %scan3A_18) -> (i32)  : i32 {
      %mul3A_1043 = arith.constant 16 : i32
      %mul3A_1044 = arith.muli %scan3A_1041, %mul3A_1043 : i32
      %add3A_1045 = vector.broadcast %mul3A_1044 : i32 to vector<16xi32>
      %add3A_1046 = arith.addi %add3A_1045, %iota3A : vector<16xi32>
      %mul3A_1047 = arith.constant 16 : i32
      %mul3A_1048 = arith.muli %scan3A_1041, %mul3A_1047 : i32
      %get3A = arith.index_cast %mul3A_1048 : i32 to index
      %get3A_1049 = tpu.vector_load %arg6[%get3A] {strides = array<i32>} : memref<6400xi32, #tpu.memory_space<vmem>>, vector<16xi32>,
      %sub3A = vector.broadcast %mul3A_17 : i32 to vector<16xi32>
      %sub3A_1050 = arith.subi %get3A_1049, %sub3A : vector<16xi32>
      %ge3A = arith.constant 0 : i32
      %ge3A_1051 = vector.broadcast %ge3A : i32 to vector<16xi32>
      %ge3A_1052 = arith.cmpi sge, %sub3A_1050, %ge3A_1051 : vector<16xi32>
      %lt3A = arith.constant 25600 : i32
      %lt3A_1053 = vector.broadcast %lt3A : i32 to vector<16xi32>
      %lt3A_1054 = arith.cmpi slt, %sub3A_1050, %lt3A_1053 : vector<16xi32>
      %and3A = arith.andi %ge3A_1052, %lt3A_1054 : vector<16xi1>
      %add3A_1055 = vector.broadcast %mul3A_15 : i32 to vector<16xi32>
      %add3A_1056 = arith.addi %add3A_1055, %add3A_1046 : vector<16xi32>
      %lt3A_1057 = arith.constant 100000 : i32
      %lt3A_1058 = vector.broadcast %lt3A_1057 : i32 to vector<16xi32>
      %lt3A_1059 = arith.cmpi slt, %add3A_1056, %lt3A_1058 : vector<16xi32>
      %and3A_1060 = arith.andi %and3A, %lt3A_1059 : vector<16xi1>
      %and3A_1061 = arith.constant 127 : i32
      %and3A_1062 = vector.broadcast %and3A_1061 : i32 to vector<16xi32>
      %and3A_1063 = arith.andi %add3A_1046, %and3A_1062 : vector<16xi32>
      %add3A_1064 = arith.constant 25600 : i32
      %add3A_1065 = vector.broadcast %add3A_1064 : i32 to vector<16xi32>
      %add3A_1066 = arith.addi %add3A_1065, %and3A_1063 : vector<16xi32>
      %select_n3A = arith.select %and3A_1060, %sub3A_1050, %add3A_1066 : vector<16xi1>, vector<16xi32>
      %jit3A = arith.constant 8 : i32
      %div3A = arith.divsi %scan3A_1041, %jit3A : i32
      %sign3A = arith.constant 0 : i32
      %sign3A_1067 = arith.cmpi sgt, %scan3A_1041, %sign3A : i32
      %sign3A_1068 = arith.extui %sign3A_1067 : i1 to i32
      %sign3A_1069 = arith.constant 0 : i32
      %sign3A_1070 = arith.cmpi slt, %scan3A_1041, %sign3A_1069 : i32
      %sign3A_1071 = arith.extui %sign3A_1070 : i1 to i32
      %sign3A_1072 = arith.subi %sign3A_1068, %sign3A_1071 : i32
      %sign3A_1073 = arith.constant 0 : i32
      %sign3A_1074 = arith.cmpi sgt, %jit3A, %sign3A_1073 : i32
      %sign3A_1075 = arith.extui %sign3A_1074 : i1 to i32
      %sign3A_1076 = arith.constant 0 : i32
      %sign3A_1077 = arith.cmpi slt, %jit3A, %sign3A_1076 : i32
      %sign3A_1078 = arith.extui %sign3A_1077 : i1 to i32
      %sign3A_1079 = arith.subi %sign3A_1075, %sign3A_1078 : i32
      %ne3A = arith.cmpi ne, %sign3A_1072, %sign3A_1079 : i32
      %rem3A = arith.remsi %scan3A_1041, %jit3A : i32
      %ne3A_1080 = arith.constant 0 : i32
      %ne3A_1081 = arith.cmpi ne, %rem3A, %ne3A_1080 : i32
      %and3A_1082 = arith.andi %ne3A, %ne3A_1081 : i1
      %sub3A_1083 = arith.constant 1 : i32
      %sub3A_1084 = arith.subi %div3A, %sub3A_1083 : i32
      %select_n3A_1085 = arith.select %and3A_1082, %sub3A_1084, %div3A : i32
      %jit3A_1086 = arith.constant 8 : i32
      %eq3A_1087 = arith.constant 0 : i32
      %eq3A_1088 = arith.cmpi eq, %jit3A_1086, %eq3A_1087 : i32
      %jit3A_1089 = arith.constant 1 : i32
      %select_n3A_1090 = arith.select %eq3A_1088, %jit3A_1089, %jit3A_1086 : i32
      %rem3A_1091 = arith.remsi %scan3A_1041, %select_n3A_1090 : i32
      %ne3A_1092 = arith.constant 0 : i32
      %ne3A_1093 = arith.cmpi ne, %rem3A_1091, %ne3A_1092 : i32
      %lt3A_1094 = arith.constant 0 : i32
      %lt3A_1095 = arith.cmpi slt, %rem3A_1091, %lt3A_1094 : i32
      %lt3A_1096 = arith.constant 0 : i32
      %lt3A_1097 = arith.cmpi slt, %select_n3A_1090, %lt3A_1096 : i32
      %ne3A_1098 = arith.xori %lt3A_1095, %lt3A_1097 : i1
      %and3A_1099 = arith.andi %ne3A_1098, %ne3A_1093 : i1
      %add3A_1100 = arith.addi %rem3A_1091, %select_n3A_1090 : i32
      %select_n3A_1101 = arith.select %and3A_1099, %add3A_1100, %rem3A_1091 : i32
      %mul3A_1102 = arith.constant 16 : i32
      %mul3A_1103 = arith.muli %select_n3A_1101, %mul3A_1102 : i32
      %swap3A = arith.index_cast %select_n3A_1085 : i32 to index
      %swap3A_1104 = arith.index_cast %mul3A_1103 : i32 to index
      %swap3A_1105 = tpu.vector_load %arg7[%swap3A, %swap3A_1104] {strides = array<i32>} : memref<50x128xi32, #tpu.memory_space<vmem>>, vector<16xi32>,
      tpu.vector_store %arg7[%swap3A, %swap3A_1104], %select_n3A {strides = array<i32>} : memref<50x128xi32, #tpu.memory_space<vmem>>, vector<16xi32>,
      %scan3A_1106 = arith.constant 0 : i32
      scf.yield %scan3A_1106 : i32
    }
    %scan3A_24 = arith.constant 400 : i32
    %add3A_25 = arith.constant 0 : i32
    %add3A_26 = arith.addi %mul3A_15, %add3A_25 : i32
    "tpu.region"() ({
      %run_scoped3A = tpu.sem_alloc : memref<!tpu.dma_semaphore, #tpu.memory_space<semaphore_mem>>
      %dma_start3A_1041 = arith.constant 0 : i32
      %dma_start3A_1042 = tpu.memref_slice %arg3[%add3A_26, %dma_start3A_1041] : memref<102400x32xf32, #tpu.memory_space<hbm>> -> memref<1280x32xf32, #tpu.memory_space<hbm>>
      %dma_start3A_1043 = arith.constant 0 : i32
      %dma_start3A_1044 = tpu.memref_slice %arg3[%add3A_26, %dma_start3A_1043] : memref<102400x32xf32, #tpu.memory_space<hbm>> -> memref<1280x32xf32, #tpu.memory_space<hbm>>
      tpu.enqueue_dma source(%dma_start3A_1044 : memref<1280x32xf32, #tpu.memory_space<hbm>>) target(%arg8 : memref<1280x32xf32, #tpu.memory_space<vmem>>) target_semaphore(%run_scoped3A : memref<!tpu.dma_semaphore, #tpu.memory_space<semaphore_mem>>)
      %dma_wait3A_1045 = arith.constant 0 : i32
      %dma_wait3A_1046 = tpu.memref_slice %arg3[%add3A_26, %dma_wait3A_1045] : memref<102400x32xf32, #tpu.memory_space<hbm>> -> memref<1280x32xf32, #tpu.memory_space<hbm>>
      %dma_wait3A_1047 = arith.constant 0 : i32
      %dma_wait3A_1048 = tpu.memref_slice %arg3[%add3A_26, %dma_wait3A_1047] : memref<102400x32xf32, #tpu.memory_space<hbm>> -> memref<1280x32xf32, #tpu.memory_space<hbm>>
      tpu.wait_dma2 semaphore(%run_scoped3A : memref<!tpu.dma_semaphore, #tpu.memory_space<semaphore_mem>>) src(%dma_wait3A_1048 : memref<1280x32xf32, #tpu.memory_space<hbm>>) dst(%arg8 : memref<1280x32xf32, #tpu.memory_space<vmem>>)
      tpu.yield
    }) : () -> ()
    %dma_start3A = arith.constant 0 : i32
    %dma_start3A_27 = arith.constant 0 : i32
    %dma_start3A_28 = arith.constant 0 : i32
    %dma_start3A_29 = tpu.memref_slice %arg8[%dma_start3A_27, %dma_start3A_28] : memref<1280x32xf32, #tpu.memory_space<vmem>> -> memref<128x32xf32, #tpu.memory_space<vmem>>
    %dma_start3A_30 = arith.constant 0 : i32
    %dma_start3A_31 = tpu.memref_slice %arg7[%dma_start3A, %dma_start3A_30] : memref<50x128xi32, #tpu.memory_space<vmem>> -> memref<1x128xi32, #tpu.memory_space<vmem>>
    %dma_start3A_32 = tpu.memref_squeeze %dma_start3A_31 : memref<1x128xi32, #tpu.memory_space<vmem>> -> memref<128xi32, #tpu.memory_space<vmem>>
    %dma_start3A_33 = arith.constant 0 : i32
    %dma_start3A_34 = arith.constant 0 : i32
    %dma_start3A_35 = tpu.memref_slice %arg5[%dma_start3A_33, %dma_start3A_34] : memref<25728x32xf32, #tpu.memory_space<vmem_shared>> -> memref<25728x32xf32, #tpu.memory_space<vmem_shared>>
    tpu.enqueue_indirect_dma source(%dma_start3A_29 : memref<128x32xf32, #tpu.memory_space<vmem>>) target(%dma_start3A_35 : memref<25728x32xf32, #tpu.memory_space<vmem_shared>>) offsets(%dma_start3A_32 : memref<128xi32, #tpu.memory_space<vmem>>) semaphore(%arg9 : memref<!tpu.dma_semaphore, #tpu.memory_space<semaphore_mem>>) {add = true}
    %dma_start3A_36 = arith.constant 1 : i32
    %dma_start3A_37 = arith.constant 128 : i32
    %dma_start3A_38 = arith.constant 0 : i32
    %dma_start3A_39 = tpu.memref_slice %arg8[%dma_start3A_37, %dma_start3A_38] : memref<1280x32xf32, #tpu.memory_space<vmem>> -> memref<128x32xf32, #tpu.memory_space<vmem>>
    %dma_start3A_40 = arith.constant 0 : i32
    %dma_start3A_41 = tpu.memref_slice %arg7[%dma_start3A_36, %dma_start3A_40] : memref<50x128xi32, #tpu.memory_space<vmem>> -> memref<1x128xi32, #tpu.memory_space<vmem>>
    %dma_start3A_42 = tpu.memref_squeeze %dma_start3A_41 : memref<1x128xi32, #tpu.memory_space<vmem>> -> memref<128xi32, #tpu.memory_space<vmem>>
    %dma_start3A_43 = arith.constant 0 : i32
    %dma_start3A_44 = arith.constant 0 : i32
    %dma_start3A_45 = tpu.memref_slice %arg5[%dma_start3A_43, %dma_start3A_44] : memref<25728x32xf32, #tpu.memory_space<vmem_shared>> -> memref<25728x32xf32, #tpu.memory_space<vmem_shared>>
    tpu.enqueue_indirect_dma source(%dma_start3A_39 : memref<128x32xf32, #tpu.memory_space<vmem>>) target(%dma_start3A_45 : memref<25728x32xf32, #tpu.memory_space<vmem_shared>>) offsets(%dma_start3A_42 : memref<128xi32, #tpu.memory_space<vmem>>) semaphore(%arg9 : memref<!tpu.dma_semaphore, #tpu.memory_space<semaphore_mem>>) {add = true}
    %dma_start3A_46 = arith.constant 2 : i32
    %dma_start3A_47 = arith.constant 256 : i32
    %dma_start3A_48 = arith.constant 0 : i32
    %dma_start3A_49 = tpu.memref_slice %arg8[%dma_start3A_47, %dma_start3A_48] : memref<1280x32xf32, #tpu.memory_space<vmem>> -> memref<128x32xf32, #tpu.memory_space<vmem>>
    %dma_start3A_50 = arith.constant 0 : i32
    %dma_start3A_51 = tpu.memref_slice %arg7[%dma_start3A_46, %dma_start3A_50] : memref<50x128xi32, #tpu.memory_space<vmem>> -> memref<1x128xi32, #tpu.memory_space<vmem>>
    %dma_start3A_52 = tpu.memref_squeeze %dma_start3A_51 : memref<1x128xi32, #tpu.memory_space<vmem>> -> memref<128xi32, #tpu.memory_space<vmem>>
    %dma_start3A_53 = arith.constant 0 : i32
    %dma_start3A_54 = arith.constant 0 : i32
    %dma_start3A_55 = tpu.memref_slice %arg5[%dma_start3A_53, %dma_start3A_54] : memref<25728x32xf32, #tpu.memory_space<vmem_shared>> -> memref<25728x32xf32, #tpu.memory_space<vmem_shared>>
    tpu.enqueue_indirect_dma source(%dma_start3A_49 : memref<128x32xf32, #tpu.memory_space<vmem>>) target(%dma_start3A_55 : memref<25728x32xf32, #tpu.memory_space<vmem_shared>>) offsets(%dma_start3A_52 : memref<128xi32, #tpu.memory_space<vmem>>) semaphore(%arg9 : memref<!tpu.dma_semaphore, #tpu.memory_space<semaphore_mem>>) {add = true}
    %dma_start3A_56 = arith.constant 3 : i32
    %dma_start3A_57 = arith.constant 384 : i32
    %dma_start3A_58 = arith.constant 0 : i32
    %dma_start3A_59 = tpu.memref_slice %arg8[%dma_start3A_57, %dma_start3A_58] : memref<1280x32xf32, #tpu.memory_space<vmem>> -> memref<128x32xf32, #tpu.memory_space<vmem>>
    %dma_start3A_60 = arith.constant 0 : i32
    %dma_start3A_61 = tpu.memref_slice %arg7[%dma_start3A_56, %dma_start3A_60] : memref<50x128xi32, #tpu.memory_space<vmem>> -> memref<1x128xi32, #tpu.memory_space<vmem>>
    %dma_start3A_62 = tpu.memref_squeeze %dma_start3A_61 : memref<1x128xi32, #tpu.memory_space<vmem>> -> memref<128xi32, #tpu.memory_space<vmem>>
    %dma_start3A_63 = arith.constant 0 : i32
    %dma_start3A_64 = arith.constant 0 : i32
    %dma_start3A_65 = tpu.memref_slice %arg5[%dma_start3A_63, %dma_start3A_64] : memref<25728x32xf32, #tpu.memory_space<vmem_shared>> -> memref<25728x32xf32, #tpu.memory_space<vmem_shared>>
    tpu.enqueue_indirect_dma source(%dma_start3A_59 : memref<128x32xf32, #tpu.memory_space<vmem>>) target(%dma_start3A_65 : memref<25728x32xf32, #tpu.memory_space<vmem_shared>>) offsets(%dma_start3A_62 : memref<128xi32, #tpu.memory_space<vmem>>) semaphore(%arg9 : memref<!tpu.dma_semaphore, #tpu.memory_space<semaphore_mem>>) {add = true}
    %dma_start3A_66 = arith.constant 4 : i32
    %dma_start3A_67 = arith.constant 512 : i32
    %dma_start3A_68 = arith.constant 0 : i32
    %dma_start3A_69 = tpu.memref_slice %arg8[%dma_start3A_67, %dma_start3A_68] : memref<1280x32xf32, #tpu.memory_space<vmem>> -> memref<128x32xf32, #tpu.memory_space<vmem>>
    %dma_start3A_70 = arith.constant 0 : i32
    %dma_start3A_71 = tpu.memref_slice %arg7[%dma_start3A_66, %dma_start3A_70] : memref<50x128xi32, #tpu.memory_space<vmem>> -> memref<1x128xi32, #tpu.memory_space<vmem>>
    %dma_start3A_72 = tpu.memref_squeeze %dma_start3A_71 : memref<1x128xi32, #tpu.memory_space<vmem>> -> memref<128xi32, #tpu.memory_space<vmem>>
    %dma_start3A_73 = arith.constant 0 : i32
    %dma_start3A_74 = arith.constant 0 : i32
    %dma_start3A_75 = tpu.memref_slice %arg5[%dma_start3A_73, %dma_start3A_74] : memref<25728x32xf32, #tpu.memory_space<vmem_shared>> -> memref<25728x32xf32, #tpu.memory_space<vmem_shared>>
    tpu.enqueue_indirect_dma source(%dma_start3A_69 : memref<128x32xf32, #tpu.memory_space<vmem>>) target(%dma_start3A_75 : memref<25728x32xf32, #tpu.memory_space<vmem_shared>>) offsets(%dma_start3A_72 : memref<128xi32, #tpu.memory_space<vmem>>) semaphore(%arg9 : memref<!tpu.dma_semaphore, #tpu.memory_space<semaphore_mem>>) {add = true}
    %dma_start3A_76 = arith.constant 5 : i32
    %dma_start3A_77 = arith.constant 640 : i32
    %dma_start3A_78 = arith.constant 0 : i32
    %dma_start3A_79 = tpu.memref_slice %arg8[%dma_start3A_77, %dma_start3A_78] : memref<1280x32xf32, #tpu.memory_space<vmem>> -> memref<128x32xf32, #tpu.memory_space<vmem>>
    %dma_start3A_80 = arith.constant 0 : i32
    %dma_start3A_81 = tpu.memref_slice %arg7[%dma_start3A_76, %dma_start3A_80] : memref<50x128xi32, #tpu.memory_space<vmem>> -> memref<1x128xi32, #tpu.memory_space<vmem>>
    %dma_start3A_82 = tpu.memref_squeeze %dma_start3A_81 : memref<1x128xi32, #tpu.memory_space<vmem>> -> memref<128xi32, #tpu.memory_space<vmem>>
    %dma_start3A_83 = arith.constant 0 : i32
    %dma_start3A_84 = arith.constant 0 : i32
    %dma_start3A_85 = tpu.memref_slice %arg5[%dma_start3A_83, %dma_start3A_84] : memref<25728x32xf32, #tpu.memory_space<vmem_shared>> -> memref<25728x32xf32, #tpu.memory_space<vmem_shared>>
    tpu.enqueue_indirect_dma source(%dma_start3A_79 : memref<128x32xf32, #tpu.memory_space<vmem>>) target(%dma_start3A_85 : memref<25728x32xf32, #tpu.memory_space<vmem_shared>>) offsets(%dma_start3A_82 : memref<128xi32, #tpu.memory_space<vmem>>) semaphore(%arg9 : memref<!tpu.dma_semaphore, #tpu.memory_space<semaphore_mem>>) {add = true}
    %dma_start3A_86 = arith.constant 6 : i32
    %dma_start3A_87 = arith.constant 768 : i32
    %dma_start3A_88 = arith.constant 0 : i32
    %dma_start3A_89 = tpu.memref_slice %arg8[%dma_start3A_87, %dma_start3A_88] : memref<1280x32xf32, #tpu.memory_space<vmem>> -> memref<128x32xf32, #tpu.memory_space<vmem>>
    %dma_start3A_90 = arith.constant 0 : i32
    %dma_start3A_91 = tpu.memref_slice %arg7[%dma_start3A_86, %dma_start3A_90] : memref<50x128xi32, #tpu.memory_space<vmem>> -> memref<1x128xi32, #tpu.memory_space<vmem>>
    %dma_start3A_92 = tpu.memref_squeeze %dma_start3A_91 : memref<1x128xi32, #tpu.memory_space<vmem>> -> memref<128xi32, #tpu.memory_space<vmem>>
    %dma_start3A_93 = arith.constant 0 : i32
    %dma_start3A_94 = arith.constant 0 : i32
    %dma_start3A_95 = tpu.memref_slice %arg5[%dma_start3A_93, %dma_start3A_94] : memref<25728x32xf32, #tpu.memory_space<vmem_shared>> -> memref<25728x32xf32, #tpu.memory_space<vmem_shared>>
    tpu.enqueue_indirect_dma source(%dma_start3A_89 : memref<128x32xf32, #tpu.memory_space<vmem>>) target(%dma_start3A_95 : memref<25728x32xf32, #tpu.memory_space<vmem_shared>>) offsets(%dma_start3A_92 : memref<128xi32, #tpu.memory_space<vmem>>) semaphore(%arg9 : memref<!tpu.dma_semaphore, #tpu.memory_space<semaphore_mem>>) {add = true}
    %dma_start3A_96 = arith.constant 7 : i32
    %dma_start3A_97 = arith.constant 896 : i32
    %dma_start3A_98 = arith.constant 0 : i32
    %dma_start3A_99 = tpu.memref_slice %arg8[%dma_start3A_97, %dma_start3A_98] : memref<1280x32xf32, #tpu.memory_space<vmem>> -> memref<128x32xf32, #tpu.memory_space<vmem>>
    %dma_start3A_100 = arith.constant 0 : i32
    %dma_start3A_101 = tpu.memref_slice %arg7[%dma_start3A_96, %dma_start3A_100] : memref<50x128xi32, #tpu.memory_space<vmem>> -> memref<1x128xi32, #tpu.memory_space<vmem>>
    %dma_start3A_102 = tpu.memref_squeeze %dma_start3A_101 : memref<1x128xi32, #tpu.memory_space<vmem>> -> memref<128xi32, #tpu.memory_space<vmem>>
    %dma_start3A_103 = arith.constant 0 : i32
    %dma_start3A_104 = arith.constant 0 : i32
    %dma_start3A_105 = tpu.memref_slice %arg5[%dma_start3A_103, %dma_start3A_104] : memref<25728x32xf32, #tpu.memory_space<vmem_shared>> -> memref<25728x32xf32, #tpu.memory_space<vmem_shared>>
    tpu.enqueue_indirect_dma source(%dma_start3A_99 : memref<128x32xf32, #tpu.memory_space<vmem>>) target(%dma_start3A_105 : memref<25728x32xf32, #tpu.memory_space<vmem_shared>>) offsets(%dma_start3A_102 : memref<128xi32, #tpu.memory_space<vmem>>) semaphore(%arg9 : memref<!tpu.dma_semaphore, #tpu.memory_space<semaphore_mem>>) {add = true}
    %dma_start3A_106 = arith.constant 8 : i32
    %dma_start3A_107 = arith.constant 1024 : i32
    %dma_start3A_108 = arith.constant 0 : i32
    %dma_start3A_109 = tpu.memref_slice %arg8[%dma_start3A_107, %dma_start3A_108] : memref<1280x32xf32, #tpu.memory_space<vmem>> -> memref<128x32xf32, #tpu.memory_space<vmem>>
    %dma_start3A_110 = arith.constant 0 : i32
    %dma_start3A_111 = tpu.memref_slice %arg7[%dma_start3A_106, %dma_start3A_110] : memref<50x128xi32, #tpu.memory_space<vmem>> -> memref<1x128xi32, #tpu.memory_space<vmem>>
    %dma_start3A_112 = tpu.memref_squeeze %dma_start3A_111 : memref<1x128xi32, #tpu.memory_space<vmem>> -> memref<128xi32, #tpu.memory_space<vmem>>
    %dma_start3A_113 = arith.constant 0 : i32
    %dma_start3A_114 = arith.constant 0 : i32
    %dma_start3A_115 = tpu.memref_slice %arg5[%dma_start3A_113, %dma_start3A_114] : memref<25728x32xf32, #tpu.memory_space<vmem_shared>> -> memref<25728x32xf32, #tpu.memory_space<vmem_shared>>
    tpu.enqueue_indirect_dma source(%dma_start3A_109 : memref<128x32xf32, #tpu.memory_space<vmem>>) target(%dma_start3A_115 : memref<25728x32xf32, #tpu.memory_space<vmem_shared>>) offsets(%dma_start3A_112 : memref<128xi32, #tpu.memory_space<vmem>>) semaphore(%arg9 : memref<!tpu.dma_semaphore, #tpu.memory_space<semaphore_mem>>) {add = true}
    %dma_start3A_116 = arith.constant 9 : i32
    %dma_start3A_117 = arith.constant 1152 : i32
    %dma_start3A_118 = arith.constant 0 : i32
    %dma_start3A_119 = tpu.memref_slice %arg8[%dma_start3A_117, %dma_start3A_118] : memref<1280x32xf32, #tpu.memory_space<vmem>> -> memref<128x32xf32, #tpu.memory_space<vmem>>
    %dma_start3A_120 = arith.constant 0 : i32
    %dma_start3A_121 = tpu.memref_slice %arg7[%dma_start3A_116, %dma_start3A_120] : memref<50x128xi32, #tpu.memory_space<vmem>> -> memref<1x128xi32, #tpu.memory_space<vmem>>
    %dma_start3A_122 = tpu.memref_squeeze %dma_start3A_121 : memref<1x128xi32, #tpu.memory_space<vmem>> -> memref<128xi32, #tpu.memory_space<vmem>>
    %dma_start3A_123 = arith.constant 0 : i32
    %dma_start3A_124 = arith.constant 0 : i32
    %dma_start3A_125 = tpu.memref_slice %arg5[%dma_start3A_123, %dma_start3A_124] : memref<25728x32xf32, #tpu.memory_space<vmem_shared>> -> memref<25728x32xf32, #tpu.memory_space<vmem_shared>>
    tpu.enqueue_indirect_dma source(%dma_start3A_119 : memref<128x32xf32, #tpu.memory_space<vmem>>) target(%dma_start3A_125 : memref<25728x32xf32, #tpu.memory_space<vmem_shared>>) offsets(%dma_start3A_122 : memref<128xi32, #tpu.memory_space<vmem>>) semaphore(%arg9 : memref<!tpu.dma_semaphore, #tpu.memory_space<semaphore_mem>>) {add = true}
    %dma_wait3A = arith.constant 0 : i32
    %dma_wait3A_126 = arith.constant 0 : i32
    %dma_wait3A_127 = arith.constant 0 : i32
    %dma_wait3A_128 = tpu.memref_slice %arg8[%dma_wait3A_126, %dma_wait3A_127] : memref<1280x32xf32, #tpu.memory_space<vmem>> -> memref<128x32xf32, #tpu.memory_space<vmem>>
    %dma_wait3A_129 = arith.constant 0 : i32
    %dma_wait3A_130 = tpu.memref_slice %arg7[%dma_wait3A, %dma_wait3A_129] : memref<50x128xi32, #tpu.memory_space<vmem>> -> memref<1x128xi32, #tpu.memory_space<vmem>>
    %dma_wait3A_131 = tpu.memref_squeeze %dma_wait3A_130 : memref<1x128xi32, #tpu.memory_space<vmem>> -> memref<128xi32, #tpu.memory_space<vmem>>
    %dma_wait3A_132 = arith.constant 0 : i32
    %dma_wait3A_133 = arith.constant 0 : i32
    %dma_wait3A_134 = tpu.memref_slice %arg5[%dma_wait3A_132, %dma_wait3A_133] : memref<25728x32xf32, #tpu.memory_space<vmem_shared>> -> memref<25728x32xf32, #tpu.memory_space<vmem_shared>>
    tpu.wait_indirect_dma semaphore(%arg9 : memref<!tpu.dma_semaphore, #tpu.memory_space<semaphore_mem>>) src(%dma_wait3A_128 : memref<128x32xf32, #tpu.memory_space<vmem>>) dst(%dma_wait3A_134 : memref<25728x32xf32, #tpu.memory_space<vmem_shared>>)
    %dma_wait3A_135 = arith.constant 1 : i32
    %dma_wait3A_136 = arith.constant 128 : i32
    %dma_wait3A_137 = arith.constant 0 : i32
    %dma_wait3A_138 = tpu.memref_slice %arg8[%dma_wait3A_136, %dma_wait3A_137] : memref<1280x32xf32, #tpu.memory_space<vmem>> -> memref<128x32xf32, #tpu.memory_space<vmem>>
    %dma_wait3A_139 = arith.constant 0 : i32
    %dma_wait3A_140 = tpu.memref_slice %arg7[%dma_wait3A_135, %dma_wait3A_139] : memref<50x128xi32, #tpu.memory_space<vmem>> -> memref<1x128xi32, #tpu.memory_space<vmem>>
    %dma_wait3A_141 = tpu.memref_squeeze %dma_wait3A_140 : memref<1x128xi32, #tpu.memory_space<vmem>> -> memref<128xi32, #tpu.memory_space<vmem>>
    %dma_wait3A_142 = arith.constant 0 : i32
    %dma_wait3A_143 = arith.constant 0 : i32
    %dma_wait3A_144 = tpu.memref_slice %arg5[%dma_wait3A_142, %dma_wait3A_143] : memref<25728x32xf32, #tpu.memory_space<vmem_shared>> -> memref<25728x32xf32, #tpu.memory_space<vmem_shared>>
    tpu.wait_indirect_dma semaphore(%arg9 : memref<!tpu.dma_semaphore, #tpu.memory_space<semaphore_mem>>) src(%dma_wait3A_138 : memref<128x32xf32, #tpu.memory_space<vmem>>) dst(%dma_wait3A_144 : memref<25728x32xf32, #tpu.memory_space<vmem_shared>>)
    %dma_wait3A_145 = arith.constant 2 : i32
    %dma_wait3A_146 = arith.constant 256 : i32
    %dma_wait3A_147 = arith.constant 0 : i32
    %dma_wait3A_148 = tpu.memref_slice %arg8[%dma_wait3A_146, %dma_wait3A_147] : memref<1280x32xf32, #tpu.memory_space<vmem>> -> memref<128x32xf32, #tpu.memory_space<vmem>>
    %dma_wait3A_149 = arith.constant 0 : i32
    %dma_wait3A_150 = tpu.memref_slice %arg7[%dma_wait3A_145, %dma_wait3A_149] : memref<50x128xi32, #tpu.memory_space<vmem>> -> memref<1x128xi32, #tpu.memory_space<vmem>>
    %dma_wait3A_151 = tpu.memref_squeeze %dma_wait3A_150 : memref<1x128xi32, #tpu.memory_space<vmem>> -> memref<128xi32, #tpu.memory_space<vmem>>
    %dma_wait3A_152 = arith.constant 0 : i32
    %dma_wait3A_153 = arith.constant 0 : i32
    %dma_wait3A_154 = tpu.memref_slice %arg5[%dma_wait3A_152, %dma_wait3A_153] : memref<25728x32xf32, #tpu.memory_space<vmem_shared>> -> memref<25728x32xf32, #tpu.memory_space<vmem_shared>>
    tpu.wait_indirect_dma semaphore(%arg9 : memref<!tpu.dma_semaphore, #tpu.memory_space<semaphore_mem>>) src(%dma_wait3A_148 : memref<128x32xf32, #tpu.memory_space<vmem>>) dst(%dma_wait3A_154 : memref<25728x32xf32, #tpu.memory_space<vmem_shared>>)
    %dma_wait3A_155 = arith.constant 3 : i32
    %dma_wait3A_156 = arith.constant 384 : i32
    %dma_wait3A_157 = arith.constant 0 : i32
    %dma_wait3A_158 = tpu.memref_slice %arg8[%dma_wait3A_156, %dma_wait3A_157] : memref<1280x32xf32, #tpu.memory_space<vmem>> -> memref<128x32xf32, #tpu.memory_space<vmem>>
    %dma_wait3A_159 = arith.constant 0 : i32
    %dma_wait3A_160 = tpu.memref_slice %arg7[%dma_wait3A_155, %dma_wait3A_159] : memref<50x128xi32, #tpu.memory_space<vmem>> -> memref<1x128xi32, #tpu.memory_space<vmem>>
    %dma_wait3A_161 = tpu.memref_squeeze %dma_wait3A_160 : memref<1x128xi32, #tpu.memory_space<vmem>> -> memref<128xi32, #tpu.memory_space<vmem>>
    %dma_wait3A_162 = arith.constant 0 : i32
    %dma_wait3A_163 = arith.constant 0 : i32
    %dma_wait3A_164 = tpu.memref_slice %arg5[%dma_wait3A_162, %dma_wait3A_163] : memref<25728x32xf32, #tpu.memory_space<vmem_shared>> -> memref<25728x32xf32, #tpu.memory_space<vmem_shared>>
    tpu.wait_indirect_dma semaphore(%arg9 : memref<!tpu.dma_semaphore, #tpu.memory_space<semaphore_mem>>) src(%dma_wait3A_158 : memref<128x32xf32, #tpu.memory_space<vmem>>) dst(%dma_wait3A_164 : memref<25728x32xf32, #tpu.memory_space<vmem_shared>>)
    %dma_wait3A_165 = arith.constant 4 : i32
    %dma_wait3A_166 = arith.constant 512 : i32
    %dma_wait3A_167 = arith.constant 0 : i32
    %dma_wait3A_168 = tpu.memref_slice %arg8[%dma_wait3A_166, %dma_wait3A_167] : memref<1280x32xf32, #tpu.memory_space<vmem>> -> memref<128x32xf32, #tpu.memory_space<vmem>>
    %dma_wait3A_169 = arith.constant 0 : i32
    %dma_wait3A_170 = tpu.memref_slice %arg7[%dma_wait3A_165, %dma_wait3A_169] : memref<50x128xi32, #tpu.memory_space<vmem>> -> memref<1x128xi32, #tpu.memory_space<vmem>>
    %dma_wait3A_171 = tpu.memref_squeeze %dma_wait3A_170 : memref<1x128xi32, #tpu.memory_space<vmem>> -> memref<128xi32, #tpu.memory_space<vmem>>
    %dma_wait3A_172 = arith.constant 0 : i32
    %dma_wait3A_173 = arith.constant 0 : i32
    %dma_wait3A_174 = tpu.memref_slice %arg5[%dma_wait3A_172, %dma_wait3A_173] : memref<25728x32xf32, #tpu.memory_space<vmem_shared>> -> memref<25728x32xf32, #tpu.memory_space<vmem_shared>>
    tpu.wait_indirect_dma semaphore(%arg9 : memref<!tpu.dma_semaphore, #tpu.memory_space<semaphore_mem>>) src(%dma_wait3A_168 : memref<128x32xf32, #tpu.memory_space<vmem>>) dst(%dma_wait3A_174 : memref<25728x32xf32, #tpu.memory_space<vmem_shared>>)
    %dma_wait3A_175 = arith.constant 5 : i32
    %dma_wait3A_176 = arith.constant 640 : i32
    %dma_wait3A_177 = arith.constant 0 : i32
    %dma_wait3A_178 = tpu.memref_slice %arg8[%dma_wait3A_176, %dma_wait3A_177] : memref<1280x32xf32, #tpu.memory_space<vmem>> -> memref<128x32xf32, #tpu.memory_space<vmem>>
    %dma_wait3A_179 = arith.constant 0 : i32
    %dma_wait3A_180 = tpu.memref_slice %arg7[%dma_wait3A_175, %dma_wait3A_179] : memref<50x128xi32, #tpu.memory_space<vmem>> -> memref<1x128xi32, #tpu.memory_space<vmem>>
    %dma_wait3A_181 = tpu.memref_squeeze %dma_wait3A_180 : memref<1x128xi32, #tpu.memory_space<vmem>> -> memref<128xi32, #tpu.memory_space<vmem>>
    %dma_wait3A_182 = arith.constant 0 : i32
    %dma_wait3A_183 = arith.constant 0 : i32
    %dma_wait3A_184 = tpu.memref_slice %arg5[%dma_wait3A_182, %dma_wait3A_183] : memref<25728x32xf32, #tpu.memory_space<vmem_shared>> -> memref<25728x32xf32, #tpu.memory_space<vmem_shared>>
    tpu.wait_indirect_dma semaphore(%arg9 : memref<!tpu.dma_semaphore, #tpu.memory_space<semaphore_mem>>) src(%dma_wait3A_178 : memref<128x32xf32, #tpu.memory_space<vmem>>) dst(%dma_wait3A_184 : memref<25728x32xf32, #tpu.memory_space<vmem_shared>>)
    %dma_wait3A_185 = arith.constant 6 : i32
    %dma_wait3A_186 = arith.constant 768 : i32
    %dma_wait3A_187 = arith.constant 0 : i32
    %dma_wait3A_188 = tpu.memref_slice %arg8[%dma_wait3A_186, %dma_wait3A_187] : memref<1280x32xf32, #tpu.memory_space<vmem>> -> memref<128x32xf32, #tpu.memory_space<vmem>>
    %dma_wait3A_189 = arith.constant 0 : i32
    %dma_wait3A_190 = tpu.memref_slice %arg7[%dma_wait3A_185, %dma_wait3A_189] : memref<50x128xi32, #tpu.memory_space<vmem>> -> memref<1x128xi32, #tpu.memory_space<vmem>>
    %dma_wait3A_191 = tpu.memref_squeeze %dma_wait3A_190 : memref<1x128xi32, #tpu.memory_space<vmem>> -> memref<128xi32, #tpu.memory_space<vmem>>
    %dma_wait3A_192 = arith.constant 0 : i32
    %dma_wait3A_193 = arith.constant 0 : i32
    %dma_wait3A_194 = tpu.memref_slice %arg5[%dma_wait3A_192, %dma_wait3A_193] : memref<25728x32xf32, #tpu.memory_space<vmem_shared>> -> memref<25728x32xf32, #tpu.memory_space<vmem_shared>>
    tpu.wait_indirect_dma semaphore(%arg9 : memref<!tpu.dma_semaphore, #tpu.memory_space<semaphore_mem>>) src(%dma_wait3A_188 : memref<128x32xf32, #tpu.memory_space<vmem>>) dst(%dma_wait3A_194 : memref<25728x32xf32, #tpu.memory_space<vmem_shared>>)
    %dma_wait3A_195 = arith.constant 7 : i32
    %dma_wait3A_196 = arith.constant 896 : i32
    %dma_wait3A_197 = arith.constant 0 : i32
    %dma_wait3A_198 = tpu.memref_slice %arg8[%dma_wait3A_196, %dma_wait3A_197] : memref<1280x32xf32, #tpu.memory_space<vmem>> -> memref<128x32xf32, #tpu.memory_space<vmem>>
    %dma_wait3A_199 = arith.constant 0 : i32
    %dma_wait3A_200 = tpu.memref_slice %arg7[%dma_wait3A_195, %dma_wait3A_199] : memref<50x128xi32, #tpu.memory_space<vmem>> -> memref<1x128xi32, #tpu.memory_space<vmem>>
    %dma_wait3A_201 = tpu.memref_squeeze %dma_wait3A_200 : memref<1x128xi32, #tpu.memory_space<vmem>> -> memref<128xi32, #tpu.memory_space<vmem>>
    %dma_wait3A_202 = arith.constant 0 : i32
    %dma_wait3A_203 = arith.constant 0 : i32
    %dma_wait3A_204 = tpu.memref_slice %arg5[%dma_wait3A_202, %dma_wait3A_203] : memref<25728x32xf32, #tpu.memory_space<vmem_shared>> -> memref<25728x32xf32, #tpu.memory_space<vmem_shared>>
    tpu.wait_indirect_dma semaphore(%arg9 : memref<!tpu.dma_semaphore, #tpu.memory_space<semaphore_mem>>) src(%dma_wait3A_198 : memref<128x32xf32, #tpu.memory_space<vmem>>) dst(%dma_wait3A_204 : memref<25728x32xf32, #tpu.memory_space<vmem_shared>>)
    %dma_wait3A_205 = arith.constant 8 : i32
    %dma_wait3A_206 = arith.constant 1024 : i32
    %dma_wait3A_207 = arith.constant 0 : i32
    %dma_wait3A_208 = tpu.memref_slice %arg8[%dma_wait3A_206, %dma_wait3A_207] : memref<1280x32xf32, #tpu.memory_space<vmem>> -> memref<128x32xf32, #tpu.memory_space<vmem>>
    %dma_wait3A_209 = arith.constant 0 : i32
    %dma_wait3A_210 = tpu.memref_slice %arg7[%dma_wait3A_205, %dma_wait3A_209] : memref<50x128xi32, #tpu.memory_space<vmem>> -> memref<1x128xi32, #tpu.memory_space<vmem>>
    %dma_wait3A_211 = tpu.memref_squeeze %dma_wait3A_210 : memref<1x128xi32, #tpu.memory_space<vmem>> -> memref<128xi32, #tpu.memory_space<vmem>>
    %dma_wait3A_212 = arith.constant 0 : i32
    %dma_wait3A_213 = arith.constant 0 : i32
    %dma_wait3A_214 = tpu.memref_slice %arg5[%dma_wait3A_212, %dma_wait3A_213] : memref<25728x32xf32, #tpu.memory_space<vmem_shared>> -> memref<25728x32xf32, #tpu.memory_space<vmem_shared>>
    tpu.wait_indirect_dma semaphore(%arg9 : memref<!tpu.dma_semaphore, #tpu.memory_space<semaphore_mem>>) src(%dma_wait3A_208 : memref<128x32xf32, #tpu.memory_space<vmem>>) dst(%dma_wait3A_214 : memref<25728x32xf32, #tpu.memory_space<vmem_shared>>)
    %dma_wait3A_215 = arith.constant 9 : i32
    %dma_wait3A_216 = arith.constant 1152 : i32
    %dma_wait3A_217 = arith.constant 0 : i32
    %dma_wait3A_218 = tpu.memref_slice %arg8[%dma_wait3A_216, %dma_wait3A_217] : memref<1280x32xf32, #tpu.memory_space<vmem>> -> memref<128x32xf32, #tpu.memory_space<vmem>>
    %dma_wait3A_219 = arith.constant 0 : i32
    %dma_wait3A_220 = tpu.memref_slice %arg7[%dma_wait3A_215, %dma_wait3A_219] : memref<50x128xi32, #tpu.memory_space<vmem>> -> memref<1x128xi32, #tpu.memory_space<vmem>>
    %dma_wait3A_221 = tpu.memref_squeeze %dma_wait3A_220 : memref<1x128xi32, #tpu.memory_space<vmem>> -> memref<128xi32, #tpu.memory_space<vmem>>
    %dma_wait3A_222 = arith.constant 0 : i32
    %dma_wait3A_223 = arith.constant 0 : i32
    %dma_wait3A_224 = tpu.memref_slice %arg5[%dma_wait3A_222, %dma_wait3A_223] : memref<25728x32xf32, #tpu.memory_space<vmem_shared>> -> memref<25728x32xf32, #tpu.memory_space<vmem_shared>>
    tpu.wait_indirect_dma semaphore(%arg9 : memref<!tpu.dma_semaphore, #tpu.memory_space<semaphore_mem>>) src(%dma_wait3A_218 : memref<128x32xf32, #tpu.memory_space<vmem>>) dst(%dma_wait3A_224 : memref<25728x32xf32, #tpu.memory_space<vmem_shared>>)
    %add3A_225 = arith.constant 1280 : i32
    %add3A_226 = arith.addi %mul3A_15, %add3A_225 : i32
    "tpu.region"() ({
      %run_scoped3A = tpu.sem_alloc : memref<!tpu.dma_semaphore, #tpu.memory_space<semaphore_mem>>
      %dma_start3A_1041 = arith.constant 0 : i32
      %dma_start3A_1042 = tpu.memref_slice %arg3[%add3A_226, %dma_start3A_1041] : memref<102400x32xf32, #tpu.memory_space<hbm>> -> memref<1280x32xf32, #tpu.memory_space<hbm>>
      %dma_start3A_1043 = arith.constant 0 : i32
      %dma_start3A_1044 = tpu.memref_slice %arg3[%add3A_226, %dma_start3A_1043] : memref<102400x32xf32, #tpu.memory_space<hbm>> -> memref<1280x32xf32, #tpu.memory_space<hbm>>
      tpu.enqueue_dma source(%dma_start3A_1044 : memref<1280x32xf32, #tpu.memory_space<hbm>>) target(%arg8 : memref<1280x32xf32, #tpu.memory_space<vmem>>) target_semaphore(%run_scoped3A : memref<!tpu.dma_semaphore, #tpu.memory_space<semaphore_mem>>)
      %dma_wait3A_1045 = arith.constant 0 : i32
      %dma_wait3A_1046 = tpu.memref_slice %arg3[%add3A_226, %dma_wait3A_1045] : memref<102400x32xf32, #tpu.memory_space<hbm>> -> memref<1280x32xf32, #tpu.memory_space<hbm>>
      %dma_wait3A_1047 = arith.constant 0 : i32
      %dma_wait3A_1048 = tpu.memref_slice %arg3[%add3A_226, %dma_wait3A_1047] : memref<102400x32xf32, #tpu.memory_space<hbm>> -> memref<1280x32xf32, #tpu.memory_space<hbm>>
      tpu.wait_dma2 semaphore(%run_scoped3A : memref<!tpu.dma_semaphore, #tpu.memory_space<semaphore_mem>>) src(%dma_wait3A_1048 : memref<1280x32xf32, #tpu.memory_space<hbm>>) dst(%arg8 : memref<1280x32xf32, #tpu.memory_space<vmem>>)
      tpu.yield
    }) : () -> ()
    %dma_start3A_227 = arith.constant 10 : i32
    %dma_start3A_228 = arith.constant 0 : i32
    %dma_start3A_229 = arith.constant 0 : i32
    %dma_start3A_230 = tpu.memref_slice %arg8[%dma_start3A_228, %dma_start3A_229] : memref<1280x32xf32, #tpu.memory_space<vmem>> -> memref<128x32xf32, #tpu.memory_space<vmem>>
    %dma_start3A_231 = arith.constant 0 : i32
    %dma_start3A_232 = tpu.memref_slice %arg7[%dma_start3A_227, %dma_start3A_231] : memref<50x128xi32, #tpu.memory_space<vmem>> -> memref<1x128xi32, #tpu.memory_space<vmem>>
    %dma_start3A_233 = tpu.memref_squeeze %dma_start3A_232 : memref<1x128xi32, #tpu.memory_space<vmem>> -> memref<128xi32, #tpu.memory_space<vmem>>
    %dma_start3A_234 = arith.constant 0 : i32
    %dma_start3A_235 = arith.constant 0 : i32
    %dma_start3A_236 = tpu.memref_slice %arg5[%dma_start3A_234, %dma_start3A_235] : memref<25728x32xf32, #tpu.memory_space<vmem_shared>> -> memref<25728x32xf32, #tpu.memory_space<vmem_shared>>
    tpu.enqueue_indirect_dma source(%dma_start3A_230 : memref<128x32xf32, #tpu.memory_space<vmem>>) target(%dma_start3A_236 : memref<25728x32xf32, #tpu.memory_space<vmem_shared>>) offsets(%dma_start3A_233 : memref<128xi32, #tpu.memory_space<vmem>>) semaphore(%arg9 : memref<!tpu.dma_semaphore, #tpu.memory_space<semaphore_mem>>) {add = true}
    %dma_start3A_237 = arith.constant 11 : i32
    %dma_start3A_238 = arith.constant 128 : i32
    %dma_start3A_239 = arith.constant 0 : i32
    %dma_start3A_240 = tpu.memref_slice %arg8[%dma_start3A_238, %dma_start3A_239] : memref<1280x32xf32, #tpu.memory_space<vmem>> -> memref<128x32xf32, #tpu.memory_space<vmem>>
    %dma_start3A_241 = arith.constant 0 : i32
    %dma_start3A_242 = tpu.memref_slice %arg7[%dma_start3A_237, %dma_start3A_241] : memref<50x128xi32, #tpu.memory_space<vmem>> -> memref<1x128xi32, #tpu.memory_space<vmem>>
    %dma_start3A_243 = tpu.memref_squeeze %dma_start3A_242 : memref<1x128xi32, #tpu.memory_space<vmem>> -> memref<128xi32, #tpu.memory_space<vmem>>
    %dma_start3A_244 = arith.constant 0 : i32
    %dma_start3A_245 = arith.constant 0 : i32
    %dma_start3A_246 = tpu.memref_slice %arg5[%dma_start3A_244, %dma_start3A_245] : memref<25728x32xf32, #tpu.memory_space<vmem_shared>> -> memref<25728x32xf32, #tpu.memory_space<vmem_shared>>
    tpu.enqueue_indirect_dma source(%dma_start3A_240 : memref<128x32xf32, #tpu.memory_space<vmem>>) target(%dma_start3A_246 : memref<25728x32xf32, #tpu.memory_space<vmem_shared>>) offsets(%dma_start3A_243 : memref<128xi32, #tpu.memory_space<vmem>>) semaphore(%arg9 : memref<!tpu.dma_semaphore, #tpu.memory_space<semaphore_mem>>) {add = true}
    %dma_start3A_247 = arith.constant 12 : i32
    %dma_start3A_248 = arith.constant 256 : i32
    %dma_start3A_249 = arith.constant 0 : i32
    %dma_start3A_250 = tpu.memref_slice %arg8[%dma_start3A_248, %dma_start3A_249] : memref<1280x32xf32, #tpu.memory_space<vmem>> -> memref<128x32xf32, #tpu.memory_space<vmem>>
    %dma_start3A_251 = arith.constant 0 : i32
    %dma_start3A_252 = tpu.memref_slice %arg7[%dma_start3A_247, %dma_start3A_251] : memref<50x128xi32, #tpu.memory_space<vmem>> -> memref<1x128xi32, #tpu.memory_space<vmem>>
    %dma_start3A_253 = tpu.memref_squeeze %dma_start3A_252 : memref<1x128xi32, #tpu.memory_space<vmem>> -> memref<128xi32, #tpu.memory_space<vmem>>
    %dma_start3A_254 = arith.constant 0 : i32
    %dma_start3A_255 = arith.constant 0 : i32
    %dma_start3A_256 = tpu.memref_slice %arg5[%dma_start3A_254, %dma_start3A_255] : memref<25728x32xf32, #tpu.memory_space<vmem_shared>> -> memref<25728x32xf32, #tpu.memory_space<vmem_shared>>
    tpu.enqueue_indirect_dma source(%dma_start3A_250 : memref<128x32xf32, #tpu.memory_space<vmem>>) target(%dma_start3A_256 : memref<25728x32xf32, #tpu.memory_space<vmem_shared>>) offsets(%dma_start3A_253 : memref<128xi32, #tpu.memory_space<vmem>>) semaphore(%arg9 : memref<!tpu.dma_semaphore, #tpu.memory_space<semaphore_mem>>) {add = true}
    %dma_start3A_257 = arith.constant 13 : i32
    %dma_start3A_258 = arith.constant 384 : i32
    %dma_start3A_259 = arith.constant 0 : i32
    %dma_start3A_260 = tpu.memref_slice %arg8[%dma_start3A_258, %dma_start3A_259] : memref<1280x32xf32, #tpu.memory_space<vmem>> -> memref<128x32xf32, #tpu.memory_space<vmem>>
    %dma_start3A_261 = arith.constant 0 : i32
    %dma_start3A_262 = tpu.memref_slice %arg7[%dma_start3A_257, %dma_start3A_261] : memref<50x128xi32, #tpu.memory_space<vmem>> -> memref<1x128xi32, #tpu.memory_space<vmem>>
    %dma_start3A_263 = tpu.memref_squeeze %dma_start3A_262 : memref<1x128xi32, #tpu.memory_space<vmem>> -> memref<128xi32, #tpu.memory_space<vmem>>
    %dma_start3A_264 = arith.constant 0 : i32
    %dma_start3A_265 = arith.constant 0 : i32
    %dma_start3A_266 = tpu.memref_slice %arg5[%dma_start3A_264, %dma_start3A_265] : memref<25728x32xf32, #tpu.memory_space<vmem_shared>> -> memref<25728x32xf32, #tpu.memory_space<vmem_shared>>
    tpu.enqueue_indirect_dma source(%dma_start3A_260 : memref<128x32xf32, #tpu.memory_space<vmem>>) target(%dma_start3A_266 : memref<25728x32xf32, #tpu.memory_space<vmem_shared>>) offsets(%dma_start3A_263 : memref<128xi32, #tpu.memory_space<vmem>>) semaphore(%arg9 : memref<!tpu.dma_semaphore, #tpu.memory_space<semaphore_mem>>) {add = true}
    %dma_start3A_267 = arith.constant 14 : i32
    %dma_start3A_268 = arith.constant 512 : i32
    %dma_start3A_269 = arith.constant 0 : i32
    %dma_start3A_270 = tpu.memref_slice %arg8[%dma_start3A_268, %dma_start3A_269] : memref<1280x32xf32, #tpu.memory_space<vmem>> -> memref<128x32xf32, #tpu.memory_space<vmem>>
    %dma_start3A_271 = arith.constant 0 : i32
    %dma_start3A_272 = tpu.memref_slice %arg7[%dma_start3A_267, %dma_start3A_271] : memref<50x128xi32, #tpu.memory_space<vmem>> -> memref<1x128xi32, #tpu.memory_space<vmem>>
    %dma_start3A_273 = tpu.memref_squeeze %dma_start3A_272 : memref<1x128xi32, #tpu.memory_space<vmem>> -> memref<128xi32, #tpu.memory_space<vmem>>
    %dma_start3A_274 = arith.constant 0 : i32
    %dma_start3A_275 = arith.constant 0 : i32
    %dma_start3A_276 = tpu.memref_slice %arg5[%dma_start3A_274, %dma_start3A_275] : memref<25728x32xf32, #tpu.memory_space<vmem_shared>> -> memref<25728x32xf32, #tpu.memory_space<vmem_shared>>
    tpu.enqueue_indirect_dma source(%dma_start3A_270 : memref<128x32xf32, #tpu.memory_space<vmem>>) target(%dma_start3A_276 : memref<25728x32xf32, #tpu.memory_space<vmem_shared>>) offsets(%dma_start3A_273 : memref<128xi32, #tpu.memory_space<vmem>>) semaphore(%arg9 : memref<!tpu.dma_semaphore, #tpu.memory_space<semaphore_mem>>) {add = true}
    %dma_start3A_277 = arith.constant 15 : i32
    %dma_start3A_278 = arith.constant 640 : i32
    %dma_start3A_279 = arith.constant 0 : i32
    %dma_start3A_280 = tpu.memref_slice %arg8[%dma_start3A_278, %dma_start3A_279] : memref<1280x32xf32, #tpu.memory_space<vmem>> -> memref<128x32xf32, #tpu.memory_space<vmem>>
    %dma_start3A_281 = arith.constant 0 : i32
    %dma_start3A_282 = tpu.memref_slice %arg7[%dma_start3A_277, %dma_start3A_281] : memref<50x128xi32, #tpu.memory_space<vmem>> -> memref<1x128xi32, #tpu.memory_space<vmem>>
    %dma_start3A_283 = tpu.memref_squeeze %dma_start3A_282 : memref<1x128xi32, #tpu.memory_space<vmem>> -> memref<128xi32, #tpu.memory_space<vmem>>
    %dma_start3A_284 = arith.constant 0 : i32
    %dma_start3A_285 = arith.constant 0 : i32
    %dma_start3A_286 = tpu.memref_slice %arg5[%dma_start3A_284, %dma_start3A_285] : memref<25728x32xf32, #tpu.memory_space<vmem_shared>> -> memref<25728x32xf32, #tpu.memory_space<vmem_shared>>
    tpu.enqueue_indirect_dma source(%dma_start3A_280 : memref<128x32xf32, #tpu.memory_space<vmem>>) target(%dma_start3A_286 : memref<25728x32xf32, #tpu.memory_space<vmem_shared>>) offsets(%dma_start3A_283 : memref<128xi32, #tpu.memory_space<vmem>>) semaphore(%arg9 : memref<!tpu.dma_semaphore, #tpu.memory_space<semaphore_mem>>) {add = true}
    %dma_start3A_287 = arith.constant 16 : i32
    %dma_start3A_288 = arith.constant 768 : i32
    %dma_start3A_289 = arith.constant 0 : i32
    %dma_start3A_290 = tpu.memref_slice %arg8[%dma_start3A_288, %dma_start3A_289] : memref<1280x32xf32, #tpu.memory_space<vmem>> -> memref<128x32xf32, #tpu.memory_space<vmem>>
    %dma_start3A_291 = arith.constant 0 : i32
    %dma_start3A_292 = tpu.memref_slice %arg7[%dma_start3A_287, %dma_start3A_291] : memref<50x128xi32, #tpu.memory_space<vmem>> -> memref<1x128xi32, #tpu.memory_space<vmem>>
    %dma_start3A_293 = tpu.memref_squeeze %dma_start3A_292 : memref<1x128xi32, #tpu.memory_space<vmem>> -> memref<128xi32, #tpu.memory_space<vmem>>
    %dma_start3A_294 = arith.constant 0 : i32
    %dma_start3A_295 = arith.constant 0 : i32
    %dma_start3A_296 = tpu.memref_slice %arg5[%dma_start3A_294, %dma_start3A_295] : memref<25728x32xf32, #tpu.memory_space<vmem_shared>> -> memref<25728x32xf32, #tpu.memory_space<vmem_shared>>
    tpu.enqueue_indirect_dma source(%dma_start3A_290 : memref<128x32xf32, #tpu.memory_space<vmem>>) target(%dma_start3A_296 : memref<25728x32xf32, #tpu.memory_space<vmem_shared>>) offsets(%dma_start3A_293 : memref<128xi32, #tpu.memory_space<vmem>>) semaphore(%arg9 : memref<!tpu.dma_semaphore, #tpu.memory_space<semaphore_mem>>) {add = true}
    %dma_start3A_297 = arith.constant 17 : i32
    %dma_start3A_298 = arith.constant 896 : i32
    %dma_start3A_299 = arith.constant 0 : i32
    %dma_start3A_300 = tpu.memref_slice %arg8[%dma_start3A_298, %dma_start3A_299] : memref<1280x32xf32, #tpu.memory_space<vmem>> -> memref<128x32xf32, #tpu.memory_space<vmem>>
    %dma_start3A_301 = arith.constant 0 : i32
    %dma_start3A_302 = tpu.memref_slice %arg7[%dma_start3A_297, %dma_start3A_301] : memref<50x128xi32, #tpu.memory_space<vmem>> -> memref<1x128xi32, #tpu.memory_space<vmem>>
    %dma_start3A_303 = tpu.memref_squeeze %dma_start3A_302 : memref<1x128xi32, #tpu.memory_space<vmem>> -> memref<128xi32, #tpu.memory_space<vmem>>
    %dma_start3A_304 = arith.constant 0 : i32
    %dma_start3A_305 = arith.constant 0 : i32
    %dma_start3A_306 = tpu.memref_slice %arg5[%dma_start3A_304, %dma_start3A_305] : memref<25728x32xf32, #tpu.memory_space<vmem_shared>> -> memref<25728x32xf32, #tpu.memory_space<vmem_shared>>
    tpu.enqueue_indirect_dma source(%dma_start3A_300 : memref<128x32xf32, #tpu.memory_space<vmem>>) target(%dma_start3A_306 : memref<25728x32xf32, #tpu.memory_space<vmem_shared>>) offsets(%dma_start3A_303 : memref<128xi32, #tpu.memory_space<vmem>>) semaphore(%arg9 : memref<!tpu.dma_semaphore, #tpu.memory_space<semaphore_mem>>) {add = true}
    %dma_start3A_307 = arith.constant 18 : i32
    %dma_start3A_308 = arith.constant 1024 : i32
    %dma_start3A_309 = arith.constant 0 : i32
    %dma_start3A_310 = tpu.memref_slice %arg8[%dma_start3A_308, %dma_start3A_309] : memref<1280x32xf32, #tpu.memory_space<vmem>> -> memref<128x32xf32, #tpu.memory_space<vmem>>
    %dma_start3A_311 = arith.constant 0 : i32
    %dma_start3A_312 = tpu.memref_slice %arg7[%dma_start3A_307, %dma_start3A_311] : memref<50x128xi32, #tpu.memory_space<vmem>> -> memref<1x128xi32, #tpu.memory_space<vmem>>
    %dma_start3A_313 = tpu.memref_squeeze %dma_start3A_312 : memref<1x128xi32, #tpu.memory_space<vmem>> -> memref<128xi32, #tpu.memory_space<vmem>>
    %dma_start3A_314 = arith.constant 0 : i32
    %dma_start3A_315 = arith.constant 0 : i32
    %dma_start3A_316 = tpu.memref_slice %arg5[%dma_start3A_314, %dma_start3A_315] : memref<25728x32xf32, #tpu.memory_space<vmem_shared>> -> memref<25728x32xf32, #tpu.memory_space<vmem_shared>>
    tpu.enqueue_indirect_dma source(%dma_start3A_310 : memref<128x32xf32, #tpu.memory_space<vmem>>) target(%dma_start3A_316 : memref<25728x32xf32, #tpu.memory_space<vmem_shared>>) offsets(%dma_start3A_313 : memref<128xi32, #tpu.memory_space<vmem>>) semaphore(%arg9 : memref<!tpu.dma_semaphore, #tpu.memory_space<semaphore_mem>>) {add = true}
    %dma_start3A_317 = arith.constant 19 : i32
    %dma_start3A_318 = arith.constant 1152 : i32
    %dma_start3A_319 = arith.constant 0 : i32
    %dma_start3A_320 = tpu.memref_slice %arg8[%dma_start3A_318, %dma_start3A_319] : memref<1280x32xf32, #tpu.memory_space<vmem>> -> memref<128x32xf32, #tpu.memory_space<vmem>>
    %dma_start3A_321 = arith.constant 0 : i32
    %dma_start3A_322 = tpu.memref_slice %arg7[%dma_start3A_317, %dma_start3A_321] : memref<50x128xi32, #tpu.memory_space<vmem>> -> memref<1x128xi32, #tpu.memory_space<vmem>>
    %dma_start3A_323 = tpu.memref_squeeze %dma_start3A_322 : memref<1x128xi32, #tpu.memory_space<vmem>> -> memref<128xi32, #tpu.memory_space<vmem>>
    %dma_start3A_324 = arith.constant 0 : i32
    %dma_start3A_325 = arith.constant 0 : i32
    %dma_start3A_326 = tpu.memref_slice %arg5[%dma_start3A_324, %dma_start3A_325] : memref<25728x32xf32, #tpu.memory_space<vmem_shared>> -> memref<25728x32xf32, #tpu.memory_space<vmem_shared>>
    tpu.enqueue_indirect_dma source(%dma_start3A_320 : memref<128x32xf32, #tpu.memory_space<vmem>>) target(%dma_start3A_326 : memref<25728x32xf32, #tpu.memory_space<vmem_shared>>) offsets(%dma_start3A_323 : memref<128xi32, #tpu.memory_space<vmem>>) semaphore(%arg9 : memref<!tpu.dma_semaphore, #tpu.memory_space<semaphore_mem>>) {add = true}
    %dma_wait3A_327 = arith.constant 10 : i32
    %dma_wait3A_328 = arith.constant 0 : i32
    %dma_wait3A_329 = arith.constant 0 : i32
    %dma_wait3A_330 = tpu.memref_slice %arg8[%dma_wait3A_328, %dma_wait3A_329] : memref<1280x32xf32, #tpu.memory_space<vmem>> -> memref<128x32xf32, #tpu.memory_space<vmem>>
    %dma_wait3A_331 = arith.constant 0 : i32
    %dma_wait3A_332 = tpu.memref_slice %arg7[%dma_wait3A_327, %dma_wait3A_331] : memref<50x128xi32, #tpu.memory_space<vmem>> -> memref<1x128xi32, #tpu.memory_space<vmem>>
    %dma_wait3A_333 = tpu.memref_squeeze %dma_wait3A_332 : memref<1x128xi32, #tpu.memory_space<vmem>> -> memref<128xi32, #tpu.memory_space<vmem>>
    %dma_wait3A_334 = arith.constant 0 : i32
    %dma_wait3A_335 = arith.constant 0 : i32
    %dma_wait3A_336 = tpu.memref_slice %arg5[%dma_wait3A_334, %dma_wait3A_335] : memref<25728x32xf32, #tpu.memory_space<vmem_shared>> -> memref<25728x32xf32, #tpu.memory_space<vmem_shared>>
    tpu.wait_indirect_dma semaphore(%arg9 : memref<!tpu.dma_semaphore, #tpu.memory_space<semaphore_mem>>) src(%dma_wait3A_330 : memref<128x32xf32, #tpu.memory_space<vmem>>) dst(%dma_wait3A_336 : memref<25728x32xf32, #tpu.memory_space<vmem_shared>>)
    %dma_wait3A_337 = arith.constant 11 : i32
    %dma_wait3A_338 = arith.constant 128 : i32
    %dma_wait3A_339 = arith.constant 0 : i32
    %dma_wait3A_340 = tpu.memref_slice %arg8[%dma_wait3A_338, %dma_wait3A_339] : memref<1280x32xf32, #tpu.memory_space<vmem>> -> memref<128x32xf32, #tpu.memory_space<vmem>>
    %dma_wait3A_341 = arith.constant 0 : i32
    %dma_wait3A_342 = tpu.memref_slice %arg7[%dma_wait3A_337, %dma_wait3A_341] : memref<50x128xi32, #tpu.memory_space<vmem>> -> memref<1x128xi32, #tpu.memory_space<vmem>>
    %dma_wait3A_343 = tpu.memref_squeeze %dma_wait3A_342 : memref<1x128xi32, #tpu.memory_space<vmem>> -> memref<128xi32, #tpu.memory_space<vmem>>
    %dma_wait3A_344 = arith.constant 0 : i32
    %dma_wait3A_345 = arith.constant 0 : i32
    %dma_wait3A_346 = tpu.memref_slice %arg5[%dma_wait3A_344, %dma_wait3A_345] : memref<25728x32xf32, #tpu.memory_space<vmem_shared>> -> memref<25728x32xf32, #tpu.memory_space<vmem_shared>>
    tpu.wait_indirect_dma semaphore(%arg9 : memref<!tpu.dma_semaphore, #tpu.memory_space<semaphore_mem>>) src(%dma_wait3A_340 : memref<128x32xf32, #tpu.memory_space<vmem>>) dst(%dma_wait3A_346 : memref<25728x32xf32, #tpu.memory_space<vmem_shared>>)
    %dma_wait3A_347 = arith.constant 12 : i32
    %dma_wait3A_348 = arith.constant 256 : i32
    %dma_wait3A_349 = arith.constant 0 : i32
    %dma_wait3A_350 = tpu.memref_slice %arg8[%dma_wait3A_348, %dma_wait3A_349] : memref<1280x32xf32, #tpu.memory_space<vmem>> -> memref<128x32xf32, #tpu.memory_space<vmem>>
    %dma_wait3A_351 = arith.constant 0 : i32
    %dma_wait3A_352 = tpu.memref_slice %arg7[%dma_wait3A_347, %dma_wait3A_351] : memref<50x128xi32, #tpu.memory_space<vmem>> -> memref<1x128xi32, #tpu.memory_space<vmem>>
    %dma_wait3A_353 = tpu.memref_squeeze %dma_wait3A_352 : memref<1x128xi32, #tpu.memory_space<vmem>> -> memref<128xi32, #tpu.memory_space<vmem>>
    %dma_wait3A_354 = arith.constant 0 : i32
    %dma_wait3A_355 = arith.constant 0 : i32
    %dma_wait3A_356 = tpu.memref_slice %arg5[%dma_wait3A_354, %dma_wait3A_355] : memref<25728x32xf32, #tpu.memory_space<vmem_shared>> -> memref<25728x32xf32, #tpu.memory_space<vmem_shared>>
    tpu.wait_indirect_dma semaphore(%arg9 : memref<!tpu.dma_semaphore, #tpu.memory_space<semaphore_mem>>) src(%dma_wait3A_350 : memref<128x32xf32, #tpu.memory_space<vmem>>) dst(%dma_wait3A_356 : memref<25728x32xf32, #tpu.memory_space<vmem_shared>>)
    %dma_wait3A_357 = arith.constant 13 : i32
    %dma_wait3A_358 = arith.constant 384 : i32
    %dma_wait3A_359 = arith.constant 0 : i32
    %dma_wait3A_360 = tpu.memref_slice %arg8[%dma_wait3A_358, %dma_wait3A_359] : memref<1280x32xf32, #tpu.memory_space<vmem>> -> memref<128x32xf32, #tpu.memory_space<vmem>>
    %dma_wait3A_361 = arith.constant 0 : i32
    %dma_wait3A_362 = tpu.memref_slice %arg7[%dma_wait3A_357, %dma_wait3A_361] : memref<50x128xi32, #tpu.memory_space<vmem>> -> memref<1x128xi32, #tpu.memory_space<vmem>>
    %dma_wait3A_363 = tpu.memref_squeeze %dma_wait3A_362 : memref<1x128xi32, #tpu.memory_space<vmem>> -> memref<128xi32, #tpu.memory_space<vmem>>
    %dma_wait3A_364 = arith.constant 0 : i32
    %dma_wait3A_365 = arith.constant 0 : i32
    %dma_wait3A_366 = tpu.memref_slice %arg5[%dma_wait3A_364, %dma_wait3A_365] : memref<25728x32xf32, #tpu.memory_space<vmem_shared>> -> memref<25728x32xf32, #tpu.memory_space<vmem_shared>>
    tpu.wait_indirect_dma semaphore(%arg9 : memref<!tpu.dma_semaphore, #tpu.memory_space<semaphore_mem>>) src(%dma_wait3A_360 : memref<128x32xf32, #tpu.memory_space<vmem>>) dst(%dma_wait3A_366 : memref<25728x32xf32, #tpu.memory_space<vmem_shared>>)
    %dma_wait3A_367 = arith.constant 14 : i32
    %dma_wait3A_368 = arith.constant 512 : i32
    %dma_wait3A_369 = arith.constant 0 : i32
    %dma_wait3A_370 = tpu.memref_slice %arg8[%dma_wait3A_368, %dma_wait3A_369] : memref<1280x32xf32, #tpu.memory_space<vmem>> -> memref<128x32xf32, #tpu.memory_space<vmem>>
    %dma_wait3A_371 = arith.constant 0 : i32
    %dma_wait3A_372 = tpu.memref_slice %arg7[%dma_wait3A_367, %dma_wait3A_371] : memref<50x128xi32, #tpu.memory_space<vmem>> -> memref<1x128xi32, #tpu.memory_space<vmem>>
    %dma_wait3A_373 = tpu.memref_squeeze %dma_wait3A_372 : memref<1x128xi32, #tpu.memory_space<vmem>> -> memref<128xi32, #tpu.memory_space<vmem>>
    %dma_wait3A_374 = arith.constant 0 : i32
    %dma_wait3A_375 = arith.constant 0 : i32
    %dma_wait3A_376 = tpu.memref_slice %arg5[%dma_wait3A_374, %dma_wait3A_375] : memref<25728x32xf32, #tpu.memory_space<vmem_shared>> -> memref<25728x32xf32, #tpu.memory_space<vmem_shared>>
    tpu.wait_indirect_dma semaphore(%arg9 : memref<!tpu.dma_semaphore, #tpu.memory_space<semaphore_mem>>) src(%dma_wait3A_370 : memref<128x32xf32, #tpu.memory_space<vmem>>) dst(%dma_wait3A_376 : memref<25728x32xf32, #tpu.memory_space<vmem_shared>>)
    %dma_wait3A_377 = arith.constant 15 : i32
    %dma_wait3A_378 = arith.constant 640 : i32
    %dma_wait3A_379 = arith.constant 0 : i32
    %dma_wait3A_380 = tpu.memref_slice %arg8[%dma_wait3A_378, %dma_wait3A_379] : memref<1280x32xf32, #tpu.memory_space<vmem>> -> memref<128x32xf32, #tpu.memory_space<vmem>>
    %dma_wait3A_381 = arith.constant 0 : i32
    %dma_wait3A_382 = tpu.memref_slice %arg7[%dma_wait3A_377, %dma_wait3A_381] : memref<50x128xi32, #tpu.memory_space<vmem>> -> memref<1x128xi32, #tpu.memory_space<vmem>>
    %dma_wait3A_383 = tpu.memref_squeeze %dma_wait3A_382 : memref<1x128xi32, #tpu.memory_space<vmem>> -> memref<128xi32, #tpu.memory_space<vmem>>
    %dma_wait3A_384 = arith.constant 0 : i32
    %dma_wait3A_385 = arith.constant 0 : i32
    %dma_wait3A_386 = tpu.memref_slice %arg5[%dma_wait3A_384, %dma_wait3A_385] : memref<25728x32xf32, #tpu.memory_space<vmem_shared>> -> memref<25728x32xf32, #tpu.memory_space<vmem_shared>>
    tpu.wait_indirect_dma semaphore(%arg9 : memref<!tpu.dma_semaphore, #tpu.memory_space<semaphore_mem>>) src(%dma_wait3A_380 : memref<128x32xf32, #tpu.memory_space<vmem>>) dst(%dma_wait3A_386 : memref<25728x32xf32, #tpu.memory_space<vmem_shared>>)
    %dma_wait3A_387 = arith.constant 16 : i32
    %dma_wait3A_388 = arith.constant 768 : i32
    %dma_wait3A_389 = arith.constant 0 : i32
    %dma_wait3A_390 = tpu.memref_slice %arg8[%dma_wait3A_388, %dma_wait3A_389] : memref<1280x32xf32, #tpu.memory_space<vmem>> -> memref<128x32xf32, #tpu.memory_space<vmem>>
    %dma_wait3A_391 = arith.constant 0 : i32
    %dma_wait3A_392 = tpu.memref_slice %arg7[%dma_wait3A_387, %dma_wait3A_391] : memref<50x128xi32, #tpu.memory_space<vmem>> -> memref<1x128xi32, #tpu.memory_space<vmem>>
    %dma_wait3A_393 = tpu.memref_squeeze %dma_wait3A_392 : memref<1x128xi32, #tpu.memory_space<vmem>> -> memref<128xi32, #tpu.memory_space<vmem>>
    %dma_wait3A_394 = arith.constant 0 : i32
    %dma_wait3A_395 = arith.constant 0 : i32
    %dma_wait3A_396 = tpu.memref_slice %arg5[%dma_wait3A_394, %dma_wait3A_395] : memref<25728x32xf32, #tpu.memory_space<vmem_shared>> -> memref<25728x32xf32, #tpu.memory_space<vmem_shared>>
    tpu.wait_indirect_dma semaphore(%arg9 : memref<!tpu.dma_semaphore, #tpu.memory_space<semaphore_mem>>) src(%dma_wait3A_390 : memref<128x32xf32, #tpu.memory_space<vmem>>) dst(%dma_wait3A_396 : memref<25728x32xf32, #tpu.memory_space<vmem_shared>>)
    %dma_wait3A_397 = arith.constant 17 : i32
    %dma_wait3A_398 = arith.constant 896 : i32
    %dma_wait3A_399 = arith.constant 0 : i32
    %dma_wait3A_400 = tpu.memref_slice %arg8[%dma_wait3A_398, %dma_wait3A_399] : memref<1280x32xf32, #tpu.memory_space<vmem>> -> memref<128x32xf32, #tpu.memory_space<vmem>>
    %dma_wait3A_401 = arith.constant 0 : i32
    %dma_wait3A_402 = tpu.memref_slice %arg7[%dma_wait3A_397, %dma_wait3A_401] : memref<50x128xi32, #tpu.memory_space<vmem>> -> memref<1x128xi32, #tpu.memory_space<vmem>>
    %dma_wait3A_403 = tpu.memref_squeeze %dma_wait3A_402 : memref<1x128xi32, #tpu.memory_space<vmem>> -> memref<128xi32, #tpu.memory_space<vmem>>
    %dma_wait3A_404 = arith.constant 0 : i32
    %dma_wait3A_405 = arith.constant 0 : i32
    %dma_wait3A_406 = tpu.memref_slice %arg5[%dma_wait3A_404, %dma_wait3A_405] : memref<25728x32xf32, #tpu.memory_space<vmem_shared>> -> memref<25728x32xf32, #tpu.memory_space<vmem_shared>>
    tpu.wait_indirect_dma semaphore(%arg9 : memref<!tpu.dma_semaphore, #tpu.memory_space<semaphore_mem>>) src(%dma_wait3A_400 : memref<128x32xf32, #tpu.memory_space<vmem>>) dst(%dma_wait3A_406 : memref<25728x32xf32, #tpu.memory_space<vmem_shared>>)
    %dma_wait3A_407 = arith.constant 18 : i32
    %dma_wait3A_408 = arith.constant 1024 : i32
    %dma_wait3A_409 = arith.constant 0 : i32
    %dma_wait3A_410 = tpu.memref_slice %arg8[%dma_wait3A_408, %dma_wait3A_409] : memref<1280x32xf32, #tpu.memory_space<vmem>> -> memref<128x32xf32, #tpu.memory_space<vmem>>
    %dma_wait3A_411 = arith.constant 0 : i32
    %dma_wait3A_412 = tpu.memref_slice %arg7[%dma_wait3A_407, %dma_wait3A_411] : memref<50x128xi32, #tpu.memory_space<vmem>> -> memref<1x128xi32, #tpu.memory_space<vmem>>
    %dma_wait3A_413 = tpu.memref_squeeze %dma_wait3A_412 : memref<1x128xi32, #tpu.memory_space<vmem>> -> memref<128xi32, #tpu.memory_space<vmem>>
    %dma_wait3A_414 = arith.constant 0 : i32
    %dma_wait3A_415 = arith.constant 0 : i32
    %dma_wait3A_416 = tpu.memref_slice %arg5[%dma_wait3A_414, %dma_wait3A_415] : memref<25728x32xf32, #tpu.memory_space<vmem_shared>> -> memref<25728x32xf32, #tpu.memory_space<vmem_shared>>
    tpu.wait_indirect_dma semaphore(%arg9 : memref<!tpu.dma_semaphore, #tpu.memory_space<semaphore_mem>>) src(%dma_wait3A_410 : memref<128x32xf32, #tpu.memory_space<vmem>>) dst(%dma_wait3A_416 : memref<25728x32xf32, #tpu.memory_space<vmem_shared>>)
    %dma_wait3A_417 = arith.constant 19 : i32
    %dma_wait3A_418 = arith.constant 1152 : i32
    %dma_wait3A_419 = arith.constant 0 : i32
    %dma_wait3A_420 = tpu.memref_slice %arg8[%dma_wait3A_418, %dma_wait3A_419] : memref<1280x32xf32, #tpu.memory_space<vmem>> -> memref<128x32xf32, #tpu.memory_space<vmem>>
    %dma_wait3A_421 = arith.constant 0 : i32
    %dma_wait3A_422 = tpu.memref_slice %arg7[%dma_wait3A_417, %dma_wait3A_421] : memref<50x128xi32, #tpu.memory_space<vmem>> -> memref<1x128xi32, #tpu.memory_space<vmem>>
    %dma_wait3A_423 = tpu.memref_squeeze %dma_wait3A_422 : memref<1x128xi32, #tpu.memory_space<vmem>> -> memref<128xi32, #tpu.memory_space<vmem>>
    %dma_wait3A_424 = arith.constant 0 : i32
    %dma_wait3A_425 = arith.constant 0 : i32
    %dma_wait3A_426 = tpu.memref_slice %arg5[%dma_wait3A_424, %dma_wait3A_425] : memref<25728x32xf32, #tpu.memory_space<vmem_shared>> -> memref<25728x32xf32, #tpu.memory_space<vmem_shared>>
    tpu.wait_indirect_dma semaphore(%arg9 : memref<!tpu.dma_semaphore, #tpu.memory_space<semaphore_mem>>) src(%dma_wait3A_420 : memref<128x32xf32, #tpu.memory_space<vmem>>) dst(%dma_wait3A_426 : memref<25728x32xf32, #tpu.memory_space<vmem_shared>>)
    %add3A_427 = arith.constant 2560 : i32
    %add3A_428 = arith.addi %mul3A_15, %add3A_427 : i32
    "tpu.region"() ({
      %run_scoped3A = tpu.sem_alloc : memref<!tpu.dma_semaphore, #tpu.memory_space<semaphore_mem>>
      %dma_start3A_1041 = arith.constant 0 : i32
      %dma_start3A_1042 = tpu.memref_slice %arg3[%add3A_428, %dma_start3A_1041] : memref<102400x32xf32, #tpu.memory_space<hbm>> -> memref<1280x32xf32, #tpu.memory_space<hbm>>
      %dma_start3A_1043 = arith.constant 0 : i32
      %dma_start3A_1044 = tpu.memref_slice %arg3[%add3A_428, %dma_start3A_1043] : memref<102400x32xf32, #tpu.memory_space<hbm>> -> memref<1280x32xf32, #tpu.memory_space<hbm>>
      tpu.enqueue_dma source(%dma_start3A_1044 : memref<1280x32xf32, #tpu.memory_space<hbm>>) target(%arg8 : memref<1280x32xf32, #tpu.memory_space<vmem>>) target_semaphore(%run_scoped3A : memref<!tpu.dma_semaphore, #tpu.memory_space<semaphore_mem>>)
      %dma_wait3A_1045 = arith.constant 0 : i32
      %dma_wait3A_1046 = tpu.memref_slice %arg3[%add3A_428, %dma_wait3A_1045] : memref<102400x32xf32, #tpu.memory_space<hbm>> -> memref<1280x32xf32, #tpu.memory_space<hbm>>
      %dma_wait3A_1047 = arith.constant 0 : i32
      %dma_wait3A_1048 = tpu.memref_slice %arg3[%add3A_428, %dma_wait3A_1047] : memref<102400x32xf32, #tpu.memory_space<hbm>> -> memref<1280x32xf32, #tpu.memory_space<hbm>>
      tpu.wait_dma2 semaphore(%run_scoped3A : memref<!tpu.dma_semaphore, #tpu.memory_space<semaphore_mem>>) src(%dma_wait3A_1048 : memref<1280x32xf32, #tpu.memory_space<hbm>>) dst(%arg8 : memref<1280x32xf32, #tpu.memory_space<vmem>>)
      tpu.yield
    }) : () -> ()
    %dma_start3A_429 = arith.constant 20 : i32
    %dma_start3A_430 = arith.constant 0 : i32
    %dma_start3A_431 = arith.constant 0 : i32
    %dma_start3A_432 = tpu.memref_slice %arg8[%dma_start3A_430, %dma_start3A_431] : memref<1280x32xf32, #tpu.memory_space<vmem>> -> memref<128x32xf32, #tpu.memory_space<vmem>>
    %dma_start3A_433 = arith.constant 0 : i32
    %dma_start3A_434 = tpu.memref_slice %arg7[%dma_start3A_429, %dma_start3A_433] : memref<50x128xi32, #tpu.memory_space<vmem>> -> memref<1x128xi32, #tpu.memory_space<vmem>>
    %dma_start3A_435 = tpu.memref_squeeze %dma_start3A_434 : memref<1x128xi32, #tpu.memory_space<vmem>> -> memref<128xi32, #tpu.memory_space<vmem>>
    %dma_start3A_436 = arith.constant 0 : i32
    %dma_start3A_437 = arith.constant 0 : i32
    %dma_start3A_438 = tpu.memref_slice %arg5[%dma_start3A_436, %dma_start3A_437] : memref<25728x32xf32, #tpu.memory_space<vmem_shared>> -> memref<25728x32xf32, #tpu.memory_space<vmem_shared>>
    tpu.enqueue_indirect_dma source(%dma_start3A_432 : memref<128x32xf32, #tpu.memory_space<vmem>>) target(%dma_start3A_438 : memref<25728x32xf32, #tpu.memory_space<vmem_shared>>) offsets(%dma_start3A_435 : memref<128xi32, #tpu.memory_space<vmem>>) semaphore(%arg9 : memref<!tpu.dma_semaphore, #tpu.memory_space<semaphore_mem>>) {add = true}
    %dma_start3A_439 = arith.constant 21 : i32
    %dma_start3A_440 = arith.constant 128 : i32
    %dma_start3A_441 = arith.constant 0 : i32
    %dma_start3A_442 = tpu.memref_slice %arg8[%dma_start3A_440, %dma_start3A_441] : memref<1280x32xf32, #tpu.memory_space<vmem>> -> memref<128x32xf32, #tpu.memory_space<vmem>>
    %dma_start3A_443 = arith.constant 0 : i32
    %dma_start3A_444 = tpu.memref_slice %arg7[%dma_start3A_439, %dma_start3A_443] : memref<50x128xi32, #tpu.memory_space<vmem>> -> memref<1x128xi32, #tpu.memory_space<vmem>>
    %dma_start3A_445 = tpu.memref_squeeze %dma_start3A_444 : memref<1x128xi32, #tpu.memory_space<vmem>> -> memref<128xi32, #tpu.memory_space<vmem>>
    %dma_start3A_446 = arith.constant 0 : i32
    %dma_start3A_447 = arith.constant 0 : i32
    %dma_start3A_448 = tpu.memref_slice %arg5[%dma_start3A_446, %dma_start3A_447] : memref<25728x32xf32, #tpu.memory_space<vmem_shared>> -> memref<25728x32xf32, #tpu.memory_space<vmem_shared>>
    tpu.enqueue_indirect_dma source(%dma_start3A_442 : memref<128x32xf32, #tpu.memory_space<vmem>>) target(%dma_start3A_448 : memref<25728x32xf32, #tpu.memory_space<vmem_shared>>) offsets(%dma_start3A_445 : memref<128xi32, #tpu.memory_space<vmem>>) semaphore(%arg9 : memref<!tpu.dma_semaphore, #tpu.memory_space<semaphore_mem>>) {add = true}
    %dma_start3A_449 = arith.constant 22 : i32
    %dma_start3A_450 = arith.constant 256 : i32
    %dma_start3A_451 = arith.constant 0 : i32
    %dma_start3A_452 = tpu.memref_slice %arg8[%dma_start3A_450, %dma_start3A_451] : memref<1280x32xf32, #tpu.memory_space<vmem>> -> memref<128x32xf32, #tpu.memory_space<vmem>>
    %dma_start3A_453 = arith.constant 0 : i32
    %dma_start3A_454 = tpu.memref_slice %arg7[%dma_start3A_449, %dma_start3A_453] : memref<50x128xi32, #tpu.memory_space<vmem>> -> memref<1x128xi32, #tpu.memory_space<vmem>>
    %dma_start3A_455 = tpu.memref_squeeze %dma_start3A_454 : memref<1x128xi32, #tpu.memory_space<vmem>> -> memref<128xi32, #tpu.memory_space<vmem>>
    %dma_start3A_456 = arith.constant 0 : i32
    %dma_start3A_457 = arith.constant 0 : i32
    %dma_start3A_458 = tpu.memref_slice %arg5[%dma_start3A_456, %dma_start3A_457] : memref<25728x32xf32, #tpu.memory_space<vmem_shared>> -> memref<25728x32xf32, #tpu.memory_space<vmem_shared>>
    tpu.enqueue_indirect_dma source(%dma_start3A_452 : memref<128x32xf32, #tpu.memory_space<vmem>>) target(%dma_start3A_458 : memref<25728x32xf32, #tpu.memory_space<vmem_shared>>) offsets(%dma_start3A_455 : memref<128xi32, #tpu.memory_space<vmem>>) semaphore(%arg9 : memref<!tpu.dma_semaphore, #tpu.memory_space<semaphore_mem>>) {add = true}
    %dma_start3A_459 = arith.constant 23 : i32
    %dma_start3A_460 = arith.constant 384 : i32
    %dma_start3A_461 = arith.constant 0 : i32
    %dma_start3A_462 = tpu.memref_slice %arg8[%dma_start3A_460, %dma_start3A_461] : memref<1280x32xf32, #tpu.memory_space<vmem>> -> memref<128x32xf32, #tpu.memory_space<vmem>>
    %dma_start3A_463 = arith.constant 0 : i32
    %dma_start3A_464 = tpu.memref_slice %arg7[%dma_start3A_459, %dma_start3A_463] : memref<50x128xi32, #tpu.memory_space<vmem>> -> memref<1x128xi32, #tpu.memory_space<vmem>>
    %dma_start3A_465 = tpu.memref_squeeze %dma_start3A_464 : memref<1x128xi32, #tpu.memory_space<vmem>> -> memref<128xi32, #tpu.memory_space<vmem>>
    %dma_start3A_466 = arith.constant 0 : i32
    %dma_start3A_467 = arith.constant 0 : i32
    %dma_start3A_468 = tpu.memref_slice %arg5[%dma_start3A_466, %dma_start3A_467] : memref<25728x32xf32, #tpu.memory_space<vmem_shared>> -> memref<25728x32xf32, #tpu.memory_space<vmem_shared>>
    tpu.enqueue_indirect_dma source(%dma_start3A_462 : memref<128x32xf32, #tpu.memory_space<vmem>>) target(%dma_start3A_468 : memref<25728x32xf32, #tpu.memory_space<vmem_shared>>) offsets(%dma_start3A_465 : memref<128xi32, #tpu.memory_space<vmem>>) semaphore(%arg9 : memref<!tpu.dma_semaphore, #tpu.memory_space<semaphore_mem>>) {add = true}
    %dma_start3A_469 = arith.constant 24 : i32
    %dma_start3A_470 = arith.constant 512 : i32
    %dma_start3A_471 = arith.constant 0 : i32
    %dma_start3A_472 = tpu.memref_slice %arg8[%dma_start3A_470, %dma_start3A_471] : memref<1280x32xf32, #tpu.memory_space<vmem>> -> memref<128x32xf32, #tpu.memory_space<vmem>>
    %dma_start3A_473 = arith.constant 0 : i32
    %dma_start3A_474 = tpu.memref_slice %arg7[%dma_start3A_469, %dma_start3A_473] : memref<50x128xi32, #tpu.memory_space<vmem>> -> memref<1x128xi32, #tpu.memory_space<vmem>>
    %dma_start3A_475 = tpu.memref_squeeze %dma_start3A_474 : memref<1x128xi32, #tpu.memory_space<vmem>> -> memref<128xi32, #tpu.memory_space<vmem>>
    %dma_start3A_476 = arith.constant 0 : i32
    %dma_start3A_477 = arith.constant 0 : i32
    %dma_start3A_478 = tpu.memref_slice %arg5[%dma_start3A_476, %dma_start3A_477] : memref<25728x32xf32, #tpu.memory_space<vmem_shared>> -> memref<25728x32xf32, #tpu.memory_space<vmem_shared>>
    tpu.enqueue_indirect_dma source(%dma_start3A_472 : memref<128x32xf32, #tpu.memory_space<vmem>>) target(%dma_start3A_478 : memref<25728x32xf32, #tpu.memory_space<vmem_shared>>) offsets(%dma_start3A_475 : memref<128xi32, #tpu.memory_space<vmem>>) semaphore(%arg9 : memref<!tpu.dma_semaphore, #tpu.memory_space<semaphore_mem>>) {add = true}
    %dma_start3A_479 = arith.constant 25 : i32
    %dma_start3A_480 = arith.constant 640 : i32
    %dma_start3A_481 = arith.constant 0 : i32
    %dma_start3A_482 = tpu.memref_slice %arg8[%dma_start3A_480, %dma_start3A_481] : memref<1280x32xf32, #tpu.memory_space<vmem>> -> memref<128x32xf32, #tpu.memory_space<vmem>>
    %dma_start3A_483 = arith.constant 0 : i32
    %dma_start3A_484 = tpu.memref_slice %arg7[%dma_start3A_479, %dma_start3A_483] : memref<50x128xi32, #tpu.memory_space<vmem>> -> memref<1x128xi32, #tpu.memory_space<vmem>>
    %dma_start3A_485 = tpu.memref_squeeze %dma_start3A_484 : memref<1x128xi32, #tpu.memory_space<vmem>> -> memref<128xi32, #tpu.memory_space<vmem>>
    %dma_start3A_486 = arith.constant 0 : i32
    %dma_start3A_487 = arith.constant 0 : i32
    %dma_start3A_488 = tpu.memref_slice %arg5[%dma_start3A_486, %dma_start3A_487] : memref<25728x32xf32, #tpu.memory_space<vmem_shared>> -> memref<25728x32xf32, #tpu.memory_space<vmem_shared>>
    tpu.enqueue_indirect_dma source(%dma_start3A_482 : memref<128x32xf32, #tpu.memory_space<vmem>>) target(%dma_start3A_488 : memref<25728x32xf32, #tpu.memory_space<vmem_shared>>) offsets(%dma_start3A_485 : memref<128xi32, #tpu.memory_space<vmem>>) semaphore(%arg9 : memref<!tpu.dma_semaphore, #tpu.memory_space<semaphore_mem>>) {add = true}
    %dma_start3A_489 = arith.constant 26 : i32
    %dma_start3A_490 = arith.constant 768 : i32
    %dma_start3A_491 = arith.constant 0 : i32
    %dma_start3A_492 = tpu.memref_slice %arg8[%dma_start3A_490, %dma_start3A_491] : memref<1280x32xf32, #tpu.memory_space<vmem>> -> memref<128x32xf32, #tpu.memory_space<vmem>>
    %dma_start3A_493 = arith.constant 0 : i32
    %dma_start3A_494 = tpu.memref_slice %arg7[%dma_start3A_489, %dma_start3A_493] : memref<50x128xi32, #tpu.memory_space<vmem>> -> memref<1x128xi32, #tpu.memory_space<vmem>>
    %dma_start3A_495 = tpu.memref_squeeze %dma_start3A_494 : memref<1x128xi32, #tpu.memory_space<vmem>> -> memref<128xi32, #tpu.memory_space<vmem>>
    %dma_start3A_496 = arith.constant 0 : i32
    %dma_start3A_497 = arith.constant 0 : i32
    %dma_start3A_498 = tpu.memref_slice %arg5[%dma_start3A_496, %dma_start3A_497] : memref<25728x32xf32, #tpu.memory_space<vmem_shared>> -> memref<25728x32xf32, #tpu.memory_space<vmem_shared>>
    tpu.enqueue_indirect_dma source(%dma_start3A_492 : memref<128x32xf32, #tpu.memory_space<vmem>>) target(%dma_start3A_498 : memref<25728x32xf32, #tpu.memory_space<vmem_shared>>) offsets(%dma_start3A_495 : memref<128xi32, #tpu.memory_space<vmem>>) semaphore(%arg9 : memref<!tpu.dma_semaphore, #tpu.memory_space<semaphore_mem>>) {add = true}
    %dma_start3A_499 = arith.constant 27 : i32
    %dma_start3A_500 = arith.constant 896 : i32
    %dma_start3A_501 = arith.constant 0 : i32
    %dma_start3A_502 = tpu.memref_slice %arg8[%dma_start3A_500, %dma_start3A_501] : memref<1280x32xf32, #tpu.memory_space<vmem>> -> memref<128x32xf32, #tpu.memory_space<vmem>>
    %dma_start3A_503 = arith.constant 0 : i32
    %dma_start3A_504 = tpu.memref_slice %arg7[%dma_start3A_499, %dma_start3A_503] : memref<50x128xi32, #tpu.memory_space<vmem>> -> memref<1x128xi32, #tpu.memory_space<vmem>>
    %dma_start3A_505 = tpu.memref_squeeze %dma_start3A_504 : memref<1x128xi32, #tpu.memory_space<vmem>> -> memref<128xi32, #tpu.memory_space<vmem>>
    %dma_start3A_506 = arith.constant 0 : i32
    %dma_start3A_507 = arith.constant 0 : i32
    %dma_start3A_508 = tpu.memref_slice %arg5[%dma_start3A_506, %dma_start3A_507] : memref<25728x32xf32, #tpu.memory_space<vmem_shared>> -> memref<25728x32xf32, #tpu.memory_space<vmem_shared>>
    tpu.enqueue_indirect_dma source(%dma_start3A_502 : memref<128x32xf32, #tpu.memory_space<vmem>>) target(%dma_start3A_508 : memref<25728x32xf32, #tpu.memory_space<vmem_shared>>) offsets(%dma_start3A_505 : memref<128xi32, #tpu.memory_space<vmem>>) semaphore(%arg9 : memref<!tpu.dma_semaphore, #tpu.memory_space<semaphore_mem>>) {add = true}
    %dma_start3A_509 = arith.constant 28 : i32
    %dma_start3A_510 = arith.constant 1024 : i32
    %dma_start3A_511 = arith.constant 0 : i32
    %dma_start3A_512 = tpu.memref_slice %arg8[%dma_start3A_510, %dma_start3A_511] : memref<1280x32xf32, #tpu.memory_space<vmem>> -> memref<128x32xf32, #tpu.memory_space<vmem>>
    %dma_start3A_513 = arith.constant 0 : i32
    %dma_start3A_514 = tpu.memref_slice %arg7[%dma_start3A_509, %dma_start3A_513] : memref<50x128xi32, #tpu.memory_space<vmem>> -> memref<1x128xi32, #tpu.memory_space<vmem>>
    %dma_start3A_515 = tpu.memref_squeeze %dma_start3A_514 : memref<1x128xi32, #tpu.memory_space<vmem>> -> memref<128xi32, #tpu.memory_space<vmem>>
    %dma_start3A_516 = arith.constant 0 : i32
    %dma_start3A_517 = arith.constant 0 : i32
    %dma_start3A_518 = tpu.memref_slice %arg5[%dma_start3A_516, %dma_start3A_517] : memref<25728x32xf32, #tpu.memory_space<vmem_shared>> -> memref<25728x32xf32, #tpu.memory_space<vmem_shared>>
    tpu.enqueue_indirect_dma source(%dma_start3A_512 : memref<128x32xf32, #tpu.memory_space<vmem>>) target(%dma_start3A_518 : memref<25728x32xf32, #tpu.memory_space<vmem_shared>>) offsets(%dma_start3A_515 : memref<128xi32, #tpu.memory_space<vmem>>) semaphore(%arg9 : memref<!tpu.dma_semaphore, #tpu.memory_space<semaphore_mem>>) {add = true}
    %dma_start3A_519 = arith.constant 29 : i32
    %dma_start3A_520 = arith.constant 1152 : i32
    %dma_start3A_521 = arith.constant 0 : i32
    %dma_start3A_522 = tpu.memref_slice %arg8[%dma_start3A_520, %dma_start3A_521] : memref<1280x32xf32, #tpu.memory_space<vmem>> -> memref<128x32xf32, #tpu.memory_space<vmem>>
    %dma_start3A_523 = arith.constant 0 : i32
    %dma_start3A_524 = tpu.memref_slice %arg7[%dma_start3A_519, %dma_start3A_523] : memref<50x128xi32, #tpu.memory_space<vmem>> -> memref<1x128xi32, #tpu.memory_space<vmem>>
    %dma_start3A_525 = tpu.memref_squeeze %dma_start3A_524 : memref<1x128xi32, #tpu.memory_space<vmem>> -> memref<128xi32, #tpu.memory_space<vmem>>
    %dma_start3A_526 = arith.constant 0 : i32
    %dma_start3A_527 = arith.constant 0 : i32
    %dma_start3A_528 = tpu.memref_slice %arg5[%dma_start3A_526, %dma_start3A_527] : memref<25728x32xf32, #tpu.memory_space<vmem_shared>> -> memref<25728x32xf32, #tpu.memory_space<vmem_shared>>
    tpu.enqueue_indirect_dma source(%dma_start3A_522 : memref<128x32xf32, #tpu.memory_space<vmem>>) target(%dma_start3A_528 : memref<25728x32xf32, #tpu.memory_space<vmem_shared>>) offsets(%dma_start3A_525 : memref<128xi32, #tpu.memory_space<vmem>>) semaphore(%arg9 : memref<!tpu.dma_semaphore, #tpu.memory_space<semaphore_mem>>) {add = true}
    %dma_wait3A_529 = arith.constant 20 : i32
    %dma_wait3A_530 = arith.constant 0 : i32
    %dma_wait3A_531 = arith.constant 0 : i32
    %dma_wait3A_532 = tpu.memref_slice %arg8[%dma_wait3A_530, %dma_wait3A_531] : memref<1280x32xf32, #tpu.memory_space<vmem>> -> memref<128x32xf32, #tpu.memory_space<vmem>>
    %dma_wait3A_533 = arith.constant 0 : i32
    %dma_wait3A_534 = tpu.memref_slice %arg7[%dma_wait3A_529, %dma_wait3A_533] : memref<50x128xi32, #tpu.memory_space<vmem>> -> memref<1x128xi32, #tpu.memory_space<vmem>>
    %dma_wait3A_535 = tpu.memref_squeeze %dma_wait3A_534 : memref<1x128xi32, #tpu.memory_space<vmem>> -> memref<128xi32, #tpu.memory_space<vmem>>
    %dma_wait3A_536 = arith.constant 0 : i32
    %dma_wait3A_537 = arith.constant 0 : i32
    %dma_wait3A_538 = tpu.memref_slice %arg5[%dma_wait3A_536, %dma_wait3A_537] : memref<25728x32xf32, #tpu.memory_space<vmem_shared>> -> memref<25728x32xf32, #tpu.memory_space<vmem_shared>>
    tpu.wait_indirect_dma semaphore(%arg9 : memref<!tpu.dma_semaphore, #tpu.memory_space<semaphore_mem>>) src(%dma_wait3A_532 : memref<128x32xf32, #tpu.memory_space<vmem>>) dst(%dma_wait3A_538 : memref<25728x32xf32, #tpu.memory_space<vmem_shared>>)
    %dma_wait3A_539 = arith.constant 21 : i32
    %dma_wait3A_540 = arith.constant 128 : i32
    %dma_wait3A_541 = arith.constant 0 : i32
    %dma_wait3A_542 = tpu.memref_slice %arg8[%dma_wait3A_540, %dma_wait3A_541] : memref<1280x32xf32, #tpu.memory_space<vmem>> -> memref<128x32xf32, #tpu.memory_space<vmem>>
    %dma_wait3A_543 = arith.constant 0 : i32
    %dma_wait3A_544 = tpu.memref_slice %arg7[%dma_wait3A_539, %dma_wait3A_543] : memref<50x128xi32, #tpu.memory_space<vmem>> -> memref<1x128xi32, #tpu.memory_space<vmem>>
    %dma_wait3A_545 = tpu.memref_squeeze %dma_wait3A_544 : memref<1x128xi32, #tpu.memory_space<vmem>> -> memref<128xi32, #tpu.memory_space<vmem>>
    %dma_wait3A_546 = arith.constant 0 : i32
    %dma_wait3A_547 = arith.constant 0 : i32
    %dma_wait3A_548 = tpu.memref_slice %arg5[%dma_wait3A_546, %dma_wait3A_547] : memref<25728x32xf32, #tpu.memory_space<vmem_shared>> -> memref<25728x32xf32, #tpu.memory_space<vmem_shared>>
    tpu.wait_indirect_dma semaphore(%arg9 : memref<!tpu.dma_semaphore, #tpu.memory_space<semaphore_mem>>) src(%dma_wait3A_542 : memref<128x32xf32, #tpu.memory_space<vmem>>) dst(%dma_wait3A_548 : memref<25728x32xf32, #tpu.memory_space<vmem_shared>>)
    %dma_wait3A_549 = arith.constant 22 : i32
    %dma_wait3A_550 = arith.constant 256 : i32
    %dma_wait3A_551 = arith.constant 0 : i32
    %dma_wait3A_552 = tpu.memref_slice %arg8[%dma_wait3A_550, %dma_wait3A_551] : memref<1280x32xf32, #tpu.memory_space<vmem>> -> memref<128x32xf32, #tpu.memory_space<vmem>>
    %dma_wait3A_553 = arith.constant 0 : i32
    %dma_wait3A_554 = tpu.memref_slice %arg7[%dma_wait3A_549, %dma_wait3A_553] : memref<50x128xi32, #tpu.memory_space<vmem>> -> memref<1x128xi32, #tpu.memory_space<vmem>>
    %dma_wait3A_555 = tpu.memref_squeeze %dma_wait3A_554 : memref<1x128xi32, #tpu.memory_space<vmem>> -> memref<128xi32, #tpu.memory_space<vmem>>
    %dma_wait3A_556 = arith.constant 0 : i32
    %dma_wait3A_557 = arith.constant 0 : i32
    %dma_wait3A_558 = tpu.memref_slice %arg5[%dma_wait3A_556, %dma_wait3A_557] : memref<25728x32xf32, #tpu.memory_space<vmem_shared>> -> memref<25728x32xf32, #tpu.memory_space<vmem_shared>>
    tpu.wait_indirect_dma semaphore(%arg9 : memref<!tpu.dma_semaphore, #tpu.memory_space<semaphore_mem>>) src(%dma_wait3A_552 : memref<128x32xf32, #tpu.memory_space<vmem>>) dst(%dma_wait3A_558 : memref<25728x32xf32, #tpu.memory_space<vmem_shared>>)
    %dma_wait3A_559 = arith.constant 23 : i32
    %dma_wait3A_560 = arith.constant 384 : i32
    %dma_wait3A_561 = arith.constant 0 : i32
    %dma_wait3A_562 = tpu.memref_slice %arg8[%dma_wait3A_560, %dma_wait3A_561] : memref<1280x32xf32, #tpu.memory_space<vmem>> -> memref<128x32xf32, #tpu.memory_space<vmem>>
    %dma_wait3A_563 = arith.constant 0 : i32
    %dma_wait3A_564 = tpu.memref_slice %arg7[%dma_wait3A_559, %dma_wait3A_563] : memref<50x128xi32, #tpu.memory_space<vmem>> -> memref<1x128xi32, #tpu.memory_space<vmem>>
    %dma_wait3A_565 = tpu.memref_squeeze %dma_wait3A_564 : memref<1x128xi32, #tpu.memory_space<vmem>> -> memref<128xi32, #tpu.memory_space<vmem>>
    %dma_wait3A_566 = arith.constant 0 : i32
    %dma_wait3A_567 = arith.constant 0 : i32
    %dma_wait3A_568 = tpu.memref_slice %arg5[%dma_wait3A_566, %dma_wait3A_567] : memref<25728x32xf32, #tpu.memory_space<vmem_shared>> -> memref<25728x32xf32, #tpu.memory_space<vmem_shared>>
    tpu.wait_indirect_dma semaphore(%arg9 : memref<!tpu.dma_semaphore, #tpu.memory_space<semaphore_mem>>) src(%dma_wait3A_562 : memref<128x32xf32, #tpu.memory_space<vmem>>) dst(%dma_wait3A_568 : memref<25728x32xf32, #tpu.memory_space<vmem_shared>>)
    %dma_wait3A_569 = arith.constant 24 : i32
    %dma_wait3A_570 = arith.constant 512 : i32
    %dma_wait3A_571 = arith.constant 0 : i32
    %dma_wait3A_572 = tpu.memref_slice %arg8[%dma_wait3A_570, %dma_wait3A_571] : memref<1280x32xf32, #tpu.memory_space<vmem>> -> memref<128x32xf32, #tpu.memory_space<vmem>>
    %dma_wait3A_573 = arith.constant 0 : i32
    %dma_wait3A_574 = tpu.memref_slice %arg7[%dma_wait3A_569, %dma_wait3A_573] : memref<50x128xi32, #tpu.memory_space<vmem>> -> memref<1x128xi32, #tpu.memory_space<vmem>>
    %dma_wait3A_575 = tpu.memref_squeeze %dma_wait3A_574 : memref<1x128xi32, #tpu.memory_space<vmem>> -> memref<128xi32, #tpu.memory_space<vmem>>
    %dma_wait3A_576 = arith.constant 0 : i32
    %dma_wait3A_577 = arith.constant 0 : i32
    %dma_wait3A_578 = tpu.memref_slice %arg5[%dma_wait3A_576, %dma_wait3A_577] : memref<25728x32xf32, #tpu.memory_space<vmem_shared>> -> memref<25728x32xf32, #tpu.memory_space<vmem_shared>>
    tpu.wait_indirect_dma semaphore(%arg9 : memref<!tpu.dma_semaphore, #tpu.memory_space<semaphore_mem>>) src(%dma_wait3A_572 : memref<128x32xf32, #tpu.memory_space<vmem>>) dst(%dma_wait3A_578 : memref<25728x32xf32, #tpu.memory_space<vmem_shared>>)
    %dma_wait3A_579 = arith.constant 25 : i32
    %dma_wait3A_580 = arith.constant 640 : i32
    %dma_wait3A_581 = arith.constant 0 : i32
    %dma_wait3A_582 = tpu.memref_slice %arg8[%dma_wait3A_580, %dma_wait3A_581] : memref<1280x32xf32, #tpu.memory_space<vmem>> -> memref<128x32xf32, #tpu.memory_space<vmem>>
    %dma_wait3A_583 = arith.constant 0 : i32
    %dma_wait3A_584 = tpu.memref_slice %arg7[%dma_wait3A_579, %dma_wait3A_583] : memref<50x128xi32, #tpu.memory_space<vmem>> -> memref<1x128xi32, #tpu.memory_space<vmem>>
    %dma_wait3A_585 = tpu.memref_squeeze %dma_wait3A_584 : memref<1x128xi32, #tpu.memory_space<vmem>> -> memref<128xi32, #tpu.memory_space<vmem>>
    %dma_wait3A_586 = arith.constant 0 : i32
    %dma_wait3A_587 = arith.constant 0 : i32
    %dma_wait3A_588 = tpu.memref_slice %arg5[%dma_wait3A_586, %dma_wait3A_587] : memref<25728x32xf32, #tpu.memory_space<vmem_shared>> -> memref<25728x32xf32, #tpu.memory_space<vmem_shared>>
    tpu.wait_indirect_dma semaphore(%arg9 : memref<!tpu.dma_semaphore, #tpu.memory_space<semaphore_mem>>) src(%dma_wait3A_582 : memref<128x32xf32, #tpu.memory_space<vmem>>) dst(%dma_wait3A_588 : memref<25728x32xf32, #tpu.memory_space<vmem_shared>>)
    %dma_wait3A_589 = arith.constant 26 : i32
    %dma_wait3A_590 = arith.constant 768 : i32
    %dma_wait3A_591 = arith.constant 0 : i32
    %dma_wait3A_592 = tpu.memref_slice %arg8[%dma_wait3A_590, %dma_wait3A_591] : memref<1280x32xf32, #tpu.memory_space<vmem>> -> memref<128x32xf32, #tpu.memory_space<vmem>>
    %dma_wait3A_593 = arith.constant 0 : i32
    %dma_wait3A_594 = tpu.memref_slice %arg7[%dma_wait3A_589, %dma_wait3A_593] : memref<50x128xi32, #tpu.memory_space<vmem>> -> memref<1x128xi32, #tpu.memory_space<vmem>>
    %dma_wait3A_595 = tpu.memref_squeeze %dma_wait3A_594 : memref<1x128xi32, #tpu.memory_space<vmem>> -> memref<128xi32, #tpu.memory_space<vmem>>
    %dma_wait3A_596 = arith.constant 0 : i32
    %dma_wait3A_597 = arith.constant 0 : i32
    %dma_wait3A_598 = tpu.memref_slice %arg5[%dma_wait3A_596, %dma_wait3A_597] : memref<25728x32xf32, #tpu.memory_space<vmem_shared>> -> memref<25728x32xf32, #tpu.memory_space<vmem_shared>>
    tpu.wait_indirect_dma semaphore(%arg9 : memref<!tpu.dma_semaphore, #tpu.memory_space<semaphore_mem>>) src(%dma_wait3A_592 : memref<128x32xf32, #tpu.memory_space<vmem>>) dst(%dma_wait3A_598 : memref<25728x32xf32, #tpu.memory_space<vmem_shared>>)
    %dma_wait3A_599 = arith.constant 27 : i32
    %dma_wait3A_600 = arith.constant 896 : i32
    %dma_wait3A_601 = arith.constant 0 : i32
    %dma_wait3A_602 = tpu.memref_slice %arg8[%dma_wait3A_600, %dma_wait3A_601] : memref<1280x32xf32, #tpu.memory_space<vmem>> -> memref<128x32xf32, #tpu.memory_space<vmem>>
    %dma_wait3A_603 = arith.constant 0 : i32
    %dma_wait3A_604 = tpu.memref_slice %arg7[%dma_wait3A_599, %dma_wait3A_603] : memref<50x128xi32, #tpu.memory_space<vmem>> -> memref<1x128xi32, #tpu.memory_space<vmem>>
    %dma_wait3A_605 = tpu.memref_squeeze %dma_wait3A_604 : memref<1x128xi32, #tpu.memory_space<vmem>> -> memref<128xi32, #tpu.memory_space<vmem>>
    %dma_wait3A_606 = arith.constant 0 : i32
    %dma_wait3A_607 = arith.constant 0 : i32
    %dma_wait3A_608 = tpu.memref_slice %arg5[%dma_wait3A_606, %dma_wait3A_607] : memref<25728x32xf32, #tpu.memory_space<vmem_shared>> -> memref<25728x32xf32, #tpu.memory_space<vmem_shared>>
    tpu.wait_indirect_dma semaphore(%arg9 : memref<!tpu.dma_semaphore, #tpu.memory_space<semaphore_mem>>) src(%dma_wait3A_602 : memref<128x32xf32, #tpu.memory_space<vmem>>) dst(%dma_wait3A_608 : memref<25728x32xf32, #tpu.memory_space<vmem_shared>>)
    %dma_wait3A_609 = arith.constant 28 : i32
    %dma_wait3A_610 = arith.constant 1024 : i32
    %dma_wait3A_611 = arith.constant 0 : i32
    %dma_wait3A_612 = tpu.memref_slice %arg8[%dma_wait3A_610, %dma_wait3A_611] : memref<1280x32xf32, #tpu.memory_space<vmem>> -> memref<128x32xf32, #tpu.memory_space<vmem>>
    %dma_wait3A_613 = arith.constant 0 : i32
    %dma_wait3A_614 = tpu.memref_slice %arg7[%dma_wait3A_609, %dma_wait3A_613] : memref<50x128xi32, #tpu.memory_space<vmem>> -> memref<1x128xi32, #tpu.memory_space<vmem>>
    %dma_wait3A_615 = tpu.memref_squeeze %dma_wait3A_614 : memref<1x128xi32, #tpu.memory_space<vmem>> -> memref<128xi32, #tpu.memory_space<vmem>>
    %dma_wait3A_616 = arith.constant 0 : i32
    %dma_wait3A_617 = arith.constant 0 : i32
    %dma_wait3A_618 = tpu.memref_slice %arg5[%dma_wait3A_616, %dma_wait3A_617] : memref<25728x32xf32, #tpu.memory_space<vmem_shared>> -> memref<25728x32xf32, #tpu.memory_space<vmem_shared>>
    tpu.wait_indirect_dma semaphore(%arg9 : memref<!tpu.dma_semaphore, #tpu.memory_space<semaphore_mem>>) src(%dma_wait3A_612 : memref<128x32xf32, #tpu.memory_space<vmem>>) dst(%dma_wait3A_618 : memref<25728x32xf32, #tpu.memory_space<vmem_shared>>)
    %dma_wait3A_619 = arith.constant 29 : i32
    %dma_wait3A_620 = arith.constant 1152 : i32
    %dma_wait3A_621 = arith.constant 0 : i32
    %dma_wait3A_622 = tpu.memref_slice %arg8[%dma_wait3A_620, %dma_wait3A_621] : memref<1280x32xf32, #tpu.memory_space<vmem>> -> memref<128x32xf32, #tpu.memory_space<vmem>>
    %dma_wait3A_623 = arith.constant 0 : i32
    %dma_wait3A_624 = tpu.memref_slice %arg7[%dma_wait3A_619, %dma_wait3A_623] : memref<50x128xi32, #tpu.memory_space<vmem>> -> memref<1x128xi32, #tpu.memory_space<vmem>>
    %dma_wait3A_625 = tpu.memref_squeeze %dma_wait3A_624 : memref<1x128xi32, #tpu.memory_space<vmem>> -> memref<128xi32, #tpu.memory_space<vmem>>
    %dma_wait3A_626 = arith.constant 0 : i32
    %dma_wait3A_627 = arith.constant 0 : i32
    %dma_wait3A_628 = tpu.memref_slice %arg5[%dma_wait3A_626, %dma_wait3A_627] : memref<25728x32xf32, #tpu.memory_space<vmem_shared>> -> memref<25728x32xf32, #tpu.memory_space<vmem_shared>>
    tpu.wait_indirect_dma semaphore(%arg9 : memref<!tpu.dma_semaphore, #tpu.memory_space<semaphore_mem>>) src(%dma_wait3A_622 : memref<128x32xf32, #tpu.memory_space<vmem>>) dst(%dma_wait3A_628 : memref<25728x32xf32, #tpu.memory_space<vmem_shared>>)
    %add3A_629 = arith.constant 3840 : i32
    %add3A_630 = arith.addi %mul3A_15, %add3A_629 : i32
    "tpu.region"() ({
      %run_scoped3A = tpu.sem_alloc : memref<!tpu.dma_semaphore, #tpu.memory_space<semaphore_mem>>
      %dma_start3A_1041 = arith.constant 0 : i32
      %dma_start3A_1042 = tpu.memref_slice %arg3[%add3A_630, %dma_start3A_1041] : memref<102400x32xf32, #tpu.memory_space<hbm>> -> memref<1280x32xf32, #tpu.memory_space<hbm>>
      %dma_start3A_1043 = arith.constant 0 : i32
      %dma_start3A_1044 = tpu.memref_slice %arg3[%add3A_630, %dma_start3A_1043] : memref<102400x32xf32, #tpu.memory_space<hbm>> -> memref<1280x32xf32, #tpu.memory_space<hbm>>
      tpu.enqueue_dma source(%dma_start3A_1044 : memref<1280x32xf32, #tpu.memory_space<hbm>>) target(%arg8 : memref<1280x32xf32, #tpu.memory_space<vmem>>) target_semaphore(%run_scoped3A : memref<!tpu.dma_semaphore, #tpu.memory_space<semaphore_mem>>)
      %dma_wait3A_1045 = arith.constant 0 : i32
      %dma_wait3A_1046 = tpu.memref_slice %arg3[%add3A_630, %dma_wait3A_1045] : memref<102400x32xf32, #tpu.memory_space<hbm>> -> memref<1280x32xf32, #tpu.memory_space<hbm>>
      %dma_wait3A_1047 = arith.constant 0 : i32
      %dma_wait3A_1048 = tpu.memref_slice %arg3[%add3A_630, %dma_wait3A_1047] : memref<102400x32xf32, #tpu.memory_space<hbm>> -> memref<1280x32xf32, #tpu.memory_space<hbm>>
      tpu.wait_dma2 semaphore(%run_scoped3A : memref<!tpu.dma_semaphore, #tpu.memory_space<semaphore_mem>>) src(%dma_wait3A_1048 : memref<1280x32xf32, #tpu.memory_space<hbm>>) dst(%arg8 : memref<1280x32xf32, #tpu.memory_space<vmem>>)
      tpu.yield
    }) : () -> ()
    %dma_start3A_631 = arith.constant 30 : i32
    %dma_start3A_632 = arith.constant 0 : i32
    %dma_start3A_633 = arith.constant 0 : i32
    %dma_start3A_634 = tpu.memref_slice %arg8[%dma_start3A_632, %dma_start3A_633] : memref<1280x32xf32, #tpu.memory_space<vmem>> -> memref<128x32xf32, #tpu.memory_space<vmem>>
    %dma_start3A_635 = arith.constant 0 : i32
    %dma_start3A_636 = tpu.memref_slice %arg7[%dma_start3A_631, %dma_start3A_635] : memref<50x128xi32, #tpu.memory_space<vmem>> -> memref<1x128xi32, #tpu.memory_space<vmem>>
    %dma_start3A_637 = tpu.memref_squeeze %dma_start3A_636 : memref<1x128xi32, #tpu.memory_space<vmem>> -> memref<128xi32, #tpu.memory_space<vmem>>
    %dma_start3A_638 = arith.constant 0 : i32
    %dma_start3A_639 = arith.constant 0 : i32
    %dma_start3A_640 = tpu.memref_slice %arg5[%dma_start3A_638, %dma_start3A_639] : memref<25728x32xf32, #tpu.memory_space<vmem_shared>> -> memref<25728x32xf32, #tpu.memory_space<vmem_shared>>
    tpu.enqueue_indirect_dma source(%dma_start3A_634 : memref<128x32xf32, #tpu.memory_space<vmem>>) target(%dma_start3A_640 : memref<25728x32xf32, #tpu.memory_space<vmem_shared>>) offsets(%dma_start3A_637 : memref<128xi32, #tpu.memory_space<vmem>>) semaphore(%arg9 : memref<!tpu.dma_semaphore, #tpu.memory_space<semaphore_mem>>) {add = true}
    %dma_start3A_641 = arith.constant 31 : i32
    %dma_start3A_642 = arith.constant 128 : i32
    %dma_start3A_643 = arith.constant 0 : i32
    %dma_start3A_644 = tpu.memref_slice %arg8[%dma_start3A_642, %dma_start3A_643] : memref<1280x32xf32, #tpu.memory_space<vmem>> -> memref<128x32xf32, #tpu.memory_space<vmem>>
    %dma_start3A_645 = arith.constant 0 : i32
    %dma_start3A_646 = tpu.memref_slice %arg7[%dma_start3A_641, %dma_start3A_645] : memref<50x128xi32, #tpu.memory_space<vmem>> -> memref<1x128xi32, #tpu.memory_space<vmem>>
    %dma_start3A_647 = tpu.memref_squeeze %dma_start3A_646 : memref<1x128xi32, #tpu.memory_space<vmem>> -> memref<128xi32, #tpu.memory_space<vmem>>
    %dma_start3A_648 = arith.constant 0 : i32
    %dma_start3A_649 = arith.constant 0 : i32
    %dma_start3A_650 = tpu.memref_slice %arg5[%dma_start3A_648, %dma_start3A_649] : memref<25728x32xf32, #tpu.memory_space<vmem_shared>> -> memref<25728x32xf32, #tpu.memory_space<vmem_shared>>
    tpu.enqueue_indirect_dma source(%dma_start3A_644 : memref<128x32xf32, #tpu.memory_space<vmem>>) target(%dma_start3A_650 : memref<25728x32xf32, #tpu.memory_space<vmem_shared>>) offsets(%dma_start3A_647 : memref<128xi32, #tpu.memory_space<vmem>>) semaphore(%arg9 : memref<!tpu.dma_semaphore, #tpu.memory_space<semaphore_mem>>) {add = true}
    %dma_start3A_651 = arith.constant 32 : i32
    %dma_start3A_652 = arith.constant 256 : i32
    %dma_start3A_653 = arith.constant 0 : i32
    %dma_start3A_654 = tpu.memref_slice %arg8[%dma_start3A_652, %dma_start3A_653] : memref<1280x32xf32, #tpu.memory_space<vmem>> -> memref<128x32xf32, #tpu.memory_space<vmem>>
    %dma_start3A_655 = arith.constant 0 : i32
    %dma_start3A_656 = tpu.memref_slice %arg7[%dma_start3A_651, %dma_start3A_655] : memref<50x128xi32, #tpu.memory_space<vmem>> -> memref<1x128xi32, #tpu.memory_space<vmem>>
    %dma_start3A_657 = tpu.memref_squeeze %dma_start3A_656 : memref<1x128xi32, #tpu.memory_space<vmem>> -> memref<128xi32, #tpu.memory_space<vmem>>
    %dma_start3A_658 = arith.constant 0 : i32
    %dma_start3A_659 = arith.constant 0 : i32
    %dma_start3A_660 = tpu.memref_slice %arg5[%dma_start3A_658, %dma_start3A_659] : memref<25728x32xf32, #tpu.memory_space<vmem_shared>> -> memref<25728x32xf32, #tpu.memory_space<vmem_shared>>
    tpu.enqueue_indirect_dma source(%dma_start3A_654 : memref<128x32xf32, #tpu.memory_space<vmem>>) target(%dma_start3A_660 : memref<25728x32xf32, #tpu.memory_space<vmem_shared>>) offsets(%dma_start3A_657 : memref<128xi32, #tpu.memory_space<vmem>>) semaphore(%arg9 : memref<!tpu.dma_semaphore, #tpu.memory_space<semaphore_mem>>) {add = true}
    %dma_start3A_661 = arith.constant 33 : i32
    %dma_start3A_662 = arith.constant 384 : i32
    %dma_start3A_663 = arith.constant 0 : i32
    %dma_start3A_664 = tpu.memref_slice %arg8[%dma_start3A_662, %dma_start3A_663] : memref<1280x32xf32, #tpu.memory_space<vmem>> -> memref<128x32xf32, #tpu.memory_space<vmem>>
    %dma_start3A_665 = arith.constant 0 : i32
    %dma_start3A_666 = tpu.memref_slice %arg7[%dma_start3A_661, %dma_start3A_665] : memref<50x128xi32, #tpu.memory_space<vmem>> -> memref<1x128xi32, #tpu.memory_space<vmem>>
    %dma_start3A_667 = tpu.memref_squeeze %dma_start3A_666 : memref<1x128xi32, #tpu.memory_space<vmem>> -> memref<128xi32, #tpu.memory_space<vmem>>
    %dma_start3A_668 = arith.constant 0 : i32
    %dma_start3A_669 = arith.constant 0 : i32
    %dma_start3A_670 = tpu.memref_slice %arg5[%dma_start3A_668, %dma_start3A_669] : memref<25728x32xf32, #tpu.memory_space<vmem_shared>> -> memref<25728x32xf32, #tpu.memory_space<vmem_shared>>
    tpu.enqueue_indirect_dma source(%dma_start3A_664 : memref<128x32xf32, #tpu.memory_space<vmem>>) target(%dma_start3A_670 : memref<25728x32xf32, #tpu.memory_space<vmem_shared>>) offsets(%dma_start3A_667 : memref<128xi32, #tpu.memory_space<vmem>>) semaphore(%arg9 : memref<!tpu.dma_semaphore, #tpu.memory_space<semaphore_mem>>) {add = true}
    %dma_start3A_671 = arith.constant 34 : i32
    %dma_start3A_672 = arith.constant 512 : i32
    %dma_start3A_673 = arith.constant 0 : i32
    %dma_start3A_674 = tpu.memref_slice %arg8[%dma_start3A_672, %dma_start3A_673] : memref<1280x32xf32, #tpu.memory_space<vmem>> -> memref<128x32xf32, #tpu.memory_space<vmem>>
    %dma_start3A_675 = arith.constant 0 : i32
    %dma_start3A_676 = tpu.memref_slice %arg7[%dma_start3A_671, %dma_start3A_675] : memref<50x128xi32, #tpu.memory_space<vmem>> -> memref<1x128xi32, #tpu.memory_space<vmem>>
    %dma_start3A_677 = tpu.memref_squeeze %dma_start3A_676 : memref<1x128xi32, #tpu.memory_space<vmem>> -> memref<128xi32, #tpu.memory_space<vmem>>
    %dma_start3A_678 = arith.constant 0 : i32
    %dma_start3A_679 = arith.constant 0 : i32
    %dma_start3A_680 = tpu.memref_slice %arg5[%dma_start3A_678, %dma_start3A_679] : memref<25728x32xf32, #tpu.memory_space<vmem_shared>> -> memref<25728x32xf32, #tpu.memory_space<vmem_shared>>
    tpu.enqueue_indirect_dma source(%dma_start3A_674 : memref<128x32xf32, #tpu.memory_space<vmem>>) target(%dma_start3A_680 : memref<25728x32xf32, #tpu.memory_space<vmem_shared>>) offsets(%dma_start3A_677 : memref<128xi32, #tpu.memory_space<vmem>>) semaphore(%arg9 : memref<!tpu.dma_semaphore, #tpu.memory_space<semaphore_mem>>) {add = true}
    %dma_start3A_681 = arith.constant 35 : i32
    %dma_start3A_682 = arith.constant 640 : i32
    %dma_start3A_683 = arith.constant 0 : i32
    %dma_start3A_684 = tpu.memref_slice %arg8[%dma_start3A_682, %dma_start3A_683] : memref<1280x32xf32, #tpu.memory_space<vmem>> -> memref<128x32xf32, #tpu.memory_space<vmem>>
    %dma_start3A_685 = arith.constant 0 : i32
    %dma_start3A_686 = tpu.memref_slice %arg7[%dma_start3A_681, %dma_start3A_685] : memref<50x128xi32, #tpu.memory_space<vmem>> -> memref<1x128xi32, #tpu.memory_space<vmem>>
    %dma_start3A_687 = tpu.memref_squeeze %dma_start3A_686 : memref<1x128xi32, #tpu.memory_space<vmem>> -> memref<128xi32, #tpu.memory_space<vmem>>
    %dma_start3A_688 = arith.constant 0 : i32
    %dma_start3A_689 = arith.constant 0 : i32
    %dma_start3A_690 = tpu.memref_slice %arg5[%dma_start3A_688, %dma_start3A_689] : memref<25728x32xf32, #tpu.memory_space<vmem_shared>> -> memref<25728x32xf32, #tpu.memory_space<vmem_shared>>
    tpu.enqueue_indirect_dma source(%dma_start3A_684 : memref<128x32xf32, #tpu.memory_space<vmem>>) target(%dma_start3A_690 : memref<25728x32xf32, #tpu.memory_space<vmem_shared>>) offsets(%dma_start3A_687 : memref<128xi32, #tpu.memory_space<vmem>>) semaphore(%arg9 : memref<!tpu.dma_semaphore, #tpu.memory_space<semaphore_mem>>) {add = true}
    %dma_start3A_691 = arith.constant 36 : i32
    %dma_start3A_692 = arith.constant 768 : i32
    %dma_start3A_693 = arith.constant 0 : i32
    %dma_start3A_694 = tpu.memref_slice %arg8[%dma_start3A_692, %dma_start3A_693] : memref<1280x32xf32, #tpu.memory_space<vmem>> -> memref<128x32xf32, #tpu.memory_space<vmem>>
    %dma_start3A_695 = arith.constant 0 : i32
    %dma_start3A_696 = tpu.memref_slice %arg7[%dma_start3A_691, %dma_start3A_695] : memref<50x128xi32, #tpu.memory_space<vmem>> -> memref<1x128xi32, #tpu.memory_space<vmem>>
    %dma_start3A_697 = tpu.memref_squeeze %dma_start3A_696 : memref<1x128xi32, #tpu.memory_space<vmem>> -> memref<128xi32, #tpu.memory_space<vmem>>
    %dma_start3A_698 = arith.constant 0 : i32
    %dma_start3A_699 = arith.constant 0 : i32
    %dma_start3A_700 = tpu.memref_slice %arg5[%dma_start3A_698, %dma_start3A_699] : memref<25728x32xf32, #tpu.memory_space<vmem_shared>> -> memref<25728x32xf32, #tpu.memory_space<vmem_shared>>
    tpu.enqueue_indirect_dma source(%dma_start3A_694 : memref<128x32xf32, #tpu.memory_space<vmem>>) target(%dma_start3A_700 : memref<25728x32xf32, #tpu.memory_space<vmem_shared>>) offsets(%dma_start3A_697 : memref<128xi32, #tpu.memory_space<vmem>>) semaphore(%arg9 : memref<!tpu.dma_semaphore, #tpu.memory_space<semaphore_mem>>) {add = true}
    %dma_start3A_701 = arith.constant 37 : i32
    %dma_start3A_702 = arith.constant 896 : i32
    %dma_start3A_703 = arith.constant 0 : i32
    %dma_start3A_704 = tpu.memref_slice %arg8[%dma_start3A_702, %dma_start3A_703] : memref<1280x32xf32, #tpu.memory_space<vmem>> -> memref<128x32xf32, #tpu.memory_space<vmem>>
    %dma_start3A_705 = arith.constant 0 : i32
    %dma_start3A_706 = tpu.memref_slice %arg7[%dma_start3A_701, %dma_start3A_705] : memref<50x128xi32, #tpu.memory_space<vmem>> -> memref<1x128xi32, #tpu.memory_space<vmem>>
    %dma_start3A_707 = tpu.memref_squeeze %dma_start3A_706 : memref<1x128xi32, #tpu.memory_space<vmem>> -> memref<128xi32, #tpu.memory_space<vmem>>
    %dma_start3A_708 = arith.constant 0 : i32
    %dma_start3A_709 = arith.constant 0 : i32
    %dma_start3A_710 = tpu.memref_slice %arg5[%dma_start3A_708, %dma_start3A_709] : memref<25728x32xf32, #tpu.memory_space<vmem_shared>> -> memref<25728x32xf32, #tpu.memory_space<vmem_shared>>
    tpu.enqueue_indirect_dma source(%dma_start3A_704 : memref<128x32xf32, #tpu.memory_space<vmem>>) target(%dma_start3A_710 : memref<25728x32xf32, #tpu.memory_space<vmem_shared>>) offsets(%dma_start3A_707 : memref<128xi32, #tpu.memory_space<vmem>>) semaphore(%arg9 : memref<!tpu.dma_semaphore, #tpu.memory_space<semaphore_mem>>) {add = true}
    %dma_start3A_711 = arith.constant 38 : i32
    %dma_start3A_712 = arith.constant 1024 : i32
    %dma_start3A_713 = arith.constant 0 : i32
    %dma_start3A_714 = tpu.memref_slice %arg8[%dma_start3A_712, %dma_start3A_713] : memref<1280x32xf32, #tpu.memory_space<vmem>> -> memref<128x32xf32, #tpu.memory_space<vmem>>
    %dma_start3A_715 = arith.constant 0 : i32
    %dma_start3A_716 = tpu.memref_slice %arg7[%dma_start3A_711, %dma_start3A_715] : memref<50x128xi32, #tpu.memory_space<vmem>> -> memref<1x128xi32, #tpu.memory_space<vmem>>
    %dma_start3A_717 = tpu.memref_squeeze %dma_start3A_716 : memref<1x128xi32, #tpu.memory_space<vmem>> -> memref<128xi32, #tpu.memory_space<vmem>>
    %dma_start3A_718 = arith.constant 0 : i32
    %dma_start3A_719 = arith.constant 0 : i32
    %dma_start3A_720 = tpu.memref_slice %arg5[%dma_start3A_718, %dma_start3A_719] : memref<25728x32xf32, #tpu.memory_space<vmem_shared>> -> memref<25728x32xf32, #tpu.memory_space<vmem_shared>>
    tpu.enqueue_indirect_dma source(%dma_start3A_714 : memref<128x32xf32, #tpu.memory_space<vmem>>) target(%dma_start3A_720 : memref<25728x32xf32, #tpu.memory_space<vmem_shared>>) offsets(%dma_start3A_717 : memref<128xi32, #tpu.memory_space<vmem>>) semaphore(%arg9 : memref<!tpu.dma_semaphore, #tpu.memory_space<semaphore_mem>>) {add = true}
    %dma_start3A_721 = arith.constant 39 : i32
    %dma_start3A_722 = arith.constant 1152 : i32
    %dma_start3A_723 = arith.constant 0 : i32
    %dma_start3A_724 = tpu.memref_slice %arg8[%dma_start3A_722, %dma_start3A_723] : memref<1280x32xf32, #tpu.memory_space<vmem>> -> memref<128x32xf32, #tpu.memory_space<vmem>>
    %dma_start3A_725 = arith.constant 0 : i32
    %dma_start3A_726 = tpu.memref_slice %arg7[%dma_start3A_721, %dma_start3A_725] : memref<50x128xi32, #tpu.memory_space<vmem>> -> memref<1x128xi32, #tpu.memory_space<vmem>>
    %dma_start3A_727 = tpu.memref_squeeze %dma_start3A_726 : memref<1x128xi32, #tpu.memory_space<vmem>> -> memref<128xi32, #tpu.memory_space<vmem>>
    %dma_start3A_728 = arith.constant 0 : i32
    %dma_start3A_729 = arith.constant 0 : i32
    %dma_start3A_730 = tpu.memref_slice %arg5[%dma_start3A_728, %dma_start3A_729] : memref<25728x32xf32, #tpu.memory_space<vmem_shared>> -> memref<25728x32xf32, #tpu.memory_space<vmem_shared>>
    tpu.enqueue_indirect_dma source(%dma_start3A_724 : memref<128x32xf32, #tpu.memory_space<vmem>>) target(%dma_start3A_730 : memref<25728x32xf32, #tpu.memory_space<vmem_shared>>) offsets(%dma_start3A_727 : memref<128xi32, #tpu.memory_space<vmem>>) semaphore(%arg9 : memref<!tpu.dma_semaphore, #tpu.memory_space<semaphore_mem>>) {add = true}
    %dma_wait3A_731 = arith.constant 30 : i32
    %dma_wait3A_732 = arith.constant 0 : i32
    %dma_wait3A_733 = arith.constant 0 : i32
    %dma_wait3A_734 = tpu.memref_slice %arg8[%dma_wait3A_732, %dma_wait3A_733] : memref<1280x32xf32, #tpu.memory_space<vmem>> -> memref<128x32xf32, #tpu.memory_space<vmem>>
    %dma_wait3A_735 = arith.constant 0 : i32
    %dma_wait3A_736 = tpu.memref_slice %arg7[%dma_wait3A_731, %dma_wait3A_735] : memref<50x128xi32, #tpu.memory_space<vmem>> -> memref<1x128xi32, #tpu.memory_space<vmem>>
    %dma_wait3A_737 = tpu.memref_squeeze %dma_wait3A_736 : memref<1x128xi32, #tpu.memory_space<vmem>> -> memref<128xi32, #tpu.memory_space<vmem>>
    %dma_wait3A_738 = arith.constant 0 : i32
    %dma_wait3A_739 = arith.constant 0 : i32
    %dma_wait3A_740 = tpu.memref_slice %arg5[%dma_wait3A_738, %dma_wait3A_739] : memref<25728x32xf32, #tpu.memory_space<vmem_shared>> -> memref<25728x32xf32, #tpu.memory_space<vmem_shared>>
    tpu.wait_indirect_dma semaphore(%arg9 : memref<!tpu.dma_semaphore, #tpu.memory_space<semaphore_mem>>) src(%dma_wait3A_734 : memref<128x32xf32, #tpu.memory_space<vmem>>) dst(%dma_wait3A_740 : memref<25728x32xf32, #tpu.memory_space<vmem_shared>>)
    %dma_wait3A_741 = arith.constant 31 : i32
    %dma_wait3A_742 = arith.constant 128 : i32
    %dma_wait3A_743 = arith.constant 0 : i32
    %dma_wait3A_744 = tpu.memref_slice %arg8[%dma_wait3A_742, %dma_wait3A_743] : memref<1280x32xf32, #tpu.memory_space<vmem>> -> memref<128x32xf32, #tpu.memory_space<vmem>>
    %dma_wait3A_745 = arith.constant 0 : i32
    %dma_wait3A_746 = tpu.memref_slice %arg7[%dma_wait3A_741, %dma_wait3A_745] : memref<50x128xi32, #tpu.memory_space<vmem>> -> memref<1x128xi32, #tpu.memory_space<vmem>>
    %dma_wait3A_747 = tpu.memref_squeeze %dma_wait3A_746 : memref<1x128xi32, #tpu.memory_space<vmem>> -> memref<128xi32, #tpu.memory_space<vmem>>
    %dma_wait3A_748 = arith.constant 0 : i32
    %dma_wait3A_749 = arith.constant 0 : i32
    %dma_wait3A_750 = tpu.memref_slice %arg5[%dma_wait3A_748, %dma_wait3A_749] : memref<25728x32xf32, #tpu.memory_space<vmem_shared>> -> memref<25728x32xf32, #tpu.memory_space<vmem_shared>>
    tpu.wait_indirect_dma semaphore(%arg9 : memref<!tpu.dma_semaphore, #tpu.memory_space<semaphore_mem>>) src(%dma_wait3A_744 : memref<128x32xf32, #tpu.memory_space<vmem>>) dst(%dma_wait3A_750 : memref<25728x32xf32, #tpu.memory_space<vmem_shared>>)
    %dma_wait3A_751 = arith.constant 32 : i32
    %dma_wait3A_752 = arith.constant 256 : i32
    %dma_wait3A_753 = arith.constant 0 : i32
    %dma_wait3A_754 = tpu.memref_slice %arg8[%dma_wait3A_752, %dma_wait3A_753] : memref<1280x32xf32, #tpu.memory_space<vmem>> -> memref<128x32xf32, #tpu.memory_space<vmem>>
    %dma_wait3A_755 = arith.constant 0 : i32
    %dma_wait3A_756 = tpu.memref_slice %arg7[%dma_wait3A_751, %dma_wait3A_755] : memref<50x128xi32, #tpu.memory_space<vmem>> -> memref<1x128xi32, #tpu.memory_space<vmem>>
    %dma_wait3A_757 = tpu.memref_squeeze %dma_wait3A_756 : memref<1x128xi32, #tpu.memory_space<vmem>> -> memref<128xi32, #tpu.memory_space<vmem>>
    %dma_wait3A_758 = arith.constant 0 : i32
    %dma_wait3A_759 = arith.constant 0 : i32
    %dma_wait3A_760 = tpu.memref_slice %arg5[%dma_wait3A_758, %dma_wait3A_759] : memref<25728x32xf32, #tpu.memory_space<vmem_shared>> -> memref<25728x32xf32, #tpu.memory_space<vmem_shared>>
    tpu.wait_indirect_dma semaphore(%arg9 : memref<!tpu.dma_semaphore, #tpu.memory_space<semaphore_mem>>) src(%dma_wait3A_754 : memref<128x32xf32, #tpu.memory_space<vmem>>) dst(%dma_wait3A_760 : memref<25728x32xf32, #tpu.memory_space<vmem_shared>>)
    %dma_wait3A_761 = arith.constant 33 : i32
    %dma_wait3A_762 = arith.constant 384 : i32
    %dma_wait3A_763 = arith.constant 0 : i32
    %dma_wait3A_764 = tpu.memref_slice %arg8[%dma_wait3A_762, %dma_wait3A_763] : memref<1280x32xf32, #tpu.memory_space<vmem>> -> memref<128x32xf32, #tpu.memory_space<vmem>>
    %dma_wait3A_765 = arith.constant 0 : i32
    %dma_wait3A_766 = tpu.memref_slice %arg7[%dma_wait3A_761, %dma_wait3A_765] : memref<50x128xi32, #tpu.memory_space<vmem>> -> memref<1x128xi32, #tpu.memory_space<vmem>>
    %dma_wait3A_767 = tpu.memref_squeeze %dma_wait3A_766 : memref<1x128xi32, #tpu.memory_space<vmem>> -> memref<128xi32, #tpu.memory_space<vmem>>
    %dma_wait3A_768 = arith.constant 0 : i32
    %dma_wait3A_769 = arith.constant 0 : i32
    %dma_wait3A_770 = tpu.memref_slice %arg5[%dma_wait3A_768, %dma_wait3A_769] : memref<25728x32xf32, #tpu.memory_space<vmem_shared>> -> memref<25728x32xf32, #tpu.memory_space<vmem_shared>>
    tpu.wait_indirect_dma semaphore(%arg9 : memref<!tpu.dma_semaphore, #tpu.memory_space<semaphore_mem>>) src(%dma_wait3A_764 : memref<128x32xf32, #tpu.memory_space<vmem>>) dst(%dma_wait3A_770 : memref<25728x32xf32, #tpu.memory_space<vmem_shared>>)
    %dma_wait3A_771 = arith.constant 34 : i32
    %dma_wait3A_772 = arith.constant 512 : i32
    %dma_wait3A_773 = arith.constant 0 : i32
    %dma_wait3A_774 = tpu.memref_slice %arg8[%dma_wait3A_772, %dma_wait3A_773] : memref<1280x32xf32, #tpu.memory_space<vmem>> -> memref<128x32xf32, #tpu.memory_space<vmem>>
    %dma_wait3A_775 = arith.constant 0 : i32
    %dma_wait3A_776 = tpu.memref_slice %arg7[%dma_wait3A_771, %dma_wait3A_775] : memref<50x128xi32, #tpu.memory_space<vmem>> -> memref<1x128xi32, #tpu.memory_space<vmem>>
    %dma_wait3A_777 = tpu.memref_squeeze %dma_wait3A_776 : memref<1x128xi32, #tpu.memory_space<vmem>> -> memref<128xi32, #tpu.memory_space<vmem>>
    %dma_wait3A_778 = arith.constant 0 : i32
    %dma_wait3A_779 = arith.constant 0 : i32
    %dma_wait3A_780 = tpu.memref_slice %arg5[%dma_wait3A_778, %dma_wait3A_779] : memref<25728x32xf32, #tpu.memory_space<vmem_shared>> -> memref<25728x32xf32, #tpu.memory_space<vmem_shared>>
    tpu.wait_indirect_dma semaphore(%arg9 : memref<!tpu.dma_semaphore, #tpu.memory_space<semaphore_mem>>) src(%dma_wait3A_774 : memref<128x32xf32, #tpu.memory_space<vmem>>) dst(%dma_wait3A_780 : memref<25728x32xf32, #tpu.memory_space<vmem_shared>>)
    %dma_wait3A_781 = arith.constant 35 : i32
    %dma_wait3A_782 = arith.constant 640 : i32
    %dma_wait3A_783 = arith.constant 0 : i32
    %dma_wait3A_784 = tpu.memref_slice %arg8[%dma_wait3A_782, %dma_wait3A_783] : memref<1280x32xf32, #tpu.memory_space<vmem>> -> memref<128x32xf32, #tpu.memory_space<vmem>>
    %dma_wait3A_785 = arith.constant 0 : i32
    %dma_wait3A_786 = tpu.memref_slice %arg7[%dma_wait3A_781, %dma_wait3A_785] : memref<50x128xi32, #tpu.memory_space<vmem>> -> memref<1x128xi32, #tpu.memory_space<vmem>>
    %dma_wait3A_787 = tpu.memref_squeeze %dma_wait3A_786 : memref<1x128xi32, #tpu.memory_space<vmem>> -> memref<128xi32, #tpu.memory_space<vmem>>
    %dma_wait3A_788 = arith.constant 0 : i32
    %dma_wait3A_789 = arith.constant 0 : i32
    %dma_wait3A_790 = tpu.memref_slice %arg5[%dma_wait3A_788, %dma_wait3A_789] : memref<25728x32xf32, #tpu.memory_space<vmem_shared>> -> memref<25728x32xf32, #tpu.memory_space<vmem_shared>>
    tpu.wait_indirect_dma semaphore(%arg9 : memref<!tpu.dma_semaphore, #tpu.memory_space<semaphore_mem>>) src(%dma_wait3A_784 : memref<128x32xf32, #tpu.memory_space<vmem>>) dst(%dma_wait3A_790 : memref<25728x32xf32, #tpu.memory_space<vmem_shared>>)
    %dma_wait3A_791 = arith.constant 36 : i32
    %dma_wait3A_792 = arith.constant 768 : i32
    %dma_wait3A_793 = arith.constant 0 : i32
    %dma_wait3A_794 = tpu.memref_slice %arg8[%dma_wait3A_792, %dma_wait3A_793] : memref<1280x32xf32, #tpu.memory_space<vmem>> -> memref<128x32xf32, #tpu.memory_space<vmem>>
    %dma_wait3A_795 = arith.constant 0 : i32
    %dma_wait3A_796 = tpu.memref_slice %arg7[%dma_wait3A_791, %dma_wait3A_795] : memref<50x128xi32, #tpu.memory_space<vmem>> -> memref<1x128xi32, #tpu.memory_space<vmem>>
    %dma_wait3A_797 = tpu.memref_squeeze %dma_wait3A_796 : memref<1x128xi32, #tpu.memory_space<vmem>> -> memref<128xi32, #tpu.memory_space<vmem>>
    %dma_wait3A_798 = arith.constant 0 : i32
    %dma_wait3A_799 = arith.constant 0 : i32
    %dma_wait3A_800 = tpu.memref_slice %arg5[%dma_wait3A_798, %dma_wait3A_799] : memref<25728x32xf32, #tpu.memory_space<vmem_shared>> -> memref<25728x32xf32, #tpu.memory_space<vmem_shared>>
    tpu.wait_indirect_dma semaphore(%arg9 : memref<!tpu.dma_semaphore, #tpu.memory_space<semaphore_mem>>) src(%dma_wait3A_794 : memref<128x32xf32, #tpu.memory_space<vmem>>) dst(%dma_wait3A_800 : memref<25728x32xf32, #tpu.memory_space<vmem_shared>>)
    %dma_wait3A_801 = arith.constant 37 : i32
    %dma_wait3A_802 = arith.constant 896 : i32
    %dma_wait3A_803 = arith.constant 0 : i32
    %dma_wait3A_804 = tpu.memref_slice %arg8[%dma_wait3A_802, %dma_wait3A_803] : memref<1280x32xf32, #tpu.memory_space<vmem>> -> memref<128x32xf32, #tpu.memory_space<vmem>>
    %dma_wait3A_805 = arith.constant 0 : i32
    %dma_wait3A_806 = tpu.memref_slice %arg7[%dma_wait3A_801, %dma_wait3A_805] : memref<50x128xi32, #tpu.memory_space<vmem>> -> memref<1x128xi32, #tpu.memory_space<vmem>>
    %dma_wait3A_807 = tpu.memref_squeeze %dma_wait3A_806 : memref<1x128xi32, #tpu.memory_space<vmem>> -> memref<128xi32, #tpu.memory_space<vmem>>
    %dma_wait3A_808 = arith.constant 0 : i32
    %dma_wait3A_809 = arith.constant 0 : i32
    %dma_wait3A_810 = tpu.memref_slice %arg5[%dma_wait3A_808, %dma_wait3A_809] : memref<25728x32xf32, #tpu.memory_space<vmem_shared>> -> memref<25728x32xf32, #tpu.memory_space<vmem_shared>>
    tpu.wait_indirect_dma semaphore(%arg9 : memref<!tpu.dma_semaphore, #tpu.memory_space<semaphore_mem>>) src(%dma_wait3A_804 : memref<128x32xf32, #tpu.memory_space<vmem>>) dst(%dma_wait3A_810 : memref<25728x32xf32, #tpu.memory_space<vmem_shared>>)
    %dma_wait3A_811 = arith.constant 38 : i32
    %dma_wait3A_812 = arith.constant 1024 : i32
    %dma_wait3A_813 = arith.constant 0 : i32
    %dma_wait3A_814 = tpu.memref_slice %arg8[%dma_wait3A_812, %dma_wait3A_813] : memref<1280x32xf32, #tpu.memory_space<vmem>> -> memref<128x32xf32, #tpu.memory_space<vmem>>
    %dma_wait3A_815 = arith.constant 0 : i32
    %dma_wait3A_816 = tpu.memref_slice %arg7[%dma_wait3A_811, %dma_wait3A_815] : memref<50x128xi32, #tpu.memory_space<vmem>> -> memref<1x128xi32, #tpu.memory_space<vmem>>
    %dma_wait3A_817 = tpu.memref_squeeze %dma_wait3A_816 : memref<1x128xi32, #tpu.memory_space<vmem>> -> memref<128xi32, #tpu.memory_space<vmem>>
    %dma_wait3A_818 = arith.constant 0 : i32
    %dma_wait3A_819 = arith.constant 0 : i32
    %dma_wait3A_820 = tpu.memref_slice %arg5[%dma_wait3A_818, %dma_wait3A_819] : memref<25728x32xf32, #tpu.memory_space<vmem_shared>> -> memref<25728x32xf32, #tpu.memory_space<vmem_shared>>
    tpu.wait_indirect_dma semaphore(%arg9 : memref<!tpu.dma_semaphore, #tpu.memory_space<semaphore_mem>>) src(%dma_wait3A_814 : memref<128x32xf32, #tpu.memory_space<vmem>>) dst(%dma_wait3A_820 : memref<25728x32xf32, #tpu.memory_space<vmem_shared>>)
    %dma_wait3A_821 = arith.constant 39 : i32
    %dma_wait3A_822 = arith.constant 1152 : i32
    %dma_wait3A_823 = arith.constant 0 : i32
    %dma_wait3A_824 = tpu.memref_slice %arg8[%dma_wait3A_822, %dma_wait3A_823] : memref<1280x32xf32, #tpu.memory_space<vmem>> -> memref<128x32xf32, #tpu.memory_space<vmem>>
    %dma_wait3A_825 = arith.constant 0 : i32
    %dma_wait3A_826 = tpu.memref_slice %arg7[%dma_wait3A_821, %dma_wait3A_825] : memref<50x128xi32, #tpu.memory_space<vmem>> -> memref<1x128xi32, #tpu.memory_space<vmem>>
    %dma_wait3A_827 = tpu.memref_squeeze %dma_wait3A_826 : memref<1x128xi32, #tpu.memory_space<vmem>> -> memref<128xi32, #tpu.memory_space<vmem>>
    %dma_wait3A_828 = arith.constant 0 : i32
    %dma_wait3A_829 = arith.constant 0 : i32
    %dma_wait3A_830 = tpu.memref_slice %arg5[%dma_wait3A_828, %dma_wait3A_829] : memref<25728x32xf32, #tpu.memory_space<vmem_shared>> -> memref<25728x32xf32, #tpu.memory_space<vmem_shared>>
    tpu.wait_indirect_dma semaphore(%arg9 : memref<!tpu.dma_semaphore, #tpu.memory_space<semaphore_mem>>) src(%dma_wait3A_824 : memref<128x32xf32, #tpu.memory_space<vmem>>) dst(%dma_wait3A_830 : memref<25728x32xf32, #tpu.memory_space<vmem_shared>>)
    %add3A_831 = arith.constant 5120 : i32
    %add3A_832 = arith.addi %mul3A_15, %add3A_831 : i32
    "tpu.region"() ({
      %run_scoped3A = tpu.sem_alloc : memref<!tpu.dma_semaphore, #tpu.memory_space<semaphore_mem>>
      %dma_start3A_1041 = arith.constant 0 : i32
      %dma_start3A_1042 = tpu.memref_slice %arg3[%add3A_832, %dma_start3A_1041] : memref<102400x32xf32, #tpu.memory_space<hbm>> -> memref<1280x32xf32, #tpu.memory_space<hbm>>
      %dma_start3A_1043 = arith.constant 0 : i32
      %dma_start3A_1044 = tpu.memref_slice %arg3[%add3A_832, %dma_start3A_1043] : memref<102400x32xf32, #tpu.memory_space<hbm>> -> memref<1280x32xf32, #tpu.memory_space<hbm>>
      tpu.enqueue_dma source(%dma_start3A_1044 : memref<1280x32xf32, #tpu.memory_space<hbm>>) target(%arg8 : memref<1280x32xf32, #tpu.memory_space<vmem>>) target_semaphore(%run_scoped3A : memref<!tpu.dma_semaphore, #tpu.memory_space<semaphore_mem>>)
      %dma_wait3A_1045 = arith.constant 0 : i32
      %dma_wait3A_1046 = tpu.memref_slice %arg3[%add3A_832, %dma_wait3A_1045] : memref<102400x32xf32, #tpu.memory_space<hbm>> -> memref<1280x32xf32, #tpu.memory_space<hbm>>
      %dma_wait3A_1047 = arith.constant 0 : i32
      %dma_wait3A_1048 = tpu.memref_slice %arg3[%add3A_832, %dma_wait3A_1047] : memref<102400x32xf32, #tpu.memory_space<hbm>> -> memref<1280x32xf32, #tpu.memory_space<hbm>>
      tpu.wait_dma2 semaphore(%run_scoped3A : memref<!tpu.dma_semaphore, #tpu.memory_space<semaphore_mem>>) src(%dma_wait3A_1048 : memref<1280x32xf32, #tpu.memory_space<hbm>>) dst(%arg8 : memref<1280x32xf32, #tpu.memory_space<vmem>>)
      tpu.yield
    }) : () -> ()
    %dma_start3A_833 = arith.constant 40 : i32
    %dma_start3A_834 = arith.constant 0 : i32
    %dma_start3A_835 = arith.constant 0 : i32
    %dma_start3A_836 = tpu.memref_slice %arg8[%dma_start3A_834, %dma_start3A_835] : memref<1280x32xf32, #tpu.memory_space<vmem>> -> memref<128x32xf32, #tpu.memory_space<vmem>>
    %dma_start3A_837 = arith.constant 0 : i32
    %dma_start3A_838 = tpu.memref_slice %arg7[%dma_start3A_833, %dma_start3A_837] : memref<50x128xi32, #tpu.memory_space<vmem>> -> memref<1x128xi32, #tpu.memory_space<vmem>>
    %dma_start3A_839 = tpu.memref_squeeze %dma_start3A_838 : memref<1x128xi32, #tpu.memory_space<vmem>> -> memref<128xi32, #tpu.memory_space<vmem>>
    %dma_start3A_840 = arith.constant 0 : i32
    %dma_start3A_841 = arith.constant 0 : i32
    %dma_start3A_842 = tpu.memref_slice %arg5[%dma_start3A_840, %dma_start3A_841] : memref<25728x32xf32, #tpu.memory_space<vmem_shared>> -> memref<25728x32xf32, #tpu.memory_space<vmem_shared>>
    tpu.enqueue_indirect_dma source(%dma_start3A_836 : memref<128x32xf32, #tpu.memory_space<vmem>>) target(%dma_start3A_842 : memref<25728x32xf32, #tpu.memory_space<vmem_shared>>) offsets(%dma_start3A_839 : memref<128xi32, #tpu.memory_space<vmem>>) semaphore(%arg9 : memref<!tpu.dma_semaphore, #tpu.memory_space<semaphore_mem>>) {add = true}
    %dma_start3A_843 = arith.constant 41 : i32
    %dma_start3A_844 = arith.constant 128 : i32
    %dma_start3A_845 = arith.constant 0 : i32
    %dma_start3A_846 = tpu.memref_slice %arg8[%dma_start3A_844, %dma_start3A_845] : memref<1280x32xf32, #tpu.memory_space<vmem>> -> memref<128x32xf32, #tpu.memory_space<vmem>>
    %dma_start3A_847 = arith.constant 0 : i32
    %dma_start3A_848 = tpu.memref_slice %arg7[%dma_start3A_843, %dma_start3A_847] : memref<50x128xi32, #tpu.memory_space<vmem>> -> memref<1x128xi32, #tpu.memory_space<vmem>>
    %dma_start3A_849 = tpu.memref_squeeze %dma_start3A_848 : memref<1x128xi32, #tpu.memory_space<vmem>> -> memref<128xi32, #tpu.memory_space<vmem>>
    %dma_start3A_850 = arith.constant 0 : i32
    %dma_start3A_851 = arith.constant 0 : i32
    %dma_start3A_852 = tpu.memref_slice %arg5[%dma_start3A_850, %dma_start3A_851] : memref<25728x32xf32, #tpu.memory_space<vmem_shared>> -> memref<25728x32xf32, #tpu.memory_space<vmem_shared>>
    tpu.enqueue_indirect_dma source(%dma_start3A_846 : memref<128x32xf32, #tpu.memory_space<vmem>>) target(%dma_start3A_852 : memref<25728x32xf32, #tpu.memory_space<vmem_shared>>) offsets(%dma_start3A_849 : memref<128xi32, #tpu.memory_space<vmem>>) semaphore(%arg9 : memref<!tpu.dma_semaphore, #tpu.memory_space<semaphore_mem>>) {add = true}
    %dma_start3A_853 = arith.constant 42 : i32
    %dma_start3A_854 = arith.constant 256 : i32
    %dma_start3A_855 = arith.constant 0 : i32
    %dma_start3A_856 = tpu.memref_slice %arg8[%dma_start3A_854, %dma_start3A_855] : memref<1280x32xf32, #tpu.memory_space<vmem>> -> memref<128x32xf32, #tpu.memory_space<vmem>>
    %dma_start3A_857 = arith.constant 0 : i32
    %dma_start3A_858 = tpu.memref_slice %arg7[%dma_start3A_853, %dma_start3A_857] : memref<50x128xi32, #tpu.memory_space<vmem>> -> memref<1x128xi32, #tpu.memory_space<vmem>>
    %dma_start3A_859 = tpu.memref_squeeze %dma_start3A_858 : memref<1x128xi32, #tpu.memory_space<vmem>> -> memref<128xi32, #tpu.memory_space<vmem>>
    %dma_start3A_860 = arith.constant 0 : i32
    %dma_start3A_861 = arith.constant 0 : i32
    %dma_start3A_862 = tpu.memref_slice %arg5[%dma_start3A_860, %dma_start3A_861] : memref<25728x32xf32, #tpu.memory_space<vmem_shared>> -> memref<25728x32xf32, #tpu.memory_space<vmem_shared>>
    tpu.enqueue_indirect_dma source(%dma_start3A_856 : memref<128x32xf32, #tpu.memory_space<vmem>>) target(%dma_start3A_862 : memref<25728x32xf32, #tpu.memory_space<vmem_shared>>) offsets(%dma_start3A_859 : memref<128xi32, #tpu.memory_space<vmem>>) semaphore(%arg9 : memref<!tpu.dma_semaphore, #tpu.memory_space<semaphore_mem>>) {add = true}
    %dma_start3A_863 = arith.constant 43 : i32
    %dma_start3A_864 = arith.constant 384 : i32
    %dma_start3A_865 = arith.constant 0 : i32
    %dma_start3A_866 = tpu.memref_slice %arg8[%dma_start3A_864, %dma_start3A_865] : memref<1280x32xf32, #tpu.memory_space<vmem>> -> memref<128x32xf32, #tpu.memory_space<vmem>>
    %dma_start3A_867 = arith.constant 0 : i32
    %dma_start3A_868 = tpu.memref_slice %arg7[%dma_start3A_863, %dma_start3A_867] : memref<50x128xi32, #tpu.memory_space<vmem>> -> memref<1x128xi32, #tpu.memory_space<vmem>>
    %dma_start3A_869 = tpu.memref_squeeze %dma_start3A_868 : memref<1x128xi32, #tpu.memory_space<vmem>> -> memref<128xi32, #tpu.memory_space<vmem>>
    %dma_start3A_870 = arith.constant 0 : i32
    %dma_start3A_871 = arith.constant 0 : i32
    %dma_start3A_872 = tpu.memref_slice %arg5[%dma_start3A_870, %dma_start3A_871] : memref<25728x32xf32, #tpu.memory_space<vmem_shared>> -> memref<25728x32xf32, #tpu.memory_space<vmem_shared>>
    tpu.enqueue_indirect_dma source(%dma_start3A_866 : memref<128x32xf32, #tpu.memory_space<vmem>>) target(%dma_start3A_872 : memref<25728x32xf32, #tpu.memory_space<vmem_shared>>) offsets(%dma_start3A_869 : memref<128xi32, #tpu.memory_space<vmem>>) semaphore(%arg9 : memref<!tpu.dma_semaphore, #tpu.memory_space<semaphore_mem>>) {add = true}
    %dma_start3A_873 = arith.constant 44 : i32
    %dma_start3A_874 = arith.constant 512 : i32
    %dma_start3A_875 = arith.constant 0 : i32
    %dma_start3A_876 = tpu.memref_slice %arg8[%dma_start3A_874, %dma_start3A_875] : memref<1280x32xf32, #tpu.memory_space<vmem>> -> memref<128x32xf32, #tpu.memory_space<vmem>>
    %dma_start3A_877 = arith.constant 0 : i32
    %dma_start3A_878 = tpu.memref_slice %arg7[%dma_start3A_873, %dma_start3A_877] : memref<50x128xi32, #tpu.memory_space<vmem>> -> memref<1x128xi32, #tpu.memory_space<vmem>>
    %dma_start3A_879 = tpu.memref_squeeze %dma_start3A_878 : memref<1x128xi32, #tpu.memory_space<vmem>> -> memref<128xi32, #tpu.memory_space<vmem>>
    %dma_start3A_880 = arith.constant 0 : i32
    %dma_start3A_881 = arith.constant 0 : i32
    %dma_start3A_882 = tpu.memref_slice %arg5[%dma_start3A_880, %dma_start3A_881] : memref<25728x32xf32, #tpu.memory_space<vmem_shared>> -> memref<25728x32xf32, #tpu.memory_space<vmem_shared>>
    tpu.enqueue_indirect_dma source(%dma_start3A_876 : memref<128x32xf32, #tpu.memory_space<vmem>>) target(%dma_start3A_882 : memref<25728x32xf32, #tpu.memory_space<vmem_shared>>) offsets(%dma_start3A_879 : memref<128xi32, #tpu.memory_space<vmem>>) semaphore(%arg9 : memref<!tpu.dma_semaphore, #tpu.memory_space<semaphore_mem>>) {add = true}
    %dma_start3A_883 = arith.constant 45 : i32
    %dma_start3A_884 = arith.constant 640 : i32
    %dma_start3A_885 = arith.constant 0 : i32
    %dma_start3A_886 = tpu.memref_slice %arg8[%dma_start3A_884, %dma_start3A_885] : memref<1280x32xf32, #tpu.memory_space<vmem>> -> memref<128x32xf32, #tpu.memory_space<vmem>>
    %dma_start3A_887 = arith.constant 0 : i32
    %dma_start3A_888 = tpu.memref_slice %arg7[%dma_start3A_883, %dma_start3A_887] : memref<50x128xi32, #tpu.memory_space<vmem>> -> memref<1x128xi32, #tpu.memory_space<vmem>>
    %dma_start3A_889 = tpu.memref_squeeze %dma_start3A_888 : memref<1x128xi32, #tpu.memory_space<vmem>> -> memref<128xi32, #tpu.memory_space<vmem>>
    %dma_start3A_890 = arith.constant 0 : i32
    %dma_start3A_891 = arith.constant 0 : i32
    %dma_start3A_892 = tpu.memref_slice %arg5[%dma_start3A_890, %dma_start3A_891] : memref<25728x32xf32, #tpu.memory_space<vmem_shared>> -> memref<25728x32xf32, #tpu.memory_space<vmem_shared>>
    tpu.enqueue_indirect_dma source(%dma_start3A_886 : memref<128x32xf32, #tpu.memory_space<vmem>>) target(%dma_start3A_892 : memref<25728x32xf32, #tpu.memory_space<vmem_shared>>) offsets(%dma_start3A_889 : memref<128xi32, #tpu.memory_space<vmem>>) semaphore(%arg9 : memref<!tpu.dma_semaphore, #tpu.memory_space<semaphore_mem>>) {add = true}
    %dma_start3A_893 = arith.constant 46 : i32
    %dma_start3A_894 = arith.constant 768 : i32
    %dma_start3A_895 = arith.constant 0 : i32
    %dma_start3A_896 = tpu.memref_slice %arg8[%dma_start3A_894, %dma_start3A_895] : memref<1280x32xf32, #tpu.memory_space<vmem>> -> memref<128x32xf32, #tpu.memory_space<vmem>>
    %dma_start3A_897 = arith.constant 0 : i32
    %dma_start3A_898 = tpu.memref_slice %arg7[%dma_start3A_893, %dma_start3A_897] : memref<50x128xi32, #tpu.memory_space<vmem>> -> memref<1x128xi32, #tpu.memory_space<vmem>>
    %dma_start3A_899 = tpu.memref_squeeze %dma_start3A_898 : memref<1x128xi32, #tpu.memory_space<vmem>> -> memref<128xi32, #tpu.memory_space<vmem>>
    %dma_start3A_900 = arith.constant 0 : i32
    %dma_start3A_901 = arith.constant 0 : i32
    %dma_start3A_902 = tpu.memref_slice %arg5[%dma_start3A_900, %dma_start3A_901] : memref<25728x32xf32, #tpu.memory_space<vmem_shared>> -> memref<25728x32xf32, #tpu.memory_space<vmem_shared>>
    tpu.enqueue_indirect_dma source(%dma_start3A_896 : memref<128x32xf32, #tpu.memory_space<vmem>>) target(%dma_start3A_902 : memref<25728x32xf32, #tpu.memory_space<vmem_shared>>) offsets(%dma_start3A_899 : memref<128xi32, #tpu.memory_space<vmem>>) semaphore(%arg9 : memref<!tpu.dma_semaphore, #tpu.memory_space<semaphore_mem>>) {add = true}
    %dma_start3A_903 = arith.constant 47 : i32
    %dma_start3A_904 = arith.constant 896 : i32
    %dma_start3A_905 = arith.constant 0 : i32
    %dma_start3A_906 = tpu.memref_slice %arg8[%dma_start3A_904, %dma_start3A_905] : memref<1280x32xf32, #tpu.memory_space<vmem>> -> memref<128x32xf32, #tpu.memory_space<vmem>>
    %dma_start3A_907 = arith.constant 0 : i32
    %dma_start3A_908 = tpu.memref_slice %arg7[%dma_start3A_903, %dma_start3A_907] : memref<50x128xi32, #tpu.memory_space<vmem>> -> memref<1x128xi32, #tpu.memory_space<vmem>>
    %dma_start3A_909 = tpu.memref_squeeze %dma_start3A_908 : memref<1x128xi32, #tpu.memory_space<vmem>> -> memref<128xi32, #tpu.memory_space<vmem>>
    %dma_start3A_910 = arith.constant 0 : i32
    %dma_start3A_911 = arith.constant 0 : i32
    %dma_start3A_912 = tpu.memref_slice %arg5[%dma_start3A_910, %dma_start3A_911] : memref<25728x32xf32, #tpu.memory_space<vmem_shared>> -> memref<25728x32xf32, #tpu.memory_space<vmem_shared>>
    tpu.enqueue_indirect_dma source(%dma_start3A_906 : memref<128x32xf32, #tpu.memory_space<vmem>>) target(%dma_start3A_912 : memref<25728x32xf32, #tpu.memory_space<vmem_shared>>) offsets(%dma_start3A_909 : memref<128xi32, #tpu.memory_space<vmem>>) semaphore(%arg9 : memref<!tpu.dma_semaphore, #tpu.memory_space<semaphore_mem>>) {add = true}
    %dma_start3A_913 = arith.constant 48 : i32
    %dma_start3A_914 = arith.constant 1024 : i32
    %dma_start3A_915 = arith.constant 0 : i32
    %dma_start3A_916 = tpu.memref_slice %arg8[%dma_start3A_914, %dma_start3A_915] : memref<1280x32xf32, #tpu.memory_space<vmem>> -> memref<128x32xf32, #tpu.memory_space<vmem>>
    %dma_start3A_917 = arith.constant 0 : i32
    %dma_start3A_918 = tpu.memref_slice %arg7[%dma_start3A_913, %dma_start3A_917] : memref<50x128xi32, #tpu.memory_space<vmem>> -> memref<1x128xi32, #tpu.memory_space<vmem>>
    %dma_start3A_919 = tpu.memref_squeeze %dma_start3A_918 : memref<1x128xi32, #tpu.memory_space<vmem>> -> memref<128xi32, #tpu.memory_space<vmem>>
    %dma_start3A_920 = arith.constant 0 : i32
    %dma_start3A_921 = arith.constant 0 : i32
    %dma_start3A_922 = tpu.memref_slice %arg5[%dma_start3A_920, %dma_start3A_921] : memref<25728x32xf32, #tpu.memory_space<vmem_shared>> -> memref<25728x32xf32, #tpu.memory_space<vmem_shared>>
    tpu.enqueue_indirect_dma source(%dma_start3A_916 : memref<128x32xf32, #tpu.memory_space<vmem>>) target(%dma_start3A_922 : memref<25728x32xf32, #tpu.memory_space<vmem_shared>>) offsets(%dma_start3A_919 : memref<128xi32, #tpu.memory_space<vmem>>) semaphore(%arg9 : memref<!tpu.dma_semaphore, #tpu.memory_space<semaphore_mem>>) {add = true}
    %dma_start3A_923 = arith.constant 49 : i32
    %dma_start3A_924 = arith.constant 1152 : i32
    %dma_start3A_925 = arith.constant 0 : i32
    %dma_start3A_926 = tpu.memref_slice %arg8[%dma_start3A_924, %dma_start3A_925] : memref<1280x32xf32, #tpu.memory_space<vmem>> -> memref<128x32xf32, #tpu.memory_space<vmem>>
    %dma_start3A_927 = arith.constant 0 : i32
    %dma_start3A_928 = tpu.memref_slice %arg7[%dma_start3A_923, %dma_start3A_927] : memref<50x128xi32, #tpu.memory_space<vmem>> -> memref<1x128xi32, #tpu.memory_space<vmem>>
    %dma_start3A_929 = tpu.memref_squeeze %dma_start3A_928 : memref<1x128xi32, #tpu.memory_space<vmem>> -> memref<128xi32, #tpu.memory_space<vmem>>
    %dma_start3A_930 = arith.constant 0 : i32
    %dma_start3A_931 = arith.constant 0 : i32
    %dma_start3A_932 = tpu.memref_slice %arg5[%dma_start3A_930, %dma_start3A_931] : memref<25728x32xf32, #tpu.memory_space<vmem_shared>> -> memref<25728x32xf32, #tpu.memory_space<vmem_shared>>
    tpu.enqueue_indirect_dma source(%dma_start3A_926 : memref<128x32xf32, #tpu.memory_space<vmem>>) target(%dma_start3A_932 : memref<25728x32xf32, #tpu.memory_space<vmem_shared>>) offsets(%dma_start3A_929 : memref<128xi32, #tpu.memory_space<vmem>>) semaphore(%arg9 : memref<!tpu.dma_semaphore, #tpu.memory_space<semaphore_mem>>) {add = true}
    %dma_wait3A_933 = arith.constant 40 : i32
    %dma_wait3A_934 = arith.constant 0 : i32
    %dma_wait3A_935 = arith.constant 0 : i32
    %dma_wait3A_936 = tpu.memref_slice %arg8[%dma_wait3A_934, %dma_wait3A_935] : memref<1280x32xf32, #tpu.memory_space<vmem>> -> memref<128x32xf32, #tpu.memory_space<vmem>>
    %dma_wait3A_937 = arith.constant 0 : i32
    %dma_wait3A_938 = tpu.memref_slice %arg7[%dma_wait3A_933, %dma_wait3A_937] : memref<50x128xi32, #tpu.memory_space<vmem>> -> memref<1x128xi32, #tpu.memory_space<vmem>>
    %dma_wait3A_939 = tpu.memref_squeeze %dma_wait3A_938 : memref<1x128xi32, #tpu.memory_space<vmem>> -> memref<128xi32, #tpu.memory_space<vmem>>
    %dma_wait3A_940 = arith.constant 0 : i32
    %dma_wait3A_941 = arith.constant 0 : i32
    %dma_wait3A_942 = tpu.memref_slice %arg5[%dma_wait3A_940, %dma_wait3A_941] : memref<25728x32xf32, #tpu.memory_space<vmem_shared>> -> memref<25728x32xf32, #tpu.memory_space<vmem_shared>>
    tpu.wait_indirect_dma semaphore(%arg9 : memref<!tpu.dma_semaphore, #tpu.memory_space<semaphore_mem>>) src(%dma_wait3A_936 : memref<128x32xf32, #tpu.memory_space<vmem>>) dst(%dma_wait3A_942 : memref<25728x32xf32, #tpu.memory_space<vmem_shared>>)
    %dma_wait3A_943 = arith.constant 41 : i32
    %dma_wait3A_944 = arith.constant 128 : i32
    %dma_wait3A_945 = arith.constant 0 : i32
    %dma_wait3A_946 = tpu.memref_slice %arg8[%dma_wait3A_944, %dma_wait3A_945] : memref<1280x32xf32, #tpu.memory_space<vmem>> -> memref<128x32xf32, #tpu.memory_space<vmem>>
    %dma_wait3A_947 = arith.constant 0 : i32
    %dma_wait3A_948 = tpu.memref_slice %arg7[%dma_wait3A_943, %dma_wait3A_947] : memref<50x128xi32, #tpu.memory_space<vmem>> -> memref<1x128xi32, #tpu.memory_space<vmem>>
    %dma_wait3A_949 = tpu.memref_squeeze %dma_wait3A_948 : memref<1x128xi32, #tpu.memory_space<vmem>> -> memref<128xi32, #tpu.memory_space<vmem>>
    %dma_wait3A_950 = arith.constant 0 : i32
    %dma_wait3A_951 = arith.constant 0 : i32
    %dma_wait3A_952 = tpu.memref_slice %arg5[%dma_wait3A_950, %dma_wait3A_951] : memref<25728x32xf32, #tpu.memory_space<vmem_shared>> -> memref<25728x32xf32, #tpu.memory_space<vmem_shared>>
    tpu.wait_indirect_dma semaphore(%arg9 : memref<!tpu.dma_semaphore, #tpu.memory_space<semaphore_mem>>) src(%dma_wait3A_946 : memref<128x32xf32, #tpu.memory_space<vmem>>) dst(%dma_wait3A_952 : memref<25728x32xf32, #tpu.memory_space<vmem_shared>>)
    %dma_wait3A_953 = arith.constant 42 : i32
    %dma_wait3A_954 = arith.constant 256 : i32
    %dma_wait3A_955 = arith.constant 0 : i32
    %dma_wait3A_956 = tpu.memref_slice %arg8[%dma_wait3A_954, %dma_wait3A_955] : memref<1280x32xf32, #tpu.memory_space<vmem>> -> memref<128x32xf32, #tpu.memory_space<vmem>>
    %dma_wait3A_957 = arith.constant 0 : i32
    %dma_wait3A_958 = tpu.memref_slice %arg7[%dma_wait3A_953, %dma_wait3A_957] : memref<50x128xi32, #tpu.memory_space<vmem>> -> memref<1x128xi32, #tpu.memory_space<vmem>>
    %dma_wait3A_959 = tpu.memref_squeeze %dma_wait3A_958 : memref<1x128xi32, #tpu.memory_space<vmem>> -> memref<128xi32, #tpu.memory_space<vmem>>
    %dma_wait3A_960 = arith.constant 0 : i32
    %dma_wait3A_961 = arith.constant 0 : i32
    %dma_wait3A_962 = tpu.memref_slice %arg5[%dma_wait3A_960, %dma_wait3A_961] : memref<25728x32xf32, #tpu.memory_space<vmem_shared>> -> memref<25728x32xf32, #tpu.memory_space<vmem_shared>>
    tpu.wait_indirect_dma semaphore(%arg9 : memref<!tpu.dma_semaphore, #tpu.memory_space<semaphore_mem>>) src(%dma_wait3A_956 : memref<128x32xf32, #tpu.memory_space<vmem>>) dst(%dma_wait3A_962 : memref<25728x32xf32, #tpu.memory_space<vmem_shared>>)
    %dma_wait3A_963 = arith.constant 43 : i32
    %dma_wait3A_964 = arith.constant 384 : i32
    %dma_wait3A_965 = arith.constant 0 : i32
    %dma_wait3A_966 = tpu.memref_slice %arg8[%dma_wait3A_964, %dma_wait3A_965] : memref<1280x32xf32, #tpu.memory_space<vmem>> -> memref<128x32xf32, #tpu.memory_space<vmem>>
    %dma_wait3A_967 = arith.constant 0 : i32
    %dma_wait3A_968 = tpu.memref_slice %arg7[%dma_wait3A_963, %dma_wait3A_967] : memref<50x128xi32, #tpu.memory_space<vmem>> -> memref<1x128xi32, #tpu.memory_space<vmem>>
    %dma_wait3A_969 = tpu.memref_squeeze %dma_wait3A_968 : memref<1x128xi32, #tpu.memory_space<vmem>> -> memref<128xi32, #tpu.memory_space<vmem>>
    %dma_wait3A_970 = arith.constant 0 : i32
    %dma_wait3A_971 = arith.constant 0 : i32
    %dma_wait3A_972 = tpu.memref_slice %arg5[%dma_wait3A_970, %dma_wait3A_971] : memref<25728x32xf32, #tpu.memory_space<vmem_shared>> -> memref<25728x32xf32, #tpu.memory_space<vmem_shared>>
    tpu.wait_indirect_dma semaphore(%arg9 : memref<!tpu.dma_semaphore, #tpu.memory_space<semaphore_mem>>) src(%dma_wait3A_966 : memref<128x32xf32, #tpu.memory_space<vmem>>) dst(%dma_wait3A_972 : memref<25728x32xf32, #tpu.memory_space<vmem_shared>>)
    %dma_wait3A_973 = arith.constant 44 : i32
    %dma_wait3A_974 = arith.constant 512 : i32
    %dma_wait3A_975 = arith.constant 0 : i32
    %dma_wait3A_976 = tpu.memref_slice %arg8[%dma_wait3A_974, %dma_wait3A_975] : memref<1280x32xf32, #tpu.memory_space<vmem>> -> memref<128x32xf32, #tpu.memory_space<vmem>>
    %dma_wait3A_977 = arith.constant 0 : i32
    %dma_wait3A_978 = tpu.memref_slice %arg7[%dma_wait3A_973, %dma_wait3A_977] : memref<50x128xi32, #tpu.memory_space<vmem>> -> memref<1x128xi32, #tpu.memory_space<vmem>>
    %dma_wait3A_979 = tpu.memref_squeeze %dma_wait3A_978 : memref<1x128xi32, #tpu.memory_space<vmem>> -> memref<128xi32, #tpu.memory_space<vmem>>
    %dma_wait3A_980 = arith.constant 0 : i32
    %dma_wait3A_981 = arith.constant 0 : i32
    %dma_wait3A_982 = tpu.memref_slice %arg5[%dma_wait3A_980, %dma_wait3A_981] : memref<25728x32xf32, #tpu.memory_space<vmem_shared>> -> memref<25728x32xf32, #tpu.memory_space<vmem_shared>>
    tpu.wait_indirect_dma semaphore(%arg9 : memref<!tpu.dma_semaphore, #tpu.memory_space<semaphore_mem>>) src(%dma_wait3A_976 : memref<128x32xf32, #tpu.memory_space<vmem>>) dst(%dma_wait3A_982 : memref<25728x32xf32, #tpu.memory_space<vmem_shared>>)
    %dma_wait3A_983 = arith.constant 45 : i32
    %dma_wait3A_984 = arith.constant 640 : i32
    %dma_wait3A_985 = arith.constant 0 : i32
    %dma_wait3A_986 = tpu.memref_slice %arg8[%dma_wait3A_984, %dma_wait3A_985] : memref<1280x32xf32, #tpu.memory_space<vmem>> -> memref<128x32xf32, #tpu.memory_space<vmem>>
    %dma_wait3A_987 = arith.constant 0 : i32
    %dma_wait3A_988 = tpu.memref_slice %arg7[%dma_wait3A_983, %dma_wait3A_987] : memref<50x128xi32, #tpu.memory_space<vmem>> -> memref<1x128xi32, #tpu.memory_space<vmem>>
    %dma_wait3A_989 = tpu.memref_squeeze %dma_wait3A_988 : memref<1x128xi32, #tpu.memory_space<vmem>> -> memref<128xi32, #tpu.memory_space<vmem>>
    %dma_wait3A_990 = arith.constant 0 : i32
    %dma_wait3A_991 = arith.constant 0 : i32
    %dma_wait3A_992 = tpu.memref_slice %arg5[%dma_wait3A_990, %dma_wait3A_991] : memref<25728x32xf32, #tpu.memory_space<vmem_shared>> -> memref<25728x32xf32, #tpu.memory_space<vmem_shared>>
    tpu.wait_indirect_dma semaphore(%arg9 : memref<!tpu.dma_semaphore, #tpu.memory_space<semaphore_mem>>) src(%dma_wait3A_986 : memref<128x32xf32, #tpu.memory_space<vmem>>) dst(%dma_wait3A_992 : memref<25728x32xf32, #tpu.memory_space<vmem_shared>>)
    %dma_wait3A_993 = arith.constant 46 : i32
    %dma_wait3A_994 = arith.constant 768 : i32
    %dma_wait3A_995 = arith.constant 0 : i32
    %dma_wait3A_996 = tpu.memref_slice %arg8[%dma_wait3A_994, %dma_wait3A_995] : memref<1280x32xf32, #tpu.memory_space<vmem>> -> memref<128x32xf32, #tpu.memory_space<vmem>>
    %dma_wait3A_997 = arith.constant 0 : i32
    %dma_wait3A_998 = tpu.memref_slice %arg7[%dma_wait3A_993, %dma_wait3A_997] : memref<50x128xi32, #tpu.memory_space<vmem>> -> memref<1x128xi32, #tpu.memory_space<vmem>>
    %dma_wait3A_999 = tpu.memref_squeeze %dma_wait3A_998 : memref<1x128xi32, #tpu.memory_space<vmem>> -> memref<128xi32, #tpu.memory_space<vmem>>
    %dma_wait3A_1000 = arith.constant 0 : i32
    %dma_wait3A_1001 = arith.constant 0 : i32
    %dma_wait3A_1002 = tpu.memref_slice %arg5[%dma_wait3A_1000, %dma_wait3A_1001] : memref<25728x32xf32, #tpu.memory_space<vmem_shared>> -> memref<25728x32xf32, #tpu.memory_space<vmem_shared>>
    tpu.wait_indirect_dma semaphore(%arg9 : memref<!tpu.dma_semaphore, #tpu.memory_space<semaphore_mem>>) src(%dma_wait3A_996 : memref<128x32xf32, #tpu.memory_space<vmem>>) dst(%dma_wait3A_1002 : memref<25728x32xf32, #tpu.memory_space<vmem_shared>>)
    %dma_wait3A_1003 = arith.constant 47 : i32
    %dma_wait3A_1004 = arith.constant 896 : i32
    %dma_wait3A_1005 = arith.constant 0 : i32
    %dma_wait3A_1006 = tpu.memref_slice %arg8[%dma_wait3A_1004, %dma_wait3A_1005] : memref<1280x32xf32, #tpu.memory_space<vmem>> -> memref<128x32xf32, #tpu.memory_space<vmem>>
    %dma_wait3A_1007 = arith.constant 0 : i32
    %dma_wait3A_1008 = tpu.memref_slice %arg7[%dma_wait3A_1003, %dma_wait3A_1007] : memref<50x128xi32, #tpu.memory_space<vmem>> -> memref<1x128xi32, #tpu.memory_space<vmem>>
    %dma_wait3A_1009 = tpu.memref_squeeze %dma_wait3A_1008 : memref<1x128xi32, #tpu.memory_space<vmem>> -> memref<128xi32, #tpu.memory_space<vmem>>
    %dma_wait3A_1010 = arith.constant 0 : i32
    %dma_wait3A_1011 = arith.constant 0 : i32
    %dma_wait3A_1012 = tpu.memref_slice %arg5[%dma_wait3A_1010, %dma_wait3A_1011] : memref<25728x32xf32, #tpu.memory_space<vmem_shared>> -> memref<25728x32xf32, #tpu.memory_space<vmem_shared>>
    tpu.wait_indirect_dma semaphore(%arg9 : memref<!tpu.dma_semaphore, #tpu.memory_space<semaphore_mem>>) src(%dma_wait3A_1006 : memref<128x32xf32, #tpu.memory_space<vmem>>) dst(%dma_wait3A_1012 : memref<25728x32xf32, #tpu.memory_space<vmem_shared>>)
    %dma_wait3A_1013 = arith.constant 48 : i32
    %dma_wait3A_1014 = arith.constant 1024 : i32
    %dma_wait3A_1015 = arith.constant 0 : i32
    %dma_wait3A_1016 = tpu.memref_slice %arg8[%dma_wait3A_1014, %dma_wait3A_1015] : memref<1280x32xf32, #tpu.memory_space<vmem>> -> memref<128x32xf32, #tpu.memory_space<vmem>>
    %dma_wait3A_1017 = arith.constant 0 : i32
    %dma_wait3A_1018 = tpu.memref_slice %arg7[%dma_wait3A_1013, %dma_wait3A_1017] : memref<50x128xi32, #tpu.memory_space<vmem>> -> memref<1x128xi32, #tpu.memory_space<vmem>>
    %dma_wait3A_1019 = tpu.memref_squeeze %dma_wait3A_1018 : memref<1x128xi32, #tpu.memory_space<vmem>> -> memref<128xi32, #tpu.memory_space<vmem>>
    %dma_wait3A_1020 = arith.constant 0 : i32
    %dma_wait3A_1021 = arith.constant 0 : i32
    %dma_wait3A_1022 = tpu.memref_slice %arg5[%dma_wait3A_1020, %dma_wait3A_1021] : memref<25728x32xf32, #tpu.memory_space<vmem_shared>> -> memref<25728x32xf32, #tpu.memory_space<vmem_shared>>
    tpu.wait_indirect_dma semaphore(%arg9 : memref<!tpu.dma_semaphore, #tpu.memory_space<semaphore_mem>>) src(%dma_wait3A_1016 : memref<128x32xf32, #tpu.memory_space<vmem>>) dst(%dma_wait3A_1022 : memref<25728x32xf32, #tpu.memory_space<vmem_shared>>)
    %dma_wait3A_1023 = arith.constant 49 : i32
    %dma_wait3A_1024 = arith.constant 1152 : i32
    %dma_wait3A_1025 = arith.constant 0 : i32
    %dma_wait3A_1026 = tpu.memref_slice %arg8[%dma_wait3A_1024, %dma_wait3A_1025] : memref<1280x32xf32, #tpu.memory_space<vmem>> -> memref<128x32xf32, #tpu.memory_space<vmem>>
    %dma_wait3A_1027 = arith.constant 0 : i32
    %dma_wait3A_1028 = tpu.memref_slice %arg7[%dma_wait3A_1023, %dma_wait3A_1027] : memref<50x128xi32, #tpu.memory_space<vmem>> -> memref<1x128xi32, #tpu.memory_space<vmem>>
    %dma_wait3A_1029 = tpu.memref_squeeze %dma_wait3A_1028 : memref<1x128xi32, #tpu.memory_space<vmem>> -> memref<128xi32, #tpu.memory_space<vmem>>
    %dma_wait3A_1030 = arith.constant 0 : i32
    %dma_wait3A_1031 = arith.constant 0 : i32
    %dma_wait3A_1032 = tpu.memref_slice %arg5[%dma_wait3A_1030, %dma_wait3A_1031] : memref<25728x32xf32, #tpu.memory_space<vmem_shared>> -> memref<25728x32xf32, #tpu.memory_space<vmem_shared>>
    tpu.wait_indirect_dma semaphore(%arg9 : memref<!tpu.dma_semaphore, #tpu.memory_space<semaphore_mem>>) src(%dma_wait3A_1026 : memref<128x32xf32, #tpu.memory_space<vmem>>) dst(%dma_wait3A_1032 : memref<25728x32xf32, #tpu.memory_space<vmem_shared>>)
    %barrier3A_1033 = arith.constant 0 : index
    tpu.barrier barrier_id(%barrier3A_1033)
    %eq3A = arith.constant 0 : i32
    %eq3A_1034 = arith.cmpi eq, %arg0, %eq3A : i32
    %convert_element_type3A = arith.extui %eq3A_1034 : i1 to i32
    %cond3A = arith.constant 0 : i32
    %cond3A_1035 = arith.cmpi ne, %convert_element_type3A, %cond3A : i32
    scf.if %cond3A_1035 {
      %mul3A_1041 = arith.constant 1600 : i32
      %mul3A_1042 = arith.muli %arg1, %mul3A_1041 : i32
      %add3A_1043 = arith.constant 0 : i32
      %add3A_1044 = arith.addi %mul3A_1042, %add3A_1043 : i32
      "tpu.region"() ({
        %run_scoped3A = tpu.sem_alloc : memref<!tpu.dma_semaphore, #tpu.memory_space<semaphore_mem>>
        %dma_start3A_1053 = arith.constant 0 : i32
        %dma_start3A_1054 = arith.constant 0 : i32
        %dma_start3A_1055 = tpu.memref_slice %arg8[%dma_start3A_1053, %dma_start3A_1054] : memref<1280x32xf32, #tpu.memory_space<vmem>> -> memref<640x32xf32, #tpu.memory_space<vmem>>
        %dma_start3A_1056 = arith.constant 0 : i32
        %dma_start3A_1057 = tpu.memref_slice %arg5[%add3A_1044, %dma_start3A_1056] : memref<25728x32xf32, #tpu.memory_space<vmem_shared>> -> memref<640x32xf32, #tpu.memory_space<vmem_shared>>
        %dma_start3A_1058 = arith.constant 0 : i32
        %dma_start3A_1059 = arith.constant 0 : i32
        %dma_start3A_1060 = tpu.memref_slice %arg8[%dma_start3A_1058, %dma_start3A_1059] : memref<1280x32xf32, #tpu.memory_space<vmem>> -> memref<640x32xf32, #tpu.memory_space<vmem>>
        %dma_start3A_1061 = arith.constant 0 : i32
        %dma_start3A_1062 = tpu.memref_slice %arg5[%add3A_1044, %dma_start3A_1061] : memref<25728x32xf32, #tpu.memory_space<vmem_shared>> -> memref<640x32xf32, #tpu.memory_space<vmem_shared>>
        tpu.enqueue_dma source(%dma_start3A_1062 : memref<640x32xf32, #tpu.memory_space<vmem_shared>>) target(%dma_start3A_1060 : memref<640x32xf32, #tpu.memory_space<vmem>>) target_semaphore(%run_scoped3A : memref<!tpu.dma_semaphore, #tpu.memory_space<semaphore_mem>>)
        %dma_wait3A_1063 = arith.constant 0 : i32
        %dma_wait3A_1064 = arith.constant 0 : i32
        %dma_wait3A_1065 = tpu.memref_slice %arg8[%dma_wait3A_1063, %dma_wait3A_1064] : memref<1280x32xf32, #tpu.memory_space<vmem>> -> memref<640x32xf32, #tpu.memory_space<vmem>>
        %dma_wait3A_1066 = arith.constant 0 : i32
        %dma_wait3A_1067 = tpu.memref_slice %arg5[%add3A_1044, %dma_wait3A_1066] : memref<25728x32xf32, #tpu.memory_space<vmem_shared>> -> memref<640x32xf32, #tpu.memory_space<vmem_shared>>
        %dma_wait3A_1068 = arith.constant 0 : i32
        %dma_wait3A_1069 = arith.constant 0 : i32
        %dma_wait3A_1070 = tpu.memref_slice %arg8[%dma_wait3A_1068, %dma_wait3A_1069] : memref<1280x32xf32, #tpu.memory_space<vmem>> -> memref<640x32xf32, #tpu.memory_space<vmem>>
        %dma_wait3A_1071 = arith.constant 0 : i32
        %dma_wait3A_1072 = tpu.memref_slice %arg5[%add3A_1044, %dma_wait3A_1071] : memref<25728x32xf32, #tpu.memory_space<vmem_shared>> -> memref<640x32xf32, #tpu.memory_space<vmem_shared>>
        tpu.wait_dma2 semaphore(%run_scoped3A : memref<!tpu.dma_semaphore, #tpu.memory_space<semaphore_mem>>) src(%dma_wait3A_1072 : memref<640x32xf32, #tpu.memory_space<vmem_shared>>) dst(%dma_wait3A_1070 : memref<640x32xf32, #tpu.memory_space<vmem>>)
        tpu.yield
      }) : () -> ()
      "tpu.region"() ({
        %run_scoped3A = tpu.sem_alloc : memref<!tpu.dma_semaphore, #tpu.memory_space<semaphore_mem>>
        %dma_start3A_1053 = arith.constant 0 : i32
        %dma_start3A_1054 = arith.constant 0 : i32
        %dma_start3A_1055 = tpu.memref_slice %arg8[%dma_start3A_1053, %dma_start3A_1054] : memref<1280x32xf32, #tpu.memory_space<vmem>> -> memref<640x32xf32, #tpu.memory_space<vmem>>
        %dma_start3A_1056 = arith.constant 0 : i32
        %dma_start3A_1057 = tpu.memref_slice %arg4[%add3A_1044, %dma_start3A_1056] : memref<50000x32xf32, #tpu.memory_space<hbm>> -> memref<640x32xf32, #tpu.memory_space<hbm>>
        %dma_start3A_1058 = arith.constant 0 : i32
        %dma_start3A_1059 = tpu.memref_slice %arg4[%add3A_1044, %dma_start3A_1058] : memref<50000x32xf32, #tpu.memory_space<hbm>> -> memref<640x32xf32, #tpu.memory_space<hbm>>
        %dma_start3A_1060 = arith.constant 0 : i32
        %dma_start3A_1061 = arith.constant 0 : i32
        %dma_start3A_1062 = tpu.memref_slice %arg8[%dma_start3A_1060, %dma_start3A_1061] : memref<1280x32xf32, #tpu.memory_space<vmem>> -> memref<640x32xf32, #tpu.memory_space<vmem>>
        tpu.enqueue_dma source(%dma_start3A_1062 : memref<640x32xf32, #tpu.memory_space<vmem>>) target(%dma_start3A_1059 : memref<640x32xf32, #tpu.memory_space<hbm>>) target_semaphore(%run_scoped3A : memref<!tpu.dma_semaphore, #tpu.memory_space<semaphore_mem>>)
        %dma_wait3A_1063 = arith.constant 0 : i32
        %dma_wait3A_1064 = arith.constant 0 : i32
        %dma_wait3A_1065 = tpu.memref_slice %arg8[%dma_wait3A_1063, %dma_wait3A_1064] : memref<1280x32xf32, #tpu.memory_space<vmem>> -> memref<640x32xf32, #tpu.memory_space<vmem>>
        %dma_wait3A_1066 = arith.constant 0 : i32
        %dma_wait3A_1067 = tpu.memref_slice %arg4[%add3A_1044, %dma_wait3A_1066] : memref<50000x32xf32, #tpu.memory_space<hbm>> -> memref<640x32xf32, #tpu.memory_space<hbm>>
        %dma_wait3A_1068 = arith.constant 0 : i32
        %dma_wait3A_1069 = tpu.memref_slice %arg4[%add3A_1044, %dma_wait3A_1068] : memref<50000x32xf32, #tpu.memory_space<hbm>> -> memref<640x32xf32, #tpu.memory_space<hbm>>
        %dma_wait3A_1070 = arith.constant 0 : i32
        %dma_wait3A_1071 = arith.constant 0 : i32
        %dma_wait3A_1072 = tpu.memref_slice %arg8[%dma_wait3A_1070, %dma_wait3A_1071] : memref<1280x32xf32, #tpu.memory_space<vmem>> -> memref<640x32xf32, #tpu.memory_space<vmem>>
        tpu.wait_dma2 semaphore(%run_scoped3A : memref<!tpu.dma_semaphore, #tpu.memory_space<semaphore_mem>>) src(%dma_wait3A_1072 : memref<640x32xf32, #tpu.memory_space<vmem>>) dst(%dma_wait3A_1069 : memref<640x32xf32, #tpu.memory_space<hbm>>)
        tpu.yield
      }) : () -> ()
      %mul3A_1045 = arith.constant 1600 : i32
      %mul3A_1046 = arith.muli %arg1, %mul3A_1045 : i32
      %add3A_1047 = arith.constant 640 : i32
      %add3A_1048 = arith.addi %mul3A_1046, %add3A_1047 : i32
      "tpu.region"() ({
        %run_scoped3A = tpu.sem_alloc : memref<!tpu.dma_semaphore, #tpu.memory_space<semaphore_mem>>
        %dma_start3A_1053 = arith.constant 0 : i32
        %dma_start3A_1054 = arith.constant 0 : i32
        %dma_start3A_1055 = tpu.memref_slice %arg8[%dma_start3A_1053, %dma_start3A_1054] : memref<1280x32xf32, #tpu.memory_space<vmem>> -> memref<640x32xf32, #tpu.memory_space<vmem>>
        %dma_start3A_1056 = arith.constant 0 : i32
        %dma_start3A_1057 = tpu.memref_slice %arg5[%add3A_1048, %dma_start3A_1056] : memref<25728x32xf32, #tpu.memory_space<vmem_shared>> -> memref<640x32xf32, #tpu.memory_space<vmem_shared>>
        %dma_start3A_1058 = arith.constant 0 : i32
        %dma_start3A_1059 = arith.constant 0 : i32
        %dma_start3A_1060 = tpu.memref_slice %arg8[%dma_start3A_1058, %dma_start3A_1059] : memref<1280x32xf32, #tpu.memory_space<vmem>> -> memref<640x32xf32, #tpu.memory_space<vmem>>
        %dma_start3A_1061 = arith.constant 0 : i32
        %dma_start3A_1062 = tpu.memref_slice %arg5[%add3A_1048, %dma_start3A_1061] : memref<25728x32xf32, #tpu.memory_space<vmem_shared>> -> memref<640x32xf32, #tpu.memory_space<vmem_shared>>
        tpu.enqueue_dma source(%dma_start3A_1062 : memref<640x32xf32, #tpu.memory_space<vmem_shared>>) target(%dma_start3A_1060 : memref<640x32xf32, #tpu.memory_space<vmem>>) target_semaphore(%run_scoped3A : memref<!tpu.dma_semaphore, #tpu.memory_space<semaphore_mem>>)
        %dma_wait3A_1063 = arith.constant 0 : i32
        %dma_wait3A_1064 = arith.constant 0 : i32
        %dma_wait3A_1065 = tpu.memref_slice %arg8[%dma_wait3A_1063, %dma_wait3A_1064] : memref<1280x32xf32, #tpu.memory_space<vmem>> -> memref<640x32xf32, #tpu.memory_space<vmem>>
        %dma_wait3A_1066 = arith.constant 0 : i32
        %dma_wait3A_1067 = tpu.memref_slice %arg5[%add3A_1048, %dma_wait3A_1066] : memref<25728x32xf32, #tpu.memory_space<vmem_shared>> -> memref<640x32xf32, #tpu.memory_space<vmem_shared>>
        %dma_wait3A_1068 = arith.constant 0 : i32
        %dma_wait3A_1069 = arith.constant 0 : i32
        %dma_wait3A_1070 = tpu.memref_slice %arg8[%dma_wait3A_1068, %dma_wait3A_1069] : memref<1280x32xf32, #tpu.memory_space<vmem>> -> memref<640x32xf32, #tpu.memory_space<vmem>>
        %dma_wait3A_1071 = arith.constant 0 : i32
        %dma_wait3A_1072 = tpu.memref_slice %arg5[%add3A_1048, %dma_wait3A_1071] : memref<25728x32xf32, #tpu.memory_space<vmem_shared>> -> memref<640x32xf32, #tpu.memory_space<vmem_shared>>
        tpu.wait_dma2 semaphore(%run_scoped3A : memref<!tpu.dma_semaphore, #tpu.memory_space<semaphore_mem>>) src(%dma_wait3A_1072 : memref<640x32xf32, #tpu.memory_space<vmem_shared>>) dst(%dma_wait3A_1070 : memref<640x32xf32, #tpu.memory_space<vmem>>)
        tpu.yield
      }) : () -> ()
      "tpu.region"() ({
        %run_scoped3A = tpu.sem_alloc : memref<!tpu.dma_semaphore, #tpu.memory_space<semaphore_mem>>
        %dma_start3A_1053 = arith.constant 0 : i32
        %dma_start3A_1054 = arith.constant 0 : i32
        %dma_start3A_1055 = tpu.memref_slice %arg8[%dma_start3A_1053, %dma_start3A_1054] : memref<1280x32xf32, #tpu.memory_space<vmem>> -> memref<640x32xf32, #tpu.memory_space<vmem>>
        %dma_start3A_1056 = arith.constant 0 : i32
        %dma_start3A_1057 = tpu.memref_slice %arg4[%add3A_1048, %dma_start3A_1056] : memref<50000x32xf32, #tpu.memory_space<hbm>> -> memref<640x32xf32, #tpu.memory_space<hbm>>
        %dma_start3A_1058 = arith.constant 0 : i32
        %dma_start3A_1059 = tpu.memref_slice %arg4[%add3A_1048, %dma_start3A_1058] : memref<50000x32xf32, #tpu.memory_space<hbm>> -> memref<640x32xf32, #tpu.memory_space<hbm>>
        %dma_start3A_1060 = arith.constant 0 : i32
        %dma_start3A_1061 = arith.constant 0 : i32
        %dma_start3A_1062 = tpu.memref_slice %arg8[%dma_start3A_1060, %dma_start3A_1061] : memref<1280x32xf32, #tpu.memory_space<vmem>> -> memref<640x32xf32, #tpu.memory_space<vmem>>
        tpu.enqueue_dma source(%dma_start3A_1062 : memref<640x32xf32, #tpu.memory_space<vmem>>) target(%dma_start3A_1059 : memref<640x32xf32, #tpu.memory_space<hbm>>) target_semaphore(%run_scoped3A : memref<!tpu.dma_semaphore, #tpu.memory_space<semaphore_mem>>)
        %dma_wait3A_1063 = arith.constant 0 : i32
        %dma_wait3A_1064 = arith.constant 0 : i32
        %dma_wait3A_1065 = tpu.memref_slice %arg8[%dma_wait3A_1063, %dma_wait3A_1064] : memref<1280x32xf32, #tpu.memory_space<vmem>> -> memref<640x32xf32, #tpu.memory_space<vmem>>
        %dma_wait3A_1066 = arith.constant 0 : i32
        %dma_wait3A_1067 = tpu.memref_slice %arg4[%add3A_1048, %dma_wait3A_1066] : memref<50000x32xf32, #tpu.memory_space<hbm>> -> memref<640x32xf32, #tpu.memory_space<hbm>>
        %dma_wait3A_1068 = arith.constant 0 : i32
        %dma_wait3A_1069 = tpu.memref_slice %arg4[%add3A_1048, %dma_wait3A_1068] : memref<50000x32xf32, #tpu.memory_space<hbm>> -> memref<640x32xf32, #tpu.memory_space<hbm>>
        %dma_wait3A_1070 = arith.constant 0 : i32
        %dma_wait3A_1071 = arith.constant 0 : i32
        %dma_wait3A_1072 = tpu.memref_slice %arg8[%dma_wait3A_1070, %dma_wait3A_1071] : memref<1280x32xf32, #tpu.memory_space<vmem>> -> memref<640x32xf32, #tpu.memory_space<vmem>>
        tpu.wait_dma2 semaphore(%run_scoped3A : memref<!tpu.dma_semaphore, #tpu.memory_space<semaphore_mem>>) src(%dma_wait3A_1072 : memref<640x32xf32, #tpu.memory_space<vmem>>) dst(%dma_wait3A_1069 : memref<640x32xf32, #tpu.memory_space<hbm>>)
        tpu.yield
      }) : () -> ()
      %mul3A_1049 = arith.constant 1600 : i32
      %mul3A_1050 = arith.muli %arg1, %mul3A_1049 : i32
      %add3A_1051 = arith.constant 1280 : i32
      %add3A_1052 = arith.addi %mul3A_1050, %add3A_1051 : i32
      "tpu.region"() ({
        %run_scoped3A = tpu.sem_alloc : memref<!tpu.dma_semaphore, #tpu.memory_space<semaphore_mem>>
        %dma_start3A_1053 = arith.constant 0 : i32
        %dma_start3A_1054 = arith.constant 0 : i32
        %dma_start3A_1055 = tpu.memref_slice %arg8[%dma_start3A_1053, %dma_start3A_1054] : memref<1280x32xf32, #tpu.memory_space<vmem>> -> memref<320x32xf32, #tpu.memory_space<vmem>>
        %dma_start3A_1056 = arith.constant 0 : i32
        %dma_start3A_1057 = tpu.memref_slice %arg5[%add3A_1052, %dma_start3A_1056] : memref<25728x32xf32, #tpu.memory_space<vmem_shared>> -> memref<320x32xf32, #tpu.memory_space<vmem_shared>>
        %dma_start3A_1058 = arith.constant 0 : i32
        %dma_start3A_1059 = arith.constant 0 : i32
        %dma_start3A_1060 = tpu.memref_slice %arg8[%dma_start3A_1058, %dma_start3A_1059] : memref<1280x32xf32, #tpu.memory_space<vmem>> -> memref<320x32xf32, #tpu.memory_space<vmem>>
        %dma_start3A_1061 = arith.constant 0 : i32
        %dma_start3A_1062 = tpu.memref_slice %arg5[%add3A_1052, %dma_start3A_1061] : memref<25728x32xf32, #tpu.memory_space<vmem_shared>> -> memref<320x32xf32, #tpu.memory_space<vmem_shared>>
        tpu.enqueue_dma source(%dma_start3A_1062 : memref<320x32xf32, #tpu.memory_space<vmem_shared>>) target(%dma_start3A_1060 : memref<320x32xf32, #tpu.memory_space<vmem>>) target_semaphore(%run_scoped3A : memref<!tpu.dma_semaphore, #tpu.memory_space<semaphore_mem>>)
        %dma_wait3A_1063 = arith.constant 0 : i32
        %dma_wait3A_1064 = arith.constant 0 : i32
        %dma_wait3A_1065 = tpu.memref_slice %arg8[%dma_wait3A_1063, %dma_wait3A_1064] : memref<1280x32xf32, #tpu.memory_space<vmem>> -> memref<320x32xf32, #tpu.memory_space<vmem>>
        %dma_wait3A_1066 = arith.constant 0 : i32
        %dma_wait3A_1067 = tpu.memref_slice %arg5[%add3A_1052, %dma_wait3A_1066] : memref<25728x32xf32, #tpu.memory_space<vmem_shared>> -> memref<320x32xf32, #tpu.memory_space<vmem_shared>>
        %dma_wait3A_1068 = arith.constant 0 : i32
        %dma_wait3A_1069 = arith.constant 0 : i32
        %dma_wait3A_1070 = tpu.memref_slice %arg8[%dma_wait3A_1068, %dma_wait3A_1069] : memref<1280x32xf32, #tpu.memory_space<vmem>> -> memref<320x32xf32, #tpu.memory_space<vmem>>
        %dma_wait3A_1071 = arith.constant 0 : i32
        %dma_wait3A_1072 = tpu.memref_slice %arg5[%add3A_1052, %dma_wait3A_1071] : memref<25728x32xf32, #tpu.memory_space<vmem_shared>> -> memref<320x32xf32, #tpu.memory_space<vmem_shared>>
        tpu.wait_dma2 semaphore(%run_scoped3A : memref<!tpu.dma_semaphore, #tpu.memory_space<semaphore_mem>>) src(%dma_wait3A_1072 : memref<320x32xf32, #tpu.memory_space<vmem_shared>>) dst(%dma_wait3A_1070 : memref<320x32xf32, #tpu.memory_space<vmem>>)
        tpu.yield
      }) : () -> ()
      "tpu.region"() ({
        %run_scoped3A = tpu.sem_alloc : memref<!tpu.dma_semaphore, #tpu.memory_space<semaphore_mem>>
        %dma_start3A_1053 = arith.constant 0 : i32
        %dma_start3A_1054 = arith.constant 0 : i32
        %dma_start3A_1055 = tpu.memref_slice %arg8[%dma_start3A_1053, %dma_start3A_1054] : memref<1280x32xf32, #tpu.memory_space<vmem>> -> memref<320x32xf32, #tpu.memory_space<vmem>>
        %dma_start3A_1056 = arith.constant 0 : i32
        %dma_start3A_1057 = tpu.memref_slice %arg4[%add3A_1052, %dma_start3A_1056] : memref<50000x32xf32, #tpu.memory_space<hbm>> -> memref<320x32xf32, #tpu.memory_space<hbm>>
        %dma_start3A_1058 = arith.constant 0 : i32
        %dma_start3A_1059 = tpu.memref_slice %arg4[%add3A_1052, %dma_start3A_1058] : memref<50000x32xf32, #tpu.memory_space<hbm>> -> memref<320x32xf32, #tpu.memory_space<hbm>>
        %dma_start3A_1060 = arith.constant 0 : i32
        %dma_start3A_1061 = arith.constant 0 : i32
        %dma_start3A_1062 = tpu.memref_slice %arg8[%dma_start3A_1060, %dma_start3A_1061] : memref<1280x32xf32, #tpu.memory_space<vmem>> -> memref<320x32xf32, #tpu.memory_space<vmem>>
        tpu.enqueue_dma source(%dma_start3A_1062 : memref<320x32xf32, #tpu.memory_space<vmem>>) target(%dma_start3A_1059 : memref<320x32xf32, #tpu.memory_space<hbm>>) target_semaphore(%run_scoped3A : memref<!tpu.dma_semaphore, #tpu.memory_space<semaphore_mem>>)
        %dma_wait3A_1063 = arith.constant 0 : i32
        %dma_wait3A_1064 = arith.constant 0 : i32
        %dma_wait3A_1065 = tpu.memref_slice %arg8[%dma_wait3A_1063, %dma_wait3A_1064] : memref<1280x32xf32, #tpu.memory_space<vmem>> -> memref<320x32xf32, #tpu.memory_space<vmem>>
        %dma_wait3A_1066 = arith.constant 0 : i32
        %dma_wait3A_1067 = tpu.memref_slice %arg4[%add3A_1052, %dma_wait3A_1066] : memref<50000x32xf32, #tpu.memory_space<hbm>> -> memref<320x32xf32, #tpu.memory_space<hbm>>
        %dma_wait3A_1068 = arith.constant 0 : i32
        %dma_wait3A_1069 = tpu.memref_slice %arg4[%add3A_1052, %dma_wait3A_1068] : memref<50000x32xf32, #tpu.memory_space<hbm>> -> memref<320x32xf32, #tpu.memory_space<hbm>>
        %dma_wait3A_1070 = arith.constant 0 : i32
        %dma_wait3A_1071 = arith.constant 0 : i32
        %dma_wait3A_1072 = tpu.memref_slice %arg8[%dma_wait3A_1070, %dma_wait3A_1071] : memref<1280x32xf32, #tpu.memory_space<vmem>> -> memref<320x32xf32, #tpu.memory_space<vmem>>
        tpu.wait_dma2 semaphore(%run_scoped3A : memref<!tpu.dma_semaphore, #tpu.memory_space<semaphore_mem>>) src(%dma_wait3A_1072 : memref<320x32xf32, #tpu.memory_space<vmem>>) dst(%dma_wait3A_1069 : memref<320x32xf32, #tpu.memory_space<hbm>>)
        tpu.yield
      }) : () -> ()
    } else {
    }
    %eq3A_1036 = arith.constant 1 : i32
    %eq3A_1037 = arith.cmpi eq, %arg0, %eq3A_1036 : i32
    %convert_element_type3A_1038 = arith.extui %eq3A_1037 : i1 to i32
    %cond3A_1039 = arith.constant 0 : i32
    %cond3A_1040 = arith.cmpi ne, %convert_element_type3A_1038, %cond3A_1039 : i32
    scf.if %cond3A_1040 {
      %mul3A_1041 = arith.constant 1525 : i32
      %mul3A_1042 = arith.muli %arg1, %mul3A_1041 : i32
      %add3A_1043 = arith.constant 0 : i32
      %add3A_1044 = arith.addi %mul3A_1042, %add3A_1043 : i32
      "tpu.region"() ({
        %run_scoped3A = tpu.sem_alloc : memref<!tpu.dma_semaphore, #tpu.memory_space<semaphore_mem>>
        %dma_start3A_1059 = arith.constant 0 : i32
        %dma_start3A_1060 = arith.constant 0 : i32
        %dma_start3A_1061 = tpu.memref_slice %arg8[%dma_start3A_1059, %dma_start3A_1060] : memref<1280x32xf32, #tpu.memory_space<vmem>> -> memref<640x32xf32, #tpu.memory_space<vmem>>
        %dma_start3A_1062 = arith.constant 0 : i32
        %dma_start3A_1063 = tpu.memref_slice %arg5[%add3A_1044, %dma_start3A_1062] : memref<25728x32xf32, #tpu.memory_space<vmem_shared>> -> memref<640x32xf32, #tpu.memory_space<vmem_shared>>
        %dma_start3A_1064 = arith.constant 0 : i32
        %dma_start3A_1065 = arith.constant 0 : i32
        %dma_start3A_1066 = tpu.memref_slice %arg8[%dma_start3A_1064, %dma_start3A_1065] : memref<1280x32xf32, #tpu.memory_space<vmem>> -> memref<640x32xf32, #tpu.memory_space<vmem>>
        %dma_start3A_1067 = arith.constant 0 : i32
        %dma_start3A_1068 = tpu.memref_slice %arg5[%add3A_1044, %dma_start3A_1067] : memref<25728x32xf32, #tpu.memory_space<vmem_shared>> -> memref<640x32xf32, #tpu.memory_space<vmem_shared>>
        tpu.enqueue_dma source(%dma_start3A_1068 : memref<640x32xf32, #tpu.memory_space<vmem_shared>>) target(%dma_start3A_1066 : memref<640x32xf32, #tpu.memory_space<vmem>>) target_semaphore(%run_scoped3A : memref<!tpu.dma_semaphore, #tpu.memory_space<semaphore_mem>>)
        %dma_wait3A_1069 = arith.constant 0 : i32
        %dma_wait3A_1070 = arith.constant 0 : i32
        %dma_wait3A_1071 = tpu.memref_slice %arg8[%dma_wait3A_1069, %dma_wait3A_1070] : memref<1280x32xf32, #tpu.memory_space<vmem>> -> memref<640x32xf32, #tpu.memory_space<vmem>>
        %dma_wait3A_1072 = arith.constant 0 : i32
        %dma_wait3A_1073 = tpu.memref_slice %arg5[%add3A_1044, %dma_wait3A_1072] : memref<25728x32xf32, #tpu.memory_space<vmem_shared>> -> memref<640x32xf32, #tpu.memory_space<vmem_shared>>
        %dma_wait3A_1074 = arith.constant 0 : i32
        %dma_wait3A_1075 = arith.constant 0 : i32
        %dma_wait3A_1076 = tpu.memref_slice %arg8[%dma_wait3A_1074, %dma_wait3A_1075] : memref<1280x32xf32, #tpu.memory_space<vmem>> -> memref<640x32xf32, #tpu.memory_space<vmem>>
        %dma_wait3A_1077 = arith.constant 0 : i32
        %dma_wait3A_1078 = tpu.memref_slice %arg5[%add3A_1044, %dma_wait3A_1077] : memref<25728x32xf32, #tpu.memory_space<vmem_shared>> -> memref<640x32xf32, #tpu.memory_space<vmem_shared>>
        tpu.wait_dma2 semaphore(%run_scoped3A : memref<!tpu.dma_semaphore, #tpu.memory_space<semaphore_mem>>) src(%dma_wait3A_1078 : memref<640x32xf32, #tpu.memory_space<vmem_shared>>) dst(%dma_wait3A_1076 : memref<640x32xf32, #tpu.memory_space<vmem>>)
        tpu.yield
      }) : () -> ()
      %add3A_1045 = arith.constant 25600 : i32
      %add3A_1046 = arith.addi %add3A_1045, %add3A_1044 : i32
      "tpu.region"() ({
        %run_scoped3A = tpu.sem_alloc : memref<!tpu.dma_semaphore, #tpu.memory_space<semaphore_mem>>
        %dma_start3A_1059 = arith.constant 0 : i32
        %dma_start3A_1060 = arith.constant 0 : i32
        %dma_start3A_1061 = tpu.memref_slice %arg8[%dma_start3A_1059, %dma_start3A_1060] : memref<1280x32xf32, #tpu.memory_space<vmem>> -> memref<640x32xf32, #tpu.memory_space<vmem>>
        %dma_start3A_1062 = arith.constant 0 : i32
        %dma_start3A_1063 = tpu.memref_slice %arg4[%add3A_1046, %dma_start3A_1062] : memref<50000x32xf32, #tpu.memory_space<hbm>> -> memref<640x32xf32, #tpu.memory_space<hbm>>
        %dma_start3A_1064 = arith.constant 0 : i32
        %dma_start3A_1065 = tpu.memref_slice %arg4[%add3A_1046, %dma_start3A_1064] : memref<50000x32xf32, #tpu.memory_space<hbm>> -> memref<640x32xf32, #tpu.memory_space<hbm>>
        %dma_start3A_1066 = arith.constant 0 : i32
        %dma_start3A_1067 = arith.constant 0 : i32
        %dma_start3A_1068 = tpu.memref_slice %arg8[%dma_start3A_1066, %dma_start3A_1067] : memref<1280x32xf32, #tpu.memory_space<vmem>> -> memref<640x32xf32, #tpu.memory_space<vmem>>
        tpu.enqueue_dma source(%dma_start3A_1068 : memref<640x32xf32, #tpu.memory_space<vmem>>) target(%dma_start3A_1065 : memref<640x32xf32, #tpu.memory_space<hbm>>) target_semaphore(%run_scoped3A : memref<!tpu.dma_semaphore, #tpu.memory_space<semaphore_mem>>)
        %dma_wait3A_1069 = arith.constant 0 : i32
        %dma_wait3A_1070 = arith.constant 0 : i32
        %dma_wait3A_1071 = tpu.memref_slice %arg8[%dma_wait3A_1069, %dma_wait3A_1070] : memref<1280x32xf32, #tpu.memory_space<vmem>> -> memref<640x32xf32, #tpu.memory_space<vmem>>
        %dma_wait3A_1072 = arith.constant 0 : i32
        %dma_wait3A_1073 = tpu.memref_slice %arg4[%add3A_1046, %dma_wait3A_1072] : memref<50000x32xf32, #tpu.memory_space<hbm>> -> memref<640x32xf32, #tpu.memory_space<hbm>>
        %dma_wait3A_1074 = arith.constant 0 : i32
        %dma_wait3A_1075 = tpu.memref_slice %arg4[%add3A_1046, %dma_wait3A_1074] : memref<50000x32xf32, #tpu.memory_space<hbm>> -> memref<640x32xf32, #tpu.memory_space<hbm>>
        %dma_wait3A_1076 = arith.constant 0 : i32
        %dma_wait3A_1077 = arith.constant 0 : i32
        %dma_wait3A_1078 = tpu.memref_slice %arg8[%dma_wait3A_1076, %dma_wait3A_1077] : memref<1280x32xf32, #tpu.memory_space<vmem>> -> memref<640x32xf32, #tpu.memory_space<vmem>>
        tpu.wait_dma2 semaphore(%run_scoped3A : memref<!tpu.dma_semaphore, #tpu.memory_space<semaphore_mem>>) src(%dma_wait3A_1078 : memref<640x32xf32, #tpu.memory_space<vmem>>) dst(%dma_wait3A_1075 : memref<640x32xf32, #tpu.memory_space<hbm>>)
        tpu.yield
      }) : () -> ()
      %mul3A_1047 = arith.constant 1525 : i32
      %mul3A_1048 = arith.muli %arg1, %mul3A_1047 : i32
      %add3A_1049 = arith.constant 640 : i32
      %add3A_1050 = arith.addi %mul3A_1048, %add3A_1049 : i32
      "tpu.region"() ({
        %run_scoped3A = tpu.sem_alloc : memref<!tpu.dma_semaphore, #tpu.memory_space<semaphore_mem>>
        %dma_start3A_1059 = arith.constant 0 : i32
        %dma_start3A_1060 = arith.constant 0 : i32
        %dma_start3A_1061 = tpu.memref_slice %arg8[%dma_start3A_1059, %dma_start3A_1060] : memref<1280x32xf32, #tpu.memory_space<vmem>> -> memref<640x32xf32, #tpu.memory_space<vmem>>
        %dma_start3A_1062 = arith.constant 0 : i32
        %dma_start3A_1063 = tpu.memref_slice %arg5[%add3A_1050, %dma_start3A_1062] : memref<25728x32xf32, #tpu.memory_space<vmem_shared>> -> memref<640x32xf32, #tpu.memory_space<vmem_shared>>
        %dma_start3A_1064 = arith.constant 0 : i32
        %dma_start3A_1065 = arith.constant 0 : i32
        %dma_start3A_1066 = tpu.memref_slice %arg8[%dma_start3A_1064, %dma_start3A_1065] : memref<1280x32xf32, #tpu.memory_space<vmem>> -> memref<640x32xf32, #tpu.memory_space<vmem>>
        %dma_start3A_1067 = arith.constant 0 : i32
        %dma_start3A_1068 = tpu.memref_slice %arg5[%add3A_1050, %dma_start3A_1067] : memref<25728x32xf32, #tpu.memory_space<vmem_shared>> -> memref<640x32xf32, #tpu.memory_space<vmem_shared>>
        tpu.enqueue_dma source(%dma_start3A_1068 : memref<640x32xf32, #tpu.memory_space<vmem_shared>>) target(%dma_start3A_1066 : memref<640x32xf32, #tpu.memory_space<vmem>>) target_semaphore(%run_scoped3A : memref<!tpu.dma_semaphore, #tpu.memory_space<semaphore_mem>>)
        %dma_wait3A_1069 = arith.constant 0 : i32
        %dma_wait3A_1070 = arith.constant 0 : i32
        %dma_wait3A_1071 = tpu.memref_slice %arg8[%dma_wait3A_1069, %dma_wait3A_1070] : memref<1280x32xf32, #tpu.memory_space<vmem>> -> memref<640x32xf32, #tpu.memory_space<vmem>>
        %dma_wait3A_1072 = arith.constant 0 : i32
        %dma_wait3A_1073 = tpu.memref_slice %arg5[%add3A_1050, %dma_wait3A_1072] : memref<25728x32xf32, #tpu.memory_space<vmem_shared>> -> memref<640x32xf32, #tpu.memory_space<vmem_shared>>
        %dma_wait3A_1074 = arith.constant 0 : i32
        %dma_wait3A_1075 = arith.constant 0 : i32
        %dma_wait3A_1076 = tpu.memref_slice %arg8[%dma_wait3A_1074, %dma_wait3A_1075] : memref<1280x32xf32, #tpu.memory_space<vmem>> -> memref<640x32xf32, #tpu.memory_space<vmem>>
        %dma_wait3A_1077 = arith.constant 0 : i32
        %dma_wait3A_1078 = tpu.memref_slice %arg5[%add3A_1050, %dma_wait3A_1077] : memref<25728x32xf32, #tpu.memory_space<vmem_shared>> -> memref<640x32xf32, #tpu.memory_space<vmem_shared>>
        tpu.wait_dma2 semaphore(%run_scoped3A : memref<!tpu.dma_semaphore, #tpu.memory_space<semaphore_mem>>) src(%dma_wait3A_1078 : memref<640x32xf32, #tpu.memory_space<vmem_shared>>) dst(%dma_wait3A_1076 : memref<640x32xf32, #tpu.memory_space<vmem>>)
        tpu.yield
      }) : () -> ()
      %add3A_1051 = arith.constant 25600 : i32
      %add3A_1052 = arith.addi %add3A_1051, %add3A_1050 : i32
      "tpu.region"() ({
        %run_scoped3A = tpu.sem_alloc : memref<!tpu.dma_semaphore, #tpu.memory_space<semaphore_mem>>
        %dma_start3A_1059 = arith.constant 0 : i32
        %dma_start3A_1060 = arith.constant 0 : i32
        %dma_start3A_1061 = tpu.memref_slice %arg8[%dma_start3A_1059, %dma_start3A_1060] : memref<1280x32xf32, #tpu.memory_space<vmem>> -> memref<640x32xf32, #tpu.memory_space<vmem>>
        %dma_start3A_1062 = arith.constant 0 : i32
        %dma_start3A_1063 = tpu.memref_slice %arg4[%add3A_1052, %dma_start3A_1062] : memref<50000x32xf32, #tpu.memory_space<hbm>> -> memref<640x32xf32, #tpu.memory_space<hbm>>
        %dma_start3A_1064 = arith.constant 0 : i32
        %dma_start3A_1065 = tpu.memref_slice %arg4[%add3A_1052, %dma_start3A_1064] : memref<50000x32xf32, #tpu.memory_space<hbm>> -> memref<640x32xf32, #tpu.memory_space<hbm>>
        %dma_start3A_1066 = arith.constant 0 : i32
        %dma_start3A_1067 = arith.constant 0 : i32
        %dma_start3A_1068 = tpu.memref_slice %arg8[%dma_start3A_1066, %dma_start3A_1067] : memref<1280x32xf32, #tpu.memory_space<vmem>> -> memref<640x32xf32, #tpu.memory_space<vmem>>
        tpu.enqueue_dma source(%dma_start3A_1068 : memref<640x32xf32, #tpu.memory_space<vmem>>) target(%dma_start3A_1065 : memref<640x32xf32, #tpu.memory_space<hbm>>) target_semaphore(%run_scoped3A : memref<!tpu.dma_semaphore, #tpu.memory_space<semaphore_mem>>)
        %dma_wait3A_1069 = arith.constant 0 : i32
        %dma_wait3A_1070 = arith.constant 0 : i32
        %dma_wait3A_1071 = tpu.memref_slice %arg8[%dma_wait3A_1069, %dma_wait3A_1070] : memref<1280x32xf32, #tpu.memory_space<vmem>> -> memref<640x32xf32, #tpu.memory_space<vmem>>
        %dma_wait3A_1072 = arith.constant 0 : i32
        %dma_wait3A_1073 = tpu.memref_slice %arg4[%add3A_1052, %dma_wait3A_1072] : memref<50000x32xf32, #tpu.memory_space<hbm>> -> memref<640x32xf32, #tpu.memory_space<hbm>>
        %dma_wait3A_1074 = arith.constant 0 : i32
        %dma_wait3A_1075 = tpu.memref_slice %arg4[%add3A_1052, %dma_wait3A_1074] : memref<50000x32xf32, #tpu.memory_space<hbm>> -> memref<640x32xf32, #tpu.memory_space<hbm>>
        %dma_wait3A_1076 = arith.constant 0 : i32
        %dma_wait3A_1077 = arith.constant 0 : i32
        %dma_wait3A_1078 = tpu.memref_slice %arg8[%dma_wait3A_1076, %dma_wait3A_1077] : memref<1280x32xf32, #tpu.memory_space<vmem>> -> memref<640x32xf32, #tpu.memory_space<vmem>>
        tpu.wait_dma2 semaphore(%run_scoped3A : memref<!tpu.dma_semaphore, #tpu.memory_space<semaphore_mem>>) src(%dma_wait3A_1078 : memref<640x32xf32, #tpu.memory_space<vmem>>) dst(%dma_wait3A_1075 : memref<640x32xf32, #tpu.memory_space<hbm>>)
        tpu.yield
      }) : () -> ()
      %mul3A_1053 = arith.constant 1525 : i32
      %mul3A_1054 = arith.muli %arg1, %mul3A_1053 : i32
      %add3A_1055 = arith.constant 1280 : i32
      %add3A_1056 = arith.addi %mul3A_1054, %add3A_1055 : i32
      "tpu.region"() ({
        %run_scoped3A = tpu.sem_alloc : memref<!tpu.dma_semaphore, #tpu.memory_space<semaphore_mem>>
        %dma_start3A_1059 = arith.constant 0 : i32
        %dma_start3A_1060 = arith.constant 0 : i32
        %dma_start3A_1061 = tpu.memref_slice %arg8[%dma_start3A_1059, %dma_start3A_1060] : memref<1280x32xf32, #tpu.memory_space<vmem>> -> memref<245x32xf32, #tpu.memory_space<vmem>>
        %dma_start3A_1062 = arith.constant 0 : i32
        %dma_start3A_1063 = tpu.memref_slice %arg5[%add3A_1056, %dma_start3A_1062] : memref<25728x32xf32, #tpu.memory_space<vmem_shared>> -> memref<245x32xf32, #tpu.memory_space<vmem_shared>>
        %dma_start3A_1064 = arith.constant 0 : i32
        %dma_start3A_1065 = arith.constant 0 : i32
        %dma_start3A_1066 = tpu.memref_slice %arg8[%dma_start3A_1064, %dma_start3A_1065] : memref<1280x32xf32, #tpu.memory_space<vmem>> -> memref<245x32xf32, #tpu.memory_space<vmem>>
        %dma_start3A_1067 = arith.constant 0 : i32
        %dma_start3A_1068 = tpu.memref_slice %arg5[%add3A_1056, %dma_start3A_1067] : memref<25728x32xf32, #tpu.memory_space<vmem_shared>> -> memref<245x32xf32, #tpu.memory_space<vmem_shared>>
        tpu.enqueue_dma source(%dma_start3A_1068 : memref<245x32xf32, #tpu.memory_space<vmem_shared>>) target(%dma_start3A_1066 : memref<245x32xf32, #tpu.memory_space<vmem>>) target_semaphore(%run_scoped3A : memref<!tpu.dma_semaphore, #tpu.memory_space<semaphore_mem>>)
        %dma_wait3A_1069 = arith.constant 0 : i32
        %dma_wait3A_1070 = arith.constant 0 : i32
        %dma_wait3A_1071 = tpu.memref_slice %arg8[%dma_wait3A_1069, %dma_wait3A_1070] : memref<1280x32xf32, #tpu.memory_space<vmem>> -> memref<245x32xf32, #tpu.memory_space<vmem>>
        %dma_wait3A_1072 = arith.constant 0 : i32
        %dma_wait3A_1073 = tpu.memref_slice %arg5[%add3A_1056, %dma_wait3A_1072] : memref<25728x32xf32, #tpu.memory_space<vmem_shared>> -> memref<245x32xf32, #tpu.memory_space<vmem_shared>>
        %dma_wait3A_1074 = arith.constant 0 : i32
        %dma_wait3A_1075 = arith.constant 0 : i32
        %dma_wait3A_1076 = tpu.memref_slice %arg8[%dma_wait3A_1074, %dma_wait3A_1075] : memref<1280x32xf32, #tpu.memory_space<vmem>> -> memref<245x32xf32, #tpu.memory_space<vmem>>
        %dma_wait3A_1077 = arith.constant 0 : i32
        %dma_wait3A_1078 = tpu.memref_slice %arg5[%add3A_1056, %dma_wait3A_1077] : memref<25728x32xf32, #tpu.memory_space<vmem_shared>> -> memref<245x32xf32, #tpu.memory_space<vmem_shared>>
        tpu.wait_dma2 semaphore(%run_scoped3A : memref<!tpu.dma_semaphore, #tpu.memory_space<semaphore_mem>>) src(%dma_wait3A_1078 : memref<245x32xf32, #tpu.memory_space<vmem_shared>>) dst(%dma_wait3A_1076 : memref<245x32xf32, #tpu.memory_space<vmem>>)
        tpu.yield
      }) : () -> ()
      %add3A_1057 = arith.constant 25600 : i32
      %add3A_1058 = arith.addi %add3A_1057, %add3A_1056 : i32
      "tpu.region"() ({
        %run_scoped3A = tpu.sem_alloc : memref<!tpu.dma_semaphore, #tpu.memory_space<semaphore_mem>>
        %dma_start3A_1059 = arith.constant 0 : i32
        %dma_start3A_1060 = arith.constant 0 : i32
        %dma_start3A_1061 = tpu.memref_slice %arg8[%dma_start3A_1059, %dma_start3A_1060] : memref<1280x32xf32, #tpu.memory_space<vmem>> -> memref<245x32xf32, #tpu.memory_space<vmem>>
        %dma_start3A_1062 = arith.constant 0 : i32
        %dma_start3A_1063 = tpu.memref_slice %arg4[%add3A_1058, %dma_start3A_1062] : memref<50000x32xf32, #tpu.memory_space<hbm>> -> memref<245x32xf32, #tpu.memory_space<hbm>>
        %dma_start3A_1064 = arith.constant 0 : i32
        %dma_start3A_1065 = tpu.memref_slice %arg4[%add3A_1058, %dma_start3A_1064] : memref<50000x32xf32, #tpu.memory_space<hbm>> -> memref<245x32xf32, #tpu.memory_space<hbm>>
        %dma_start3A_1066 = arith.constant 0 : i32
        %dma_start3A_1067 = arith.constant 0 : i32
        %dma_start3A_1068 = tpu.memref_slice %arg8[%dma_start3A_1066, %dma_start3A_1067] : memref<1280x32xf32, #tpu.memory_space<vmem>> -> memref<245x32xf32, #tpu.memory_space<vmem>>
        tpu.enqueue_dma source(%dma_start3A_1068 : memref<245x32xf32, #tpu.memory_space<vmem>>) target(%dma_start3A_1065 : memref<245x32xf32, #tpu.memory_space<hbm>>) target_semaphore(%run_scoped3A : memref<!tpu.dma_semaphore, #tpu.memory_space<semaphore_mem>>)
        %dma_wait3A_1069 = arith.constant 0 : i32
        %dma_wait3A_1070 = arith.constant 0 : i32
        %dma_wait3A_1071 = tpu.memref_slice %arg8[%dma_wait3A_1069, %dma_wait3A_1070] : memref<1280x32xf32, #tpu.memory_space<vmem>> -> memref<245x32xf32, #tpu.memory_space<vmem>>
        %dma_wait3A_1072 = arith.constant 0 : i32
        %dma_wait3A_1073 = tpu.memref_slice %arg4[%add3A_1058, %dma_wait3A_1072] : memref<50000x32xf32, #tpu.memory_space<hbm>> -> memref<245x32xf32, #tpu.memory_space<hbm>>
        %dma_wait3A_1074 = arith.constant 0 : i32
        %dma_wait3A_1075 = tpu.memref_slice %arg4[%add3A_1058, %dma_wait3A_1074] : memref<50000x32xf32, #tpu.memory_space<hbm>> -> memref<245x32xf32, #tpu.memory_space<hbm>>
        %dma_wait3A_1076 = arith.constant 0 : i32
        %dma_wait3A_1077 = arith.constant 0 : i32
        %dma_wait3A_1078 = tpu.memref_slice %arg8[%dma_wait3A_1076, %dma_wait3A_1077] : memref<1280x32xf32, #tpu.memory_space<vmem>> -> memref<245x32xf32, #tpu.memory_space<vmem>>
        tpu.wait_dma2 semaphore(%run_scoped3A : memref<!tpu.dma_semaphore, #tpu.memory_space<semaphore_mem>>) src(%dma_wait3A_1078 : memref<245x32xf32, #tpu.memory_space<vmem>>) dst(%dma_wait3A_1075 : memref<245x32xf32, #tpu.memory_space<hbm>>)
        tpu.yield
      }) : () -> ()
    } else {
    }
    return
  }
}

module attributes {stable_mosaic.version = 14 : i64} {
  func.func @body(%arg0: i32, %arg1: memref<16x4096xf32, #tpu.memory_space<vmem>>, %arg2: memref<4096x32xf32, #tpu.memory_space<vmem>>, %arg3: memref<32x544xbf16, #tpu.memory_space<vmem>>, %arg4: memref<4096x32xf32, #tpu.memory_space<vmem>>, %arg5: memref<544x4096xbf16, #tpu.memory_space<vmem>>) attributes {dimension_semantics = [#tpu.dimension_semantics<arbitrary>], iteration_bounds = array<i64: 25>, scalar_prefetch = 0 : i64, scratch_operands = 1 : i64, tpu.core_type = #tpu.core_type<tc>, window_params = [{transform_indices = @transform_0, window_bounds = array<i64: 16, 4096>}, {transform_indices = @transform_1, window_bounds = array<i64: 4096, 32>}, {pipeline_mode = #tpu.pipeline_mode<synchronous>, transform_indices = @transform_2, window_bounds = array<i64: 32, 544>}, {transform_indices = @transform_3, window_bounds = array<i64: 4096, 32>}]} {
    %get3A = arith.constant 0 : index
    %get3A_0 = arith.constant 0 : index
    %get3A_1 = vector.load %arg2[%get3A, %get3A_0] : memref<4096x32xf32, #tpu.memory_space<vmem>>, vector<4096x32xf32>
    %transpose3A = tpu.transpose %get3A_1, [1, 0] : vector<4096x32xf32> -> vector<32x4096xf32>
    %get3A_2 = arith.constant 0 : index
    %get3A_3 = arith.constant 0 : index
    %get3A_4 = vector.load %arg1[%get3A_2, %get3A_3] : memref<16x4096xf32, #tpu.memory_space<vmem>>, vector<16x4096xf32>
    %slice3A = vector.extract_strided_slice %get3A_4 {offsets = [0, 0], sizes = [1, 4096], strides = [1, 1]} : vector<16x4096xf32> to vector<1x4096xf32>
    %mul3A = vector.broadcast %slice3A : vector<1x4096xf32> to vector<32x4096xf32>
    %mul3A_5 = arith.mulf %transpose3A, %mul3A : vector<32x4096xf32>
    %convert_element_type3A = arith.truncf %mul3A_5 : vector<32x4096xf32> to vector<32x4096xbf16>
    %swap3A = arith.constant 0 : index
    %swap3A_6 = arith.constant 0 : index
    %swap3A_7 = vector.load %arg5[%swap3A, %swap3A_6] : memref<544x4096xbf16, #tpu.memory_space<vmem>>, vector<32x4096xbf16>
    tpu.vector_store %arg5[%swap3A, %swap3A_6], %convert_element_type3A {strides = array<i32>} : memref<544x4096xbf16, #tpu.memory_space<vmem>>, vector<32x4096xbf16>,
    %slice3A_8 = vector.extract_strided_slice %get3A_4 {offsets = [1, 0], sizes = [1, 4096], strides = [1, 1]} : vector<16x4096xf32> to vector<1x4096xf32>
    %mul3A_9 = vector.broadcast %slice3A_8 : vector<1x4096xf32> to vector<32x4096xf32>
    %mul3A_10 = arith.mulf %transpose3A, %mul3A_9 : vector<32x4096xf32>
    %convert_element_type3A_11 = arith.truncf %mul3A_10 : vector<32x4096xf32> to vector<32x4096xbf16>
    %swap3A_12 = arith.constant 32 : index
    %swap3A_13 = arith.constant 0 : index
    %swap3A_14 = vector.load %arg5[%swap3A_12, %swap3A_13] : memref<544x4096xbf16, #tpu.memory_space<vmem>>, vector<32x4096xbf16>
    tpu.vector_store %arg5[%swap3A_12, %swap3A_13], %convert_element_type3A_11 {strides = array<i32>} : memref<544x4096xbf16, #tpu.memory_space<vmem>>, vector<32x4096xbf16>,
    %slice3A_15 = vector.extract_strided_slice %get3A_4 {offsets = [2, 0], sizes = [1, 4096], strides = [1, 1]} : vector<16x4096xf32> to vector<1x4096xf32>
    %mul3A_16 = vector.broadcast %slice3A_15 : vector<1x4096xf32> to vector<32x4096xf32>
    %mul3A_17 = arith.mulf %transpose3A, %mul3A_16 : vector<32x4096xf32>
    %convert_element_type3A_18 = arith.truncf %mul3A_17 : vector<32x4096xf32> to vector<32x4096xbf16>
    %swap3A_19 = arith.constant 64 : index
    %swap3A_20 = arith.constant 0 : index
    %swap3A_21 = vector.load %arg5[%swap3A_19, %swap3A_20] : memref<544x4096xbf16, #tpu.memory_space<vmem>>, vector<32x4096xbf16>
    tpu.vector_store %arg5[%swap3A_19, %swap3A_20], %convert_element_type3A_18 {strides = array<i32>} : memref<544x4096xbf16, #tpu.memory_space<vmem>>, vector<32x4096xbf16>,
    %slice3A_22 = vector.extract_strided_slice %get3A_4 {offsets = [3, 0], sizes = [1, 4096], strides = [1, 1]} : vector<16x4096xf32> to vector<1x4096xf32>
    %mul3A_23 = vector.broadcast %slice3A_22 : vector<1x4096xf32> to vector<32x4096xf32>
    %mul3A_24 = arith.mulf %transpose3A, %mul3A_23 : vector<32x4096xf32>
    %convert_element_type3A_25 = arith.truncf %mul3A_24 : vector<32x4096xf32> to vector<32x4096xbf16>
    %swap3A_26 = arith.constant 96 : index
    %swap3A_27 = arith.constant 0 : index
    %swap3A_28 = vector.load %arg5[%swap3A_26, %swap3A_27] : memref<544x4096xbf16, #tpu.memory_space<vmem>>, vector<32x4096xbf16>
    tpu.vector_store %arg5[%swap3A_26, %swap3A_27], %convert_element_type3A_25 {strides = array<i32>} : memref<544x4096xbf16, #tpu.memory_space<vmem>>, vector<32x4096xbf16>,
    %slice3A_29 = vector.extract_strided_slice %get3A_4 {offsets = [4, 0], sizes = [1, 4096], strides = [1, 1]} : vector<16x4096xf32> to vector<1x4096xf32>
    %mul3A_30 = vector.broadcast %slice3A_29 : vector<1x4096xf32> to vector<32x4096xf32>
    %mul3A_31 = arith.mulf %transpose3A, %mul3A_30 : vector<32x4096xf32>
    %convert_element_type3A_32 = arith.truncf %mul3A_31 : vector<32x4096xf32> to vector<32x4096xbf16>
    %swap3A_33 = arith.constant 128 : index
    %swap3A_34 = arith.constant 0 : index
    %swap3A_35 = vector.load %arg5[%swap3A_33, %swap3A_34] : memref<544x4096xbf16, #tpu.memory_space<vmem>>, vector<32x4096xbf16>
    tpu.vector_store %arg5[%swap3A_33, %swap3A_34], %convert_element_type3A_32 {strides = array<i32>} : memref<544x4096xbf16, #tpu.memory_space<vmem>>, vector<32x4096xbf16>,
    %slice3A_36 = vector.extract_strided_slice %get3A_4 {offsets = [5, 0], sizes = [1, 4096], strides = [1, 1]} : vector<16x4096xf32> to vector<1x4096xf32>
    %mul3A_37 = vector.broadcast %slice3A_36 : vector<1x4096xf32> to vector<32x4096xf32>
    %mul3A_38 = arith.mulf %transpose3A, %mul3A_37 : vector<32x4096xf32>
    %convert_element_type3A_39 = arith.truncf %mul3A_38 : vector<32x4096xf32> to vector<32x4096xbf16>
    %swap3A_40 = arith.constant 160 : index
    %swap3A_41 = arith.constant 0 : index
    %swap3A_42 = vector.load %arg5[%swap3A_40, %swap3A_41] : memref<544x4096xbf16, #tpu.memory_space<vmem>>, vector<32x4096xbf16>
    tpu.vector_store %arg5[%swap3A_40, %swap3A_41], %convert_element_type3A_39 {strides = array<i32>} : memref<544x4096xbf16, #tpu.memory_space<vmem>>, vector<32x4096xbf16>,
    %slice3A_43 = vector.extract_strided_slice %get3A_4 {offsets = [6, 0], sizes = [1, 4096], strides = [1, 1]} : vector<16x4096xf32> to vector<1x4096xf32>
    %mul3A_44 = vector.broadcast %slice3A_43 : vector<1x4096xf32> to vector<32x4096xf32>
    %mul3A_45 = arith.mulf %transpose3A, %mul3A_44 : vector<32x4096xf32>
    %convert_element_type3A_46 = arith.truncf %mul3A_45 : vector<32x4096xf32> to vector<32x4096xbf16>
    %swap3A_47 = arith.constant 192 : index
    %swap3A_48 = arith.constant 0 : index
    %swap3A_49 = vector.load %arg5[%swap3A_47, %swap3A_48] : memref<544x4096xbf16, #tpu.memory_space<vmem>>, vector<32x4096xbf16>
    tpu.vector_store %arg5[%swap3A_47, %swap3A_48], %convert_element_type3A_46 {strides = array<i32>} : memref<544x4096xbf16, #tpu.memory_space<vmem>>, vector<32x4096xbf16>,
    %slice3A_50 = vector.extract_strided_slice %get3A_4 {offsets = [7, 0], sizes = [1, 4096], strides = [1, 1]} : vector<16x4096xf32> to vector<1x4096xf32>
    %mul3A_51 = vector.broadcast %slice3A_50 : vector<1x4096xf32> to vector<32x4096xf32>
    %mul3A_52 = arith.mulf %transpose3A, %mul3A_51 : vector<32x4096xf32>
    %convert_element_type3A_53 = arith.truncf %mul3A_52 : vector<32x4096xf32> to vector<32x4096xbf16>
    %swap3A_54 = arith.constant 224 : index
    %swap3A_55 = arith.constant 0 : index
    %swap3A_56 = vector.load %arg5[%swap3A_54, %swap3A_55] : memref<544x4096xbf16, #tpu.memory_space<vmem>>, vector<32x4096xbf16>
    tpu.vector_store %arg5[%swap3A_54, %swap3A_55], %convert_element_type3A_53 {strides = array<i32>} : memref<544x4096xbf16, #tpu.memory_space<vmem>>, vector<32x4096xbf16>,
    %slice3A_57 = vector.extract_strided_slice %get3A_4 {offsets = [8, 0], sizes = [1, 4096], strides = [1, 1]} : vector<16x4096xf32> to vector<1x4096xf32>
    %mul3A_58 = vector.broadcast %slice3A_57 : vector<1x4096xf32> to vector<32x4096xf32>
    %mul3A_59 = arith.mulf %transpose3A, %mul3A_58 : vector<32x4096xf32>
    %convert_element_type3A_60 = arith.truncf %mul3A_59 : vector<32x4096xf32> to vector<32x4096xbf16>
    %swap3A_61 = arith.constant 256 : index
    %swap3A_62 = arith.constant 0 : index
    %swap3A_63 = vector.load %arg5[%swap3A_61, %swap3A_62] : memref<544x4096xbf16, #tpu.memory_space<vmem>>, vector<32x4096xbf16>
    tpu.vector_store %arg5[%swap3A_61, %swap3A_62], %convert_element_type3A_60 {strides = array<i32>} : memref<544x4096xbf16, #tpu.memory_space<vmem>>, vector<32x4096xbf16>,
    %slice3A_64 = vector.extract_strided_slice %get3A_4 {offsets = [9, 0], sizes = [1, 4096], strides = [1, 1]} : vector<16x4096xf32> to vector<1x4096xf32>
    %mul3A_65 = vector.broadcast %slice3A_64 : vector<1x4096xf32> to vector<32x4096xf32>
    %mul3A_66 = arith.mulf %transpose3A, %mul3A_65 : vector<32x4096xf32>
    %convert_element_type3A_67 = arith.truncf %mul3A_66 : vector<32x4096xf32> to vector<32x4096xbf16>
    %swap3A_68 = arith.constant 288 : index
    %swap3A_69 = arith.constant 0 : index
    %swap3A_70 = vector.load %arg5[%swap3A_68, %swap3A_69] : memref<544x4096xbf16, #tpu.memory_space<vmem>>, vector<32x4096xbf16>
    tpu.vector_store %arg5[%swap3A_68, %swap3A_69], %convert_element_type3A_67 {strides = array<i32>} : memref<544x4096xbf16, #tpu.memory_space<vmem>>, vector<32x4096xbf16>,
    %slice3A_71 = vector.extract_strided_slice %get3A_4 {offsets = [10, 0], sizes = [1, 4096], strides = [1, 1]} : vector<16x4096xf32> to vector<1x4096xf32>
    %mul3A_72 = vector.broadcast %slice3A_71 : vector<1x4096xf32> to vector<32x4096xf32>
    %mul3A_73 = arith.mulf %transpose3A, %mul3A_72 : vector<32x4096xf32>
    %convert_element_type3A_74 = arith.truncf %mul3A_73 : vector<32x4096xf32> to vector<32x4096xbf16>
    %swap3A_75 = arith.constant 320 : index
    %swap3A_76 = arith.constant 0 : index
    %swap3A_77 = vector.load %arg5[%swap3A_75, %swap3A_76] : memref<544x4096xbf16, #tpu.memory_space<vmem>>, vector<32x4096xbf16>
    tpu.vector_store %arg5[%swap3A_75, %swap3A_76], %convert_element_type3A_74 {strides = array<i32>} : memref<544x4096xbf16, #tpu.memory_space<vmem>>, vector<32x4096xbf16>,
    %slice3A_78 = vector.extract_strided_slice %get3A_4 {offsets = [11, 0], sizes = [1, 4096], strides = [1, 1]} : vector<16x4096xf32> to vector<1x4096xf32>
    %mul3A_79 = vector.broadcast %slice3A_78 : vector<1x4096xf32> to vector<32x4096xf32>
    %mul3A_80 = arith.mulf %transpose3A, %mul3A_79 : vector<32x4096xf32>
    %convert_element_type3A_81 = arith.truncf %mul3A_80 : vector<32x4096xf32> to vector<32x4096xbf16>
    %swap3A_82 = arith.constant 352 : index
    %swap3A_83 = arith.constant 0 : index
    %swap3A_84 = vector.load %arg5[%swap3A_82, %swap3A_83] : memref<544x4096xbf16, #tpu.memory_space<vmem>>, vector<32x4096xbf16>
    tpu.vector_store %arg5[%swap3A_82, %swap3A_83], %convert_element_type3A_81 {strides = array<i32>} : memref<544x4096xbf16, #tpu.memory_space<vmem>>, vector<32x4096xbf16>,
    %slice3A_85 = vector.extract_strided_slice %get3A_4 {offsets = [12, 0], sizes = [1, 4096], strides = [1, 1]} : vector<16x4096xf32> to vector<1x4096xf32>
    %mul3A_86 = vector.broadcast %slice3A_85 : vector<1x4096xf32> to vector<32x4096xf32>
    %mul3A_87 = arith.mulf %transpose3A, %mul3A_86 : vector<32x4096xf32>
    %convert_element_type3A_88 = arith.truncf %mul3A_87 : vector<32x4096xf32> to vector<32x4096xbf16>
    %swap3A_89 = arith.constant 384 : index
    %swap3A_90 = arith.constant 0 : index
    %swap3A_91 = vector.load %arg5[%swap3A_89, %swap3A_90] : memref<544x4096xbf16, #tpu.memory_space<vmem>>, vector<32x4096xbf16>
    tpu.vector_store %arg5[%swap3A_89, %swap3A_90], %convert_element_type3A_88 {strides = array<i32>} : memref<544x4096xbf16, #tpu.memory_space<vmem>>, vector<32x4096xbf16>,
    %slice3A_92 = vector.extract_strided_slice %get3A_4 {offsets = [13, 0], sizes = [1, 4096], strides = [1, 1]} : vector<16x4096xf32> to vector<1x4096xf32>
    %mul3A_93 = vector.broadcast %slice3A_92 : vector<1x4096xf32> to vector<32x4096xf32>
    %mul3A_94 = arith.mulf %transpose3A, %mul3A_93 : vector<32x4096xf32>
    %convert_element_type3A_95 = arith.truncf %mul3A_94 : vector<32x4096xf32> to vector<32x4096xbf16>
    %swap3A_96 = arith.constant 416 : index
    %swap3A_97 = arith.constant 0 : index
    %swap3A_98 = vector.load %arg5[%swap3A_96, %swap3A_97] : memref<544x4096xbf16, #tpu.memory_space<vmem>>, vector<32x4096xbf16>
    tpu.vector_store %arg5[%swap3A_96, %swap3A_97], %convert_element_type3A_95 {strides = array<i32>} : memref<544x4096xbf16, #tpu.memory_space<vmem>>, vector<32x4096xbf16>,
    %slice3A_99 = vector.extract_strided_slice %get3A_4 {offsets = [14, 0], sizes = [1, 4096], strides = [1, 1]} : vector<16x4096xf32> to vector<1x4096xf32>
    %mul3A_100 = vector.broadcast %slice3A_99 : vector<1x4096xf32> to vector<32x4096xf32>
    %mul3A_101 = arith.mulf %transpose3A, %mul3A_100 : vector<32x4096xf32>
    %convert_element_type3A_102 = arith.truncf %mul3A_101 : vector<32x4096xf32> to vector<32x4096xbf16>
    %swap3A_103 = arith.constant 448 : index
    %swap3A_104 = arith.constant 0 : index
    %swap3A_105 = vector.load %arg5[%swap3A_103, %swap3A_104] : memref<544x4096xbf16, #tpu.memory_space<vmem>>, vector<32x4096xbf16>
    tpu.vector_store %arg5[%swap3A_103, %swap3A_104], %convert_element_type3A_102 {strides = array<i32>} : memref<544x4096xbf16, #tpu.memory_space<vmem>>, vector<32x4096xbf16>,
    %slice3A_106 = vector.extract_strided_slice %get3A_4 {offsets = [15, 0], sizes = [1, 4096], strides = [1, 1]} : vector<16x4096xf32> to vector<1x4096xf32>
    %mul3A_107 = vector.broadcast %slice3A_106 : vector<1x4096xf32> to vector<32x4096xf32>
    %mul3A_108 = arith.mulf %transpose3A, %mul3A_107 : vector<32x4096xf32>
    %convert_element_type3A_109 = arith.truncf %mul3A_108 : vector<32x4096xf32> to vector<32x4096xbf16>
    %swap3A_110 = arith.constant 480 : index
    %swap3A_111 = arith.constant 0 : index
    %swap3A_112 = vector.load %arg5[%swap3A_110, %swap3A_111] : memref<544x4096xbf16, #tpu.memory_space<vmem>>, vector<32x4096xbf16>
    tpu.vector_store %arg5[%swap3A_110, %swap3A_111], %convert_element_type3A_109 {strides = array<i32>} : memref<544x4096xbf16, #tpu.memory_space<vmem>>, vector<32x4096xbf16>,
    %convert_element_type3A_113 = arith.truncf %transpose3A : vector<32x4096xf32> to vector<32x4096xbf16>
    %swap3A_114 = arith.constant 512 : index
    %swap3A_115 = arith.constant 0 : index
    %swap3A_116 = vector.load %arg5[%swap3A_114, %swap3A_115] : memref<544x4096xbf16, #tpu.memory_space<vmem>>, vector<32x4096xbf16>
    tpu.vector_store %arg5[%swap3A_114, %swap3A_115], %convert_element_type3A_113 {strides = array<i32>} : memref<544x4096xbf16, #tpu.memory_space<vmem>>, vector<32x4096xbf16>,
    %get3A_117 = arith.constant 0 : index
    %get3A_118 = arith.constant 0 : index
    %get3A_119 = vector.load %arg3[%get3A_117, %get3A_118] : memref<32x544xbf16, #tpu.memory_space<vmem>>, vector<32x544xbf16>
    %get3A_120 = arith.constant 0 : index
    %get3A_121 = arith.constant 0 : index
    %get3A_122 = vector.load %arg5[%get3A_120, %get3A_121] : memref<544x4096xbf16, #tpu.memory_space<vmem>>, vector<544x4096xbf16>
    %dot_general3A = arith.constant dense<0.000000e+00> : vector<32x4096xf32>
    %dot_general3A_123 = tpu.matmul %get3A_119, %get3A_122, %dot_general3A {dimension_numbers = #tpu.dot_dimension_numbers<[1], [0], [0], [1], [0, 0, 1, 1], [], []>, transpose_lhs_hint = false} : vector<32x544xbf16>, vector<544x4096xbf16>, vector<32x4096xf32> -> vector<32x4096xf32>
    %transpose3A_124 = tpu.transpose %dot_general3A_123, [1, 0] : vector<32x4096xf32> -> vector<4096x32xf32>
    %swap3A_125 = arith.constant 0 : index
    %swap3A_126 = arith.constant 0 : index
    %swap3A_127 = vector.load %arg4[%swap3A_125, %swap3A_126] : memref<4096x32xf32, #tpu.memory_space<vmem>>, vector<4096x32xf32>
    tpu.vector_store %arg4[%swap3A_125, %swap3A_126], %transpose3A_124 {strides = array<i32>} : memref<4096x32xf32, #tpu.memory_space<vmem>>, vector<4096x32xf32>,
    return
  }
  func.func @transform_0(%arg0: i32) -> (i32, i32) {
    %min3A = arith.constant 24 : i32
    %min3A_0 = arith.minsi %arg0, %min3A : i32
    %c0_i32 = arith.constant 0 : i32
    %c0_i32_1 = arith.constant 0 : i32
    return %c0_i32, %min3A_0 : i32, i32
  }
  func.func @transform_1(%arg0: i32) -> (i32, i32) {
    %c0_i32 = arith.constant 0 : i32
    %c0_i32_0 = arith.constant 0 : i32
    return %arg0, %c0_i32 : i32, i32
  }
  func.func @transform_2(%arg0: i32) -> (i32, i32) {
    %c0_i32 = arith.constant 0 : i32
    %c0_i32_0 = arith.constant 0 : i32
    %c0_i32_1 = arith.constant 0 : i32
    return %c0_i32, %c0_i32_0 : i32, i32
  }
  func.func @transform_3(%arg0: i32) -> (i32, i32) {
    %c0_i32 = arith.constant 0 : i32
    %c0_i32_0 = arith.constant 0 : i32
    return %arg0, %c0_i32 : i32, i32
  }
}

</mosaic_0001>

<sc_bundles>
// kernel: kernel.5.cloned.1.call-start
scs
__scs_entry_jumppad:
0x0: {  	(pc) =	sbr.rel $0x88, $3  }
0x1: {  	(tag) =	ssettag $0x0;
	lr =	simm.s32 $0x1  }
0x2: {  	[smem:$0x3F9C] =	sst lr;
	_ =	strace $0xD0000000  }
0x3: {  	_ = 	snop  }
0x4: {  	_ = 	snop  }
0x5: {  	_ = 	snop  }
0x6: {  	_ = 	snop  }
0x7: {  	_ = 	snop  }
__scs_overlays_trampoline_lowered:
0x8: {  	[smem:$0x3FAB] =	sst s0  }
0x9: {  	[smem:$0x3FAC] =	sst s1  }
0xa: {  	[smem:$0x3FAD] =	sst s2  }
0xb: {  	[smem:$0x3FAE] =	sst s3  }
0xc: {  	[smem:$0x3FAF] =	sst s4  }
0xd: {  	[smem:$0x3FB0] =	sst s5  }
0xe: {  	[smem:$0x3FB1] =	sst s6  }
0xf: {  	[smem:$0x3FB2] =	sst s7  }
0x10: {  	[smem:$0x3FB3] =	sst s8  }
0x11: {  	[smem:$0x3FB4] =	sst s9;
	s0 =	simm.s32 @!p0 $0x0  }
0x12: {  	s1 =	sld [smem:$0x3F9A];
	s0 =	simm.s32 @p0 $0x1  }
0x13: {  	[smem:$0x3FB5] =	sst s0;
	s0 =	simm.s32 @!p1 $0x0  }
0x14: {  	s2 =	sld [smem:$0x3F99];
	s0 =	simm.s32 @p1 $0x1  }
0x15: {  	[smem:$0x3FB6] =	sst s0;
	s0 =	simm.s32 @!p2 $0x0  }
0x16: {  	s3 =	sld [smem:$0x3FDB];
	s0 =	simm.s32 @p2 $0x1  }
0x17: {  	s4 =	simm.s32 $0x1BF5;
	[smem:$0x3FB8] =	sst s0  }
0x18: {  	s0 =	sld [smem:$0x3F9B];
	_ =	swait.ge [sflag:s4], $0x0  }
0x19: {  	s7 =	sld [smem:$0x3F9C]  }
0x1a: {  	s8 =	sadd.s32 $0xFFFFE003, lr  }
0x1b: {  	s9 =	sadd.s32 $0xFFFFFEF7, lr;
	s5 =	simm.s32 $0xFFFFFFFF;
	p2 =	slt.u32 s8, $0xFFFFF086  }
0x1c: {  	p1 =	slt.u32 s9, $0xF7A;
	s5 =	simm.s32 @!p2 $0x0  }
0x1d: {  	s5 =	simm.s32 @p1 $0x1;
	p0 =	seq.s32 s7, s2  }
0x1e: {  	s7 =	smul.u32 @!p0 $0xF7A, s2;
	p2 =	seq.s32 @!p0 s5, $0x0  }
0x1f: {  	s9 =	smul.u32 $0xF7A, s1;
	s8 =	simm.s32 @!p0 $0x1BF5;
	p2 =	por !p2, p0  }
0x20: {  	[sflag:s8] =	ssyncset.s32 @!p0 $0xFFFFF086;
	s6 =	sadd.s32 @!p0 s3, s7;
	s7 =	simm.s32 @!p0 $0x108  }
0x21: {  	s3 =	sadd.s32 s3, s9;
	s6 =	sadd.s32 @!p0 $0x88, s6;
	s7 =	simm.s32 @p2 $0x1082  }
0x22: {  	[simem:s7], [sflag:s8] =	dma.local @!p0 [hbm:s6], $0xF7A  }
0x23: {  	s9 =	sor.u32 $0xD0000000, s2;
	s6 =	simm.s32 $0x108;
	_ =	swait.ge @!p0 [sflag:s8], $0x0  }
0x24: {  	s3 =	sadd.s32 $0x88, s3;
	s6 =	simm.s32 @!p1 $0x1082;
	[sflag:s4] =	ssyncset.s32 $0xFFFFF086  }
0x25: {  	[simem:s6], [sflag:s4] =	dma.local [hbm:s3], $0xF7A  }
0x26: {  	[smem:$0x3F9C] =	sst s1;
	(tag) =	ssettag s2;
	_ =	strace s9  }
0x27: {  	s1 =	sld [smem:$0x3FAC]  }
0x28: {  	s2 =	sld [smem:$0x3FAD]  }
0x29: {  	s4 =	sld [smem:$0x3FAF]  }
0x2a: {  	p0 =	seq.s32 s5, $0x0;
	s5 =	sld [smem:$0x3FB0]  }
0x2b: {  	s6 =	sld [smem:$0x3FB1]  }
0x2c: {  	s7 =	sld [smem:$0x3FB2]  }
0x2d: {  	s3 =	simm.s32 $0x108;
	s8 =	sld [smem:$0x3FB3]  }
0x2e: {  	s3 =	simm.s32 @!p0 $0x1082;
	s9 =	sld [smem:$0x3FB4]  }
0x2f: {  	lr =	sadd.s32 s0, s3;
	s0 =	sld [smem:$0x3FAB]  }
0x30: {  	s3 =	sld [smem:$0x3FAE]  }
0x31: {  	[smem:$0x3FB7] =	sst s10  }
0x32: {  	s10 =	sld [smem:$0x3FB5];
	_ =	sdelay $0x3  }
0x33: {  	p0 =	seq.s32 s10, $0x1;
	s10 =	sld [smem:$0x3FB7];
	_ =	sdelay $0x3  }
0x34: {  	[smem:$0x3FB7] =	sst s10  }
0x35: {  	s10 =	sld [smem:$0x3FB6];
	_ =	sdelay $0x3  }
0x36: {  	p1 =	seq.s32 s10, $0x1;
	s10 =	sld [smem:$0x3FB7];
	_ =	sdelay $0x3  }
0x37: {  	[smem:$0x3FB7] =	sst s10  }
0x38: {  	s10 =	sld [smem:$0x3FB8]  }
0x39: {  	_ = 	snop;
	(pc) =	sbr.ind lr, $3  }
0x3a: {  	_ = 	snop  }
0x3b: {  	_ = 	snop  }
0x3c: {  	p2 =	seq.s32 s10, $0x1;
	s10 =	sld [smem:$0x3FB7]  }
0x3d: {  	_ =	shalt  }
0x3e: {  	_ =	shalt  }
0x3f: {  	_ =	shalt  }
0x40: {  	_ =	shalt  }
0x41: {  	_ =	shalt  }
0x42: {  	_ =	shalt  }
0x43: {  	_ =	shalt  }
0x44: {  	_ =	shalt  }
0x45: {  	_ =	shalt  }
0x46: {  	_ =	shalt  }
0x47: {  	_ =	shalt  }
0x48: {  	_ =	shalt  }
0x49: {  	_ =	shalt  }
0x4a: {  	_ =	shalt  }
0x4b: {  	_ =	shalt  }
0x4c: {  	_ =	shalt  }
0x4d: {  	_ =	shalt  }
0x4e: {  	_ =	shalt  }
0x4f: {  	_ =	shalt  }
0x50: {  	_ =	shalt  }
0x51: {  	_ =	shalt  }
0x52: {  	_ =	shalt  }
0x53: {  	_ =	shalt  }
0x54: {  	_ =	shalt  }
0x55: {  	_ =	shalt  }
0x56: {  	_ =	shalt  }
0x57: {  	_ =	shalt  }
0x58: {  	_ =	shalt  }
0x59: {  	_ =	shalt  }
0x5a: {  	_ =	shalt  }
0x5b: {  	_ =	shalt  }
0x5c: {  	_ =	shalt  }
0x5d: {  	_ =	shalt  }
0x5e: {  	_ =	shalt  }
0x5f: {  	_ =	shalt  }
0x60: {  	_ =	shalt  }
0x61: {  	_ =	shalt  }
0x62: {  	_ =	shalt  }
0x63: {  	_ =	shalt  }
0x64: {  	_ =	shalt  }
0x65: {  	_ =	shalt  }
0x66: {  	_ =	shalt  }
0x67: {  	_ =	shalt  }
0x68: {  	_ =	shalt  }
0x69: {  	_ =	shalt  }
0x6a: {  	_ =	shalt  }
0x6b: {  	_ =	shalt  }
0x6c: {  	_ =	shalt  }
0x6d: {  	_ =	shalt  }
0x6e: {  	_ =	shalt  }
0x6f: {  	_ =	shalt  }
0x70: {  	_ =	shalt  }
0x71: {  	_ =	shalt  }
0x72: {  	_ =	shalt  }
0x73: {  	_ =	shalt  }
0x74: {  	_ =	shalt  }
0x75: {  	_ =	shalt  }
0x76: {  	_ =	shalt  }
0x77: {  	_ =	shalt  }
0x78: {  	_ =	shalt  }
0x79: {  	_ =	shalt  }
0x7a: {  	_ =	shalt  }
0x7b: {  	_ =	shalt  }
0x7c: {  	_ =	shalt  }
0x7d: {  	_ =	shalt  }
0x7e: {  	_ =	shalt  }
0x7f: {  	_ =	shalt  }
0x80: {  	_ =	shalt  }
0x81: {  	_ =	shalt  }
0x82: {  	_ =	shalt  }
0x83: {  	_ =	shalt  }
0x84: {  	_ =	shalt  }
0x85: {  	_ =	shalt  }
0x86: {  	_ =	shalt  }
0x87: {  	_ =	shalt  }
.Lfunc_end0:
.L_simem_size_0:
called_computation_lowered:
.L_overlay_start_0:
0x88: {  	s2 =	sld [smem:$0x3FD9]  }
0x89: {  	s3 =	sld [smem:$0x3FFE];
	_ =	sdelay $0x1  }
0x8a: {  	s1 =	srdreg.scid  }
0x8b: {  	s0 =	sand.u32 $0x1, s1  }
0x8c: {  	s17 =	sshll.u32 s0, $0xA;
	s2 =	sadd.s32 s3, s2  }
0x8d: {  	s2 =	sadd.s32 s2, s17  }
0x8e: {  	[smem:$0x3FC3] =	sst s2  }
0x8f: {  	_ = 	snop  }
0x90: {  	s2 =	sld [smem:$0x3FD0];
	(tm) =	ssettm $0x1  }
0x91: {  	s18 =	sld [smem:$0x3FFB];
	_ =	sdelay $0x3  }
0x92: {  	_ =	strace s18  }
0x93: {  	s3 =	sld [smem:$0x3FFC];
	_ =	sdelay $0x3  }
0x94: {  	_ =	strace s3  }
0x95: {  	s3 =	sld [smem:$0x3FFD];
	_ =	sdelay $0x3  }
0x96: {  	_ =	strace s3  }
0x97: {  	_ =	strace $0x8FFFFFFF  }
0x98: {  	s19 =	sld [smem:$0x3FDB];
	_ =	sdelay $0x1  }
0x99: {  	s4 =	simm.s32 $_scs_section_size  }
0x9a: {  	s5 =	simm.s32 $_size__tile_overlayer_lowered;
	s6 =	simm.s32 $_tile_overlayer_lowered  }
0x9b: {  	s22 =	simm.s32 $0x1BFF;
	s21 =	sshll.u32 s6, $0x1;
	s3 =	sadd.s32 s4, s19  }
0x9c: {  	s7 =	simm.s32 $0x0;
	s20 =	sshll.u32 s5, $0x1;
	s5 =	sadd.s32 s21, s3  }
0x9d: {  	[timem:s7], [sflag:s22] =	dma.local [hbm:s5], s20  }
0x9e: {  	_ =	swait.ge [sflag:s22], s20  }
0x9f: {  	s4 =	ssub.s32 $0x0, s20;
	[sflag:s22] =	ssyncset.done $0x0  }
0xa0: {  	[sflag:s22] =	ssyncadd.s32 s4;
	_ =	sdelay $0x1  }
0xa1: {  	s23 =	simm.s32 $0x1B8B  }
0xa2: {  	_ =	swait.ge [sflag:s23], $0x1  }
0xa3: {  	[sflag:s23] =	ssyncset.done $0x0  }
0xa4: {  	s25 =	simm.s32 $0x1B8E;
	s24 =	sld [smem:$0x3FFE];
	[sflag:s23] =	ssyncadd.s32 $0xFFFFFFFF  }
0xa5: {  	s26 =	simm.s32 $execute0_lowered;
	[smem:$0x3FD2] =	sst s25  }
0xa6: {  	s5 =	sshll.u32 s26, $0x1;
	_ =	strace $0x80000046;
	[dreg:$0x1] =	wrdreg $0xFFFFFFFF  }
0xa7: {  	s28 =	simm.s32 $_size_execute0_lowered;
	s3 =	sadd.s32 s3, s5;
	[dreg:$0x0] =	wrdreg $0x0  }
0xa8: {  	s5 =	sshll.u32 s28, $0x1;
	[dreg:$0x2] =	wrdreg s3  }
0xa9: {  	[dreg:$0x3] =	wrdreg s5  }
0xaa: {  	[dreg:$0x4] =	wrdreg $0xC0  }
0xab: {  	_ =	task [dreg:s7], $0x5FFFF  }
0xac: {  	[dreg:$0x1] =	wrdreg $0xFFFFFFFF  }
0xad: {  	[dreg:$0x0] =	wrdreg $0x60  }
0xae: {  	[dreg:$0x2] =	wrdreg s24  }
0xaf: {  	[dreg:$0x3] =	wrdreg s2  }
0xb0: {  	[dreg:$0x4] =	wrdreg $0x9  }
0xb1: {  	_ =	task.clear_ibuf [dreg:s7], $0x5FFFF;
	_ =	strace $0x90000046  }
0xb2: {  	s29 =	simm.s32 $0x9;
	_ =	strace $0x80000048  }
0xb3: {  	_ =	swait.ge [sflag:s29], $0x1  }
0xb4: {  	[sflag:s29] =	ssyncadd.s32 $0xFFFFFFFF  }
0xb5: {  	_ =	strace $0x90000048  }
0xb6: {  	_ =	sfence  }
0xb7: {  	s30 =	sld [smem:$0x0];
	_ =	sdelay $0x2  }
0xb8: {  	s31 =	sshll.u32 s1, $0xD;
	s1 =	sshrl.u32 s1, $0x2  }
0xb9: {  	s3 =	sand.u32 $0x4000, s31;
	s1 =	sadd.s32 s1, s30  }
0xba: {  	s0 =	sor.u32 s3, s0;
	s1 =	sshll.u32 s1, $0x11  }
0xbb: {  	s0 =	sor.u32 s1, s0  }
0xbc: {  	s0 =	sadd.s32 $0x8F2B, s0  }
0xbd: {  	[sflag:s0] =	ssyncadd.remote.s32 $0x1  }
0xbe: {  	_ =	sfence.sel $0xFFFF  }
0xbf: {  	[dreg:$0x0] =	wrdreg $0xFFFFFFFF;
	(pc) =	sbr.abs _section_cstart, $3  }
0xc0: {  	[dreg:$0x1] =	wrdreg $0xFFFFFFFF  }
0xc1: {  	_ =	task.clear_ibuf [dreg:s7], $0x2FFFF;
	_ =	strace $0x9FFFFFFF  }
0xc2: {  	(tm) =	ssettm $0x7FFFFFFF  }
0xc3: {  	_ =	shalt  }
tec
execute0_lowered:
.L_overlay_start_1:
0x0: {  	(tag) =	ssettag $0x1  }
0x1: {  	s2 =	stileid.u32;
	s4 =	rddreg [dreg:$0x0]  }
0x2: {  	s3 =	rddreg [dreg:$0x1];
	s20 =	sshll.u32 s2, $0x1;
	s2 =	simm.s32 $0x0  }
0x3: {  	s22 =	simm.s32 $0x1C80;
	[smem:$0x7FF] =	sst s2  }
0x4: {  	s23 =	simm.s32 $0x100;
	_ =	strace $0x80000047;
	[dreg:$0x5] =	wrdreg s22  }
0x5: {  	s24 =	simm.s32 $0x2C80;
	[dreg:$0x6] =	wrdreg s23  }
0x6: {  	s25 =	simm.s32 $0x180;
	[dreg:$0x7] =	wrdreg s24  }
0x7: {  	s26 =	simm.s32 $0x3C80;
	[dreg:$0x8] =	wrdreg s25  }
0x8: {  	s6 =	simm.s32 $0x280;
	[dreg:$0x9] =	wrdreg s26  }
0x9: {  	s7 =	simm.s32 $0x5C80;
	[dreg:$0xc] =	wrdreg s6  }
0xa: {  	s8 =	simm.s32 $0x300;
	[dreg:$0xd] =	wrdreg s7  }
0xb: {  	s9 =	simm.s32 $0x6C80;
	[dreg:$0xe] =	wrdreg s8  }
0xc: {  	s10 =	simm.s32 $0x380;
	[dreg:$0xf] =	wrdreg s9  }
0xd: {  	s11 =	simm.s32 $0x7C80;
	[dreg:$0x10] =	wrdreg s10  }
0xe: {  	s12 =	simm.s32 $0x400;
	[dreg:$0x11] =	wrdreg s11  }
0xf: {  	s13 =	simm.s32 $0x8C80;
	[dreg:$0x12] =	wrdreg s12  }
0x10: {  	s14 =	simm.s32 $0x480;
	[dreg:$0x13] =	wrdreg s13  }
0x11: {  	s15 =	simm.s32 $0x9C80;
	[dreg:$0x14] =	wrdreg s14  }
0x12: {  	s16 =	simm.s32 $0x500;
	[dreg:$0x15] =	wrdreg s15  }
0x13: {  	s0 =	srdreg.scid;
	s17 =	simm.s32 $0xAC80;
	[dreg:$0x16] =	wrdreg s16  }
0x14: {  	s18 =	simm.s32 $0x580;
	s1 =	sand.u32 $0x1, s0;
	[dreg:$0x17] =	wrdreg s17  }
0x15: {  	s19 =	simm.s32 $0xBC80;
	s0 =	sor.u32 s1, s20;
	[dreg:$0x18] =	wrdreg s18  }
0x16: {  	s20 =	simm.s32 $0x600;
	s5 =	smul.u32 $0x190, s0;
	[dreg:$0x19] =	wrdreg s19  }
0x17: {  	s0 =	smul.u32 $0x3200, s0;
	[dreg:$0x1a] =	wrdreg s20;
	s23 =	simm.s32 $0x680  }
0x18: {  	[dreg:$0x1c] =	wrdreg s23  }
0x19: {  	s5 =	sadd.s32 s5, s4;
	s0 =	sadd.s32 s0, s4;
	s4 =	simm.s32 $0x200  }
0x1a: {  	s21 =	sadd.s32 $0xC00, s5;
	[dreg:$0xa] =	wrdreg s4  }
0x1b: {  	s0 =	sadd.s32 $0x3E00, s0;
	[dreg:$0x3] =	wrdreg s21  }
0x1c: {  	s5 =	simm.s32 $0x4C80;
	[dreg:$0x4] =	wrdreg s0  }
0x1d: {  	[dreg:$0xb] =	wrdreg s5  }
0x1e: {  	s21 =	simm.s32 $0xCC80;
	s22 =	rddreg [dreg:$0x3]  }
0x1f: {  	s4 =	simm.s32 $0x2;
	[dreg:$0x1b] =	wrdreg s21  }
0x20: {  	[tilespmem:s2], [sflag:$0x2] =	stream.linear.gather [hbm4b:s22+s2], $0xC80, $0x38;
	[tilespmem:$0x19C80] =	vst v63  }
0x21: {  	_ =	swait.ge [sflag:s4], $0xC80  }
0x22: {  	s0 =	rddreg [dreg:$0x1b]  }
0x23: {  	s7 =	rddreg [dreg:$0x19]  }
0x24: {  	s8 =	rddreg [dreg:$0x17]  }
0x25: {  	s9 =	rddreg [dreg:$0x15]  }
0x26: {  	s10 =	rddreg [dreg:$0x13]  }
0x27: {  	s11 =	rddreg [dreg:$0x11]  }
0x28: {  	s12 =	rddreg [dreg:$0xf]  }
0x29: {  	s13 =	rddreg [dreg:$0xd]  }
0x2a: {  	s14 =	rddreg [dreg:$0xb]  }
0x2b: {  	s6 =	simm.s32 $0x80;
	s15 =	rddreg [dreg:$0x6];
	[sflag:s4] =	ssyncset.done $0x0  }
0x2c: {  	s5 =	simm.s32 $0xC80;
	s16 =	rddreg [dreg:$0x5];
	[sflag:s4] =	ssyncadd.s32 $0xFFFFF380  }
0x2d: {  	[tilespmem:s5], [sflag:$0x1] =	stream.indirect.gather [hbm4b:s3+s6], $0x20, s2, s6, $0xb8;
	[tilespmem:$0x19C80] =	vst v63  }
0x2e: {  	s17 =	rddreg [dreg:$0x7]  }
0x2f: {  	[tilespmem:s16], [sflag:$0x1] =	stream.indirect.gather [hbm4b:s3+s6], $0x20, s6, s6, $0xb8;
	[tilespmem:$0x19C80] =	vst v63  }
0x30: {  	s18 =	rddreg [dreg:$0x9]  }
0x31: {  	[tilespmem:s17], [sflag:$0x1] =	stream.indirect.gather [hbm4b:s3+s6], $0x20, s15, s6, $0xb8;
	[tilespmem:$0x19C80] =	vst v63  }
0x32: {  	s24 =	rddreg [dreg:$0x8]  }
0x33: {  	[tilespmem:s18], [sflag:$0x1] =	stream.indirect.gather [hbm4b:s3+s6], $0x20, s24, s6, $0xb8;
	[tilespmem:$0x19C80] =	vst v63  }
0x34: {  	s25 =	rddreg [dreg:$0xa]  }
0x35: {  	[tilespmem:s14], [sflag:$0x1] =	stream.indirect.gather [hbm4b:s3+s6], $0x20, s25, s6, $0xb8;
	[tilespmem:$0x19C80] =	vst v63  }
0x36: {  	s26 =	rddreg [dreg:$0xc]  }
0x37: {  	[tilespmem:s13], [sflag:$0x1] =	stream.indirect.gather [hbm4b:s3+s6], $0x20, s26, s6, $0xb8;
	[tilespmem:$0x19C80] =	vst v63  }
0x38: {  	s15 =	rddreg [dreg:$0xe]  }
0x39: {  	[tilespmem:s12], [sflag:$0x1] =	stream.indirect.gather [hbm4b:s3+s6], $0x20, s15, s6, $0xb8;
	[tilespmem:$0x19C80] =	vst v63  }
0x3a: {  	s17 =	rddreg [dreg:$0x10]  }
0x3b: {  	[tilespmem:s11], [sflag:$0x1] =	stream.indirect.gather [hbm4b:s3+s6], $0x20, s17, s6, $0xb8;
	[tilespmem:$0x19C80] =	vst v63  }
0x3c: {  	s18 =	rddreg [dreg:$0x12]  }
0x3d: {  	[tilespmem:s10], [sflag:$0x1] =	stream.indirect.gather [hbm4b:s3+s6], $0x20, s18, s6, $0xb8;
	[tilespmem:$0x19C80] =	vst v63  }
0x3e: {  	s19 =	rddreg [dreg:$0x14]  }
0x3f: {  	[tilespmem:s9], [sflag:$0x1] =	stream.indirect.gather [hbm4b:s3+s6], $0x20, s19, s6, $0xb8;
	[tilespmem:$0x19C80] =	vst v63  }
0x40: {  	s20 =	rddreg [dreg:$0x16]  }
0x41: {  	[tilespmem:s8], [sflag:$0x1] =	stream.indirect.gather [hbm4b:s3+s6], $0x20, s20, s6, $0xb8;
	[tilespmem:$0x19C80] =	vst v63  }
0x42: {  	s21 =	rddreg [dreg:$0x18]  }
0x43: {  	[tilespmem:s7], [sflag:$0x1] =	stream.indirect.gather [hbm4b:s3+s6], $0x20, s21, s6, $0xb8;
	[tilespmem:$0x19C80] =	vst v63  }
0x44: {  	s22 =	rddreg [dreg:$0x1a]  }
0x45: {  	[tilespmem:s0], [sflag:$0x1] =	stream.indirect.gather [hbm4b:s3+s6], $0x20, s22, s6, $0xb8;
	[tilespmem:$0x19C80] =	vst v63  }
0x46: {  	s23 =	rddreg [dreg:$0x1c];
	s24 =	simm.s32 $0xDC80  }
0x47: {  	[tilespmem:s24], [sflag:$0x1] =	stream.indirect.gather [hbm4b:s3+s6], $0x20, s23, s6, $0xb8;
	[tilespmem:$0x19C80] =	vst v63  }
0x48: {  	s25 =	simm.s32 $0x700;
	s26 =	simm.s32 $0xEC80  }
0x49: {  	[tilespmem:s26], [sflag:$0x1] =	stream.indirect.gather [hbm4b:s3+s6], $0x20, s25, s6, $0xb8;
	[tilespmem:$0x19C80] =	vst v63  }
0x4a: {  	s9 =	simm.s32 $0xFC80;
	s8 =	simm.s32 $0x780  }
0x4b: {  	[tilespmem:s9], [sflag:$0x1] =	stream.indirect.gather [hbm4b:s3+s6], $0x20, s8, s6, $0xb8;
	[tilespmem:$0x19C80] =	vst v63  }
0x4c: {  	s11 =	simm.s32 $0x10C80;
	s10 =	simm.s32 $0x800  }
0x4d: {  	[tilespmem:s11], [sflag:$0x1] =	stream.indirect.gather [hbm4b:s3+s6], $0x20, s10, s6, $0xb8;
	[tilespmem:$0x19C80] =	vst v63  }
0x4e: {  	s13 =	simm.s32 $0x11C80;
	s12 =	simm.s32 $0x880  }
0x4f: {  	[tilespmem:s13], [sflag:$0x1] =	stream.indirect.gather [hbm4b:s3+s6], $0x20, s12, s6, $0xb8;
	[tilespmem:$0x19C80] =	vst v63  }
0x50: {  	s14 =	simm.s32 $0x900;
	s15 =	simm.s32 $0x12C80  }
0x51: {  	[tilespmem:s15], [sflag:$0x1] =	stream.indirect.gather [hbm4b:s3+s6], $0x20, s14, s6, $0xb8;
	[tilespmem:$0x19C80] =	vst v63  }
0x52: {  	s16 =	simm.s32 $0x980;
	s17 =	simm.s32 $0x13C80  }
0x53: {  	[tilespmem:s17], [sflag:$0x1] =	stream.indirect.gather [hbm4b:s3+s6], $0x20, s16, s6, $0xb8;
	[tilespmem:$0x19C80] =	vst v63  }
0x54: {  	s20 =	simm.s32 $0xA00;
	s21 =	simm.s32 $0x14C80  }
0x55: {  	[tilespmem:s21], [sflag:$0x1] =	stream.indirect.gather [hbm4b:s3+s6], $0x20, s20, s6, $0xb8;
	[tilespmem:$0x19C80] =	vst v63  }
0x56: {  	s22 =	simm.s32 $0xA80;
	s23 =	simm.s32 $0x15C80  }
0x57: {  	[tilespmem:s23], [sflag:$0x1] =	stream.indirect.gather [hbm4b:s3+s6], $0x20, s22, s6, $0xb8;
	[tilespmem:$0x19C80] =	vst v63  }
0x58: {  	s24 =	simm.s32 $0xB00;
	s26 =	simm.s32 $0x16C80  }
0x59: {  	[tilespmem:s26], [sflag:$0x1] =	stream.indirect.gather [hbm4b:s3+s6], $0x20, s24, s6, $0xb8;
	[tilespmem:$0x19C80] =	vst v63  }
0x5a: {  	s28 =	simm.s32 $0xB80;
	s29 =	simm.s32 $0x17C80  }
0x5b: {  	[tilespmem:s29], [sflag:$0x1] =	stream.indirect.gather [hbm4b:s3+s6], $0x20, s28, s6, $0xb8;
	[tilespmem:$0x19C80] =	vst v63  }
0x5c: {  	s30 =	simm.s32 $0xC00;
	s31 =	simm.s32 $0x18C80;
	s25 =	simm.s32 $0x1  }
0x5d: {  	[tilespmem:s31], [sflag:$0x1] =	stream.indirect.gather [hbm4b:s3+s6], $0x20, s30, s6, $0xb8;
	[tilespmem:$0x19C80] =	vst v63  }
0x5e: {  	_ =	swait.ge [sflag:s25], $0x1000  }
0x5f: {  	[sflag:s25] =	ssyncset.done $0x0  }
0x60: {  	[sflag:s25] =	ssyncadd.s32 $0xFFFFF000  }
0x61: {  	_ =	swait.ge [sflag:s25], $0x1000  }
0x62: {  	[sflag:s25] =	ssyncset.done $0x0  }
0x63: {  	[sflag:s25] =	ssyncadd.s32 $0xFFFFF000  }
0x64: {  	_ =	swait.ge [sflag:s25], $0x1000  }
0x65: {  	[sflag:s25] =	ssyncset.done $0x0  }
0x66: {  	[sflag:s25] =	ssyncadd.s32 $0xFFFFF000  }
0x67: {  	_ =	swait.ge [sflag:s25], $0x1000  }
0x68: {  	[sflag:s25] =	ssyncset.done $0x0  }
0x69: {  	[sflag:s25] =	ssyncadd.s32 $0xFFFFF000  }
0x6a: {  	_ =	swait.ge [sflag:s25], $0x1000  }
0x6b: {  	[sflag:s25] =	ssyncset.done $0x0  }
0x6c: {  	[sflag:s25] =	ssyncadd.s32 $0xFFFFF000  }
0x6d: {  	_ =	swait.ge [sflag:s25], $0x1000  }
0x6e: {  	[sflag:s25] =	ssyncset.done $0x0  }
0x6f: {  	[sflag:s25] =	ssyncadd.s32 $0xFFFFF000  }
0x70: {  	_ =	swait.ge [sflag:s25], $0x1000  }
0x71: {  	[sflag:s25] =	ssyncset.done $0x0  }
0x72: {  	[sflag:s25] =	ssyncadd.s32 $0xFFFFF000  }
0x73: {  	_ =	swait.ge [sflag:s25], $0x1000  }
0x74: {  	[sflag:s25] =	ssyncset.done $0x0  }
0x75: {  	[sflag:s25] =	ssyncadd.s32 $0xFFFFF000  }
0x76: {  	_ =	swait.ge [sflag:s25], $0x1000  }
0x77: {  	[sflag:s25] =	ssyncset.done $0x0  }
0x78: {  	[sflag:s25] =	ssyncadd.s32 $0xFFFFF000  }
0x79: {  	_ =	swait.ge [sflag:s25], $0x1000  }
0x7a: {  	[sflag:s25] =	ssyncset.done $0x0  }
0x7b: {  	[sflag:s25] =	ssyncadd.s32 $0xFFFFF000  }
0x7c: {  	_ =	swait.ge [sflag:s25], $0x1000  }
0x7d: {  	[sflag:s25] =	ssyncset.done $0x0  }
0x7e: {  	[sflag:s25] =	ssyncadd.s32 $0xFFFFF000  }
0x7f: {  	_ =	swait.ge [sflag:s25], $0x1000  }
0x80: {  	[sflag:s25] =	ssyncset.done $0x0  }
0x81: {  	[sflag:s25] =	ssyncadd.s32 $0xFFFFF000  }
0x82: {  	_ =	swait.ge [sflag:s25], $0x1000  }
0x83: {  	[sflag:s25] =	ssyncset.done $0x0  }
0x84: {  	[sflag:s25] =	ssyncadd.s32 $0xFFFFF000  }
0x85: {  	_ =	swait.ge [sflag:s25], $0x1000  }
0x86: {  	[sflag:s25] =	ssyncset.done $0x0  }
0x87: {  	[sflag:s25] =	ssyncadd.s32 $0xFFFFF000  }
0x88: {  	_ =	swait.ge [sflag:s25], $0x1000  }
0x89: {  	[sflag:s25] =	ssyncset.done $0x0  }
0x8a: {  	[sflag:s25] =	ssyncadd.s32 $0xFFFFF000  }
0x8b: {  	_ =	swait.ge [sflag:s25], $0x1000  }
0x8c: {  	[sflag:s25] =	ssyncset.done $0x0  }
0x8d: {  	[sflag:s25] =	ssyncadd.s32 $0xFFFFF000  }
0x8e: {  	_ =	swait.ge [sflag:s25], $0x1000  }
0x8f: {  	[sflag:s25] =	ssyncset.done $0x0  }
0x90: {  	[sflag:s25] =	ssyncadd.s32 $0xFFFFF000  }
0x91: {  	_ =	swait.ge [sflag:s25], $0x1000  }
0x92: {  	[sflag:s25] =	ssyncset.done $0x0  }
0x93: {  	[sflag:s25] =	ssyncadd.s32 $0xFFFFF000  }
0x94: {  	_ =	swait.ge [sflag:s25], $0x1000  }
0x95: {  	[sflag:s25] =	ssyncset.done $0x0  }
0x96: {  	[sflag:s25] =	ssyncadd.s32 $0xFFFFF000  }
0x97: {  	_ =	swait.ge [sflag:s25], $0x1000  }
0x98: {  	s18 =	ssub.s32 $0x2, s1;
	[sflag:s25] =	ssyncset.done $0x0  }
0x99: {  	s1 =	sshrl.u32 s18, $0x1;
	[sflag:s25] =	ssyncadd.s32 $0xFFFFF000  }
0x9a: {  	s0 =	ssub.s32 s18, s1;
	_ =	swait.ge [sflag:s25], $0x1000  }
0x9b: {  	s0 =	smax.u32 s0, $0x1;
	[sflag:s25] =	ssyncset.done $0x0  }
0x9c: {  	p0 =	sne.s32 s0, $0x1;
	[sflag:s25] =	ssyncadd.s32 $0xFFFFF000  }
.Ltmp0:
0x9d: {  	_ =	swait.ge [sflag:s25], $0x1000;
	(pc) =	sbr.rel @!p0 .LBB2_2-.Ltmp0, $4  }
0x9e: {  	[sflag:s25] =	ssyncset.done $0x0  }
0x9f: {  	[sflag:s25] =	ssyncadd.s32 $0xFFFFF000  }
0xa0: {  	_ =	swait.ge [sflag:s25], $0x1000  }
0xa1: {  	s19 =	simm.s32 $0x13C80;
	s1 =	sadd.s32 $0xFFFFFFFF, s0;
	[sflag:s25] =	ssyncset.done $0x0  }
.LBB2_1:
0xa2: {  	[sflag:s25] =	ssyncadd.s32 $0xFFFFF000  }
0xa3: {  	_ =	swait.ge [sflag:s25], $0x1000  }
0xa4: {  	[sflag:s25] =	ssyncset.done $0x0  }
0xa5: {  	[sflag:s25] =	ssyncadd.s32 $0xFFFFF000  }
0xa6: {  	_ =	swait.ge [sflag:s25], $0x1000  }
0xa7: {  	[sflag:s25] =	ssyncset.done $0x0  }
0xa8: {  	s0 =	rddreg [dreg:$0x4];
	[sflag:s25] =	ssyncadd.s32 $0xFFFFF000  }
0xa9: {  	[hbm4b:s0+s2] =	stream.linear.scatter [tilespmem:s5], [sflag:$0x2], $0x19000, $0x38;
	[tilespmem:$0x19C80] =	vst v63  }
0xaa: {  	_ =	swait.ge [sflag:s4], $0x19000  }
0xab: {  	[sflag:s4] =	ssyncset.done $0x0  }
0xac: {  	s16 =	rddreg [dreg:$0x3];
	[sflag:s4] =	ssyncadd.s32 $0xFFFE7000  }
0xad: {  	[tilespmem:s2], [sflag:$0x2] =	stream.linear.gather [hbm4b:s16+s2], $0xC80, $0x38;
	[tilespmem:$0x19C80] =	vst v63  }
0xae: {  	_ =	swait.ge [sflag:s4], $0xC80  }
0xaf: {  	s0 =	rddreg [dreg:$0x1b]  }
0xb0: {  	s7 =	rddreg [dreg:$0x19]  }
0xb1: {  	s8 =	rddreg [dreg:$0x17]  }
0xb2: {  	s9 =	rddreg [dreg:$0x15]  }
0xb3: {  	s10 =	rddreg [dreg:$0x13]  }
0xb4: {  	s11 =	rddreg [dreg:$0x11]  }
0xb5: {  	s12 =	rddreg [dreg:$0xf]  }
0xb6: {  	s13 =	rddreg [dreg:$0xd]  }
0xb7: {  	s14 =	rddreg [dreg:$0xb]  }
0xb8: {  	s15 =	rddreg [dreg:$0x6];
	[sflag:s4] =	ssyncset.done $0x0  }
0xb9: {  	s16 =	rddreg [dreg:$0x5];
	[sflag:s4] =	ssyncadd.s32 $0xFFFFF380  }
0xba: {  	[tilespmem:s5], [sflag:$0x1] =	stream.indirect.gather [hbm4b:s3+s6], $0x20, s2, s6, $0xb8;
	[tilespmem:$0x19C80] =	vst v63  }
0xbb: {  	s17 =	rddreg [dreg:$0x7]  }
0xbc: {  	[tilespmem:s16], [sflag:$0x1] =	stream.indirect.gather [hbm4b:s3+s6], $0x20, s6, s6, $0xb8;
	[tilespmem:$0x19C80] =	vst v63  }
0xbd: {  	s18 =	rddreg [dreg:$0x9]  }
0xbe: {  	[tilespmem:s17], [sflag:$0x1] =	stream.indirect.gather [hbm4b:s3+s6], $0x20, s15, s6, $0xb8;
	[tilespmem:$0x19C80] =	vst v63  }
0xbf: {  	s16 =	rddreg [dreg:$0x8]  }
0xc0: {  	[tilespmem:s18], [sflag:$0x1] =	stream.indirect.gather [hbm4b:s3+s6], $0x20, s16, s6, $0xb8;
	[tilespmem:$0x19C80] =	vst v63  }
0xc1: {  	s17 =	rddreg [dreg:$0xa]  }
0xc2: {  	[tilespmem:s14], [sflag:$0x1] =	stream.indirect.gather [hbm4b:s3+s6], $0x20, s17, s6, $0xb8;
	[tilespmem:$0x19C80] =	vst v63  }
0xc3: {  	s18 =	rddreg [dreg:$0xc]  }
0xc4: {  	[tilespmem:s13], [sflag:$0x1] =	stream.indirect.gather [hbm4b:s3+s6], $0x20, s18, s6, $0xb8;
	[tilespmem:$0x19C80] =	vst v63  }
0xc5: {  	s15 =	rddreg [dreg:$0xe]  }
0xc6: {  	[tilespmem:s12], [sflag:$0x1] =	stream.indirect.gather [hbm4b:s3+s6], $0x20, s15, s6, $0xb8;
	[tilespmem:$0x19C80] =	vst v63  }
0xc7: {  	s17 =	rddreg [dreg:$0x10]  }
0xc8: {  	[tilespmem:s11], [sflag:$0x1] =	stream.indirect.gather [hbm4b:s3+s6], $0x20, s17, s6, $0xb8;
	[tilespmem:$0x19C80] =	vst v63  }
0xc9: {  	s18 =	rddreg [dreg:$0x12]  }
0xca: {  	[tilespmem:s10], [sflag:$0x1] =	stream.indirect.gather [hbm4b:s3+s6], $0x20, s18, s6, $0xb8;
	[tilespmem:$0x19C80] =	vst v63  }
0xcb: {  	s13 =	rddreg [dreg:$0x14]  }
0xcc: {  	[tilespmem:s9], [sflag:$0x1] =	stream.indirect.gather [hbm4b:s3+s6], $0x20, s13, s6, $0xb8;
	[tilespmem:$0x19C80] =	vst v63  }
0xcd: {  	s14 =	rddreg [dreg:$0x16]  }
0xce: {  	[tilespmem:s8], [sflag:$0x1] =	stream.indirect.gather [hbm4b:s3+s6], $0x20, s14, s6, $0xb8;
	[tilespmem:$0x19C80] =	vst v63  }
0xcf: {  	s15 =	rddreg [dreg:$0x18]  }
0xd0: {  	[tilespmem:s7], [sflag:$0x1] =	stream.indirect.gather [hbm4b:s3+s6], $0x20, s15, s6, $0xb8;
	[tilespmem:$0x19C80] =	vst v63  }
0xd1: {  	s16 =	rddreg [dreg:$0x1a]  }
0xd2: {  	[tilespmem:s0], [sflag:$0x1] =	stream.indirect.gather [hbm4b:s3+s6], $0x20, s16, s6, $0xb8;
	[tilespmem:$0x19C80] =	vst v63  }
0xd3: {  	s17 =	rddreg [dreg:$0x1c];
	s18 =	simm.s32 $0xDC80  }
0xd4: {  	[tilespmem:s18], [sflag:$0x1] =	stream.indirect.gather [hbm4b:s3+s6], $0x20, s17, s6, $0xb8;
	[tilespmem:$0x19C80] =	vst v63  }
0xd5: {  	s9 =	simm.s32 $0xEC80;
	s8 =	simm.s32 $0x700  }
0xd6: {  	[tilespmem:s9], [sflag:$0x1] =	stream.indirect.gather [hbm4b:s3+s6], $0x20, s8, s6, $0xb8;
	[tilespmem:$0x19C80] =	vst v63  }
0xd7: {  	s11 =	simm.s32 $0xFC80;
	s10 =	simm.s32 $0x780  }
0xd8: {  	[tilespmem:s11], [sflag:$0x1] =	stream.indirect.gather [hbm4b:s3+s6], $0x20, s10, s6, $0xb8;
	[tilespmem:$0x19C80] =	vst v63  }
0xd9: {  	s12 =	simm.s32 $0x800;
	s13 =	simm.s32 $0x10C80  }
0xda: {  	[tilespmem:s13], [sflag:$0x1] =	stream.indirect.gather [hbm4b:s3+s6], $0x20, s12, s6, $0xb8;
	[tilespmem:$0x19C80] =	vst v63  }
0xdb: {  	s14 =	simm.s32 $0x880;
	s15 =	simm.s32 $0x11C80  }
0xdc: {  	[tilespmem:s15], [sflag:$0x1] =	stream.indirect.gather [hbm4b:s3+s6], $0x20, s14, s6, $0xb8;
	[tilespmem:$0x19C80] =	vst v63  }
0xdd: {  	s16 =	simm.s32 $0x900;
	s17 =	simm.s32 $0x12C80  }
0xde: {  	[tilespmem:s17], [sflag:$0x1] =	stream.indirect.gather [hbm4b:s3+s6], $0x20, s16, s6, $0xb8;
	[tilespmem:$0x19C80] =	vst v63  }
0xdf: {  	s18 =	simm.s32 $0x980  }
0xe0: {  	[tilespmem:s19], [sflag:$0x1] =	stream.indirect.gather [hbm4b:s3+s6], $0x20, s18, s6, $0xb8;
	[tilespmem:$0x19C80] =	vst v63  }
0xe1: {  	_ = 	snop  }
0xe2: {  	[tilespmem:s21], [sflag:$0x1] =	stream.indirect.gather [hbm4b:s3+s6], $0x20, s20, s6, $0xb8;
	[tilespmem:$0x19C80] =	vst v63  }
0xe3: {  	_ = 	snop  }
0xe4: {  	[tilespmem:s23], [sflag:$0x1] =	stream.indirect.gather [hbm4b:s3+s6], $0x20, s22, s6, $0xb8;
	[tilespmem:$0x19C80] =	vst v63  }
0xe5: {  	_ = 	snop  }
0xe6: {  	[tilespmem:s26], [sflag:$0x1] =	stream.indirect.gather [hbm4b:s3+s6], $0x20, s24, s6, $0xb8;
	[tilespmem:$0x19C80] =	vst v63  }
0xe7: {  	_ = 	snop  }
0xe8: {  	[tilespmem:s29], [sflag:$0x1] =	stream.indirect.gather [hbm4b:s3+s6], $0x20, s28, s6, $0xb8;
	[tilespmem:$0x19C80] =	vst v63  }
0xe9: {  	_ = 	snop  }
0xea: {  	[tilespmem:s31], [sflag:$0x1] =	stream.indirect.gather [hbm4b:s3+s6], $0x20, s30, s6, $0xb8;
	[tilespmem:$0x19C80] =	vst v63  }
0xeb: {  	_ =	swait.ge [sflag:s25], $0x1000  }
0xec: {  	[sflag:s25] =	ssyncset.done $0x0  }
0xed: {  	[sflag:s25] =	ssyncadd.s32 $0xFFFFF000  }
0xee: {  	_ =	swait.ge [sflag:s25], $0x1000  }
0xef: {  	[sflag:s25] =	ssyncset.done $0x0  }
0xf0: {  	[sflag:s25] =	ssyncadd.s32 $0xFFFFF000  }
0xf1: {  	_ =	swait.ge [sflag:s25], $0x1000  }
0xf2: {  	[sflag:s25] =	ssyncset.done $0x0  }
0xf3: {  	[sflag:s25] =	ssyncadd.s32 $0xFFFFF000  }
0xf4: {  	_ =	swait.ge [sflag:s25], $0x1000  }
0xf5: {  	[sflag:s25] =	ssyncset.done $0x0  }
0xf6: {  	[sflag:s25] =	ssyncadd.s32 $0xFFFFF000  }
0xf7: {  	_ =	swait.ge [sflag:s25], $0x1000  }
0xf8: {  	[sflag:s25] =	ssyncset.done $0x0  }
0xf9: {  	[sflag:s25] =	ssyncadd.s32 $0xFFFFF000  }
0xfa: {  	_ =	swait.ge [sflag:s25], $0x1000  }
0xfb: {  	[sflag:s25] =	ssyncset.done $0x0  }
0xfc: {  	[sflag:s25] =	ssyncadd.s32 $0xFFFFF000  }
0xfd: {  	_ =	swait.ge [sflag:s25], $0x1000  }
0xfe: {  	[sflag:s25] =	ssyncset.done $0x0  }
0xff: {  	[sflag:s25] =	ssyncadd.s32 $0xFFFFF000  }
0x100: {  	_ =	swait.ge [sflag:s25], $0x1000  }
0x101: {  	[sflag:s25] =	ssyncset.done $0x0  }
0x102: {  	[sflag:s25] =	ssyncadd.s32 $0xFFFFF000  }
0x103: {  	_ =	swait.ge [sflag:s25], $0x1000  }
0x104: {  	[sflag:s25] =	ssyncset.done $0x0  }
0x105: {  	[sflag:s25] =	ssyncadd.s32 $0xFFFFF000  }
0x106: {  	_ =	swait.ge [sflag:s25], $0x1000  }
0x107: {  	[sflag:s25] =	ssyncset.done $0x0  }
0x108: {  	[sflag:s25] =	ssyncadd.s32 $0xFFFFF000  }
0x109: {  	_ =	swait.ge [sflag:s25], $0x1000  }
0x10a: {  	[sflag:s25] =	ssyncset.done $0x0  }
0x10b: {  	[sflag:s25] =	ssyncadd.s32 $0xFFFFF000  }
0x10c: {  	_ =	swait.ge [sflag:s25], $0x1000  }
0x10d: {  	[sflag:s25] =	ssyncset.done $0x0  }
0x10e: {  	[sflag:s25] =	ssyncadd.s32 $0xFFFFF000  }
0x10f: {  	_ =	swait.ge [sflag:s25], $0x1000  }
0x110: {  	[sflag:s25] =	ssyncset.done $0x0  }
0x111: {  	[sflag:s25] =	ssyncadd.s32 $0xFFFFF000  }
0x112: {  	_ =	swait.ge [sflag:s25], $0x1000  }
0x113: {  	[sflag:s25] =	ssyncset.done $0x0  }
0x114: {  	[sflag:s25] =	ssyncadd.s32 $0xFFFFF000  }
0x115: {  	_ =	swait.ge [sflag:s25], $0x1000  }
0x116: {  	[sflag:s25] =	ssyncset.done $0x0  }
0x117: {  	[sflag:s25] =	ssyncadd.s32 $0xFFFFF000  }
0x118: {  	_ =	swait.ge [sflag:s25], $0x1000  }
0x119: {  	[sflag:s25] =	ssyncset.done $0x0  }
0x11a: {  	[sflag:s25] =	ssyncadd.s32 $0xFFFFF000  }
0x11b: {  	_ =	swait.ge [sflag:s25], $0x1000  }
0x11c: {  	[sflag:s25] =	ssyncset.done $0x0  }
0x11d: {  	[sflag:s25] =	ssyncadd.s32 $0xFFFFF000  }
0x11e: {  	_ =	swait.ge [sflag:s25], $0x1000  }
0x11f: {  	[sflag:s25] =	ssyncset.done $0x0  }
0x120: {  	[sflag:s25] =	ssyncadd.s32 $0xFFFFF000  }
0x121: {  	_ =	swait.ge [sflag:s25], $0x1000  }
0x122: {  	[sflag:s25] =	ssyncset.done $0x0  }
0x123: {  	[sflag:s25] =	ssyncadd.s32 $0xFFFFF000  }
0x124: {  	_ =	swait.ge [sflag:s25], $0x1000  }
0x125: {  	[sflag:s25] =	ssyncset.done $0x0  }
0x126: {  	[sflag:s25] =	ssyncadd.s32 $0xFFFFF000  }
0x127: {  	_ =	swait.ge [sflag:s25], $0x1000  }
0x128: {  	[sflag:s25] =	ssyncset.done $0x0  }
0x129: {  	p0 =	sne.s32 s1, $0x1;
	[sflag:s25] =	ssyncadd.s32 $0xFFFFF000  }
.Ltmp1:
0x12a: {  	_ =	swait.ge [sflag:s25], $0x1000;
	(pc) =	sbr.rel @p0 .LBB2_1-.Ltmp1, $4  }
0x12b: {  	[sflag:s25] =	ssyncset.done $0x0  }
0x12c: {  	[sflag:s25] =	ssyncadd.s32 $0xFFFFF000  }
0x12d: {  	_ =	swait.ge [sflag:s25], $0x1000  }
0x12e: {  	s1 =	sadd.s32 $0xFFFFFFFF, s1;
	[sflag:s25] =	ssyncset.done $0x0  }
.LBB2_2:
0x12f: {  	[sflag:s25] =	ssyncadd.s32 $0xFFFFF000  }
0x130: {  	_ =	swait.ge [sflag:s25], $0x1000  }
0x131: {  	[sflag:s25] =	ssyncset.done $0x0  }
0x132: {  	[sflag:s25] =	ssyncadd.s32 $0xFFFFF000  }
0x133: {  	_ =	swait.ge [sflag:s25], $0x1000  }
0x134: {  	[sflag:s25] =	ssyncset.done $0x0  }
0x135: {  	s0 =	rddreg [dreg:$0x4];
	[sflag:s25] =	ssyncadd.s32 $0xFFFFF000  }
0x136: {  	[hbm4b:s0+s2] =	stream.linear.scatter [tilespmem:s5], [sflag:$0x2], $0x19000, $0x38;
	[tilespmem:$0x19C80] =	vst v63  }
0x137: {  	_ =	swait.ge [sflag:s4], $0x19000  }
0x138: {  	[sflag:s4] =	ssyncset.done $0x0  }
0x139: {  	[sflag:s4] =	ssyncadd.s32 $0xFFFE7000  }
0x13a: {  	_ =	sfence.sel $0x180000  }
0x13b: {  	[bflag:$0x0] =	sbarrier.arrive $0xFFFF  }
0x13c: {  	_ =	strace $0x90000047  }
0x13d: {  	s31 =	stileid.u32;
	[bflag:$0x2] =	sbarrier.arrive $0xFFFF  }
0x13e: {  	p0 =	sne.s32 s31, $0x0;
	s0 =	rddreg [dreg:$0x2]  }
0x13f: {  	s0 =	sadd.s32 @!p0 $0x100000, s0  }
0x140: {  	[sflag:s0] =	ssyncadd.tile.s32 @!p0 $0x1;
	_ =	shalt  }
.Lfunc_end2:
_tile_overlayer_lowered:
.L_overlay_start_2:
0x141: {  	(tag) =	ssettag $0x2  }
0x142: {  	s0 =	rddreg [dreg:$0x0];
	s2 =	stileid.u32  }
0x143: {  	s1 =	rddreg [dreg:$0x1];
	p0 =	sne.s32 s2, $0x0  }
0x144: {  	s3 =	rddreg [dreg:$0x2];
	[bflag:$0x3] =	sbarrier.arrive $0xFFFF;
	s2 =	simm.s32 @!p0 $0x1C02  }
0x145: {  	[timem:s3], [sflag:s2] =	dma.local @!p0 [hbm:s0], s1  }
0x146: {  	s0 =	simm.s32 @!p0 $0x2  }
0x147: {  	_ =	swait.ge @!p0 [sflag:s0], s1  }
0x148: {  	s1 =	ssub.s32 @!p0 $0x0, s1;
	[sflag:s0] =	ssyncset.done @!p0 $0x0  }
0x149: {  	[sflag:s0] =	ssyncadd.s32 @!p0 s1  }
0x14a: {  	[bflag:$0x3] =	sbarrier.arrive $0xFFFF  }
0x14b: {  	_ =	shalt  }

// kernel: kernel.8.cloned.1.call-start
scs
__scs_entry_jumppad:
0x0: {  	(pc) =	sbr.rel $0x88, $3  }
0x1: {  	(tag) =	ssettag $0x0;
	lr =	simm.s32 $0x1  }
0x2: {  	[smem:$0x3F9C] =	sst lr;
	_ =	strace $0xD0000000  }
0x3: {  	_ = 	snop  }
0x4: {  	_ = 	snop  }
0x5: {  	_ = 	snop  }
0x6: {  	_ = 	snop  }
0x7: {  	_ = 	snop  }
__scs_overlays_trampoline_lowered:
0x8: {  	[smem:$0x3FAB] =	sst s0  }
0x9: {  	[smem:$0x3FAC] =	sst s1  }
0xa: {  	[smem:$0x3FAD] =	sst s2  }
0xb: {  	[smem:$0x3FAE] =	sst s3  }
0xc: {  	[smem:$0x3FAF] =	sst s4  }
0xd: {  	[smem:$0x3FB0] =	sst s5  }
0xe: {  	[smem:$0x3FB1] =	sst s6  }
0xf: {  	[smem:$0x3FB2] =	sst s7  }
0x10: {  	[smem:$0x3FB3] =	sst s8  }
0x11: {  	[smem:$0x3FB4] =	sst s9;
	s0 =	simm.s32 @!p0 $0x0  }
0x12: {  	s1 =	sld [smem:$0x3F9A];
	s0 =	simm.s32 @p0 $0x1  }
0x13: {  	[smem:$0x3FB5] =	sst s0;
	s0 =	simm.s32 @!p1 $0x0  }
0x14: {  	s2 =	sld [smem:$0x3F99];
	s0 =	simm.s32 @p1 $0x1  }
0x15: {  	[smem:$0x3FB6] =	sst s0;
	s0 =	simm.s32 @!p2 $0x0  }
0x16: {  	s3 =	sld [smem:$0x3FDB];
	s0 =	simm.s32 @p2 $0x1  }
0x17: {  	s4 =	simm.s32 $0x1BF5;
	[smem:$0x3FB8] =	sst s0  }
0x18: {  	s0 =	sld [smem:$0x3F9B];
	_ =	swait.ge [sflag:s4], $0x0  }
0x19: {  	s7 =	sld [smem:$0x3F9C]  }
0x1a: {  	s8 =	sadd.s32 $0xFFFFE003, lr  }
0x1b: {  	s9 =	sadd.s32 $0xFFFFFEF7, lr;
	s5 =	simm.s32 $0xFFFFFFFF;
	p2 =	slt.u32 s8, $0xFFFFF086  }
0x1c: {  	p1 =	slt.u32 s9, $0xF7A;
	s5 =	simm.s32 @!p2 $0x0  }
0x1d: {  	s5 =	simm.s32 @p1 $0x1;
	p0 =	seq.s32 s7, s2  }
0x1e: {  	s7 =	smul.u32 @!p0 $0xF7A, s2;
	p2 =	seq.s32 @!p0 s5, $0x0  }
0x1f: {  	s9 =	smul.u32 $0xF7A, s1;
	s8 =	simm.s32 @!p0 $0x1BF5;
	p2 =	por !p2, p0  }
0x20: {  	[sflag:s8] =	ssyncset.s32 @!p0 $0xFFFFF086;
	s6 =	sadd.s32 @!p0 s3, s7;
	s7 =	simm.s32 @!p0 $0x108  }
0x21: {  	s3 =	sadd.s32 s3, s9;
	s6 =	sadd.s32 @!p0 $0x88, s6;
	s7 =	simm.s32 @p2 $0x1082  }
0x22: {  	[simem:s7], [sflag:s8] =	dma.local @!p0 [hbm:s6], $0xF7A  }
0x23: {  	s9 =	sor.u32 $0xD0000000, s2;
	s6 =	simm.s32 $0x108;
	_ =	swait.ge @!p0 [sflag:s8], $0x0  }
0x24: {  	s3 =	sadd.s32 $0x88, s3;
	s6 =	simm.s32 @!p1 $0x1082;
	[sflag:s4] =	ssyncset.s32 $0xFFFFF086  }
0x25: {  	[simem:s6], [sflag:s4] =	dma.local [hbm:s3], $0xF7A  }
0x26: {  	[smem:$0x3F9C] =	sst s1;
	(tag) =	ssettag s2;
	_ =	strace s9  }
0x27: {  	s1 =	sld [smem:$0x3FAC]  }
0x28: {  	s2 =	sld [smem:$0x3FAD]  }
0x29: {  	s4 =	sld [smem:$0x3FAF]  }
0x2a: {  	p0 =	seq.s32 s5, $0x0;
	s5 =	sld [smem:$0x3FB0]  }
0x2b: {  	s6 =	sld [smem:$0x3FB1]  }
0x2c: {  	s7 =	sld [smem:$0x3FB2]  }
0x2d: {  	s3 =	simm.s32 $0x108;
	s8 =	sld [smem:$0x3FB3]  }
0x2e: {  	s3 =	simm.s32 @!p0 $0x1082;
	s9 =	sld [smem:$0x3FB4]  }
0x2f: {  	lr =	sadd.s32 s0, s3;
	s0 =	sld [smem:$0x3FAB]  }
0x30: {  	s3 =	sld [smem:$0x3FAE]  }
0x31: {  	[smem:$0x3FB7] =	sst s10  }
0x32: {  	s10 =	sld [smem:$0x3FB5];
	_ =	sdelay $0x3  }
0x33: {  	p0 =	seq.s32 s10, $0x1;
	s10 =	sld [smem:$0x3FB7];
	_ =	sdelay $0x3  }
0x34: {  	[smem:$0x3FB7] =	sst s10  }
0x35: {  	s10 =	sld [smem:$0x3FB6];
	_ =	sdelay $0x3  }
0x36: {  	p1 =	seq.s32 s10, $0x1;
	s10 =	sld [smem:$0x3FB7];
	_ =	sdelay $0x3  }
0x37: {  	[smem:$0x3FB7] =	sst s10  }
0x38: {  	s10 =	sld [smem:$0x3FB8]  }
0x39: {  	_ = 	snop;
	(pc) =	sbr.ind lr, $3  }
0x3a: {  	_ = 	snop  }
0x3b: {  	_ = 	snop  }
0x3c: {  	p2 =	seq.s32 s10, $0x1;
	s10 =	sld [smem:$0x3FB7]  }
0x3d: {  	_ =	shalt  }
0x3e: {  	_ =	shalt  }
0x3f: {  	_ =	shalt  }
0x40: {  	_ =	shalt  }
0x41: {  	_ =	shalt  }
0x42: {  	_ =	shalt  }
0x43: {  	_ =	shalt  }
0x44: {  	_ =	shalt  }
0x45: {  	_ =	shalt  }
0x46: {  	_ =	shalt  }
0x47: {  	_ =	shalt  }
0x48: {  	_ =	shalt  }
0x49: {  	_ =	shalt  }
0x4a: {  	_ =	shalt  }
0x4b: {  	_ =	shalt  }
0x4c: {  	_ =	shalt  }
0x4d: {  	_ =	shalt  }
0x4e: {  	_ =	shalt  }
0x4f: {  	_ =	shalt  }
0x50: {  	_ =	shalt  }
0x51: {  	_ =	shalt  }
0x52: {  	_ =	shalt  }
0x53: {  	_ =	shalt  }
0x54: {  	_ =	shalt  }
0x55: {  	_ =	shalt  }
0x56: {  	_ =	shalt  }
0x57: {  	_ =	shalt  }
0x58: {  	_ =	shalt  }
0x59: {  	_ =	shalt  }
0x5a: {  	_ =	shalt  }
0x5b: {  	_ =	shalt  }
0x5c: {  	_ =	shalt  }
0x5d: {  	_ =	shalt  }
0x5e: {  	_ =	shalt  }
0x5f: {  	_ =	shalt  }
0x60: {  	_ =	shalt  }
0x61: {  	_ =	shalt  }
0x62: {  	_ =	shalt  }
0x63: {  	_ =	shalt  }
0x64: {  	_ =	shalt  }
0x65: {  	_ =	shalt  }
0x66: {  	_ =	shalt  }
0x67: {  	_ =	shalt  }
0x68: {  	_ =	shalt  }
0x69: {  	_ =	shalt  }
0x6a: {  	_ =	shalt  }
0x6b: {  	_ =	shalt  }
0x6c: {  	_ =	shalt  }
0x6d: {  	_ =	shalt  }
0x6e: {  	_ =	shalt  }
0x6f: {  	_ =	shalt  }
0x70: {  	_ =	shalt  }
0x71: {  	_ =	shalt  }
0x72: {  	_ =	shalt  }
0x73: {  	_ =	shalt  }
0x74: {  	_ =	shalt  }
0x75: {  	_ =	shalt  }
0x76: {  	_ =	shalt  }
0x77: {  	_ =	shalt  }
0x78: {  	_ =	shalt  }
0x79: {  	_ =	shalt  }
0x7a: {  	_ =	shalt  }
0x7b: {  	_ =	shalt  }
0x7c: {  	_ =	shalt  }
0x7d: {  	_ =	shalt  }
0x7e: {  	_ =	shalt  }
0x7f: {  	_ =	shalt  }
0x80: {  	_ =	shalt  }
0x81: {  	_ =	shalt  }
0x82: {  	_ =	shalt  }
0x83: {  	_ =	shalt  }
0x84: {  	_ =	shalt  }
0x85: {  	_ =	shalt  }
0x86: {  	_ =	shalt  }
0x87: {  	_ =	shalt  }
.Lfunc_end0:
.L_simem_size_0:
called_computation.1_lowered:
.L_overlay_start_0:
0x88: {  	s2 =	sld [smem:$0x3FD9]  }
0x89: {  	s3 =	sld [smem:$0x3FFE];
	_ =	sdelay $0x1  }
0x8a: {  	s1 =	srdreg.scid  }
0x8b: {  	s0 =	sand.u32 $0x1, s1  }
0x8c: {  	s17 =	sshll.u32 s0, $0xA;
	s2 =	sadd.s32 s3, s2  }
0x8d: {  	s2 =	sadd.s32 s2, s17  }
0x8e: {  	[smem:$0x3FC3] =	sst s2  }
0x8f: {  	_ = 	snop  }
0x90: {  	s2 =	sld [smem:$0x3FD0];
	(tm) =	ssettm $0x1  }
0x91: {  	s18 =	sld [smem:$0x3FFB];
	_ =	sdelay $0x3  }
0x92: {  	_ =	strace s18  }
0x93: {  	s3 =	sld [smem:$0x3FFC];
	_ =	sdelay $0x3  }
0x94: {  	_ =	strace s3  }
0x95: {  	s3 =	sld [smem:$0x3FFD];
	_ =	sdelay $0x3  }
0x96: {  	_ =	strace s3  }
0x97: {  	_ =	strace $0x8FFFFFFF  }
0x98: {  	s19 =	sld [smem:$0x3FDB];
	_ =	sdelay $0x1  }
0x99: {  	s4 =	simm.s32 $_scs_section_size  }
0x9a: {  	s5 =	simm.s32 $_size__tile_overlayer_lowered;
	s6 =	simm.s32 $_tile_overlayer_lowered  }
0x9b: {  	s22 =	simm.s32 $0x1BFF;
	s21 =	sshll.u32 s6, $0x1;
	s3 =	sadd.s32 s4, s19  }
0x9c: {  	s7 =	simm.s32 $0x0;
	s20 =	sshll.u32 s5, $0x1;
	s5 =	sadd.s32 s21, s3  }
0x9d: {  	[timem:s7], [sflag:s22] =	dma.local [hbm:s5], s20  }
0x9e: {  	_ =	swait.ge [sflag:s22], s20  }
0x9f: {  	s4 =	ssub.s32 $0x0, s20;
	[sflag:s22] =	ssyncset.done $0x0  }
0xa0: {  	[sflag:s22] =	ssyncadd.s32 s4;
	_ =	sdelay $0x1  }
0xa1: {  	s23 =	simm.s32 $0x1B8B  }
0xa2: {  	_ =	swait.ge [sflag:s23], $0x1  }
0xa3: {  	[sflag:s23] =	ssyncset.done $0x0  }
0xa4: {  	s25 =	simm.s32 $0x1B8E;
	s24 =	sld [smem:$0x3FFE];
	[sflag:s23] =	ssyncadd.s32 $0xFFFFFFFF  }
0xa5: {  	s26 =	simm.s32 $execute0_lowered;
	[smem:$0x3FD2] =	sst s25  }
0xa6: {  	s5 =	sshll.u32 s26, $0x1;
	_ =	strace $0x80000049;
	[dreg:$0x1] =	wrdreg $0xFFFFFFFF  }
0xa7: {  	s28 =	simm.s32 $_size_execute0_lowered;
	s3 =	sadd.s32 s3, s5;
	[dreg:$0x0] =	wrdreg $0x0  }
0xa8: {  	s5 =	sshll.u32 s28, $0x1;
	[dreg:$0x2] =	wrdreg s3  }
0xa9: {  	[dreg:$0x3] =	wrdreg s5  }
0xaa: {  	[dreg:$0x4] =	wrdreg $0xC0  }
0xab: {  	_ =	task [dreg:s7], $0x5FFFF  }
0xac: {  	[dreg:$0x1] =	wrdreg $0xFFFFFFFF  }
0xad: {  	[dreg:$0x0] =	wrdreg $0x60  }
0xae: {  	[dreg:$0x2] =	wrdreg s24  }
0xaf: {  	[dreg:$0x3] =	wrdreg s2  }
0xb0: {  	[dreg:$0x4] =	wrdreg $0x0  }
0xb1: {  	[dreg:$0x5] =	wrdreg $0x9  }
0xb2: {  	_ =	task.clear_ibuf [dreg:s7], $0x6FFFF;
	_ =	strace $0x90000049  }
0xb3: {  	s29 =	simm.s32 $0x9;
	_ =	strace $0x8000004B  }
0xb4: {  	_ =	swait.ge [sflag:s29], $0x1  }
0xb5: {  	[sflag:s29] =	ssyncadd.s32 $0xFFFFFFFF  }
0xb6: {  	_ =	strace $0x9000004B  }
0xb7: {  	_ =	sfence  }
0xb8: {  	s30 =	sld [smem:$0x0];
	_ =	sdelay $0x2  }
0xb9: {  	s31 =	sshll.u32 s1, $0xD;
	s1 =	sshrl.u32 s1, $0x2  }
0xba: {  	s3 =	sand.u32 $0x4000, s31;
	s1 =	sadd.s32 s1, s30  }
0xbb: {  	s0 =	sor.u32 s3, s0;
	s1 =	sshll.u32 s1, $0x11  }
0xbc: {  	s0 =	sor.u32 s1, s0  }
0xbd: {  	s0 =	sadd.s32 $0x8F2B, s0  }
0xbe: {  	[sflag:s0] =	ssyncadd.remote.s32 $0x1  }
0xbf: {  	_ =	sfence.sel $0xFFFF  }
0xc0: {  	[dreg:$0x0] =	wrdreg $0xFFFFFFFF;
	(pc) =	sbr.abs _section_cstart, $3  }
0xc1: {  	[dreg:$0x1] =	wrdreg $0xFFFFFFFF  }
0xc2: {  	_ =	task.clear_ibuf [dreg:s7], $0x2FFFF;
	_ =	strace $0x9FFFFFFF  }
0xc3: {  	(tm) =	ssettm $0x7FFFFFFF  }
tec
execute0_lowered:
.L_overlay_start_1:
0x0: {  	(tag) =	ssettag $0x1  }
0x1: {  	s0 =	rddreg [dreg:$0x0];
	s16 =	stileid.u32  }
0x2: {  	s1 =	rddreg [dreg:$0x1];
	s4 =	smul.u32 $0x1900, s16  }
0x3: {  	s2 =	rddreg [dreg:$0x2];
	s3 =	simm.s32 $0x0;
	s9 =	smul.u32 $0xC800, s16  }
0x4: {  	s5 =	srdreg.scid;
	s28 =	simm.s32 $0x80;
	s7 =	smul.u32 $0x32000, s16  }
0x5: {  	s31 =	simm.s32 $0x10B00;
	s29 =	simm.s32 $0x12B00;
	s15 =	smul.u32 $0x6400, s16  }
0x6: {  	s30 =	simm.s32 $0x14B00;
	[smem:$0x7FF] =	sst s3;
	s19 =	smul.u32 $0x2FA80, s16  }
0x7: {  	s8 =	sand.u32 $0x1, s5;
	s20 =	smul.u32 $0xBEA0, s16;
	_ =	strace $0x8000004A  }
0x8: {  	s5 =	ssub.s32 $0x2, s8;
	p0 =	seq.s32 s8, $0x1;
	s6 =	sshrl.u32 s4, $0x3  }
0x9: {  	s25 =	sshrl.u32 s5, $0x1;
	s11 =	sadd.s32 $0x5000, s9;
	s14 =	sadd.s32 $0xA000, s9  }
0xa: {  	s12 =	sshrl.u32 s7, $0x3;
	s23 =	sshrl.u32 s20, $0x3;
	s10 =	sadd.s32 s6, s0  }
0xb: {  	s0 =	sadd.s32 $0xC00, s0;
	s13 =	ssub.s32 s5, s25;
	s5 =	sadd.s32 s9, s2  }
0xc: {  	s6 =	sadd.s32 s11, s2;
	s7 =	sadd.s32 s14, s2;
	s9 =	sshrl.u32 s9, $0x3  }
0xd: {  	s22 =	sshrl.u32 s11, $0x3;
	s24 =	sshrl.u32 s14, $0x3;
	s25 =	sadd.s32 s1, s23  }
0xe: {  	s11 =	simm.s32 $0x1;
	s10 =	sadd.s32 $0x67E00, s10;
	s26 =	sadd.s32 s0, s12  }
0xf: {  	s12 =	smul.u32 $0xFFFF9C00, s8;
	s0 =	sadd.s32 s0, s15;
	[dreg:$0x4] =	wrdreg s10  }
0x10: {  	s21 =	sadd.s32 s1, s9;
	s8 =	sadd.s32 s1, s22;
	[dreg:$0x5] =	wrdreg s0  }
0x11: {  	s1 =	sadd.s32 s1, s24;
	s20 =	sadd.s32 $0x19A00, s25;
	[dreg:$0xa] =	wrdreg s21  }
0x12: {  	s22 =	sadd.s32 $0x1A400, s25;
	s23 =	smax.u32 s13, $0x1;
	[dreg:$0xb] =	wrdreg s8  }
0x13: {  	s24 =	simm.s32 $0xFB00;
	s15 =	sadd.s32 $0x1400, s26;
	[dreg:$0xc] =	wrdreg s1  }
0x14: {  	s9 =	simm.s32 $0x17B00;
	s17 =	sadd.s32 $0x2800, s26;
	[dreg:$0x6] =	wrdreg s15  }
0x15: {  	s18 =	sadd.s32 $0x3C00, s26;
	s10 =	sadd.s32 $0x5000, s26;
	[dreg:$0x7] =	wrdreg s17  }
0x16: {  	s0 =	sshrl.u32 s19, $0x2;
	s26 =	sadd.s32 $0x19000, s25;
	[dreg:$0x8] =	wrdreg s18  }
0x17: {  	s25 =	simm.s32 $0x2;
	s1 =	simm.s32 $0x11B00;
	[dreg:$0x9] =	wrdreg s10  }
0x18: {  	s8 =	simm.s32 $0x16B00;
	s16 =	sadd.s32 s0, s2;
	[dreg:$0xd] =	wrdreg s26  }
0x19: {  	v1 =	vimm.f32 $0.0e+00;
	s0 =	simm.s32 $0x13B00;
	s26 =	simm.s32 $0x15B00;
	s10 =	simm.s32 $0x18B00  }
0x1a: {  	v2 =	vlaneseq.u32;
	vm0 =	vmxor vm0, vm0;
	v0 =	vmov s12;
	s12 =	simm.s32 $0x0;
	s19 =	sadd.s32 $0x5000, s16;
	s21 =	sadd.s32 $0xA000, s16  }
.LBB2_1:
0x1b: {  	s13 =	sand.u32 $0x1FF80, s3  }
0x1c: {  	s14 =	sand.u32 $0x10, s3;
	s15 =	sshrl.u32 s13, $0x2  }
0x1d: {  	s13 =	simm.s32 $0x40;
	s15 =	sor.u32 s14, s15;
	s14 =	simm.s32 $0x0  }
.LBB2_2:
0x1e: {  	p1 =	sne.s32 s13, $0x13FC0  }
0x1f: {  	[tilespmem:s15+$0xFB00] =	vst v1;
	s14 =	sadd.s32 $0x10, s14;
	s15 =	smov.u32 s13;
	s13 =	sadd.s32 $0x40, s13  }
.Ltmp0:
0x20: {  	(pc) =	sbr.rel @p1 .LBB2_2-.Ltmp0, $4  }
0x21: {  	_ = 	snop  }
0x22: {  	s15 =	sand.u32 $0x1FF80, s15  }
0x23: {  	s17 =	sand.u32 $0x10, s14;
	s15 =	sshrl.u32 s15, $0x2  }
0x24: {  	s15 =	sor.u32 s17, s15  }
0x25: {  	[tilespmem:s15+$0xFB00] =	vst v1  }
0x26: {  	[spmem:s5] =	stream.linear.scatter [tilespmem:s24], [sflag:$0x2], $0x5000, $0x38;
	[tilespmem:$0x19B00] =	vst v63  }
0x27: {  	_ =	swait.ge [sflag:s25], $0x5000  }
0x28: {  	[sflag:s25] =	ssyncset.done $0x0  }
0x29: {  	[sflag:s25] =	ssyncadd.s32 $0xFFFFB000  }
0x2a: {  	[spmem:s6] =	stream.linear.scatter [tilespmem:s24], [sflag:$0x2], $0x5000, $0x38;
	[tilespmem:$0x19B00] =	vst v63  }
0x2b: {  	_ =	swait.ge [sflag:s25], $0x5000  }
0x2c: {  	[sflag:s25] =	ssyncset.done $0x0  }
0x2d: {  	[sflag:s25] =	ssyncadd.s32 $0xFFFFB000  }
0x2e: {  	[spmem:s7] =	stream.linear.scatter [tilespmem:s24], [sflag:$0x2], $0x2800, $0x38;
	[tilespmem:$0x19B00] =	vst v63  }
0x2f: {  	_ =	swait.ge [sflag:s25], $0x2800  }
0x30: {  	[sflag:s25] =	ssyncset.done $0x0  }
0x31: {  	[sflag:s25] =	ssyncadd.s32 $0xFFFFD800  }
0x32: {  	[bflag:$0x0] =	sbarrier.arrive $0xFFFF  }
0x33: {  	s13 =	simm.s32 $0x0;
	s17 =	simm.s32 $0xC900;
	s14 =	rddreg [dreg:$0x4]  }
0x34: {  	[tilespmem:s17], [sflag:$0x2] =	stream.linear.gather [hbm4b:s14+s13], $0x1900, $0x38;
	[tilespmem:$0x19B00] =	vst v63  }
0x35: {  	_ =	swait.ge [sflag:s25], $0x1900  }
0x36: {  	[sflag:s25] =	ssyncset.done $0x0  }
0x37: {  	s18 =	simm.s32 $0x0;
	[sflag:s25] =	ssyncadd.s32 $0xFFFFE700  }
0x38: {  	v3 =	vld [tilespmem:s18+$0xC900];
	_ =	sdelay $0x3  }
0x39: {  	s15 =	sadd.s32 $0x0, s4  }
0x3a: {  	vm1 =	vmmov vm0;
	v4 =	vor.u32 s13, v2;
	p1 =	slt.u32 s15, $0x186A0;
	v3 =	vadd.s32 v0, v3  }
0x3b: {  	vm1 =	vmneg @p1 vm1;
	v4 =	vand.u32 $0x7F, v4;
	s17 =	sand.u32 $0x7E00, s13;
	vm2 =	vlt.u32 v3, $0x6400  }
0x3c: {  	v4 =	vor.u32 $0x6400, v4;
	s14 =	sshrl.u32 s17, $0x2;
	s18 =	sand.u32 $0x70, s13;
	vm1 =	vmand vm1, vm2  }
0x3d: {  	s18 =	sor.u32 s18, s14;
	v3 =	vsel vm1, v3, v4  }
0x3e: {  	s15 =	simm.s32 $0x80;
	s17 =	simm.s32 $0x10;
	s14 =	simm.s32 $0x40;
	[tilespmem:s18+$0xE200] =	vst v3  }
.LBB2_4:
0x3f: {  	p1 =	sne.s32 s15, $0x63C0;
	v3 =	vld [tilespmem:s17+$0xC900];
	_ =	sdelay $0x2  }
0x40: {  	s13 =	sadd.s32 $0x10, s13  }
0x41: {  	s17 =	sadd.s32 s4, s13  }
.Ltmp1:
0x42: {  	vm2 =	vmmov vm0;
	v4 =	vor.u32 s13, v2;
	p2 =	slt.u32 s17, $0x186A0;
	v3 =	vadd.s32 v0, v3;
	(pc) =	sbr.rel @p1 .LBB2_4-.Ltmp1, $4  }
0x43: {  	v4 =	vand.u32 $0x7F, v4;
	s17 =	sand.u32 $0x7E00, s14;
	s14 =	smov.u32 s15;
	vm2 =	vmneg @p2 vm2;
	vm1 =	vlt.u32 v3, $0x6400  }
0x44: {  	s18 =	sand.u32 $0x70, s13;
	v4 =	vor.u32 $0x6400, v4;
	s17 =	sshrl.u32 s17, $0x2;
	vm1 =	vmand vm2, vm1  }
0x45: {  	s18 =	sor.u32 s18, s17;
	v3 =	vsel vm1, v3, v4  }
0x46: {  	s15 =	sadd.s32 $0x40, s15;
	s17 =	sshra.s32 s14, $0x2;
	[tilespmem:s18+$0xE200] =	vst v3  }
0x47: {  	v3 =	vld [tilespmem:s17+$0xC900];
	_ =	sdelay $0x2  }
0x48: {  	s13 =	sadd.s32 $0x10, s13  }
0x49: {  	s15 =	sadd.s32 s4, s13  }
0x4a: {  	vm1 =	vmmov vm0;
	v4 =	vor.u32 s13, v2;
	p1 =	slt.u32 s15, $0x186A0;
	v3 =	vadd.s32 v0, v3  }
0x4b: {  	s14 =	sand.u32 $0x7E00, s14;
	v4 =	vand.u32 $0x7F, v4;
	vm1 =	vmneg @p1 vm1;
	vm2 =	vlt.u32 v3, $0x6400  }
0x4c: {  	s13 =	sand.u32 $0x70, s13;
	s14 =	sshrl.u32 s14, $0x2;
	v4 =	vor.u32 $0x6400, v4;
	vm1 =	vmand vm1, vm2  }
0x4d: {  	s13 =	sor.u32 s13, s14;
	v3 =	vsel vm1, v3, v4  }
0x4e: {  	s15 =	rddreg [dreg:$0x5];
	[tilespmem:s13+$0xE200] =	vst v3  }
0x4f: {  	[tilespmem:s24], [sflag:$0x2] =	stream.linear.gather [hbm4b:s15+s3], $0xA000, $0x38;
	[tilespmem:$0x19B00] =	vst v63  }
0x50: {  	_ =	swait.ge [sflag:s25], $0xA000  }
0x51: {  	[sflag:s25] =	ssyncset.done $0x0  }
0x52: {  	s17 =	simm.s32 $0xE200;
	[sflag:s25] =	ssyncadd.s32 $0xFFFF6000  }
0x53: {  	[spmem:s2] =	stream.indirect.scatter.add.f32 [tilespmem:s24], [sflag:$0x1], $0x20, s17, s28, $0xb8;
	[tilespmem:$0x19B00] =	vst v63  }
0x54: {  	s18 =	simm.s32 $0xE280  }
0x55: {  	[spmem:s2] =	stream.indirect.scatter.add.f32 [tilespmem:s31], [sflag:$0x1], $0x20, s18, s28, $0xb8;
	[tilespmem:$0x19B00] =	vst v63  }
0x56: {  	s14 =	simm.s32 $0xE300  }
0x57: {  	[spmem:s2] =	stream.indirect.scatter.add.f32 [tilespmem:s1], [sflag:$0x1], $0x20, s14, s28, $0xb8;
	[tilespmem:$0x19B00] =	vst v63  }
0x58: {  	s15 =	simm.s32 $0xE380  }
0x59: {  	[spmem:s2] =	stream.indirect.scatter.add.f32 [tilespmem:s29], [sflag:$0x1], $0x20, s15, s28, $0xb8;
	[tilespmem:$0x19B00] =	vst v63  }
0x5a: {  	s17 =	simm.s32 $0xE400  }
0x5b: {  	[spmem:s2] =	stream.indirect.scatter.add.f32 [tilespmem:s0], [sflag:$0x1], $0x20, s17, s28, $0xb8;
	[tilespmem:$0x19B00] =	vst v63  }
0x5c: {  	s18 =	simm.s32 $0xE480  }
0x5d: {  	[spmem:s2] =	stream.indirect.scatter.add.f32 [tilespmem:s30], [sflag:$0x1], $0x20, s18, s28, $0xb8;
	[tilespmem:$0x19B00] =	vst v63  }
0x5e: {  	s14 =	simm.s32 $0xE500  }
0x5f: {  	[spmem:s2] =	stream.indirect.scatter.add.f32 [tilespmem:s26], [sflag:$0x1], $0x20, s14, s28, $0xb8;
	[tilespmem:$0x19B00] =	vst v63  }
0x60: {  	s15 =	simm.s32 $0xE580  }
0x61: {  	[spmem:s2] =	stream.indirect.scatter.add.f32 [tilespmem:s8], [sflag:$0x1], $0x20, s15, s28, $0xb8;
	[tilespmem:$0x19B00] =	vst v63  }
0x62: {  	s17 =	simm.s32 $0xE600  }
0x63: {  	[spmem:s2] =	stream.indirect.scatter.add.f32 [tilespmem:s9], [sflag:$0x1], $0x20, s17, s28, $0xb8;
	[tilespmem:$0x19B00] =	vst v63  }
0x64: {  	s18 =	simm.s32 $0xE680  }
0x65: {  	[spmem:s2] =	stream.indirect.scatter.add.f32 [tilespmem:s10], [sflag:$0x1], $0x20, s18, s28, $0xb8;
	[tilespmem:$0x19B00] =	vst v63  }
0x66: {  	_ =	swait.ge [sflag:s11], $0x1000  }
0x67: {  	[sflag:s11] =	ssyncset.done $0x0  }
0x68: {  	[sflag:s11] =	ssyncadd.s32 $0xFFFFF000  }
0x69: {  	_ =	swait.ge [sflag:s11], $0x1000  }
0x6a: {  	[sflag:s11] =	ssyncset.done $0x0  }
0x6b: {  	[sflag:s11] =	ssyncadd.s32 $0xFFFFF000  }
0x6c: {  	_ =	swait.ge [sflag:s11], $0x1000  }
0x6d: {  	[sflag:s11] =	ssyncset.done $0x0  }
0x6e: {  	[sflag:s11] =	ssyncadd.s32 $0xFFFFF000  }
0x6f: {  	_ =	swait.ge [sflag:s11], $0x1000  }
0x70: {  	[sflag:s11] =	ssyncset.done $0x0  }
0x71: {  	[sflag:s11] =	ssyncadd.s32 $0xFFFFF000  }
0x72: {  	_ =	swait.ge [sflag:s11], $0x1000  }
0x73: {  	[sflag:s11] =	ssyncset.done $0x0  }
0x74: {  	[sflag:s11] =	ssyncadd.s32 $0xFFFFF000  }
0x75: {  	_ =	swait.ge [sflag:s11], $0x1000  }
0x76: {  	[sflag:s11] =	ssyncset.done $0x0  }
0x77: {  	[sflag:s11] =	ssyncadd.s32 $0xFFFFF000  }
0x78: {  	_ =	swait.ge [sflag:s11], $0x1000  }
0x79: {  	[sflag:s11] =	ssyncset.done $0x0  }
0x7a: {  	[sflag:s11] =	ssyncadd.s32 $0xFFFFF000  }
0x7b: {  	_ =	swait.ge [sflag:s11], $0x1000  }
0x7c: {  	[sflag:s11] =	ssyncset.done $0x0  }
0x7d: {  	[sflag:s11] =	ssyncadd.s32 $0xFFFFF000  }
0x7e: {  	_ =	swait.ge [sflag:s11], $0x1000  }
0x7f: {  	[sflag:s11] =	ssyncset.done $0x0  }
0x80: {  	[sflag:s11] =	ssyncadd.s32 $0xFFFFF000  }
0x81: {  	_ =	swait.ge [sflag:s11], $0x1000  }
0x82: {  	[sflag:s11] =	ssyncset.done $0x0  }
0x83: {  	s14 =	rddreg [dreg:$0x6];
	[sflag:s11] =	ssyncadd.s32 $0xFFFFF000  }
0x84: {  	[tilespmem:s24], [sflag:$0x2] =	stream.linear.gather [hbm4b:s14+s3], $0xA000, $0x38;
	[tilespmem:$0x19B00] =	vst v63  }
0x85: {  	_ =	swait.ge [sflag:s25], $0xA000  }
0x86: {  	[sflag:s25] =	ssyncset.done $0x0  }
0x87: {  	s15 =	simm.s32 $0xE700;
	[sflag:s25] =	ssyncadd.s32 $0xFFFF6000  }
0x88: {  	[spmem:s2] =	stream.indirect.scatter.add.f32 [tilespmem:s24], [sflag:$0x1], $0x20, s15, s28, $0xb8;
	[tilespmem:$0x19B00] =	vst v63  }
0x89: {  	s17 =	simm.s32 $0xE780  }
0x8a: {  	[spmem:s2] =	stream.indirect.scatter.add.f32 [tilespmem:s31], [sflag:$0x1], $0x20, s17, s28, $0xb8;
	[tilespmem:$0x19B00] =	vst v63  }
0x8b: {  	s18 =	simm.s32 $0xE800  }
0x8c: {  	[spmem:s2] =	stream.indirect.scatter.add.f32 [tilespmem:s1], [sflag:$0x1], $0x20, s18, s28, $0xb8;
	[tilespmem:$0x19B00] =	vst v63  }
0x8d: {  	s14 =	simm.s32 $0xE880  }
0x8e: {  	[spmem:s2] =	stream.indirect.scatter.add.f32 [tilespmem:s29], [sflag:$0x1], $0x20, s14, s28, $0xb8;
	[tilespmem:$0x19B00] =	vst v63  }
0x8f: {  	s15 =	simm.s32 $0xE900  }
0x90: {  	[spmem:s2] =	stream.indirect.scatter.add.f32 [tilespmem:s0], [sflag:$0x1], $0x20, s15, s28, $0xb8;
	[tilespmem:$0x19B00] =	vst v63  }
0x91: {  	s17 =	simm.s32 $0xE980  }
0x92: {  	[spmem:s2] =	stream.indirect.scatter.add.f32 [tilespmem:s30], [sflag:$0x1], $0x20, s17, s28, $0xb8;
	[tilespmem:$0x19B00] =	vst v63  }
0x93: {  	s18 =	simm.s32 $0xEA00  }
0x94: {  	[spmem:s2] =	stream.indirect.scatter.add.f32 [tilespmem:s26], [sflag:$0x1], $0x20, s18, s28, $0xb8;
	[tilespmem:$0x19B00] =	vst v63  }
0x95: {  	s14 =	simm.s32 $0xEA80  }
0x96: {  	[spmem:s2] =	stream.indirect.scatter.add.f32 [tilespmem:s8], [sflag:$0x1], $0x20, s14, s28, $0xb8;
	[tilespmem:$0x19B00] =	vst v63  }
0x97: {  	s15 =	simm.s32 $0xEB00  }
0x98: {  	[spmem:s2] =	stream.indirect.scatter.add.f32 [tilespmem:s9], [sflag:$0x1], $0x20, s15, s28, $0xb8;
	[tilespmem:$0x19B00] =	vst v63  }
0x99: {  	s17 =	simm.s32 $0xEB80  }
0x9a: {  	[spmem:s2] =	stream.indirect.scatter.add.f32 [tilespmem:s10], [sflag:$0x1], $0x20, s17, s28, $0xb8;
	[tilespmem:$0x19B00] =	vst v63  }
0x9b: {  	_ =	swait.ge [sflag:s11], $0x1000  }
0x9c: {  	[sflag:s11] =	ssyncset.done $0x0  }
0x9d: {  	[sflag:s11] =	ssyncadd.s32 $0xFFFFF000  }
0x9e: {  	_ =	swait.ge [sflag:s11], $0x1000  }
0x9f: {  	[sflag:s11] =	ssyncset.done $0x0  }
0xa0: {  	[sflag:s11] =	ssyncadd.s32 $0xFFFFF000  }
0xa1: {  	_ =	swait.ge [sflag:s11], $0x1000  }
0xa2: {  	[sflag:s11] =	ssyncset.done $0x0  }
0xa3: {  	[sflag:s11] =	ssyncadd.s32 $0xFFFFF000  }
0xa4: {  	_ =	swait.ge [sflag:s11], $0x1000  }
0xa5: {  	[sflag:s11] =	ssyncset.done $0x0  }
0xa6: {  	[sflag:s11] =	ssyncadd.s32 $0xFFFFF000  }
0xa7: {  	_ =	swait.ge [sflag:s11], $0x1000  }
0xa8: {  	[sflag:s11] =	ssyncset.done $0x0  }
0xa9: {  	[sflag:s11] =	ssyncadd.s32 $0xFFFFF000  }
0xaa: {  	_ =	swait.ge [sflag:s11], $0x1000  }
0xab: {  	[sflag:s11] =	ssyncset.done $0x0  }
0xac: {  	[sflag:s11] =	ssyncadd.s32 $0xFFFFF000  }
0xad: {  	_ =	swait.ge [sflag:s11], $0x1000  }
0xae: {  	[sflag:s11] =	ssyncset.done $0x0  }
0xaf: {  	[sflag:s11] =	ssyncadd.s32 $0xFFFFF000  }
0xb0: {  	_ =	swait.ge [sflag:s11], $0x1000  }
0xb1: {  	[sflag:s11] =	ssyncset.done $0x0  }
0xb2: {  	[sflag:s11] =	ssyncadd.s32 $0xFFFFF000  }
0xb3: {  	_ =	swait.ge [sflag:s11], $0x1000  }
0xb4: {  	[sflag:s11] =	ssyncset.done $0x0  }
0xb5: {  	[sflag:s11] =	ssyncadd.s32 $0xFFFFF000  }
0xb6: {  	_ =	swait.ge [sflag:s11], $0x1000  }
0xb7: {  	[sflag:s11] =	ssyncset.done $0x0  }
0xb8: {  	s18 =	rddreg [dreg:$0x7];
	[sflag:s11] =	ssyncadd.s32 $0xFFFFF000  }
0xb9: {  	[tilespmem:s24], [sflag:$0x2] =	stream.linear.gather [hbm4b:s18+s3], $0xA000, $0x38;
	[tilespmem:$0x19B00] =	vst v63  }
0xba: {  	_ =	swait.ge [sflag:s25], $0xA000  }
0xbb: {  	[sflag:s25] =	ssyncset.done $0x0  }
0xbc: {  	s14 =	simm.s32 $0xEC00;
	[sflag:s25] =	ssyncadd.s32 $0xFFFF6000  }
0xbd: {  	[spmem:s2] =	stream.indirect.scatter.add.f32 [tilespmem:s24], [sflag:$0x1], $0x20, s14, s28, $0xb8;
	[tilespmem:$0x19B00] =	vst v63  }
0xbe: {  	s15 =	simm.s32 $0xEC80  }
0xbf: {  	[spmem:s2] =	stream.indirect.scatter.add.f32 [tilespmem:s31], [sflag:$0x1], $0x20, s15, s28, $0xb8;
	[tilespmem:$0x19B00] =	vst v63  }
0xc0: {  	s17 =	simm.s32 $0xED00  }
0xc1: {  	[spmem:s2] =	stream.indirect.scatter.add.f32 [tilespmem:s1], [sflag:$0x1], $0x20, s17, s28, $0xb8;
	[tilespmem:$0x19B00] =	vst v63  }
0xc2: {  	s18 =	simm.s32 $0xED80  }
0xc3: {  	[spmem:s2] =	stream.indirect.scatter.add.f32 [tilespmem:s29], [sflag:$0x1], $0x20, s18, s28, $0xb8;
	[tilespmem:$0x19B00] =	vst v63  }
0xc4: {  	s14 =	simm.s32 $0xEE00  }
0xc5: {  	[spmem:s2] =	stream.indirect.scatter.add.f32 [tilespmem:s0], [sflag:$0x1], $0x20, s14, s28, $0xb8;
	[tilespmem:$0x19B00] =	vst v63  }
0xc6: {  	s15 =	simm.s32 $0xEE80  }
0xc7: {  	[spmem:s2] =	stream.indirect.scatter.add.f32 [tilespmem:s30], [sflag:$0x1], $0x20, s15, s28, $0xb8;
	[tilespmem:$0x19B00] =	vst v63  }
0xc8: {  	s17 =	simm.s32 $0xEF00  }
0xc9: {  	[spmem:s2] =	stream.indirect.scatter.add.f32 [tilespmem:s26], [sflag:$0x1], $0x20, s17, s28, $0xb8;
	[tilespmem:$0x19B00] =	vst v63  }
0xca: {  	s18 =	simm.s32 $0xEF80  }
0xcb: {  	[spmem:s2] =	stream.indirect.scatter.add.f32 [tilespmem:s8], [sflag:$0x1], $0x20, s18, s28, $0xb8;
	[tilespmem:$0x19B00] =	vst v63  }
0xcc: {  	s14 =	simm.s32 $0xF000  }
0xcd: {  	[spmem:s2] =	stream.indirect.scatter.add.f32 [tilespmem:s9], [sflag:$0x1], $0x20, s14, s28, $0xb8;
	[tilespmem:$0x19B00] =	vst v63  }
0xce: {  	s15 =	simm.s32 $0xF080  }
0xcf: {  	[spmem:s2] =	stream.indirect.scatter.add.f32 [tilespmem:s10], [sflag:$0x1], $0x20, s15, s28, $0xb8;
	[tilespmem:$0x19B00] =	vst v63  }
0xd0: {  	_ =	swait.ge [sflag:s11], $0x1000  }
0xd1: {  	[sflag:s11] =	ssyncset.done $0x0  }
0xd2: {  	[sflag:s11] =	ssyncadd.s32 $0xFFFFF000  }
0xd3: {  	_ =	swait.ge [sflag:s11], $0x1000  }
0xd4: {  	[sflag:s11] =	ssyncset.done $0x0  }
0xd5: {  	[sflag:s11] =	ssyncadd.s32 $0xFFFFF000  }
0xd6: {  	_ =	swait.ge [sflag:s11], $0x1000  }
0xd7: {  	[sflag:s11] =	ssyncset.done $0x0  }
0xd8: {  	[sflag:s11] =	ssyncadd.s32 $0xFFFFF000  }
0xd9: {  	_ =	swait.ge [sflag:s11], $0x1000  }
0xda: {  	[sflag:s11] =	ssyncset.done $0x0  }
0xdb: {  	[sflag:s11] =	ssyncadd.s32 $0xFFFFF000  }
0xdc: {  	_ =	swait.ge [sflag:s11], $0x1000  }
0xdd: {  	[sflag:s11] =	ssyncset.done $0x0  }
0xde: {  	[sflag:s11] =	ssyncadd.s32 $0xFFFFF000  }
0xdf: {  	_ =	swait.ge [sflag:s11], $0x1000  }
0xe0: {  	[sflag:s11] =	ssyncset.done $0x0  }
0xe1: {  	[sflag:s11] =	ssyncadd.s32 $0xFFFFF000  }
0xe2: {  	_ =	swait.ge [sflag:s11], $0x1000  }
0xe3: {  	[sflag:s11] =	ssyncset.done $0x0  }
0xe4: {  	[sflag:s11] =	ssyncadd.s32 $0xFFFFF000  }
0xe5: {  	_ =	swait.ge [sflag:s11], $0x1000  }
0xe6: {  	[sflag:s11] =	ssyncset.done $0x0  }
0xe7: {  	[sflag:s11] =	ssyncadd.s32 $0xFFFFF000  }
0xe8: {  	_ =	swait.ge [sflag:s11], $0x1000  }
0xe9: {  	[sflag:s11] =	ssyncset.done $0x0  }
0xea: {  	[sflag:s11] =	ssyncadd.s32 $0xFFFFF000  }
0xeb: {  	_ =	swait.ge [sflag:s11], $0x1000  }
0xec: {  	[sflag:s11] =	ssyncset.done $0x0  }
0xed: {  	s17 =	rddreg [dreg:$0x8];
	[sflag:s11] =	ssyncadd.s32 $0xFFFFF000  }
0xee: {  	[tilespmem:s24], [sflag:$0x2] =	stream.linear.gather [hbm4b:s17+s3], $0xA000, $0x38;
	[tilespmem:$0x19B00] =	vst v63  }
0xef: {  	_ =	swait.ge [sflag:s25], $0xA000  }
0xf0: {  	[sflag:s25] =	ssyncset.done $0x0  }
0xf1: {  	s18 =	simm.s32 $0xF100;
	[sflag:s25] =	ssyncadd.s32 $0xFFFF6000  }
0xf2: {  	[spmem:s2] =	stream.indirect.scatter.add.f32 [tilespmem:s24], [sflag:$0x1], $0x20, s18, s28, $0xb8;
	[tilespmem:$0x19B00] =	vst v63  }
0xf3: {  	s14 =	simm.s32 $0xF180  }
0xf4: {  	[spmem:s2] =	stream.indirect.scatter.add.f32 [tilespmem:s31], [sflag:$0x1], $0x20, s14, s28, $0xb8;
	[tilespmem:$0x19B00] =	vst v63  }
0xf5: {  	s15 =	simm.s32 $0xF200  }
0xf6: {  	[spmem:s2] =	stream.indirect.scatter.add.f32 [tilespmem:s1], [sflag:$0x1], $0x20, s15, s28, $0xb8;
	[tilespmem:$0x19B00] =	vst v63  }
0xf7: {  	s17 =	simm.s32 $0xF280  }
0xf8: {  	[spmem:s2] =	stream.indirect.scatter.add.f32 [tilespmem:s29], [sflag:$0x1], $0x20, s17, s28, $0xb8;
	[tilespmem:$0x19B00] =	vst v63  }
0xf9: {  	s18 =	simm.s32 $0xF300  }
0xfa: {  	[spmem:s2] =	stream.indirect.scatter.add.f32 [tilespmem:s0], [sflag:$0x1], $0x20, s18, s28, $0xb8;
	[tilespmem:$0x19B00] =	vst v63  }
0xfb: {  	s14 =	simm.s32 $0xF380  }
0xfc: {  	[spmem:s2] =	stream.indirect.scatter.add.f32 [tilespmem:s30], [sflag:$0x1], $0x20, s14, s28, $0xb8;
	[tilespmem:$0x19B00] =	vst v63  }
0xfd: {  	s15 =	simm.s32 $0xF400  }
0xfe: {  	[spmem:s2] =	stream.indirect.scatter.add.f32 [tilespmem:s26], [sflag:$0x1], $0x20, s15, s28, $0xb8;
	[tilespmem:$0x19B00] =	vst v63  }
0xff: {  	s17 =	simm.s32 $0xF480  }
0x100: {  	[spmem:s2] =	stream.indirect.scatter.add.f32 [tilespmem:s8], [sflag:$0x1], $0x20, s17, s28, $0xb8;
	[tilespmem:$0x19B00] =	vst v63  }
0x101: {  	s18 =	simm.s32 $0xF500  }
0x102: {  	[spmem:s2] =	stream.indirect.scatter.add.f32 [tilespmem:s9], [sflag:$0x1], $0x20, s18, s28, $0xb8;
	[tilespmem:$0x19B00] =	vst v63  }
0x103: {  	s14 =	simm.s32 $0xF580  }
0x104: {  	[spmem:s2] =	stream.indirect.scatter.add.f32 [tilespmem:s10], [sflag:$0x1], $0x20, s14, s28, $0xb8;
	[tilespmem:$0x19B00] =	vst v63  }
0x105: {  	_ =	swait.ge [sflag:s11], $0x1000  }
0x106: {  	[sflag:s11] =	ssyncset.done $0x0  }
0x107: {  	[sflag:s11] =	ssyncadd.s32 $0xFFFFF000  }
0x108: {  	_ =	swait.ge [sflag:s11], $0x1000  }
0x109: {  	[sflag:s11] =	ssyncset.done $0x0  }
0x10a: {  	[sflag:s11] =	ssyncadd.s32 $0xFFFFF000  }
0x10b: {  	_ =	swait.ge [sflag:s11], $0x1000  }
0x10c: {  	[sflag:s11] =	ssyncset.done $0x0  }
0x10d: {  	[sflag:s11] =	ssyncadd.s32 $0xFFFFF000  }
0x10e: {  	_ =	swait.ge [sflag:s11], $0x1000  }
0x10f: {  	[sflag:s11] =	ssyncset.done $0x0  }
0x110: {  	[sflag:s11] =	ssyncadd.s32 $0xFFFFF000  }
0x111: {  	_ =	swait.ge [sflag:s11], $0x1000  }
0x112: {  	[sflag:s11] =	ssyncset.done $0x0  }
0x113: {  	[sflag:s11] =	ssyncadd.s32 $0xFFFFF000  }
0x114: {  	_ =	swait.ge [sflag:s11], $0x1000  }
0x115: {  	[sflag:s11] =	ssyncset.done $0x0  }
0x116: {  	[sflag:s11] =	ssyncadd.s32 $0xFFFFF000  }
0x117: {  	_ =	swait.ge [sflag:s11], $0x1000  }
0x118: {  	[sflag:s11] =	ssyncset.done $0x0  }
0x119: {  	[sflag:s11] =	ssyncadd.s32 $0xFFFFF000  }
0x11a: {  	_ =	swait.ge [sflag:s11], $0x1000  }
0x11b: {  	[sflag:s11] =	ssyncset.done $0x0  }
0x11c: {  	[sflag:s11] =	ssyncadd.s32 $0xFFFFF000  }
0x11d: {  	_ =	swait.ge [sflag:s11], $0x1000  }
0x11e: {  	[sflag:s11] =	ssyncset.done $0x0  }
0x11f: {  	[sflag:s11] =	ssyncadd.s32 $0xFFFFF000  }
0x120: {  	_ =	swait.ge [sflag:s11], $0x1000  }
0x121: {  	[sflag:s11] =	ssyncset.done $0x0  }
0x122: {  	s15 =	rddreg [dreg:$0x9];
	[sflag:s11] =	ssyncadd.s32 $0xFFFFF000  }
0x123: {  	[tilespmem:s24], [sflag:$0x2] =	stream.linear.gather [hbm4b:s15+s3], $0xA000, $0x38;
	[tilespmem:$0x19B00] =	vst v63  }
0x124: {  	_ =	swait.ge [sflag:s25], $0xA000  }
0x125: {  	[sflag:s25] =	ssyncset.done $0x0  }
0x126: {  	s17 =	simm.s32 $0xF600;
	[sflag:s25] =	ssyncadd.s32 $0xFFFF6000  }
0x127: {  	[spmem:s2] =	stream.indirect.scatter.add.f32 [tilespmem:s24], [sflag:$0x1], $0x20, s17, s28, $0xb8;
	[tilespmem:$0x19B00] =	vst v63  }
0x128: {  	s18 =	simm.s32 $0xF680  }
0x129: {  	[spmem:s2] =	stream.indirect.scatter.add.f32 [tilespmem:s31], [sflag:$0x1], $0x20, s18, s28, $0xb8;
	[tilespmem:$0x19B00] =	vst v63  }
0x12a: {  	s14 =	simm.s32 $0xF700  }
0x12b: {  	[spmem:s2] =	stream.indirect.scatter.add.f32 [tilespmem:s1], [sflag:$0x1], $0x20, s14, s28, $0xb8;
	[tilespmem:$0x19B00] =	vst v63  }
0x12c: {  	s15 =	simm.s32 $0xF780  }
0x12d: {  	[spmem:s2] =	stream.indirect.scatter.add.f32 [tilespmem:s29], [sflag:$0x1], $0x20, s15, s28, $0xb8;
	[tilespmem:$0x19B00] =	vst v63  }
0x12e: {  	s17 =	simm.s32 $0xF800  }
0x12f: {  	[spmem:s2] =	stream.indirect.scatter.add.f32 [tilespmem:s0], [sflag:$0x1], $0x20, s17, s28, $0xb8;
	[tilespmem:$0x19B00] =	vst v63  }
0x130: {  	s18 =	simm.s32 $0xF880  }
0x131: {  	[spmem:s2] =	stream.indirect.scatter.add.f32 [tilespmem:s30], [sflag:$0x1], $0x20, s18, s28, $0xb8;
	[tilespmem:$0x19B00] =	vst v63  }
0x132: {  	s14 =	simm.s32 $0xF900  }
0x133: {  	[spmem:s2] =	stream.indirect.scatter.add.f32 [tilespmem:s26], [sflag:$0x1], $0x20, s14, s28, $0xb8;
	[tilespmem:$0x19B00] =	vst v63  }
0x134: {  	s15 =	simm.s32 $0xF980  }
0x135: {  	[spmem:s2] =	stream.indirect.scatter.add.f32 [tilespmem:s8], [sflag:$0x1], $0x20, s15, s28, $0xb8;
	[tilespmem:$0x19B00] =	vst v63  }
0x136: {  	s17 =	simm.s32 $0xFA00  }
0x137: {  	[spmem:s2] =	stream.indirect.scatter.add.f32 [tilespmem:s9], [sflag:$0x1], $0x20, s17, s28, $0xb8;
	[tilespmem:$0x19B00] =	vst v63  }
0x138: {  	s18 =	simm.s32 $0xFA80  }
0x139: {  	[spmem:s2] =	stream.indirect.scatter.add.f32 [tilespmem:s10], [sflag:$0x1], $0x20, s18, s28, $0xb8;
	[tilespmem:$0x19B00] =	vst v63  }
0x13a: {  	_ =	swait.ge [sflag:s11], $0x1000  }
0x13b: {  	[sflag:s11] =	ssyncset.done $0x0  }
0x13c: {  	[sflag:s11] =	ssyncadd.s32 $0xFFFFF000  }
0x13d: {  	_ =	swait.ge [sflag:s11], $0x1000  }
0x13e: {  	[sflag:s11] =	ssyncset.done $0x0  }
0x13f: {  	[sflag:s11] =	ssyncadd.s32 $0xFFFFF000  }
0x140: {  	_ =	swait.ge [sflag:s11], $0x1000  }
0x141: {  	[sflag:s11] =	ssyncset.done $0x0  }
0x142: {  	[sflag:s11] =	ssyncadd.s32 $0xFFFFF000  }
0x143: {  	_ =	swait.ge [sflag:s11], $0x1000  }
0x144: {  	[sflag:s11] =	ssyncset.done $0x0  }
0x145: {  	[sflag:s11] =	ssyncadd.s32 $0xFFFFF000  }
0x146: {  	_ =	swait.ge [sflag:s11], $0x1000  }
0x147: {  	[sflag:s11] =	ssyncset.done $0x0  }
0x148: {  	[sflag:s11] =	ssyncadd.s32 $0xFFFFF000  }
0x149: {  	_ =	swait.ge [sflag:s11], $0x1000  }
0x14a: {  	[sflag:s11] =	ssyncset.done $0x0  }
0x14b: {  	[sflag:s11] =	ssyncadd.s32 $0xFFFFF000  }
0x14c: {  	_ =	swait.ge [sflag:s11], $0x1000  }
0x14d: {  	[sflag:s11] =	ssyncset.done $0x0  }
0x14e: {  	[sflag:s11] =	ssyncadd.s32 $0xFFFFF000  }
0x14f: {  	_ =	swait.ge [sflag:s11], $0x1000  }
0x150: {  	[sflag:s11] =	ssyncset.done $0x0  }
0x151: {  	[sflag:s11] =	ssyncadd.s32 $0xFFFFF000  }
0x152: {  	_ =	swait.ge [sflag:s11], $0x1000  }
0x153: {  	[sflag:s11] =	ssyncset.done $0x0  }
0x154: {  	[sflag:s11] =	ssyncadd.s32 $0xFFFFF000  }
0x155: {  	_ =	swait.ge [sflag:s11], $0x1000  }
0x156: {  	[sflag:s11] =	ssyncset.done $0x0  }
0x157: {  	[sflag:s11] =	ssyncadd.s32 $0xFFFFF000  }
0x158: {  	s13 =	simm.s32 @p0 $0xFB00;
	s14 =	simm.s32 @p0 $0x2;
	[bflag:$0x0] =	sbarrier.arrive $0xFFFF  }
0x159: {  	[tilespmem:s13], [sflag:$0x2] =	stream.linear.gather @p0 [spmem:s16], $0x5000, $0x38;
	[tilespmem:$0x19B00] =	vst v63  }
0x15a: {  	_ =	swait.ge @p0 [sflag:s14], $0x5000  }
0x15b: {  	[sflag:s14] =	ssyncset.done @p0 $0x0  }
0x15c: {  	s15 =	simm.s32 @p0 $0x0;
	s17 =	rddreg [dreg:$0xd];
	[sflag:s14] =	ssyncadd.s32 @p0 $0xFFFFB000  }
0x15d: {  	[hbm4b:s17+s15] =	stream.linear.scatter @p0 [tilespmem:s13], [sflag:$0x2], $0x5000, $0x38;
	[tilespmem:$0x19B00] =	vst v63  }
0x15e: {  	_ =	swait.ge @p0 [sflag:s14], $0x5000  }
0x15f: {  	[sflag:s14] =	ssyncset.done @p0 $0x0  }
0x160: {  	[sflag:s14] =	ssyncadd.s32 @p0 $0xFFFFB000  }
0x161: {  	[tilespmem:s13], [sflag:$0x2] =	stream.linear.gather @p0 [spmem:s19], $0x5000, $0x38;
	[tilespmem:$0x19B00] =	vst v63  }
0x162: {  	_ =	swait.ge @p0 [sflag:s14], $0x5000  }
0x163: {  	[sflag:s14] =	ssyncset.done @p0 $0x0  }
0x164: {  	[sflag:s14] =	ssyncadd.s32 @p0 $0xFFFFB000  }
0x165: {  	[hbm4b:s20+s15] =	stream.linear.scatter @p0 [tilespmem:s13], [sflag:$0x2], $0x5000, $0x38;
	[tilespmem:$0x19B00] =	vst v63  }
0x166: {  	_ =	swait.ge @p0 [sflag:s14], $0x5000  }
0x167: {  	[sflag:s14] =	ssyncset.done @p0 $0x0  }
0x168: {  	[sflag:s14] =	ssyncadd.s32 @p0 $0xFFFFB000  }
0x169: {  	[tilespmem:s13], [sflag:$0x2] =	stream.linear.gather @p0 [spmem:s21], $0x1EA0, $0x38;
	[tilespmem:$0x19B00] =	vst v63  }
0x16a: {  	_ =	swait.ge @p0 [sflag:s14], $0x1EA0  }
0x16b: {  	[sflag:s14] =	ssyncset.done @p0 $0x0  }
0x16c: {  	[sflag:s14] =	ssyncadd.s32 @p0 $0xFFFFE160  }
0x16d: {  	[hbm4b:s22+s15] =	stream.linear.scatter @p0 [tilespmem:s13], [sflag:$0x2], $0x1EA0, $0x38;
	[tilespmem:$0x19B00] =	vst v63  }
0x16e: {  	_ =	swait.ge @p0 [sflag:s14], $0x1EA0  }
0x16f: {  	[sflag:s14] =	ssyncset.done @p0 $0x0  }
0x170: {  	s13 =	simm.s32 @!p0 $0xFB00;
	[sflag:s14] =	ssyncadd.s32 @p0 $0xFFFFE160;
	s14 =	simm.s32 @!p0 $0x2  }
0x171: {  	[tilespmem:s13], [sflag:$0x2] =	stream.linear.gather @!p0 [spmem:s5], $0x5000, $0x38;
	[tilespmem:$0x19B00] =	vst v63  }
0x172: {  	_ =	swait.ge @!p0 [sflag:s14], $0x5000  }
0x173: {  	[sflag:s14] =	ssyncset.done @!p0 $0x0  }
0x174: {  	s15 =	simm.s32 @!p0 $0x0;
	s17 =	rddreg [dreg:$0xa];
	[sflag:s14] =	ssyncadd.s32 @!p0 $0xFFFFB000  }
0x175: {  	[hbm4b:s17+s15] =	stream.linear.scatter @!p0 [tilespmem:s13], [sflag:$0x2], $0x5000, $0x38;
	[tilespmem:$0x19B00] =	vst v63  }
0x176: {  	_ =	swait.ge @!p0 [sflag:s14], $0x5000  }
0x177: {  	[sflag:s14] =	ssyncset.done @!p0 $0x0  }
0x178: {  	[sflag:s14] =	ssyncadd.s32 @!p0 $0xFFFFB000  }
0x179: {  	[tilespmem:s13], [sflag:$0x2] =	stream.linear.gather @!p0 [spmem:s6], $0x5000, $0x38;
	[tilespmem:$0x19B00] =	vst v63  }
0x17a: {  	_ =	swait.ge @!p0 [sflag:s14], $0x5000  }
0x17b: {  	[sflag:s14] =	ssyncset.done @!p0 $0x0  }
0x17c: {  	s17 =	rddreg [dreg:$0xb];
	[sflag:s14] =	ssyncadd.s32 @!p0 $0xFFFFB000  }
0x17d: {  	[hbm4b:s17+s15] =	stream.linear.scatter @!p0 [tilespmem:s13], [sflag:$0x2], $0x5000, $0x38;
	[tilespmem:$0x19B00] =	vst v63  }
0x17e: {  	_ =	swait.ge @!p0 [sflag:s14], $0x5000  }
0x17f: {  	[sflag:s14] =	ssyncset.done @!p0 $0x0  }
0x180: {  	[sflag:s14] =	ssyncadd.s32 @!p0 $0xFFFFB000  }
0x181: {  	[tilespmem:s13], [sflag:$0x2] =	stream.linear.gather @!p0 [spmem:s7], $0x2800, $0x38;
	[tilespmem:$0x19B00] =	vst v63  }
0x182: {  	s12 =	sadd.s32 $0x1, s12;
	_ =	swait.ge @!p0 [sflag:s14], $0x2800  }
0x183: {  	p1 =	sne.s32 s12, s23;
	[sflag:s14] =	ssyncset.done @!p0 $0x0  }
.Ltmp2:
0x184: {  	s17 =	rddreg [dreg:$0xc];
	[sflag:s14] =	ssyncadd.s32 @!p0 $0xFFFFD800;
	(pc) =	sbr.rel @p1 .LBB2_1-.Ltmp2, $4  }
0x185: {  	[hbm4b:s17+s15] =	stream.linear.scatter @!p0 [tilespmem:s13], [sflag:$0x2], $0x2800, $0x38;
	[tilespmem:$0x19B00] =	vst v63  }
0x186: {  	_ =	swait.ge @!p0 [sflag:s14], $0x2800  }
0x187: {  	[sflag:s14] =	ssyncset.done @!p0 $0x0  }
0x188: {  	[sflag:s14] =	ssyncadd.s32 @!p0 $0xFFFFD800  }
0x189: {  	_ =	sfence.sel $0x180000  }
0x18a: {  	[bflag:$0x0] =	sbarrier.arrive $0xFFFF  }
0x18b: {  	_ =	strace $0x9000004A  }
0x18c: {  	s0 =	stileid.u32;
	[bflag:$0x2] =	sbarrier.arrive $0xFFFF  }
0x18d: {  	p0 =	sne.s32 s0, $0x0;
	s0 =	rddreg [dreg:$0x3]  }
0x18e: {  	s0 =	sadd.s32 @!p0 $0x100000, s0  }
0x18f: {  	[sflag:s0] =	ssyncadd.tile.s32 @!p0 $0x1;
	_ =	shalt  }
.Lfunc_end2:
_tile_overlayer_lowered:
.L_overlay_start_2:
0x190: {  	(tag) =	ssettag $0x2  }
0x191: {  	s0 =	rddreg [dreg:$0x0];
	s2 =	stileid.u32  }
0x192: {  	s1 =	rddreg [dreg:$0x1];
	p0 =	sne.s32 s2, $0x0  }
0x193: {  	s3 =	rddreg [dreg:$0x2];
	[bflag:$0x3] =	sbarrier.arrive $0xFFFF;
	s2 =	simm.s32 @!p0 $0x1C02  }
0x194: {  	[timem:s3], [sflag:s2] =	dma.local @!p0 [hbm:s0], s1  }
0x195: {  	s0 =	simm.s32 @!p0 $0x2  }
0x196: {  	_ =	swait.ge @!p0 [sflag:s0], s1  }
0x197: {  	s1 =	ssub.s32 @!p0 $0x0, s1;
	[sflag:s0] =	ssyncset.done @!p0 $0x0  }
0x198: {  	[sflag:s0] =	ssyncadd.s32 @!p0 s1  }
0x199: {  	[bflag:$0x3] =	sbarrier.arrive $0xFFFF  }
0x19a: {  	_ =	shalt  }

</sc_bundles>
